<compile_context>
chip_gen: v7x
topology: tpu7x:2x2x1
jax: 0.10.2.dev20260603
libtpu: 0.0.44.dev20260713+nightly
codegen_flags: <defaults>
</compile_context>

<pallas_src>
import functools

import jax
import jax.numpy as jnp
from jax import lax
from jax.experimental import pallas as pl
from jax.experimental.pallas import tpu as pltpu
from jax.experimental.pallas import tpu_sc as plsc

NUM_WORD = 100000
EMB_DIM = 64
BATCH = 16384
HIST = 50
EPS = 1e-5

NC = 2
NS = 16
NW = NC * NS
B_PER_W = BATCH // NW
G = 2
ROWS_PER_CHUNK = G * HIST
N_CHUNKS = B_PER_W // G
DMAS_PER_BUF = 2
BUF_ROWS = ROWS_PER_CHUNK * DMAS_PER_BUF
GB = G * DMAS_PER_BUF
N_FILLS = N_CHUNKS // DMAS_PER_BUF
NBUF = 4
N_OUTER = N_FILLS // NBUF
NVEC = EMB_DIM // 16
UNROLL = 5


def _sc_pool():
    mesh = plsc.VectorSubcoreMesh(core_axis_name="c", subcore_axis_name="s")
    scratch = (
        [pltpu.VMEM((N_CHUNKS, ROWS_PER_CHUNK), jnp.int32)]
        + [pltpu.VMEM((BUF_ROWS, EMB_DIM), jnp.float32) for _ in range(NBUF)]
        + [pltpu.VMEM((B_PER_W, EMB_DIM), jnp.float32)]
        + [pltpu.SemaphoreType.DMA for _ in range(NBUF)]
    )

    @functools.partial(
        pl.kernel,
        mesh=mesh,
        out_type=jax.ShapeDtypeStruct((BATCH, EMB_DIM), jnp.float32),
        scratch_types=scratch,
        compiler_params=pltpu.CompilerParams(use_tc_tiling_on_sc=False),
    )
    def pool(ids_hbm, table_hbm, out_hbm, idx_v, *rest):
        bufs = rest[:NBUF]
        out_v = rest[NBUF]
        sems = rest[NBUF + 1 : NBUF + 1 + NBUF]

        wid = lax.axis_index("s") * NC + lax.axis_index("c")

        pltpu.sync_copy(ids_hbm.at[wid], idx_v)

        def start(fill, b):
            for h in range(DMAS_PER_BUF):
                pltpu.make_async_copy(
                    table_hbm.at[idx_v.at[fill * DMAS_PER_BUF + h]],
                    bufs[b].at[pl.ds(h * ROWS_PER_CHUNK, ROWS_PER_CHUNK)],
                    sems[b],
                ).start()

        def wait(b):
            for h in range(DMAS_PER_BUF):
                pltpu.make_async_copy(
                    table_hbm.at[idx_v.at[0]],
                    bufs[b].at[pl.ds(h * ROWS_PER_CHUNK, ROWS_PER_CHUNK)],
                    sems[b],
                ).wait()

        for b in range(NBUF):
            start(b, b)

        scale = jnp.float32(1.0 / HIST)

        def outer(g0, carry):
            for b in range(NBUF):
                fill = g0 * NBUF + b
                wait(b)
                for r in range(GB):
                    def body(jj, acc):
                        acc = list(acc)
                        for u in range(UNROLL):
                            row = r * HIST + jj * UNROLL + u
                            for c in range(NVEC):
                                acc[c] = acc[c] + bufs[b][row, pl.ds(16 * c, 16)]
                        return tuple(acc)
                    acc = lax.fori_loop(
                        0, HIST // UNROLL, body,
                        tuple(jnp.zeros((16,), jnp.float32) for _ in range(NVEC)),
                    )
                    orow = fill * GB + r
                    for c in range(NVEC):
                        out_v[orow, pl.ds(16 * c, 16)] = acc[c] * scale

                @pl.when(g0 < N_OUTER - 1)
                def _prefetch():
                    start(fill + NBUF, b)
            return carry

        lax.fori_loop(0, N_OUTER, outer, 0)

        pltpu.sync_copy(out_v, out_hbm.at[pl.ds(wid * B_PER_W, B_PER_W)])

    return pool


_LN_BLK = 1024


def _ln_body(x_ref, g_ref, b_ref, o_ref):
    x = x_ref[...]
    mu = jnp.mean(x, axis=-1, keepdims=True)
    d = x - mu
    var = jnp.mean(d * d, axis=-1, keepdims=True)
    o_ref[...] = d * lax.rsqrt(var + EPS) * g_ref[...] + b_ref[...]


def _layernorm(x, gamma, beta):
    return pl.pallas_call(
        _ln_body,
        grid=(BATCH // _LN_BLK,),
        in_specs=[
            pl.BlockSpec((_LN_BLK, EMB_DIM), lambda i: (i, 0)),
            pl.BlockSpec((EMB_DIM,), lambda i: (0,)),
            pl.BlockSpec((EMB_DIM,), lambda i: (0,)),
        ],
        out_specs=pl.BlockSpec((_LN_BLK, EMB_DIM), lambda i: (i, 0)),
        out_shape=jax.ShapeDtypeStruct((BATCH, EMB_DIM), jnp.float32),
    )(x, gamma, beta)


def kernel(word_ids, table, gamma, beta):
    ids3 = word_ids.reshape(NW, N_CHUNKS, ROWS_PER_CHUNK).astype(jnp.int32)
    pooled = _sc_pool()(ids3, table)
    return _layernorm(pooled, gamma, beta)

# --- scband reference (transcript-rebuilt; emitter-appended) ---
"""Pipeline reference for scband-word-embedding-43112881717665 (READ-ONLY COPY).

The authoritative reference and input builder live on the scoring server;
editing this copy changes nothing except your own understanding.
"""

import jax, jax.numpy as jnp
import numpy as np

NUM_WORD = 100000
EMB_DIM = 64
BATCH = 16384
HIST = 50
EPS = 1e-5


def setup_inputs(seed: int = 0) -> dict:
    key = jax.random.key(seed)
    k1, k2 = jax.random.split(key, 2)
    word_ids = jax.random.randint(k1, (BATCH, HIST), 0, NUM_WORD, dtype=jnp.int64 if jax.config.jax_enable_x64 else jnp.int32)
    table = jax.random.normal(k2, (NUM_WORD, EMB_DIM), dtype=jnp.float32)
    # padding_idx=0: the padding row is zero in nn.Embedding
    table = table.at[0].set(0.0)
    # LayerNorm params (default init: gamma=1, beta=0)
    gamma = jnp.ones((EMB_DIM,), dtype=jnp.float32)
    beta = jnp.zeros((EMB_DIM,), dtype=jnp.float32)
    return {"word_ids": word_ids, "table": table, "gamma": gamma, "beta": beta}


def reference(word_ids, table, gamma, beta):
    # embedding lookup (padding row already zeroed)
    word_emb = jnp.take(table, word_ids, axis=0)  # [B, L, D]
    # mean over sequence dim (dim=-2)
    avg_word_emb = jnp.mean(word_emb, axis=-2)  # [B, D]
    # LayerNorm over last dim
    mu = jnp.mean(avg_word_emb, axis=-1, keepdims=True)
    var = jnp.mean((avg_word_emb - mu) ** 2, axis=-1, keepdims=True)
    normed = (avg_word_emb - mu) / jnp.sqrt(var + EPS)
    out = normed * gamma + beta
    # dropout is identity in eval mode
    return out

if __name__ == "__main__":
    import jax
    _d = setup_inputs()
    print(jax.jit(kernel)(*tuple(_d.values())))

</pallas_src>

<mosaic_0001>
#map = affine_map<(d0, d1) -> (0, 0, 0)>
#map1 = affine_map<(d0, d1) -> (0, 0)>
module attributes {stable_mosaic.version = 14 : i64} {
  func.func @pool(%arg0: i32, %arg1: i32, %arg2: memref<32x256x100xi32, #tpu.memory_space<hbm>>, %arg3: memref<100000x64xf32, #tpu.memory_space<hbm>>, %arg4: memref<16384x64xf32, #tpu.memory_space<hbm>>, %arg5: memref<256x100xi32, #tpu.memory_space<vmem>>, %arg6: memref<200x64xf32, #tpu.memory_space<vmem>>, %arg7: memref<200x64xf32, #tpu.memory_space<vmem>>, %arg8: memref<200x64xf32, #tpu.memory_space<vmem>>, %arg9: memref<200x64xf32, #tpu.memory_space<vmem>>, %arg10: memref<512x64xf32, #tpu.memory_space<vmem>>, %arg11: memref<!tpu.dma_semaphore, #tpu.memory_space<semaphore_mem>>, %arg12: memref<!tpu.dma_semaphore, #tpu.memory_space<semaphore_mem>>, %arg13: memref<!tpu.dma_semaphore, #tpu.memory_space<semaphore_mem>>, %arg14: memref<!tpu.dma_semaphore, #tpu.memory_space<semaphore_mem>>) attributes {dimension_semantics = [#tpu.dimension_semantics<core_parallel>, #tpu.dimension_semantics<subcore_parallel>], iteration_bounds = array<i64: 2, 16>, scalar_prefetch = 0 : i64, scratch_operands = 10 : i64, tpu.core_type = #tpu.core_type<sc_vector_subcore>, window_params = [{transform_indices = #map}, {transform_indices = #map1}, {transform_indices = #map1}]} {
    %mul3A = arith.constant 2 : i32
    %mul3A_0 = arith.muli %arg1, %mul3A : i32
    %add3A = arith.addi %mul3A_0, %arg0 : i32
    "tpu.region"() ({
      %run_scoped3A = tpu.sem_alloc : memref<!tpu.dma_semaphore, #tpu.memory_space<semaphore_mem>>
      %dma_start3A_88 = arith.constant 0 : i32
      %dma_start3A_89 = arith.constant 0 : i32
      %dma_start3A_90 = tpu.memref_slice %arg2[%add3A, %dma_start3A_88, %dma_start3A_89] : memref<32x256x100xi32, #tpu.memory_space<hbm>> -> memref<1x256x100xi32, #tpu.memory_space<hbm>>
      %dma_start3A_91 = tpu.memref_squeeze %dma_start3A_90 : memref<1x256x100xi32, #tpu.memory_space<hbm>> -> memref<256x100xi32, #tpu.memory_space<hbm>>
      %dma_start3A_92 = arith.constant 0 : i32
      %dma_start3A_93 = arith.constant 0 : i32
      %dma_start3A_94 = tpu.memref_slice %arg2[%add3A, %dma_start3A_92, %dma_start3A_93] : memref<32x256x100xi32, #tpu.memory_space<hbm>> -> memref<1x256x100xi32, #tpu.memory_space<hbm>>
      %dma_start3A_95 = tpu.memref_squeeze %dma_start3A_94 : memref<1x256x100xi32, #tpu.memory_space<hbm>> -> memref<256x100xi32, #tpu.memory_space<hbm>>
      tpu.enqueue_dma source(%dma_start3A_95 : memref<256x100xi32, #tpu.memory_space<hbm>>) target(%arg5 : memref<256x100xi32, #tpu.memory_space<vmem>>) target_semaphore(%run_scoped3A : memref<!tpu.dma_semaphore, #tpu.memory_space<semaphore_mem>>)
      %dma_wait3A = arith.constant 0 : i32
      %dma_wait3A_96 = arith.constant 0 : i32
      %dma_wait3A_97 = tpu.memref_slice %arg2[%add3A, %dma_wait3A, %dma_wait3A_96] : memref<32x256x100xi32, #tpu.memory_space<hbm>> -> memref<1x256x100xi32, #tpu.memory_space<hbm>>
      %dma_wait3A_98 = tpu.memref_squeeze %dma_wait3A_97 : memref<1x256x100xi32, #tpu.memory_space<hbm>> -> memref<256x100xi32, #tpu.memory_space<hbm>>
      %dma_wait3A_99 = arith.constant 0 : i32
      %dma_wait3A_100 = arith.constant 0 : i32
      %dma_wait3A_101 = tpu.memref_slice %arg2[%add3A, %dma_wait3A_99, %dma_wait3A_100] : memref<32x256x100xi32, #tpu.memory_space<hbm>> -> memref<1x256x100xi32, #tpu.memory_space<hbm>>
      %dma_wait3A_102 = tpu.memref_squeeze %dma_wait3A_101 : memref<1x256x100xi32, #tpu.memory_space<hbm>> -> memref<256x100xi32, #tpu.memory_space<hbm>>
      tpu.wait_dma2 semaphore(%run_scoped3A : memref<!tpu.dma_semaphore, #tpu.memory_space<semaphore_mem>>) src(%dma_wait3A_102 : memref<256x100xi32, #tpu.memory_space<hbm>>) dst(%arg5 : memref<256x100xi32, #tpu.memory_space<vmem>>)
      tpu.yield
    }) : () -> ()
    %dma_start3A = arith.constant 0 : i32
    %dma_start3A_1 = arith.constant 0 : i32
    %dma_start3A_2 = arith.constant 0 : i32
    %dma_start3A_3 = tpu.memref_slice %arg6[%dma_start3A_1, %dma_start3A_2] : memref<200x64xf32, #tpu.memory_space<vmem>> -> memref<100x64xf32, #tpu.memory_space<vmem>>
    %dma_start3A_4 = arith.constant 0 : i32
    %dma_start3A_5 = tpu.memref_slice %arg5[%dma_start3A, %dma_start3A_4] : memref<256x100xi32, #tpu.memory_space<vmem>> -> memref<1x100xi32, #tpu.memory_space<vmem>>
    %dma_start3A_6 = tpu.memref_squeeze %dma_start3A_5 : memref<1x100xi32, #tpu.memory_space<vmem>> -> memref<100xi32, #tpu.memory_space<vmem>>
    %dma_start3A_7 = arith.constant 0 : i32
    %dma_start3A_8 = arith.constant 0 : i32
    %dma_start3A_9 = tpu.memref_slice %arg3[%dma_start3A_7, %dma_start3A_8] : memref<100000x64xf32, #tpu.memory_space<hbm>> -> memref<100000x64xf32, #tpu.memory_space<hbm>>
    tpu.enqueue_indirect_dma source(%dma_start3A_9 : memref<100000x64xf32, #tpu.memory_space<hbm>>) target(%dma_start3A_3 : memref<100x64xf32, #tpu.memory_space<vmem>>) offsets(%dma_start3A_6 : memref<100xi32, #tpu.memory_space<vmem>>) semaphore(%arg11 : memref<!tpu.dma_semaphore, #tpu.memory_space<semaphore_mem>>)
    %dma_start3A_10 = arith.constant 1 : i32
    %dma_start3A_11 = arith.constant 100 : i32
    %dma_start3A_12 = arith.constant 0 : i32
    %dma_start3A_13 = tpu.memref_slice %arg6[%dma_start3A_11, %dma_start3A_12] : memref<200x64xf32, #tpu.memory_space<vmem>> -> memref<100x64xf32, #tpu.memory_space<vmem>>
    %dma_start3A_14 = arith.constant 0 : i32
    %dma_start3A_15 = tpu.memref_slice %arg5[%dma_start3A_10, %dma_start3A_14] : memref<256x100xi32, #tpu.memory_space<vmem>> -> memref<1x100xi32, #tpu.memory_space<vmem>>
    %dma_start3A_16 = tpu.memref_squeeze %dma_start3A_15 : memref<1x100xi32, #tpu.memory_space<vmem>> -> memref<100xi32, #tpu.memory_space<vmem>>
    %dma_start3A_17 = arith.constant 0 : i32
    %dma_start3A_18 = arith.constant 0 : i32
    %dma_start3A_19 = tpu.memref_slice %arg3[%dma_start3A_17, %dma_start3A_18] : memref<100000x64xf32, #tpu.memory_space<hbm>> -> memref<100000x64xf32, #tpu.memory_space<hbm>>
    tpu.enqueue_indirect_dma source(%dma_start3A_19 : memref<100000x64xf32, #tpu.memory_space<hbm>>) target(%dma_start3A_13 : memref<100x64xf32, #tpu.memory_space<vmem>>) offsets(%dma_start3A_16 : memref<100xi32, #tpu.memory_space<vmem>>) semaphore(%arg11 : memref<!tpu.dma_semaphore, #tpu.memory_space<semaphore_mem>>)
    %dma_start3A_20 = arith.constant 2 : i32
    %dma_start3A_21 = arith.constant 0 : i32
    %dma_start3A_22 = arith.constant 0 : i32
    %dma_start3A_23 = tpu.memref_slice %arg7[%dma_start3A_21, %dma_start3A_22] : memref<200x64xf32, #tpu.memory_space<vmem>> -> memref<100x64xf32, #tpu.memory_space<vmem>>
    %dma_start3A_24 = arith.constant 0 : i32
    %dma_start3A_25 = tpu.memref_slice %arg5[%dma_start3A_20, %dma_start3A_24] : memref<256x100xi32, #tpu.memory_space<vmem>> -> memref<1x100xi32, #tpu.memory_space<vmem>>
    %dma_start3A_26 = tpu.memref_squeeze %dma_start3A_25 : memref<1x100xi32, #tpu.memory_space<vmem>> -> memref<100xi32, #tpu.memory_space<vmem>>
    %dma_start3A_27 = arith.constant 0 : i32
    %dma_start3A_28 = arith.constant 0 : i32
    %dma_start3A_29 = tpu.memref_slice %arg3[%dma_start3A_27, %dma_start3A_28] : memref<100000x64xf32, #tpu.memory_space<hbm>> -> memref<100000x64xf32, #tpu.memory_space<hbm>>
    tpu.enqueue_indirect_dma source(%dma_start3A_29 : memref<100000x64xf32, #tpu.memory_space<hbm>>) target(%dma_start3A_23 : memref<100x64xf32, #tpu.memory_space<vmem>>) offsets(%dma_start3A_26 : memref<100xi32, #tpu.memory_space<vmem>>) semaphore(%arg12 : memref<!tpu.dma_semaphore, #tpu.memory_space<semaphore_mem>>)
    %dma_start3A_30 = arith.constant 3 : i32
    %dma_start3A_31 = arith.constant 100 : i32
    %dma_start3A_32 = arith.constant 0 : i32
    %dma_start3A_33 = tpu.memref_slice %arg7[%dma_start3A_31, %dma_start3A_32] : memref<200x64xf32, #tpu.memory_space<vmem>> -> memref<100x64xf32, #tpu.memory_space<vmem>>
    %dma_start3A_34 = arith.constant 0 : i32
    %dma_start3A_35 = tpu.memref_slice %arg5[%dma_start3A_30, %dma_start3A_34] : memref<256x100xi32, #tpu.memory_space<vmem>> -> memref<1x100xi32, #tpu.memory_space<vmem>>
    %dma_start3A_36 = tpu.memref_squeeze %dma_start3A_35 : memref<1x100xi32, #tpu.memory_space<vmem>> -> memref<100xi32, #tpu.memory_space<vmem>>
    %dma_start3A_37 = arith.constant 0 : i32
    %dma_start3A_38 = arith.constant 0 : i32
    %dma_start3A_39 = tpu.memref_slice %arg3[%dma_start3A_37, %dma_start3A_38] : memref<100000x64xf32, #tpu.memory_space<hbm>> -> memref<100000x64xf32, #tpu.memory_space<hbm>>
    tpu.enqueue_indirect_dma source(%dma_start3A_39 : memref<100000x64xf32, #tpu.memory_space<hbm>>) target(%dma_start3A_33 : memref<100x64xf32, #tpu.memory_space<vmem>>) offsets(%dma_start3A_36 : memref<100xi32, #tpu.memory_space<vmem>>) semaphore(%arg12 : memref<!tpu.dma_semaphore, #tpu.memory_space<semaphore_mem>>)
    %dma_start3A_40 = arith.constant 4 : i32
    %dma_start3A_41 = arith.constant 0 : i32
    %dma_start3A_42 = arith.constant 0 : i32
    %dma_start3A_43 = tpu.memref_slice %arg8[%dma_start3A_41, %dma_start3A_42] : memref<200x64xf32, #tpu.memory_space<vmem>> -> memref<100x64xf32, #tpu.memory_space<vmem>>
    %dma_start3A_44 = arith.constant 0 : i32
    %dma_start3A_45 = tpu.memref_slice %arg5[%dma_start3A_40, %dma_start3A_44] : memref<256x100xi32, #tpu.memory_space<vmem>> -> memref<1x100xi32, #tpu.memory_space<vmem>>
    %dma_start3A_46 = tpu.memref_squeeze %dma_start3A_45 : memref<1x100xi32, #tpu.memory_space<vmem>> -> memref<100xi32, #tpu.memory_space<vmem>>
    %dma_start3A_47 = arith.constant 0 : i32
    %dma_start3A_48 = arith.constant 0 : i32
    %dma_start3A_49 = tpu.memref_slice %arg3[%dma_start3A_47, %dma_start3A_48] : memref<100000x64xf32, #tpu.memory_space<hbm>> -> memref<100000x64xf32, #tpu.memory_space<hbm>>
    tpu.enqueue_indirect_dma source(%dma_start3A_49 : memref<100000x64xf32, #tpu.memory_space<hbm>>) target(%dma_start3A_43 : memref<100x64xf32, #tpu.memory_space<vmem>>) offsets(%dma_start3A_46 : memref<100xi32, #tpu.memory_space<vmem>>) semaphore(%arg13 : memref<!tpu.dma_semaphore, #tpu.memory_space<semaphore_mem>>)
    %dma_start3A_50 = arith.constant 5 : i32
    %dma_start3A_51 = arith.constant 100 : i32
    %dma_start3A_52 = arith.constant 0 : i32
    %dma_start3A_53 = tpu.memref_slice %arg8[%dma_start3A_51, %dma_start3A_52] : memref<200x64xf32, #tpu.memory_space<vmem>> -> memref<100x64xf32, #tpu.memory_space<vmem>>
    %dma_start3A_54 = arith.constant 0 : i32
    %dma_start3A_55 = tpu.memref_slice %arg5[%dma_start3A_50, %dma_start3A_54] : memref<256x100xi32, #tpu.memory_space<vmem>> -> memref<1x100xi32, #tpu.memory_space<vmem>>
    %dma_start3A_56 = tpu.memref_squeeze %dma_start3A_55 : memref<1x100xi32, #tpu.memory_space<vmem>> -> memref<100xi32, #tpu.memory_space<vmem>>
    %dma_start3A_57 = arith.constant 0 : i32
    %dma_start3A_58 = arith.constant 0 : i32
    %dma_start3A_59 = tpu.memref_slice %arg3[%dma_start3A_57, %dma_start3A_58] : memref<100000x64xf32, #tpu.memory_space<hbm>> -> memref<100000x64xf32, #tpu.memory_space<hbm>>
    tpu.enqueue_indirect_dma source(%dma_start3A_59 : memref<100000x64xf32, #tpu.memory_space<hbm>>) target(%dma_start3A_53 : memref<100x64xf32, #tpu.memory_space<vmem>>) offsets(%dma_start3A_56 : memref<100xi32, #tpu.memory_space<vmem>>) semaphore(%arg13 : memref<!tpu.dma_semaphore, #tpu.memory_space<semaphore_mem>>)
    %dma_start3A_60 = arith.constant 6 : i32
    %dma_start3A_61 = arith.constant 0 : i32
    %dma_start3A_62 = arith.constant 0 : i32
    %dma_start3A_63 = tpu.memref_slice %arg9[%dma_start3A_61, %dma_start3A_62] : memref<200x64xf32, #tpu.memory_space<vmem>> -> memref<100x64xf32, #tpu.memory_space<vmem>>
    %dma_start3A_64 = arith.constant 0 : i32
    %dma_start3A_65 = tpu.memref_slice %arg5[%dma_start3A_60, %dma_start3A_64] : memref<256x100xi32, #tpu.memory_space<vmem>> -> memref<1x100xi32, #tpu.memory_space<vmem>>
    %dma_start3A_66 = tpu.memref_squeeze %dma_start3A_65 : memref<1x100xi32, #tpu.memory_space<vmem>> -> memref<100xi32, #tpu.memory_space<vmem>>
    %dma_start3A_67 = arith.constant 0 : i32
    %dma_start3A_68 = arith.constant 0 : i32
    %dma_start3A_69 = tpu.memref_slice %arg3[%dma_start3A_67, %dma_start3A_68] : memref<100000x64xf32, #tpu.memory_space<hbm>> -> memref<100000x64xf32, #tpu.memory_space<hbm>>
    tpu.enqueue_indirect_dma source(%dma_start3A_69 : memref<100000x64xf32, #tpu.memory_space<hbm>>) target(%dma_start3A_63 : memref<100x64xf32, #tpu.memory_space<vmem>>) offsets(%dma_start3A_66 : memref<100xi32, #tpu.memory_space<vmem>>) semaphore(%arg14 : memref<!tpu.dma_semaphore, #tpu.memory_space<semaphore_mem>>)
    %dma_start3A_70 = arith.constant 7 : i32
    %dma_start3A_71 = arith.constant 100 : i32
    %dma_start3A_72 = arith.constant 0 : i32
    %dma_start3A_73 = tpu.memref_slice %arg9[%dma_start3A_71, %dma_start3A_72] : memref<200x64xf32, #tpu.memory_space<vmem>> -> memref<100x64xf32, #tpu.memory_space<vmem>>
    %dma_start3A_74 = arith.constant 0 : i32
    %dma_start3A_75 = tpu.memref_slice %arg5[%dma_start3A_70, %dma_start3A_74] : memref<256x100xi32, #tpu.memory_space<vmem>> -> memref<1x100xi32, #tpu.memory_space<vmem>>
    %dma_start3A_76 = tpu.memref_squeeze %dma_start3A_75 : memref<1x100xi32, #tpu.memory_space<vmem>> -> memref<100xi32, #tpu.memory_space<vmem>>
    %dma_start3A_77 = arith.constant 0 : i32
    %dma_start3A_78 = arith.constant 0 : i32
    %dma_start3A_79 = tpu.memref_slice %arg3[%dma_start3A_77, %dma_start3A_78] : memref<100000x64xf32, #tpu.memory_space<hbm>> -> memref<100000x64xf32, #tpu.memory_space<hbm>>
    tpu.enqueue_indirect_dma source(%dma_start3A_79 : memref<100000x64xf32, #tpu.memory_space<hbm>>) target(%dma_start3A_73 : memref<100x64xf32, #tpu.memory_space<vmem>>) offsets(%dma_start3A_76 : memref<100xi32, #tpu.memory_space<vmem>>) semaphore(%arg14 : memref<!tpu.dma_semaphore, #tpu.memory_space<semaphore_mem>>)
    %scan3A = arith.constant 0 : i32
    %scan3A_80 = arith.constant 2.000000e-02 : f32
    %scan3A_81 = arith.constant 0 : i32
    %scan3A_82 = arith.constant 32 : i32
    %scan3A_83 = arith.addi %scan3A_81, %scan3A_82 : i32
    %scan3A_84 = arith.constant 1 : i32
    scf.for %scan3A_88 = %scan3A_81 to %scan3A_83 step %scan3A_84  : i32 {
      %mul3A_89 = arith.constant 4 : i32
      %mul3A_90 = arith.muli %scan3A_88, %mul3A_89 : i32
      %add3A_91 = arith.constant 0 : i32
      %add3A_92 = arith.addi %mul3A_90, %add3A_91 : i32
      %dma_wait3A = arith.constant 0 : i32
      %dma_wait3A_93 = arith.constant 0 : i32
      %dma_wait3A_94 = arith.constant 0 : i32
      %dma_wait3A_95 = tpu.memref_slice %arg6[%dma_wait3A_93, %dma_wait3A_94] : memref<200x64xf32, #tpu.memory_space<vmem>> -> memref<100x64xf32, #tpu.memory_space<vmem>>
      %dma_wait3A_96 = arith.constant 0 : i32
      %dma_wait3A_97 = tpu.memref_slice %arg5[%dma_wait3A, %dma_wait3A_96] : memref<256x100xi32, #tpu.memory_space<vmem>> -> memref<1x100xi32, #tpu.memory_space<vmem>>
      %dma_wait3A_98 = tpu.memref_squeeze %dma_wait3A_97 : memref<1x100xi32, #tpu.memory_space<vmem>> -> memref<100xi32, #tpu.memory_space<vmem>>
      %dma_wait3A_99 = arith.constant 0 : i32
      %dma_wait3A_100 = arith.constant 0 : i32
      %dma_wait3A_101 = tpu.memref_slice %arg3[%dma_wait3A_99, %dma_wait3A_100] : memref<100000x64xf32, #tpu.memory_space<hbm>> -> memref<100000x64xf32, #tpu.memory_space<hbm>>
      tpu.wait_indirect_dma semaphore(%arg11 : memref<!tpu.dma_semaphore, #tpu.memory_space<semaphore_mem>>) src(%dma_wait3A_101 : memref<100000x64xf32, #tpu.memory_space<hbm>>) dst(%dma_wait3A_95 : memref<100x64xf32, #tpu.memory_space<vmem>>)
      %dma_wait3A_102 = arith.constant 0 : i32
      %dma_wait3A_103 = arith.constant 100 : i32
      %dma_wait3A_104 = arith.constant 0 : i32
      %dma_wait3A_105 = tpu.memref_slice %arg6[%dma_wait3A_103, %dma_wait3A_104] : memref<200x64xf32, #tpu.memory_space<vmem>> -> memref<100x64xf32, #tpu.memory_space<vmem>>
      %dma_wait3A_106 = arith.constant 0 : i32
      %dma_wait3A_107 = tpu.memref_slice %arg5[%dma_wait3A_102, %dma_wait3A_106] : memref<256x100xi32, #tpu.memory_space<vmem>> -> memref<1x100xi32, #tpu.memory_space<vmem>>
      %dma_wait3A_108 = tpu.memref_squeeze %dma_wait3A_107 : memref<1x100xi32, #tpu.memory_space<vmem>> -> memref<100xi32, #tpu.memory_space<vmem>>
      %dma_wait3A_109 = arith.constant 0 : i32
      %dma_wait3A_110 = arith.constant 0 : i32
      %dma_wait3A_111 = tpu.memref_slice %arg3[%dma_wait3A_109, %dma_wait3A_110] : memref<100000x64xf32, #tpu.memory_space<hbm>> -> memref<100000x64xf32, #tpu.memory_space<hbm>>
      tpu.wait_indirect_dma semaphore(%arg11 : memref<!tpu.dma_semaphore, #tpu.memory_space<semaphore_mem>>) src(%dma_wait3A_111 : memref<100000x64xf32, #tpu.memory_space<hbm>>) dst(%dma_wait3A_105 : memref<100x64xf32, #tpu.memory_space<vmem>>)
      %broadcast_in_dim3A = arith.constant 0.000000e+00 : f32
      %broadcast_in_dim3A_112 = vector.broadcast %broadcast_in_dim3A : f32 to vector<16xf32>
      %broadcast_in_dim3A_113 = arith.constant 0.000000e+00 : f32
      %broadcast_in_dim3A_114 = vector.broadcast %broadcast_in_dim3A_113 : f32 to vector<16xf32>
      %broadcast_in_dim3A_115 = arith.constant 0.000000e+00 : f32
      %broadcast_in_dim3A_116 = vector.broadcast %broadcast_in_dim3A_115 : f32 to vector<16xf32>
      %broadcast_in_dim3A_117 = arith.constant 0.000000e+00 : f32
      %broadcast_in_dim3A_118 = vector.broadcast %broadcast_in_dim3A_117 : f32 to vector<16xf32>
      %scan3A_119 = arith.constant 0 : i32
      %scan3A_120 = arith.constant 10 : i32
      %scan3A_121 = arith.addi %scan3A_119, %scan3A_120 : i32
      %scan3A_122 = arith.constant 1 : i32
      %scan3A_123:4 = scf.for %scan3A_935 = %scan3A_119 to %scan3A_121 step %scan3A_122 iter_args(%scan3A_936 = %broadcast_in_dim3A_112, %scan3A_937 = %broadcast_in_dim3A_114, %scan3A_938 = %broadcast_in_dim3A_116, %scan3A_939 = %broadcast_in_dim3A_118) -> (vector<16xf32>, vector<16xf32>, vector<16xf32>, vector<16xf32>)  : i32 {
        %mul3A_940 = arith.constant 5 : i32
        %mul3A_941 = arith.muli %scan3A_935, %mul3A_940 : i32
        %add3A_942 = arith.constant 0 : i32
        %add3A_943 = arith.addi %add3A_942, %mul3A_941 : i32
        %add3A_944 = arith.constant 0 : i32
        %add3A_945 = arith.addi %add3A_943, %add3A_944 : i32
        %get3A = arith.index_cast %add3A_945 : i32 to index
        %get3A_946 = arith.constant 0 : index
        %get3A_947 = tpu.vector_load %arg6[%get3A, %get3A_946] {strides = array<i32>} : memref<200x64xf32, #tpu.memory_space<vmem>>, vector<1x16xf32>,
        %get3A_948 = vector.shape_cast %get3A_947 : vector<1x16xf32> to vector<16xf32>
        %add3A_949 = arith.addf %scan3A_936, %get3A_948 : vector<16xf32>
        %get3A_950 = arith.index_cast %add3A_945 : i32 to index
        %get3A_951 = arith.constant 16 : index
        %get3A_952 = tpu.vector_load %arg6[%get3A_950, %get3A_951] {strides = array<i32>} : memref<200x64xf32, #tpu.memory_space<vmem>>, vector<1x16xf32>,
        %get3A_953 = vector.shape_cast %get3A_952 : vector<1x16xf32> to vector<16xf32>
        %add3A_954 = arith.addf %scan3A_937, %get3A_953 : vector<16xf32>
        %get3A_955 = arith.index_cast %add3A_945 : i32 to index
        %get3A_956 = arith.constant 32 : index
        %get3A_957 = tpu.vector_load %arg6[%get3A_955, %get3A_956] {strides = array<i32>} : memref<200x64xf32, #tpu.memory_space<vmem>>, vector<1x16xf32>,
        %get3A_958 = vector.shape_cast %get3A_957 : vector<1x16xf32> to vector<16xf32>
        %add3A_959 = arith.addf %scan3A_938, %get3A_958 : vector<16xf32>
        %get3A_960 = arith.index_cast %add3A_945 : i32 to index
        %get3A_961 = arith.constant 48 : index
        %get3A_962 = tpu.vector_load %arg6[%get3A_960, %get3A_961] {strides = array<i32>} : memref<200x64xf32, #tpu.memory_space<vmem>>, vector<1x16xf32>,
        %get3A_963 = vector.shape_cast %get3A_962 : vector<1x16xf32> to vector<16xf32>
        %add3A_964 = arith.addf %scan3A_939, %get3A_963 : vector<16xf32>
        %mul3A_965 = arith.constant 5 : i32
        %mul3A_966 = arith.muli %scan3A_935, %mul3A_965 : i32
        %add3A_967 = arith.constant 0 : i32
        %add3A_968 = arith.addi %add3A_967, %mul3A_966 : i32
        %add3A_969 = arith.constant 1 : i32
        %add3A_970 = arith.addi %add3A_968, %add3A_969 : i32
        %get3A_971 = arith.index_cast %add3A_970 : i32 to index
        %get3A_972 = arith.constant 0 : index
        %get3A_973 = tpu.vector_load %arg6[%get3A_971, %get3A_972] {strides = array<i32>} : memref<200x64xf32, #tpu.memory_space<vmem>>, vector<1x16xf32>,
        %get3A_974 = vector.shape_cast %get3A_973 : vector<1x16xf32> to vector<16xf32>
        %add3A_975 = arith.addf %add3A_949, %get3A_974 : vector<16xf32>
        %get3A_976 = arith.index_cast %add3A_970 : i32 to index
        %get3A_977 = arith.constant 16 : index
        %get3A_978 = tpu.vector_load %arg6[%get3A_976, %get3A_977] {strides = array<i32>} : memref<200x64xf32, #tpu.memory_space<vmem>>, vector<1x16xf32>,
        %get3A_979 = vector.shape_cast %get3A_978 : vector<1x16xf32> to vector<16xf32>
        %add3A_980 = arith.addf %add3A_954, %get3A_979 : vector<16xf32>
        %get3A_981 = arith.index_cast %add3A_970 : i32 to index
        %get3A_982 = arith.constant 32 : index
        %get3A_983 = tpu.vector_load %arg6[%get3A_981, %get3A_982] {strides = array<i32>} : memref<200x64xf32, #tpu.memory_space<vmem>>, vector<1x16xf32>,
        %get3A_984 = vector.shape_cast %get3A_983 : vector<1x16xf32> to vector<16xf32>
        %add3A_985 = arith.addf %add3A_959, %get3A_984 : vector<16xf32>
        %get3A_986 = arith.index_cast %add3A_970 : i32 to index
        %get3A_987 = arith.constant 48 : index
        %get3A_988 = tpu.vector_load %arg6[%get3A_986, %get3A_987] {strides = array<i32>} : memref<200x64xf32, #tpu.memory_space<vmem>>, vector<1x16xf32>,
        %get3A_989 = vector.shape_cast %get3A_988 : vector<1x16xf32> to vector<16xf32>
        %add3A_990 = arith.addf %add3A_964, %get3A_989 : vector<16xf32>
        %mul3A_991 = arith.constant 5 : i32
        %mul3A_992 = arith.muli %scan3A_935, %mul3A_991 : i32
        %add3A_993 = arith.constant 0 : i32
        %add3A_994 = arith.addi %add3A_993, %mul3A_992 : i32
        %add3A_995 = arith.constant 2 : i32
        %add3A_996 = arith.addi %add3A_994, %add3A_995 : i32
        %get3A_997 = arith.index_cast %add3A_996 : i32 to index
        %get3A_998 = arith.constant 0 : index
        %get3A_999 = tpu.vector_load %arg6[%get3A_997, %get3A_998] {strides = array<i32>} : memref<200x64xf32, #tpu.memory_space<vmem>>, vector<1x16xf32>,
        %get3A_1000 = vector.shape_cast %get3A_999 : vector<1x16xf32> to vector<16xf32>
        %add3A_1001 = arith.addf %add3A_975, %get3A_1000 : vector<16xf32>
        %get3A_1002 = arith.index_cast %add3A_996 : i32 to index
        %get3A_1003 = arith.constant 16 : index
        %get3A_1004 = tpu.vector_load %arg6[%get3A_1002, %get3A_1003] {strides = array<i32>} : memref<200x64xf32, #tpu.memory_space<vmem>>, vector<1x16xf32>,
        %get3A_1005 = vector.shape_cast %get3A_1004 : vector<1x16xf32> to vector<16xf32>
        %add3A_1006 = arith.addf %add3A_980, %get3A_1005 : vector<16xf32>
        %get3A_1007 = arith.index_cast %add3A_996 : i32 to index
        %get3A_1008 = arith.constant 32 : index
        %get3A_1009 = tpu.vector_load %arg6[%get3A_1007, %get3A_1008] {strides = array<i32>} : memref<200x64xf32, #tpu.memory_space<vmem>>, vector<1x16xf32>,
        %get3A_1010 = vector.shape_cast %get3A_1009 : vector<1x16xf32> to vector<16xf32>
        %add3A_1011 = arith.addf %add3A_985, %get3A_1010 : vector<16xf32>
        %get3A_1012 = arith.index_cast %add3A_996 : i32 to index
        %get3A_1013 = arith.constant 48 : index
        %get3A_1014 = tpu.vector_load %arg6[%get3A_1012, %get3A_1013] {strides = array<i32>} : memref<200x64xf32, #tpu.memory_space<vmem>>, vector<1x16xf32>,
        %get3A_1015 = vector.shape_cast %get3A_1014 : vector<1x16xf32> to vector<16xf32>
        %add3A_1016 = arith.addf %add3A_990, %get3A_1015 : vector<16xf32>
        %mul3A_1017 = arith.constant 5 : i32
        %mul3A_1018 = arith.muli %scan3A_935, %mul3A_1017 : i32
        %add3A_1019 = arith.constant 0 : i32
        %add3A_1020 = arith.addi %add3A_1019, %mul3A_1018 : i32
        %add3A_1021 = arith.constant 3 : i32
        %add3A_1022 = arith.addi %add3A_1020, %add3A_1021 : i32
        %get3A_1023 = arith.index_cast %add3A_1022 : i32 to index
        %get3A_1024 = arith.constant 0 : index
        %get3A_1025 = tpu.vector_load %arg6[%get3A_1023, %get3A_1024] {strides = array<i32>} : memref<200x64xf32, #tpu.memory_space<vmem>>, vector<1x16xf32>,
        %get3A_1026 = vector.shape_cast %get3A_1025 : vector<1x16xf32> to vector<16xf32>
        %add3A_1027 = arith.addf %add3A_1001, %get3A_1026 : vector<16xf32>
        %get3A_1028 = arith.index_cast %add3A_1022 : i32 to index
        %get3A_1029 = arith.constant 16 : index
        %get3A_1030 = tpu.vector_load %arg6[%get3A_1028, %get3A_1029] {strides = array<i32>} : memref<200x64xf32, #tpu.memory_space<vmem>>, vector<1x16xf32>,
        %get3A_1031 = vector.shape_cast %get3A_1030 : vector<1x16xf32> to vector<16xf32>
        %add3A_1032 = arith.addf %add3A_1006, %get3A_1031 : vector<16xf32>
        %get3A_1033 = arith.index_cast %add3A_1022 : i32 to index
        %get3A_1034 = arith.constant 32 : index
        %get3A_1035 = tpu.vector_load %arg6[%get3A_1033, %get3A_1034] {strides = array<i32>} : memref<200x64xf32, #tpu.memory_space<vmem>>, vector<1x16xf32>,
        %get3A_1036 = vector.shape_cast %get3A_1035 : vector<1x16xf32> to vector<16xf32>
        %add3A_1037 = arith.addf %add3A_1011, %get3A_1036 : vector<16xf32>
        %get3A_1038 = arith.index_cast %add3A_1022 : i32 to index
        %get3A_1039 = arith.constant 48 : index
        %get3A_1040 = tpu.vector_load %arg6[%get3A_1038, %get3A_1039] {strides = array<i32>} : memref<200x64xf32, #tpu.memory_space<vmem>>, vector<1x16xf32>,
        %get3A_1041 = vector.shape_cast %get3A_1040 : vector<1x16xf32> to vector<16xf32>
        %add3A_1042 = arith.addf %add3A_1016, %get3A_1041 : vector<16xf32>
        %mul3A_1043 = arith.constant 5 : i32
        %mul3A_1044 = arith.muli %scan3A_935, %mul3A_1043 : i32
        %add3A_1045 = arith.constant 0 : i32
        %add3A_1046 = arith.addi %add3A_1045, %mul3A_1044 : i32
        %add3A_1047 = arith.constant 4 : i32
        %add3A_1048 = arith.addi %add3A_1046, %add3A_1047 : i32
        %get3A_1049 = arith.index_cast %add3A_1048 : i32 to index
        %get3A_1050 = arith.constant 0 : index
        %get3A_1051 = tpu.vector_load %arg6[%get3A_1049, %get3A_1050] {strides = array<i32>} : memref<200x64xf32, #tpu.memory_space<vmem>>, vector<1x16xf32>,
        %get3A_1052 = vector.shape_cast %get3A_1051 : vector<1x16xf32> to vector<16xf32>
        %add3A_1053 = arith.addf %add3A_1027, %get3A_1052 : vector<16xf32>
        %get3A_1054 = arith.index_cast %add3A_1048 : i32 to index
        %get3A_1055 = arith.constant 16 : index
        %get3A_1056 = tpu.vector_load %arg6[%get3A_1054, %get3A_1055] {strides = array<i32>} : memref<200x64xf32, #tpu.memory_space<vmem>>, vector<1x16xf32>,
        %get3A_1057 = vector.shape_cast %get3A_1056 : vector<1x16xf32> to vector<16xf32>
        %add3A_1058 = arith.addf %add3A_1032, %get3A_1057 : vector<16xf32>
        %get3A_1059 = arith.index_cast %add3A_1048 : i32 to index
        %get3A_1060 = arith.constant 32 : index
        %get3A_1061 = tpu.vector_load %arg6[%get3A_1059, %get3A_1060] {strides = array<i32>} : memref<200x64xf32, #tpu.memory_space<vmem>>, vector<1x16xf32>,
        %get3A_1062 = vector.shape_cast %get3A_1061 : vector<1x16xf32> to vector<16xf32>
        %add3A_1063 = arith.addf %add3A_1037, %get3A_1062 : vector<16xf32>
        %get3A_1064 = arith.index_cast %add3A_1048 : i32 to index
        %get3A_1065 = arith.constant 48 : index
        %get3A_1066 = tpu.vector_load %arg6[%get3A_1064, %get3A_1065] {strides = array<i32>} : memref<200x64xf32, #tpu.memory_space<vmem>>, vector<1x16xf32>,
        %get3A_1067 = vector.shape_cast %get3A_1066 : vector<1x16xf32> to vector<16xf32>
        %add3A_1068 = arith.addf %add3A_1042, %get3A_1067 : vector<16xf32>
        scf.yield %add3A_1053, %add3A_1058, %add3A_1063, %add3A_1068 : vector<16xf32>, vector<16xf32>, vector<16xf32>, vector<16xf32>
      }
      %scan3A_124 = arith.constant 10 : i32
      %mul3A_125 = arith.constant 4 : i32
      %mul3A_126 = arith.muli %add3A_92, %mul3A_125 : i32
      %add3A_127 = arith.constant 0 : i32
      %add3A_128 = arith.addi %mul3A_126, %add3A_127 : i32
      %mul3A_129 = vector.broadcast %scan3A_80 : f32 to vector<16xf32>
      %mul3A_130 = arith.mulf %scan3A_123#0, %mul3A_129 : vector<16xf32>
      %swap3A = arith.index_cast %add3A_128 : i32 to index
      %swap3A_131 = arith.constant 0 : index
      %swap3A_132 = tpu.vector_load %arg10[%swap3A, %swap3A_131] {strides = array<i32>} : memref<512x64xf32, #tpu.memory_space<vmem>>, vector<1x16xf32>,
      %swap3A_133 = vector.shape_cast %swap3A_132 : vector<1x16xf32> to vector<16xf32>
      %swap3A_134 = vector.shape_cast %mul3A_130 : vector<16xf32> to vector<1x16xf32>
      tpu.vector_store %arg10[%swap3A, %swap3A_131], %swap3A_134 {strides = array<i32>} : memref<512x64xf32, #tpu.memory_space<vmem>>, vector<1x16xf32>,
      %mul3A_135 = vector.broadcast %scan3A_80 : f32 to vector<16xf32>
      %mul3A_136 = arith.mulf %scan3A_123#1, %mul3A_135 : vector<16xf32>
      %swap3A_137 = arith.index_cast %add3A_128 : i32 to index
      %swap3A_138 = arith.constant 16 : index
      %swap3A_139 = tpu.vector_load %arg10[%swap3A_137, %swap3A_138] {strides = array<i32>} : memref<512x64xf32, #tpu.memory_space<vmem>>, vector<1x16xf32>,
      %swap3A_140 = vector.shape_cast %swap3A_139 : vector<1x16xf32> to vector<16xf32>
      %swap3A_141 = vector.shape_cast %mul3A_136 : vector<16xf32> to vector<1x16xf32>
      tpu.vector_store %arg10[%swap3A_137, %swap3A_138], %swap3A_141 {strides = array<i32>} : memref<512x64xf32, #tpu.memory_space<vmem>>, vector<1x16xf32>,
      %mul3A_142 = vector.broadcast %scan3A_80 : f32 to vector<16xf32>
      %mul3A_143 = arith.mulf %scan3A_123#2, %mul3A_142 : vector<16xf32>
      %swap3A_144 = arith.index_cast %add3A_128 : i32 to index
      %swap3A_145 = arith.constant 32 : index
      %swap3A_146 = tpu.vector_load %arg10[%swap3A_144, %swap3A_145] {strides = array<i32>} : memref<512x64xf32, #tpu.memory_space<vmem>>, vector<1x16xf32>,
      %swap3A_147 = vector.shape_cast %swap3A_146 : vector<1x16xf32> to vector<16xf32>
      %swap3A_148 = vector.shape_cast %mul3A_143 : vector<16xf32> to vector<1x16xf32>
      tpu.vector_store %arg10[%swap3A_144, %swap3A_145], %swap3A_148 {strides = array<i32>} : memref<512x64xf32, #tpu.memory_space<vmem>>, vector<1x16xf32>,
      %mul3A_149 = vector.broadcast %scan3A_80 : f32 to vector<16xf32>
      %mul3A_150 = arith.mulf %scan3A_123#3, %mul3A_149 : vector<16xf32>
      %swap3A_151 = arith.index_cast %add3A_128 : i32 to index
      %swap3A_152 = arith.constant 48 : index
      %swap3A_153 = tpu.vector_load %arg10[%swap3A_151, %swap3A_152] {strides = array<i32>} : memref<512x64xf32, #tpu.memory_space<vmem>>, vector<1x16xf32>,
      %swap3A_154 = vector.shape_cast %swap3A_153 : vector<1x16xf32> to vector<16xf32>
      %swap3A_155 = vector.shape_cast %mul3A_150 : vector<16xf32> to vector<1x16xf32>
      tpu.vector_store %arg10[%swap3A_151, %swap3A_152], %swap3A_155 {strides = array<i32>} : memref<512x64xf32, #tpu.memory_space<vmem>>, vector<1x16xf32>,
      %broadcast_in_dim3A_156 = arith.constant 0.000000e+00 : f32
      %broadcast_in_dim3A_157 = vector.broadcast %broadcast_in_dim3A_156 : f32 to vector<16xf32>
      %broadcast_in_dim3A_158 = arith.constant 0.000000e+00 : f32
      %broadcast_in_dim3A_159 = vector.broadcast %broadcast_in_dim3A_158 : f32 to vector<16xf32>
      %broadcast_in_dim3A_160 = arith.constant 0.000000e+00 : f32
      %broadcast_in_dim3A_161 = vector.broadcast %broadcast_in_dim3A_160 : f32 to vector<16xf32>
      %broadcast_in_dim3A_162 = arith.constant 0.000000e+00 : f32
      %broadcast_in_dim3A_163 = vector.broadcast %broadcast_in_dim3A_162 : f32 to vector<16xf32>
      %scan3A_164 = arith.constant 0 : i32
      %scan3A_165 = arith.constant 10 : i32
      %scan3A_166 = arith.addi %scan3A_164, %scan3A_165 : i32
      %scan3A_167 = arith.constant 1 : i32
      %scan3A_168:4 = scf.for %scan3A_935 = %scan3A_164 to %scan3A_166 step %scan3A_167 iter_args(%scan3A_936 = %broadcast_in_dim3A_157, %scan3A_937 = %broadcast_in_dim3A_159, %scan3A_938 = %broadcast_in_dim3A_161, %scan3A_939 = %broadcast_in_dim3A_163) -> (vector<16xf32>, vector<16xf32>, vector<16xf32>, vector<16xf32>)  : i32 {
        %mul3A_940 = arith.constant 5 : i32
        %mul3A_941 = arith.muli %scan3A_935, %mul3A_940 : i32
        %add3A_942 = arith.constant 50 : i32
        %add3A_943 = arith.addi %add3A_942, %mul3A_941 : i32
        %add3A_944 = arith.constant 0 : i32
        %add3A_945 = arith.addi %add3A_943, %add3A_944 : i32
        %get3A = arith.index_cast %add3A_945 : i32 to index
        %get3A_946 = arith.constant 0 : index
        %get3A_947 = tpu.vector_load %arg6[%get3A, %get3A_946] {strides = array<i32>} : memref<200x64xf32, #tpu.memory_space<vmem>>, vector<1x16xf32>,
        %get3A_948 = vector.shape_cast %get3A_947 : vector<1x16xf32> to vector<16xf32>
        %add3A_949 = arith.addf %scan3A_936, %get3A_948 : vector<16xf32>
        %get3A_950 = arith.index_cast %add3A_945 : i32 to index
        %get3A_951 = arith.constant 16 : index
        %get3A_952 = tpu.vector_load %arg6[%get3A_950, %get3A_951] {strides = array<i32>} : memref<200x64xf32, #tpu.memory_space<vmem>>, vector<1x16xf32>,
        %get3A_953 = vector.shape_cast %get3A_952 : vector<1x16xf32> to vector<16xf32>
        %add3A_954 = arith.addf %scan3A_937, %get3A_953 : vector<16xf32>
        %get3A_955 = arith.index_cast %add3A_945 : i32 to index
        %get3A_956 = arith.constant 32 : index
        %get3A_957 = tpu.vector_load %arg6[%get3A_955, %get3A_956] {strides = array<i32>} : memref<200x64xf32, #tpu.memory_space<vmem>>, vector<1x16xf32>,
        %get3A_958 = vector.shape_cast %get3A_957 : vector<1x16xf32> to vector<16xf32>
        %add3A_959 = arith.addf %scan3A_938, %get3A_958 : vector<16xf32>
        %get3A_960 = arith.index_cast %add3A_945 : i32 to index
        %get3A_961 = arith.constant 48 : index
        %get3A_962 = tpu.vector_load %arg6[%get3A_960, %get3A_961] {strides = array<i32>} : memref<200x64xf32, #tpu.memory_space<vmem>>, vector<1x16xf32>,
        %get3A_963 = vector.shape_cast %get3A_962 : vector<1x16xf32> to vector<16xf32>
        %add3A_964 = arith.addf %scan3A_939, %get3A_963 : vector<16xf32>
        %mul3A_965 = arith.constant 5 : i32
        %mul3A_966 = arith.muli %scan3A_935, %mul3A_965 : i32
        %add3A_967 = arith.constant 50 : i32
        %add3A_968 = arith.addi %add3A_967, %mul3A_966 : i32
        %add3A_969 = arith.constant 1 : i32
        %add3A_970 = arith.addi %add3A_968, %add3A_969 : i32
        %get3A_971 = arith.index_cast %add3A_970 : i32 to index
        %get3A_972 = arith.constant 0 : index
        %get3A_973 = tpu.vector_load %arg6[%get3A_971, %get3A_972] {strides = array<i32>} : memref<200x64xf32, #tpu.memory_space<vmem>>, vector<1x16xf32>,
        %get3A_974 = vector.shape_cast %get3A_973 : vector<1x16xf32> to vector<16xf32>
        %add3A_975 = arith.addf %add3A_949, %get3A_974 : vector<16xf32>
        %get3A_976 = arith.index_cast %add3A_970 : i32 to index
        %get3A_977 = arith.constant 16 : index
        %get3A_978 = tpu.vector_load %arg6[%get3A_976, %get3A_977] {strides = array<i32>} : memref<200x64xf32, #tpu.memory_space<vmem>>, vector<1x16xf32>,
        %get3A_979 = vector.shape_cast %get3A_978 : vector<1x16xf32> to vector<16xf32>
        %add3A_980 = arith.addf %add3A_954, %get3A_979 : vector<16xf32>
        %get3A_981 = arith.index_cast %add3A_970 : i32 to index
        %get3A_982 = arith.constant 32 : index
        %get3A_983 = tpu.vector_load %arg6[%get3A_981, %get3A_982] {strides = array<i32>} : memref<200x64xf32, #tpu.memory_space<vmem>>, vector<1x16xf32>,
        %get3A_984 = vector.shape_cast %get3A_983 : vector<1x16xf32> to vector<16xf32>
        %add3A_985 = arith.addf %add3A_959, %get3A_984 : vector<16xf32>
        %get3A_986 = arith.index_cast %add3A_970 : i32 to index
        %get3A_987 = arith.constant 48 : index
        %get3A_988 = tpu.vector_load %arg6[%get3A_986, %get3A_987] {strides = array<i32>} : memref<200x64xf32, #tpu.memory_space<vmem>>, vector<1x16xf32>,
        %get3A_989 = vector.shape_cast %get3A_988 : vector<1x16xf32> to vector<16xf32>
        %add3A_990 = arith.addf %add3A_964, %get3A_989 : vector<16xf32>
        %mul3A_991 = arith.constant 5 : i32
        %mul3A_992 = arith.muli %scan3A_935, %mul3A_991 : i32
        %add3A_993 = arith.constant 50 : i32
        %add3A_994 = arith.addi %add3A_993, %mul3A_992 : i32
        %add3A_995 = arith.constant 2 : i32
        %add3A_996 = arith.addi %add3A_994, %add3A_995 : i32
        %get3A_997 = arith.index_cast %add3A_996 : i32 to index
        %get3A_998 = arith.constant 0 : index
        %get3A_999 = tpu.vector_load %arg6[%get3A_997, %get3A_998] {strides = array<i32>} : memref<200x64xf32, #tpu.memory_space<vmem>>, vector<1x16xf32>,
        %get3A_1000 = vector.shape_cast %get3A_999 : vector<1x16xf32> to vector<16xf32>
        %add3A_1001 = arith.addf %add3A_975, %get3A_1000 : vector<16xf32>
        %get3A_1002 = arith.index_cast %add3A_996 : i32 to index
        %get3A_1003 = arith.constant 16 : index
        %get3A_1004 = tpu.vector_load %arg6[%get3A_1002, %get3A_1003] {strides = array<i32>} : memref<200x64xf32, #tpu.memory_space<vmem>>, vector<1x16xf32>,
        %get3A_1005 = vector.shape_cast %get3A_1004 : vector<1x16xf32> to vector<16xf32>
        %add3A_1006 = arith.addf %add3A_980, %get3A_1005 : vector<16xf32>
        %get3A_1007 = arith.index_cast %add3A_996 : i32 to index
        %get3A_1008 = arith.constant 32 : index
        %get3A_1009 = tpu.vector_load %arg6[%get3A_1007, %get3A_1008] {strides = array<i32>} : memref<200x64xf32, #tpu.memory_space<vmem>>, vector<1x16xf32>,
        %get3A_1010 = vector.shape_cast %get3A_1009 : vector<1x16xf32> to vector<16xf32>
        %add3A_1011 = arith.addf %add3A_985, %get3A_1010 : vector<16xf32>
        %get3A_1012 = arith.index_cast %add3A_996 : i32 to index
        %get3A_1013 = arith.constant 48 : index
        %get3A_1014 = tpu.vector_load %arg6[%get3A_1012, %get3A_1013] {strides = array<i32>} : memref<200x64xf32, #tpu.memory_space<vmem>>, vector<1x16xf32>,
        %get3A_1015 = vector.shape_cast %get3A_1014 : vector<1x16xf32> to vector<16xf32>
        %add3A_1016 = arith.addf %add3A_990, %get3A_1015 : vector<16xf32>
        %mul3A_1017 = arith.constant 5 : i32
        %mul3A_1018 = arith.muli %scan3A_935, %mul3A_1017 : i32
        %add3A_1019 = arith.constant 50 : i32
        %add3A_1020 = arith.addi %add3A_1019, %mul3A_1018 : i32
        %add3A_1021 = arith.constant 3 : i32
        %add3A_1022 = arith.addi %add3A_1020, %add3A_1021 : i32
        %get3A_1023 = arith.index_cast %add3A_1022 : i32 to index
        %get3A_1024 = arith.constant 0 : index
        %get3A_1025 = tpu.vector_load %arg6[%get3A_1023, %get3A_1024] {strides = array<i32>} : memref<200x64xf32, #tpu.memory_space<vmem>>, vector<1x16xf32>,
        %get3A_1026 = vector.shape_cast %get3A_1025 : vector<1x16xf32> to vector<16xf32>
        %add3A_1027 = arith.addf %add3A_1001, %get3A_1026 : vector<16xf32>
        %get3A_1028 = arith.index_cast %add3A_1022 : i32 to index
        %get3A_1029 = arith.constant 16 : index
        %get3A_1030 = tpu.vector_load %arg6[%get3A_1028, %get3A_1029] {strides = array<i32>} : memref<200x64xf32, #tpu.memory_space<vmem>>, vector<1x16xf32>,
        %get3A_1031 = vector.shape_cast %get3A_1030 : vector<1x16xf32> to vector<16xf32>
        %add3A_1032 = arith.addf %add3A_1006, %get3A_1031 : vector<16xf32>
        %get3A_1033 = arith.index_cast %add3A_1022 : i32 to index
        %get3A_1034 = arith.constant 32 : index
        %get3A_1035 = tpu.vector_load %arg6[%get3A_1033, %get3A_1034] {strides = array<i32>} : memref<200x64xf32, #tpu.memory_space<vmem>>, vector<1x16xf32>,
        %get3A_1036 = vector.shape_cast %get3A_1035 : vector<1x16xf32> to vector<16xf32>
        %add3A_1037 = arith.addf %add3A_1011, %get3A_1036 : vector<16xf32>
        %get3A_1038 = arith.index_cast %add3A_1022 : i32 to index
        %get3A_1039 = arith.constant 48 : index
        %get3A_1040 = tpu.vector_load %arg6[%get3A_1038, %get3A_1039] {strides = array<i32>} : memref<200x64xf32, #tpu.memory_space<vmem>>, vector<1x16xf32>,
        %get3A_1041 = vector.shape_cast %get3A_1040 : vector<1x16xf32> to vector<16xf32>
        %add3A_1042 = arith.addf %add3A_1016, %get3A_1041 : vector<16xf32>
        %mul3A_1043 = arith.constant 5 : i32
        %mul3A_1044 = arith.muli %scan3A_935, %mul3A_1043 : i32
        %add3A_1045 = arith.constant 50 : i32
        %add3A_1046 = arith.addi %add3A_1045, %mul3A_1044 : i32
        %add3A_1047 = arith.constant 4 : i32
        %add3A_1048 = arith.addi %add3A_1046, %add3A_1047 : i32
        %get3A_1049 = arith.index_cast %add3A_1048 : i32 to index
        %get3A_1050 = arith.constant 0 : index
        %get3A_1051 = tpu.vector_load %arg6[%get3A_1049, %get3A_1050] {strides = array<i32>} : memref<200x64xf32, #tpu.memory_space<vmem>>, vector<1x16xf32>,
        %get3A_1052 = vector.shape_cast %get3A_1051 : vector<1x16xf32> to vector<16xf32>
        %add3A_1053 = arith.addf %add3A_1027, %get3A_1052 : vector<16xf32>
        %get3A_1054 = arith.index_cast %add3A_1048 : i32 to index
        %get3A_1055 = arith.constant 16 : index
        %get3A_1056 = tpu.vector_load %arg6[%get3A_1054, %get3A_1055] {strides = array<i32>} : memref<200x64xf32, #tpu.memory_space<vmem>>, vector<1x16xf32>,
        %get3A_1057 = vector.shape_cast %get3A_1056 : vector<1x16xf32> to vector<16xf32>
        %add3A_1058 = arith.addf %add3A_1032, %get3A_1057 : vector<16xf32>
        %get3A_1059 = arith.index_cast %add3A_1048 : i32 to index
        %get3A_1060 = arith.constant 32 : index
        %get3A_1061 = tpu.vector_load %arg6[%get3A_1059, %get3A_1060] {strides = array<i32>} : memref<200x64xf32, #tpu.memory_space<vmem>>, vector<1x16xf32>,
        %get3A_1062 = vector.shape_cast %get3A_1061 : vector<1x16xf32> to vector<16xf32>
        %add3A_1063 = arith.addf %add3A_1037, %get3A_1062 : vector<16xf32>
        %get3A_1064 = arith.index_cast %add3A_1048 : i32 to index
        %get3A_1065 = arith.constant 48 : index
        %get3A_1066 = tpu.vector_load %arg6[%get3A_1064, %get3A_1065] {strides = array<i32>} : memref<200x64xf32, #tpu.memory_space<vmem>>, vector<1x16xf32>,
        %get3A_1067 = vector.shape_cast %get3A_1066 : vector<1x16xf32> to vector<16xf32>
        %add3A_1068 = arith.addf %add3A_1042, %get3A_1067 : vector<16xf32>
        scf.yield %add3A_1053, %add3A_1058, %add3A_1063, %add3A_1068 : vector<16xf32>, vector<16xf32>, vector<16xf32>, vector<16xf32>
      }
      %scan3A_169 = arith.constant 10 : i32
      %mul3A_170 = arith.constant 4 : i32
      %mul3A_171 = arith.muli %add3A_92, %mul3A_170 : i32
      %add3A_172 = arith.constant 1 : i32
      %add3A_173 = arith.addi %mul3A_171, %add3A_172 : i32
      %mul3A_174 = vector.broadcast %scan3A_80 : f32 to vector<16xf32>
      %mul3A_175 = arith.mulf %scan3A_168#0, %mul3A_174 : vector<16xf32>
      %swap3A_176 = arith.index_cast %add3A_173 : i32 to index
      %swap3A_177 = arith.constant 0 : index
      %swap3A_178 = tpu.vector_load %arg10[%swap3A_176, %swap3A_177] {strides = array<i32>} : memref<512x64xf32, #tpu.memory_space<vmem>>, vector<1x16xf32>,
      %swap3A_179 = vector.shape_cast %swap3A_178 : vector<1x16xf32> to vector<16xf32>
      %swap3A_180 = vector.shape_cast %mul3A_175 : vector<16xf32> to vector<1x16xf32>
      tpu.vector_store %arg10[%swap3A_176, %swap3A_177], %swap3A_180 {strides = array<i32>} : memref<512x64xf32, #tpu.memory_space<vmem>>, vector<1x16xf32>,
      %mul3A_181 = vector.broadcast %scan3A_80 : f32 to vector<16xf32>
      %mul3A_182 = arith.mulf %scan3A_168#1, %mul3A_181 : vector<16xf32>
      %swap3A_183 = arith.index_cast %add3A_173 : i32 to index
      %swap3A_184 = arith.constant 16 : index
      %swap3A_185 = tpu.vector_load %arg10[%swap3A_183, %swap3A_184] {strides = array<i32>} : memref<512x64xf32, #tpu.memory_space<vmem>>, vector<1x16xf32>,
      %swap3A_186 = vector.shape_cast %swap3A_185 : vector<1x16xf32> to vector<16xf32>
      %swap3A_187 = vector.shape_cast %mul3A_182 : vector<16xf32> to vector<1x16xf32>
      tpu.vector_store %arg10[%swap3A_183, %swap3A_184], %swap3A_187 {strides = array<i32>} : memref<512x64xf32, #tpu.memory_space<vmem>>, vector<1x16xf32>,
      %mul3A_188 = vector.broadcast %scan3A_80 : f32 to vector<16xf32>
      %mul3A_189 = arith.mulf %scan3A_168#2, %mul3A_188 : vector<16xf32>
      %swap3A_190 = arith.index_cast %add3A_173 : i32 to index
      %swap3A_191 = arith.constant 32 : index
      %swap3A_192 = tpu.vector_load %arg10[%swap3A_190, %swap3A_191] {strides = array<i32>} : memref<512x64xf32, #tpu.memory_space<vmem>>, vector<1x16xf32>,
      %swap3A_193 = vector.shape_cast %swap3A_192 : vector<1x16xf32> to vector<16xf32>
      %swap3A_194 = vector.shape_cast %mul3A_189 : vector<16xf32> to vector<1x16xf32>
      tpu.vector_store %arg10[%swap3A_190, %swap3A_191], %swap3A_194 {strides = array<i32>} : memref<512x64xf32, #tpu.memory_space<vmem>>, vector<1x16xf32>,
      %mul3A_195 = vector.broadcast %scan3A_80 : f32 to vector<16xf32>
      %mul3A_196 = arith.mulf %scan3A_168#3, %mul3A_195 : vector<16xf32>
      %swap3A_197 = arith.index_cast %add3A_173 : i32 to index
      %swap3A_198 = arith.constant 48 : index
      %swap3A_199 = tpu.vector_load %arg10[%swap3A_197, %swap3A_198] {strides = array<i32>} : memref<512x64xf32, #tpu.memory_space<vmem>>, vector<1x16xf32>,
      %swap3A_200 = vector.shape_cast %swap3A_199 : vector<1x16xf32> to vector<16xf32>
      %swap3A_201 = vector.shape_cast %mul3A_196 : vector<16xf32> to vector<1x16xf32>
      tpu.vector_store %arg10[%swap3A_197, %swap3A_198], %swap3A_201 {strides = array<i32>} : memref<512x64xf32, #tpu.memory_space<vmem>>, vector<1x16xf32>,
      %broadcast_in_dim3A_202 = arith.constant 0.000000e+00 : f32
      %broadcast_in_dim3A_203 = vector.broadcast %broadcast_in_dim3A_202 : f32 to vector<16xf32>
      %broadcast_in_dim3A_204 = arith.constant 0.000000e+00 : f32
      %broadcast_in_dim3A_205 = vector.broadcast %broadcast_in_dim3A_204 : f32 to vector<16xf32>
      %broadcast_in_dim3A_206 = arith.constant 0.000000e+00 : f32
      %broadcast_in_dim3A_207 = vector.broadcast %broadcast_in_dim3A_206 : f32 to vector<16xf32>
      %broadcast_in_dim3A_208 = arith.constant 0.000000e+00 : f32
      %broadcast_in_dim3A_209 = vector.broadcast %broadcast_in_dim3A_208 : f32 to vector<16xf32>
      %scan3A_210 = arith.constant 0 : i32
      %scan3A_211 = arith.constant 10 : i32
      %scan3A_212 = arith.addi %scan3A_210, %scan3A_211 : i32
      %scan3A_213 = arith.constant 1 : i32
      %scan3A_214:4 = scf.for %scan3A_935 = %scan3A_210 to %scan3A_212 step %scan3A_213 iter_args(%scan3A_936 = %broadcast_in_dim3A_203, %scan3A_937 = %broadcast_in_dim3A_205, %scan3A_938 = %broadcast_in_dim3A_207, %scan3A_939 = %broadcast_in_dim3A_209) -> (vector<16xf32>, vector<16xf32>, vector<16xf32>, vector<16xf32>)  : i32 {
        %mul3A_940 = arith.constant 5 : i32
        %mul3A_941 = arith.muli %scan3A_935, %mul3A_940 : i32
        %add3A_942 = arith.constant 100 : i32
        %add3A_943 = arith.addi %add3A_942, %mul3A_941 : i32
        %add3A_944 = arith.constant 0 : i32
        %add3A_945 = arith.addi %add3A_943, %add3A_944 : i32
        %get3A = arith.index_cast %add3A_945 : i32 to index
        %get3A_946 = arith.constant 0 : index
        %get3A_947 = tpu.vector_load %arg6[%get3A, %get3A_946] {strides = array<i32>} : memref<200x64xf32, #tpu.memory_space<vmem>>, vector<1x16xf32>,
        %get3A_948 = vector.shape_cast %get3A_947 : vector<1x16xf32> to vector<16xf32>
        %add3A_949 = arith.addf %scan3A_936, %get3A_948 : vector<16xf32>
        %get3A_950 = arith.index_cast %add3A_945 : i32 to index
        %get3A_951 = arith.constant 16 : index
        %get3A_952 = tpu.vector_load %arg6[%get3A_950, %get3A_951] {strides = array<i32>} : memref<200x64xf32, #tpu.memory_space<vmem>>, vector<1x16xf32>,
        %get3A_953 = vector.shape_cast %get3A_952 : vector<1x16xf32> to vector<16xf32>
        %add3A_954 = arith.addf %scan3A_937, %get3A_953 : vector<16xf32>
        %get3A_955 = arith.index_cast %add3A_945 : i32 to index
        %get3A_956 = arith.constant 32 : index
        %get3A_957 = tpu.vector_load %arg6[%get3A_955, %get3A_956] {strides = array<i32>} : memref<200x64xf32, #tpu.memory_space<vmem>>, vector<1x16xf32>,
        %get3A_958 = vector.shape_cast %get3A_957 : vector<1x16xf32> to vector<16xf32>
        %add3A_959 = arith.addf %scan3A_938, %get3A_958 : vector<16xf32>
        %get3A_960 = arith.index_cast %add3A_945 : i32 to index
        %get3A_961 = arith.constant 48 : index
        %get3A_962 = tpu.vector_load %arg6[%get3A_960, %get3A_961] {strides = array<i32>} : memref<200x64xf32, #tpu.memory_space<vmem>>, vector<1x16xf32>,
        %get3A_963 = vector.shape_cast %get3A_962 : vector<1x16xf32> to vector<16xf32>
        %add3A_964 = arith.addf %scan3A_939, %get3A_963 : vector<16xf32>
        %mul3A_965 = arith.constant 5 : i32
        %mul3A_966 = arith.muli %scan3A_935, %mul3A_965 : i32
        %add3A_967 = arith.constant 100 : i32
        %add3A_968 = arith.addi %add3A_967, %mul3A_966 : i32
        %add3A_969 = arith.constant 1 : i32
        %add3A_970 = arith.addi %add3A_968, %add3A_969 : i32
        %get3A_971 = arith.index_cast %add3A_970 : i32 to index
        %get3A_972 = arith.constant 0 : index
        %get3A_973 = tpu.vector_load %arg6[%get3A_971, %get3A_972] {strides = array<i32>} : memref<200x64xf32, #tpu.memory_space<vmem>>, vector<1x16xf32>,
        %get3A_974 = vector.shape_cast %get3A_973 : vector<1x16xf32> to vector<16xf32>
        %add3A_975 = arith.addf %add3A_949, %get3A_974 : vector<16xf32>
        %get3A_976 = arith.index_cast %add3A_970 : i32 to index
        %get3A_977 = arith.constant 16 : index
        %get3A_978 = tpu.vector_load %arg6[%get3A_976, %get3A_977] {strides = array<i32>} : memref<200x64xf32, #tpu.memory_space<vmem>>, vector<1x16xf32>,
        %get3A_979 = vector.shape_cast %get3A_978 : vector<1x16xf32> to vector<16xf32>
        %add3A_980 = arith.addf %add3A_954, %get3A_979 : vector<16xf32>
        %get3A_981 = arith.index_cast %add3A_970 : i32 to index
        %get3A_982 = arith.constant 32 : index
        %get3A_983 = tpu.vector_load %arg6[%get3A_981, %get3A_982] {strides = array<i32>} : memref<200x64xf32, #tpu.memory_space<vmem>>, vector<1x16xf32>,
        %get3A_984 = vector.shape_cast %get3A_983 : vector<1x16xf32> to vector<16xf32>
        %add3A_985 = arith.addf %add3A_959, %get3A_984 : vector<16xf32>
        %get3A_986 = arith.index_cast %add3A_970 : i32 to index
        %get3A_987 = arith.constant 48 : index
        %get3A_988 = tpu.vector_load %arg6[%get3A_986, %get3A_987] {strides = array<i32>} : memref<200x64xf32, #tpu.memory_space<vmem>>, vector<1x16xf32>,
        %get3A_989 = vector.shape_cast %get3A_988 : vector<1x16xf32> to vector<16xf32>
        %add3A_990 = arith.addf %add3A_964, %get3A_989 : vector<16xf32>
        %mul3A_991 = arith.constant 5 : i32
        %mul3A_992 = arith.muli %scan3A_935, %mul3A_991 : i32
        %add3A_993 = arith.constant 100 : i32
        %add3A_994 = arith.addi %add3A_993, %mul3A_992 : i32
        %add3A_995 = arith.constant 2 : i32
        %add3A_996 = arith.addi %add3A_994, %add3A_995 : i32
        %get3A_997 = arith.index_cast %add3A_996 : i32 to index
        %get3A_998 = arith.constant 0 : index
        %get3A_999 = tpu.vector_load %arg6[%get3A_997, %get3A_998] {strides = array<i32>} : memref<200x64xf32, #tpu.memory_space<vmem>>, vector<1x16xf32>,
        %get3A_1000 = vector.shape_cast %get3A_999 : vector<1x16xf32> to vector<16xf32>
        %add3A_1001 = arith.addf %add3A_975, %get3A_1000 : vector<16xf32>
        %get3A_1002 = arith.index_cast %add3A_996 : i32 to index
        %get3A_1003 = arith.constant 16 : index
        %get3A_1004 = tpu.vector_load %arg6[%get3A_1002, %get3A_1003] {strides = array<i32>} : memref<200x64xf32, #tpu.memory_space<vmem>>, vector<1x16xf32>,
        %get3A_1005 = vector.shape_cast %get3A_1004 : vector<1x16xf32> to vector<16xf32>
        %add3A_1006 = arith.addf %add3A_980, %get3A_1005 : vector<16xf32>
        %get3A_1007 = arith.index_cast %add3A_996 : i32 to index
        %get3A_1008 = arith.constant 32 : index
        %get3A_1009 = tpu.vector_load %arg6[%get3A_1007, %get3A_1008] {strides = array<i32>} : memref<200x64xf32, #tpu.memory_space<vmem>>, vector<1x16xf32>,
        %get3A_1010 = vector.shape_cast %get3A_1009 : vector<1x16xf32> to vector<16xf32>
        %add3A_1011 = arith.addf %add3A_985, %get3A_1010 : vector<16xf32>
        %get3A_1012 = arith.index_cast %add3A_996 : i32 to index
        %get3A_1013 = arith.constant 48 : index
        %get3A_1014 = tpu.vector_load %arg6[%get3A_1012, %get3A_1013] {strides = array<i32>} : memref<200x64xf32, #tpu.memory_space<vmem>>, vector<1x16xf32>,
        %get3A_1015 = vector.shape_cast %get3A_1014 : vector<1x16xf32> to vector<16xf32>
        %add3A_1016 = arith.addf %add3A_990, %get3A_1015 : vector<16xf32>
        %mul3A_1017 = arith.constant 5 : i32
        %mul3A_1018 = arith.muli %scan3A_935, %mul3A_1017 : i32
        %add3A_1019 = arith.constant 100 : i32
        %add3A_1020 = arith.addi %add3A_1019, %mul3A_1018 : i32
        %add3A_1021 = arith.constant 3 : i32
        %add3A_1022 = arith.addi %add3A_1020, %add3A_1021 : i32
        %get3A_1023 = arith.index_cast %add3A_1022 : i32 to index
        %get3A_1024 = arith.constant 0 : index
        %get3A_1025 = tpu.vector_load %arg6[%get3A_1023, %get3A_1024] {strides = array<i32>} : memref<200x64xf32, #tpu.memory_space<vmem>>, vector<1x16xf32>,
        %get3A_1026 = vector.shape_cast %get3A_1025 : vector<1x16xf32> to vector<16xf32>
        %add3A_1027 = arith.addf %add3A_1001, %get3A_1026 : vector<16xf32>
        %get3A_1028 = arith.index_cast %add3A_1022 : i32 to index
        %get3A_1029 = arith.constant 16 : index
        %get3A_1030 = tpu.vector_load %arg6[%get3A_1028, %get3A_1029] {strides = array<i32>} : memref<200x64xf32, #tpu.memory_space<vmem>>, vector<1x16xf32>,
        %get3A_1031 = vector.shape_cast %get3A_1030 : vector<1x16xf32> to vector<16xf32>
        %add3A_1032 = arith.addf %add3A_1006, %get3A_1031 : vector<16xf32>
        %get3A_1033 = arith.index_cast %add3A_1022 : i32 to index
        %get3A_1034 = arith.constant 32 : index
        %get3A_1035 = tpu.vector_load %arg6[%get3A_1033, %get3A_1034] {strides = array<i32>} : memref<200x64xf32, #tpu.memory_space<vmem>>, vector<1x16xf32>,
        %get3A_1036 = vector.shape_cast %get3A_1035 : vector<1x16xf32> to vector<16xf32>
        %add3A_1037 = arith.addf %add3A_1011, %get3A_1036 : vector<16xf32>
        %get3A_1038 = arith.index_cast %add3A_1022 : i32 to index
        %get3A_1039 = arith.constant 48 : index
        %get3A_1040 = tpu.vector_load %arg6[%get3A_1038, %get3A_1039] {strides = array<i32>} : memref<200x64xf32, #tpu.memory_space<vmem>>, vector<1x16xf32>,
        %get3A_1041 = vector.shape_cast %get3A_1040 : vector<1x16xf32> to vector<16xf32>
        %add3A_1042 = arith.addf %add3A_1016, %get3A_1041 : vector<16xf32>
        %mul3A_1043 = arith.constant 5 : i32
        %mul3A_1044 = arith.muli %scan3A_935, %mul3A_1043 : i32
        %add3A_1045 = arith.constant 100 : i32
        %add3A_1046 = arith.addi %add3A_1045, %mul3A_1044 : i32
        %add3A_1047 = arith.constant 4 : i32
        %add3A_1048 = arith.addi %add3A_1046, %add3A_1047 : i32
        %get3A_1049 = arith.index_cast %add3A_1048 : i32 to index
        %get3A_1050 = arith.constant 0 : index
        %get3A_1051 = tpu.vector_load %arg6[%get3A_1049, %get3A_1050] {strides = array<i32>} : memref<200x64xf32, #tpu.memory_space<vmem>>, vector<1x16xf32>,
        %get3A_1052 = vector.shape_cast %get3A_1051 : vector<1x16xf32> to vector<16xf32>
        %add3A_1053 = arith.addf %add3A_1027, %get3A_1052 : vector<16xf32>
        %get3A_1054 = arith.index_cast %add3A_1048 : i32 to index
        %get3A_1055 = arith.constant 16 : index
        %get3A_1056 = tpu.vector_load %arg6[%get3A_1054, %get3A_1055] {strides = array<i32>} : memref<200x64xf32, #tpu.memory_space<vmem>>, vector<1x16xf32>,
        %get3A_1057 = vector.shape_cast %get3A_1056 : vector<1x16xf32> to vector<16xf32>
        %add3A_1058 = arith.addf %add3A_1032, %get3A_1057 : vector<16xf32>
        %get3A_1059 = arith.index_cast %add3A_1048 : i32 to index
        %get3A_1060 = arith.constant 32 : index
        %get3A_1061 = tpu.vector_load %arg6[%get3A_1059, %get3A_1060] {strides = array<i32>} : memref<200x64xf32, #tpu.memory_space<vmem>>, vector<1x16xf32>,
        %get3A_1062 = vector.shape_cast %get3A_1061 : vector<1x16xf32> to vector<16xf32>
        %add3A_1063 = arith.addf %add3A_1037, %get3A_1062 : vector<16xf32>
        %get3A_1064 = arith.index_cast %add3A_1048 : i32 to index
        %get3A_1065 = arith.constant 48 : index
        %get3A_1066 = tpu.vector_load %arg6[%get3A_1064, %get3A_1065] {strides = array<i32>} : memref<200x64xf32, #tpu.memory_space<vmem>>, vector<1x16xf32>,
        %get3A_1067 = vector.shape_cast %get3A_1066 : vector<1x16xf32> to vector<16xf32>
        %add3A_1068 = arith.addf %add3A_1042, %get3A_1067 : vector<16xf32>
        scf.yield %add3A_1053, %add3A_1058, %add3A_1063, %add3A_1068 : vector<16xf32>, vector<16xf32>, vector<16xf32>, vector<16xf32>
      }
      %scan3A_215 = arith.constant 10 : i32
      %mul3A_216 = arith.constant 4 : i32
      %mul3A_217 = arith.muli %add3A_92, %mul3A_216 : i32
      %add3A_218 = arith.constant 2 : i32
      %add3A_219 = arith.addi %mul3A_217, %add3A_218 : i32
      %mul3A_220 = vector.broadcast %scan3A_80 : f32 to vector<16xf32>
      %mul3A_221 = arith.mulf %scan3A_214#0, %mul3A_220 : vector<16xf32>
      %swap3A_222 = arith.index_cast %add3A_219 : i32 to index
      %swap3A_223 = arith.constant 0 : index
      %swap3A_224 = tpu.vector_load %arg10[%swap3A_222, %swap3A_223] {strides = array<i32>} : memref<512x64xf32, #tpu.memory_space<vmem>>, vector<1x16xf32>,
      %swap3A_225 = vector.shape_cast %swap3A_224 : vector<1x16xf32> to vector<16xf32>
      %swap3A_226 = vector.shape_cast %mul3A_221 : vector<16xf32> to vector<1x16xf32>
      tpu.vector_store %arg10[%swap3A_222, %swap3A_223], %swap3A_226 {strides = array<i32>} : memref<512x64xf32, #tpu.memory_space<vmem>>, vector<1x16xf32>,
      %mul3A_227 = vector.broadcast %scan3A_80 : f32 to vector<16xf32>
      %mul3A_228 = arith.mulf %scan3A_214#1, %mul3A_227 : vector<16xf32>
      %swap3A_229 = arith.index_cast %add3A_219 : i32 to index
      %swap3A_230 = arith.constant 16 : index
      %swap3A_231 = tpu.vector_load %arg10[%swap3A_229, %swap3A_230] {strides = array<i32>} : memref<512x64xf32, #tpu.memory_space<vmem>>, vector<1x16xf32>,
      %swap3A_232 = vector.shape_cast %swap3A_231 : vector<1x16xf32> to vector<16xf32>
      %swap3A_233 = vector.shape_cast %mul3A_228 : vector<16xf32> to vector<1x16xf32>
      tpu.vector_store %arg10[%swap3A_229, %swap3A_230], %swap3A_233 {strides = array<i32>} : memref<512x64xf32, #tpu.memory_space<vmem>>, vector<1x16xf32>,
      %mul3A_234 = vector.broadcast %scan3A_80 : f32 to vector<16xf32>
      %mul3A_235 = arith.mulf %scan3A_214#2, %mul3A_234 : vector<16xf32>
      %swap3A_236 = arith.index_cast %add3A_219 : i32 to index
      %swap3A_237 = arith.constant 32 : index
      %swap3A_238 = tpu.vector_load %arg10[%swap3A_236, %swap3A_237] {strides = array<i32>} : memref<512x64xf32, #tpu.memory_space<vmem>>, vector<1x16xf32>,
      %swap3A_239 = vector.shape_cast %swap3A_238 : vector<1x16xf32> to vector<16xf32>
      %swap3A_240 = vector.shape_cast %mul3A_235 : vector<16xf32> to vector<1x16xf32>
      tpu.vector_store %arg10[%swap3A_236, %swap3A_237], %swap3A_240 {strides = array<i32>} : memref<512x64xf32, #tpu.memory_space<vmem>>, vector<1x16xf32>,
      %mul3A_241 = vector.broadcast %scan3A_80 : f32 to vector<16xf32>
      %mul3A_242 = arith.mulf %scan3A_214#3, %mul3A_241 : vector<16xf32>
      %swap3A_243 = arith.index_cast %add3A_219 : i32 to index
      %swap3A_244 = arith.constant 48 : index
      %swap3A_245 = tpu.vector_load %arg10[%swap3A_243, %swap3A_244] {strides = array<i32>} : memref<512x64xf32, #tpu.memory_space<vmem>>, vector<1x16xf32>,
      %swap3A_246 = vector.shape_cast %swap3A_245 : vector<1x16xf32> to vector<16xf32>
      %swap3A_247 = vector.shape_cast %mul3A_242 : vector<16xf32> to vector<1x16xf32>
      tpu.vector_store %arg10[%swap3A_243, %swap3A_244], %swap3A_247 {strides = array<i32>} : memref<512x64xf32, #tpu.memory_space<vmem>>, vector<1x16xf32>,
      %broadcast_in_dim3A_248 = arith.constant 0.000000e+00 : f32
      %broadcast_in_dim3A_249 = vector.broadcast %broadcast_in_dim3A_248 : f32 to vector<16xf32>
      %broadcast_in_dim3A_250 = arith.constant 0.000000e+00 : f32
      %broadcast_in_dim3A_251 = vector.broadcast %broadcast_in_dim3A_250 : f32 to vector<16xf32>
      %broadcast_in_dim3A_252 = arith.constant 0.000000e+00 : f32
      %broadcast_in_dim3A_253 = vector.broadcast %broadcast_in_dim3A_252 : f32 to vector<16xf32>
      %broadcast_in_dim3A_254 = arith.constant 0.000000e+00 : f32
      %broadcast_in_dim3A_255 = vector.broadcast %broadcast_in_dim3A_254 : f32 to vector<16xf32>
      %scan3A_256 = arith.constant 0 : i32
      %scan3A_257 = arith.constant 10 : i32
      %scan3A_258 = arith.addi %scan3A_256, %scan3A_257 : i32
      %scan3A_259 = arith.constant 1 : i32
      %scan3A_260:4 = scf.for %scan3A_935 = %scan3A_256 to %scan3A_258 step %scan3A_259 iter_args(%scan3A_936 = %broadcast_in_dim3A_249, %scan3A_937 = %broadcast_in_dim3A_251, %scan3A_938 = %broadcast_in_dim3A_253, %scan3A_939 = %broadcast_in_dim3A_255) -> (vector<16xf32>, vector<16xf32>, vector<16xf32>, vector<16xf32>)  : i32 {
        %mul3A_940 = arith.constant 5 : i32
        %mul3A_941 = arith.muli %scan3A_935, %mul3A_940 : i32
        %add3A_942 = arith.constant 150 : i32
        %add3A_943 = arith.addi %add3A_942, %mul3A_941 : i32
        %add3A_944 = arith.constant 0 : i32
        %add3A_945 = arith.addi %add3A_943, %add3A_944 : i32
        %get3A = arith.index_cast %add3A_945 : i32 to index
        %get3A_946 = arith.constant 0 : index
        %get3A_947 = tpu.vector_load %arg6[%get3A, %get3A_946] {strides = array<i32>} : memref<200x64xf32, #tpu.memory_space<vmem>>, vector<1x16xf32>,
        %get3A_948 = vector.shape_cast %get3A_947 : vector<1x16xf32> to vector<16xf32>
        %add3A_949 = arith.addf %scan3A_936, %get3A_948 : vector<16xf32>
        %get3A_950 = arith.index_cast %add3A_945 : i32 to index
        %get3A_951 = arith.constant 16 : index
        %get3A_952 = tpu.vector_load %arg6[%get3A_950, %get3A_951] {strides = array<i32>} : memref<200x64xf32, #tpu.memory_space<vmem>>, vector<1x16xf32>,
        %get3A_953 = vector.shape_cast %get3A_952 : vector<1x16xf32> to vector<16xf32>
        %add3A_954 = arith.addf %scan3A_937, %get3A_953 : vector<16xf32>
        %get3A_955 = arith.index_cast %add3A_945 : i32 to index
        %get3A_956 = arith.constant 32 : index
        %get3A_957 = tpu.vector_load %arg6[%get3A_955, %get3A_956] {strides = array<i32>} : memref<200x64xf32, #tpu.memory_space<vmem>>, vector<1x16xf32>,
        %get3A_958 = vector.shape_cast %get3A_957 : vector<1x16xf32> to vector<16xf32>
        %add3A_959 = arith.addf %scan3A_938, %get3A_958 : vector<16xf32>
        %get3A_960 = arith.index_cast %add3A_945 : i32 to index
        %get3A_961 = arith.constant 48 : index
        %get3A_962 = tpu.vector_load %arg6[%get3A_960, %get3A_961] {strides = array<i32>} : memref<200x64xf32, #tpu.memory_space<vmem>>, vector<1x16xf32>,
        %get3A_963 = vector.shape_cast %get3A_962 : vector<1x16xf32> to vector<16xf32>
        %add3A_964 = arith.addf %scan3A_939, %get3A_963 : vector<16xf32>
        %mul3A_965 = arith.constant 5 : i32
        %mul3A_966 = arith.muli %scan3A_935, %mul3A_965 : i32
        %add3A_967 = arith.constant 150 : i32
        %add3A_968 = arith.addi %add3A_967, %mul3A_966 : i32
        %add3A_969 = arith.constant 1 : i32
        %add3A_970 = arith.addi %add3A_968, %add3A_969 : i32
        %get3A_971 = arith.index_cast %add3A_970 : i32 to index
        %get3A_972 = arith.constant 0 : index
        %get3A_973 = tpu.vector_load %arg6[%get3A_971, %get3A_972] {strides = array<i32>} : memref<200x64xf32, #tpu.memory_space<vmem>>, vector<1x16xf32>,
        %get3A_974 = vector.shape_cast %get3A_973 : vector<1x16xf32> to vector<16xf32>
        %add3A_975 = arith.addf %add3A_949, %get3A_974 : vector<16xf32>
        %get3A_976 = arith.index_cast %add3A_970 : i32 to index
        %get3A_977 = arith.constant 16 : index
        %get3A_978 = tpu.vector_load %arg6[%get3A_976, %get3A_977] {strides = array<i32>} : memref<200x64xf32, #tpu.memory_space<vmem>>, vector<1x16xf32>,
        %get3A_979 = vector.shape_cast %get3A_978 : vector<1x16xf32> to vector<16xf32>
        %add3A_980 = arith.addf %add3A_954, %get3A_979 : vector<16xf32>
        %get3A_981 = arith.index_cast %add3A_970 : i32 to index
        %get3A_982 = arith.constant 32 : index
        %get3A_983 = tpu.vector_load %arg6[%get3A_981, %get3A_982] {strides = array<i32>} : memref<200x64xf32, #tpu.memory_space<vmem>>, vector<1x16xf32>,
        %get3A_984 = vector.shape_cast %get3A_983 : vector<1x16xf32> to vector<16xf32>
        %add3A_985 = arith.addf %add3A_959, %get3A_984 : vector<16xf32>
        %get3A_986 = arith.index_cast %add3A_970 : i32 to index
        %get3A_987 = arith.constant 48 : index
        %get3A_988 = tpu.vector_load %arg6[%get3A_986, %get3A_987] {strides = array<i32>} : memref<200x64xf32, #tpu.memory_space<vmem>>, vector<1x16xf32>,
        %get3A_989 = vector.shape_cast %get3A_988 : vector<1x16xf32> to vector<16xf32>
        %add3A_990 = arith.addf %add3A_964, %get3A_989 : vector<16xf32>
        %mul3A_991 = arith.constant 5 : i32
        %mul3A_992 = arith.muli %scan3A_935, %mul3A_991 : i32
        %add3A_993 = arith.constant 150 : i32
        %add3A_994 = arith.addi %add3A_993, %mul3A_992 : i32
        %add3A_995 = arith.constant 2 : i32
        %add3A_996 = arith.addi %add3A_994, %add3A_995 : i32
        %get3A_997 = arith.index_cast %add3A_996 : i32 to index
        %get3A_998 = arith.constant 0 : index
        %get3A_999 = tpu.vector_load %arg6[%get3A_997, %get3A_998] {strides = array<i32>} : memref<200x64xf32, #tpu.memory_space<vmem>>, vector<1x16xf32>,
        %get3A_1000 = vector.shape_cast %get3A_999 : vector<1x16xf32> to vector<16xf32>
        %add3A_1001 = arith.addf %add3A_975, %get3A_1000 : vector<16xf32>
        %get3A_1002 = arith.index_cast %add3A_996 : i32 to index
        %get3A_1003 = arith.constant 16 : index
        %get3A_1004 = tpu.vector_load %arg6[%get3A_1002, %get3A_1003] {strides = array<i32>} : memref<200x64xf32, #tpu.memory_space<vmem>>, vector<1x16xf32>,
        %get3A_1005 = vector.shape_cast %get3A_1004 : vector<1x16xf32> to vector<16xf32>
        %add3A_1006 = arith.addf %add3A_980, %get3A_1005 : vector<16xf32>
        %get3A_1007 = arith.index_cast %add3A_996 : i32 to index
        %get3A_1008 = arith.constant 32 : index
        %get3A_1009 = tpu.vector_load %arg6[%get3A_1007, %get3A_1008] {strides = array<i32>} : memref<200x64xf32, #tpu.memory_space<vmem>>, vector<1x16xf32>,
        %get3A_1010 = vector.shape_cast %get3A_1009 : vector<1x16xf32> to vector<16xf32>
        %add3A_1011 = arith.addf %add3A_985, %get3A_1010 : vector<16xf32>
        %get3A_1012 = arith.index_cast %add3A_996 : i32 to index
        %get3A_1013 = arith.constant 48 : index
        %get3A_1014 = tpu.vector_load %arg6[%get3A_1012, %get3A_1013] {strides = array<i32>} : memref<200x64xf32, #tpu.memory_space<vmem>>, vector<1x16xf32>,
        %get3A_1015 = vector.shape_cast %get3A_1014 : vector<1x16xf32> to vector<16xf32>
        %add3A_1016 = arith.addf %add3A_990, %get3A_1015 : vector<16xf32>
        %mul3A_1017 = arith.constant 5 : i32
        %mul3A_1018 = arith.muli %scan3A_935, %mul3A_1017 : i32
        %add3A_1019 = arith.constant 150 : i32
        %add3A_1020 = arith.addi %add3A_1019, %mul3A_1018 : i32
        %add3A_1021 = arith.constant 3 : i32
        %add3A_1022 = arith.addi %add3A_1020, %add3A_1021 : i32
        %get3A_1023 = arith.index_cast %add3A_1022 : i32 to index
        %get3A_1024 = arith.constant 0 : index
        %get3A_1025 = tpu.vector_load %arg6[%get3A_1023, %get3A_1024] {strides = array<i32>} : memref<200x64xf32, #tpu.memory_space<vmem>>, vector<1x16xf32>,
        %get3A_1026 = vector.shape_cast %get3A_1025 : vector<1x16xf32> to vector<16xf32>
        %add3A_1027 = arith.addf %add3A_1001, %get3A_1026 : vector<16xf32>
        %get3A_1028 = arith.index_cast %add3A_1022 : i32 to index
        %get3A_1029 = arith.constant 16 : index
        %get3A_1030 = tpu.vector_load %arg6[%get3A_1028, %get3A_1029] {strides = array<i32>} : memref<200x64xf32, #tpu.memory_space<vmem>>, vector<1x16xf32>,
        %get3A_1031 = vector.shape_cast %get3A_1030 : vector<1x16xf32> to vector<16xf32>
        %add3A_1032 = arith.addf %add3A_1006, %get3A_1031 : vector<16xf32>
        %get3A_1033 = arith.index_cast %add3A_1022 : i32 to index
        %get3A_1034 = arith.constant 32 : index
        %get3A_1035 = tpu.vector_load %arg6[%get3A_1033, %get3A_1034] {strides = array<i32>} : memref<200x64xf32, #tpu.memory_space<vmem>>, vector<1x16xf32>,
        %get3A_1036 = vector.shape_cast %get3A_1035 : vector<1x16xf32> to vector<16xf32>
        %add3A_1037 = arith.addf %add3A_1011, %get3A_1036 : vector<16xf32>
        %get3A_1038 = arith.index_cast %add3A_1022 : i32 to index
        %get3A_1039 = arith.constant 48 : index
        %get3A_1040 = tpu.vector_load %arg6[%get3A_1038, %get3A_1039] {strides = array<i32>} : memref<200x64xf32, #tpu.memory_space<vmem>>, vector<1x16xf32>,
        %get3A_1041 = vector.shape_cast %get3A_1040 : vector<1x16xf32> to vector<16xf32>
        %add3A_1042 = arith.addf %add3A_1016, %get3A_1041 : vector<16xf32>
        %mul3A_1043 = arith.constant 5 : i32
        %mul3A_1044 = arith.muli %scan3A_935, %mul3A_1043 : i32
        %add3A_1045 = arith.constant 150 : i32
        %add3A_1046 = arith.addi %add3A_1045, %mul3A_1044 : i32
        %add3A_1047 = arith.constant 4 : i32
        %add3A_1048 = arith.addi %add3A_1046, %add3A_1047 : i32
        %get3A_1049 = arith.index_cast %add3A_1048 : i32 to index
        %get3A_1050 = arith.constant 0 : index
        %get3A_1051 = tpu.vector_load %arg6[%get3A_1049, %get3A_1050] {strides = array<i32>} : memref<200x64xf32, #tpu.memory_space<vmem>>, vector<1x16xf32>,
        %get3A_1052 = vector.shape_cast %get3A_1051 : vector<1x16xf32> to vector<16xf32>
        %add3A_1053 = arith.addf %add3A_1027, %get3A_1052 : vector<16xf32>
        %get3A_1054 = arith.index_cast %add3A_1048 : i32 to index
        %get3A_1055 = arith.constant 16 : index
        %get3A_1056 = tpu.vector_load %arg6[%get3A_1054, %get3A_1055] {strides = array<i32>} : memref<200x64xf32, #tpu.memory_space<vmem>>, vector<1x16xf32>,
        %get3A_1057 = vector.shape_cast %get3A_1056 : vector<1x16xf32> to vector<16xf32>
        %add3A_1058 = arith.addf %add3A_1032, %get3A_1057 : vector<16xf32>
        %get3A_1059 = arith.index_cast %add3A_1048 : i32 to index
        %get3A_1060 = arith.constant 32 : index
        %get3A_1061 = tpu.vector_load %arg6[%get3A_1059, %get3A_1060] {strides = array<i32>} : memref<200x64xf32, #tpu.memory_space<vmem>>, vector<1x16xf32>,
        %get3A_1062 = vector.shape_cast %get3A_1061 : vector<1x16xf32> to vector<16xf32>
        %add3A_1063 = arith.addf %add3A_1037, %get3A_1062 : vector<16xf32>
        %get3A_1064 = arith.index_cast %add3A_1048 : i32 to index
        %get3A_1065 = arith.constant 48 : index
        %get3A_1066 = tpu.vector_load %arg6[%get3A_1064, %get3A_1065] {strides = array<i32>} : memref<200x64xf32, #tpu.memory_space<vmem>>, vector<1x16xf32>,
        %get3A_1067 = vector.shape_cast %get3A_1066 : vector<1x16xf32> to vector<16xf32>
        %add3A_1068 = arith.addf %add3A_1042, %get3A_1067 : vector<16xf32>
        scf.yield %add3A_1053, %add3A_1058, %add3A_1063, %add3A_1068 : vector<16xf32>, vector<16xf32>, vector<16xf32>, vector<16xf32>
      }
      %scan3A_261 = arith.constant 10 : i32
      %mul3A_262 = arith.constant 4 : i32
      %mul3A_263 = arith.muli %add3A_92, %mul3A_262 : i32
      %add3A_264 = arith.constant 3 : i32
      %add3A_265 = arith.addi %mul3A_263, %add3A_264 : i32
      %mul3A_266 = vector.broadcast %scan3A_80 : f32 to vector<16xf32>
      %mul3A_267 = arith.mulf %scan3A_260#0, %mul3A_266 : vector<16xf32>
      %swap3A_268 = arith.index_cast %add3A_265 : i32 to index
      %swap3A_269 = arith.constant 0 : index
      %swap3A_270 = tpu.vector_load %arg10[%swap3A_268, %swap3A_269] {strides = array<i32>} : memref<512x64xf32, #tpu.memory_space<vmem>>, vector<1x16xf32>,
      %swap3A_271 = vector.shape_cast %swap3A_270 : vector<1x16xf32> to vector<16xf32>
      %swap3A_272 = vector.shape_cast %mul3A_267 : vector<16xf32> to vector<1x16xf32>
      tpu.vector_store %arg10[%swap3A_268, %swap3A_269], %swap3A_272 {strides = array<i32>} : memref<512x64xf32, #tpu.memory_space<vmem>>, vector<1x16xf32>,
      %mul3A_273 = vector.broadcast %scan3A_80 : f32 to vector<16xf32>
      %mul3A_274 = arith.mulf %scan3A_260#1, %mul3A_273 : vector<16xf32>
      %swap3A_275 = arith.index_cast %add3A_265 : i32 to index
      %swap3A_276 = arith.constant 16 : index
      %swap3A_277 = tpu.vector_load %arg10[%swap3A_275, %swap3A_276] {strides = array<i32>} : memref<512x64xf32, #tpu.memory_space<vmem>>, vector<1x16xf32>,
      %swap3A_278 = vector.shape_cast %swap3A_277 : vector<1x16xf32> to vector<16xf32>
      %swap3A_279 = vector.shape_cast %mul3A_274 : vector<16xf32> to vector<1x16xf32>
      tpu.vector_store %arg10[%swap3A_275, %swap3A_276], %swap3A_279 {strides = array<i32>} : memref<512x64xf32, #tpu.memory_space<vmem>>, vector<1x16xf32>,
      %mul3A_280 = vector.broadcast %scan3A_80 : f32 to vector<16xf32>
      %mul3A_281 = arith.mulf %scan3A_260#2, %mul3A_280 : vector<16xf32>
      %swap3A_282 = arith.index_cast %add3A_265 : i32 to index
      %swap3A_283 = arith.constant 32 : index
      %swap3A_284 = tpu.vector_load %arg10[%swap3A_282, %swap3A_283] {strides = array<i32>} : memref<512x64xf32, #tpu.memory_space<vmem>>, vector<1x16xf32>,
      %swap3A_285 = vector.shape_cast %swap3A_284 : vector<1x16xf32> to vector<16xf32>
      %swap3A_286 = vector.shape_cast %mul3A_281 : vector<16xf32> to vector<1x16xf32>
      tpu.vector_store %arg10[%swap3A_282, %swap3A_283], %swap3A_286 {strides = array<i32>} : memref<512x64xf32, #tpu.memory_space<vmem>>, vector<1x16xf32>,
      %mul3A_287 = vector.broadcast %scan3A_80 : f32 to vector<16xf32>
      %mul3A_288 = arith.mulf %scan3A_260#3, %mul3A_287 : vector<16xf32>
      %swap3A_289 = arith.index_cast %add3A_265 : i32 to index
      %swap3A_290 = arith.constant 48 : index
      %swap3A_291 = tpu.vector_load %arg10[%swap3A_289, %swap3A_290] {strides = array<i32>} : memref<512x64xf32, #tpu.memory_space<vmem>>, vector<1x16xf32>,
      %swap3A_292 = vector.shape_cast %swap3A_291 : vector<1x16xf32> to vector<16xf32>
      %swap3A_293 = vector.shape_cast %mul3A_288 : vector<16xf32> to vector<1x16xf32>
      tpu.vector_store %arg10[%swap3A_289, %swap3A_290], %swap3A_293 {strides = array<i32>} : memref<512x64xf32, #tpu.memory_space<vmem>>, vector<1x16xf32>,
      %lt3A = arith.constant 31 : i32
      %lt3A_294 = arith.cmpi slt, %scan3A_88, %lt3A : i32
      %convert_element_type3A = arith.extui %lt3A_294 : i1 to i32
      %cond3A = arith.constant 0 : i32
      %cond3A_295 = arith.cmpi ne, %convert_element_type3A, %cond3A : i32
      scf.if %cond3A_295 {
        %add3A_935 = arith.constant 4 : i32
        %add3A_936 = arith.addi %add3A_92, %add3A_935 : i32
        %mul3A_937 = arith.constant 2 : i32
        %mul3A_938 = arith.muli %add3A_936, %mul3A_937 : i32
        %add3A_939 = arith.constant 0 : i32
        %add3A_940 = arith.addi %mul3A_938, %add3A_939 : i32
        %dma_start3A_941 = arith.constant 0 : i32
        %dma_start3A_942 = arith.constant 0 : i32
        %dma_start3A_943 = tpu.memref_slice %arg6[%dma_start3A_941, %dma_start3A_942] : memref<200x64xf32, #tpu.memory_space<vmem>> -> memref<100x64xf32, #tpu.memory_space<vmem>>
        %dma_start3A_944 = arith.constant 0 : i32
        %dma_start3A_945 = tpu.memref_slice %arg5[%add3A_940, %dma_start3A_944] : memref<256x100xi32, #tpu.memory_space<vmem>> -> memref<1x100xi32, #tpu.memory_space<vmem>>
        %dma_start3A_946 = tpu.memref_squeeze %dma_start3A_945 : memref<1x100xi32, #tpu.memory_space<vmem>> -> memref<100xi32, #tpu.memory_space<vmem>>
        %dma_start3A_947 = arith.constant 0 : i32
        %dma_start3A_948 = arith.constant 0 : i32
        %dma_start3A_949 = tpu.memref_slice %arg3[%dma_start3A_947, %dma_start3A_948] : memref<100000x64xf32, #tpu.memory_space<hbm>> -> memref<100000x64xf32, #tpu.memory_space<hbm>>
        tpu.enqueue_indirect_dma source(%dma_start3A_949 : memref<100000x64xf32, #tpu.memory_space<hbm>>) target(%dma_start3A_943 : memref<100x64xf32, #tpu.memory_space<vmem>>) offsets(%dma_start3A_946 : memref<100xi32, #tpu.memory_space<vmem>>) semaphore(%arg11 : memref<!tpu.dma_semaphore, #tpu.memory_space<semaphore_mem>>)
        %mul3A_950 = arith.constant 2 : i32
        %mul3A_951 = arith.muli %add3A_936, %mul3A_950 : i32
        %add3A_952 = arith.constant 1 : i32
        %add3A_953 = arith.addi %mul3A_951, %add3A_952 : i32
        %dma_start3A_954 = arith.constant 100 : i32
        %dma_start3A_955 = arith.constant 0 : i32
        %dma_start3A_956 = tpu.memref_slice %arg6[%dma_start3A_954, %dma_start3A_955] : memref<200x64xf32, #tpu.memory_space<vmem>> -> memref<100x64xf32, #tpu.memory_space<vmem>>
        %dma_start3A_957 = arith.constant 0 : i32
        %dma_start3A_958 = tpu.memref_slice %arg5[%add3A_953, %dma_start3A_957] : memref<256x100xi32, #tpu.memory_space<vmem>> -> memref<1x100xi32, #tpu.memory_space<vmem>>
        %dma_start3A_959 = tpu.memref_squeeze %dma_start3A_958 : memref<1x100xi32, #tpu.memory_space<vmem>> -> memref<100xi32, #tpu.memory_space<vmem>>
        %dma_start3A_960 = arith.constant 0 : i32
        %dma_start3A_961 = arith.constant 0 : i32
        %dma_start3A_962 = tpu.memref_slice %arg3[%dma_start3A_960, %dma_start3A_961] : memref<100000x64xf32, #tpu.memory_space<hbm>> -> memref<100000x64xf32, #tpu.memory_space<hbm>>
        tpu.enqueue_indirect_dma source(%dma_start3A_962 : memref<100000x64xf32, #tpu.memory_space<hbm>>) target(%dma_start3A_956 : memref<100x64xf32, #tpu.memory_space<vmem>>) offsets(%dma_start3A_959 : memref<100xi32, #tpu.memory_space<vmem>>) semaphore(%arg11 : memref<!tpu.dma_semaphore, #tpu.memory_space<semaphore_mem>>)
      } else {
      }
      %mul3A_296 = arith.constant 4 : i32
      %mul3A_297 = arith.muli %scan3A_88, %mul3A_296 : i32
      %add3A_298 = arith.constant 1 : i32
      %add3A_299 = arith.addi %mul3A_297, %add3A_298 : i32
      %dma_wait3A_300 = arith.constant 0 : i32
      %dma_wait3A_301 = arith.constant 0 : i32
      %dma_wait3A_302 = arith.constant 0 : i32
      %dma_wait3A_303 = tpu.memref_slice %arg7[%dma_wait3A_301, %dma_wait3A_302] : memref<200x64xf32, #tpu.memory_space<vmem>> -> memref<100x64xf32, #tpu.memory_space<vmem>>
      %dma_wait3A_304 = arith.constant 0 : i32
      %dma_wait3A_305 = tpu.memref_slice %arg5[%dma_wait3A_300, %dma_wait3A_304] : memref<256x100xi32, #tpu.memory_space<vmem>> -> memref<1x100xi32, #tpu.memory_space<vmem>>
      %dma_wait3A_306 = tpu.memref_squeeze %dma_wait3A_305 : memref<1x100xi32, #tpu.memory_space<vmem>> -> memref<100xi32, #tpu.memory_space<vmem>>
      %dma_wait3A_307 = arith.constant 0 : i32
      %dma_wait3A_308 = arith.constant 0 : i32
      %dma_wait3A_309 = tpu.memref_slice %arg3[%dma_wait3A_307, %dma_wait3A_308] : memref<100000x64xf32, #tpu.memory_space<hbm>> -> memref<100000x64xf32, #tpu.memory_space<hbm>>
      tpu.wait_indirect_dma semaphore(%arg12 : memref<!tpu.dma_semaphore, #tpu.memory_space<semaphore_mem>>) src(%dma_wait3A_309 : memref<100000x64xf32, #tpu.memory_space<hbm>>) dst(%dma_wait3A_303 : memref<100x64xf32, #tpu.memory_space<vmem>>)
      %dma_wait3A_310 = arith.constant 0 : i32
      %dma_wait3A_311 = arith.constant 100 : i32
      %dma_wait3A_312 = arith.constant 0 : i32
      %dma_wait3A_313 = tpu.memref_slice %arg7[%dma_wait3A_311, %dma_wait3A_312] : memref<200x64xf32, #tpu.memory_space<vmem>> -> memref<100x64xf32, #tpu.memory_space<vmem>>
      %dma_wait3A_314 = arith.constant 0 : i32
      %dma_wait3A_315 = tpu.memref_slice %arg5[%dma_wait3A_310, %dma_wait3A_314] : memref<256x100xi32, #tpu.memory_space<vmem>> -> memref<1x100xi32, #tpu.memory_space<vmem>>
      %dma_wait3A_316 = tpu.memref_squeeze %dma_wait3A_315 : memref<1x100xi32, #tpu.memory_space<vmem>> -> memref<100xi32, #tpu.memory_space<vmem>>
      %dma_wait3A_317 = arith.constant 0 : i32
      %dma_wait3A_318 = arith.constant 0 : i32
      %dma_wait3A_319 = tpu.memref_slice %arg3[%dma_wait3A_317, %dma_wait3A_318] : memref<100000x64xf32, #tpu.memory_space<hbm>> -> memref<100000x64xf32, #tpu.memory_space<hbm>>
      tpu.wait_indirect_dma semaphore(%arg12 : memref<!tpu.dma_semaphore, #tpu.memory_space<semaphore_mem>>) src(%dma_wait3A_319 : memref<100000x64xf32, #tpu.memory_space<hbm>>) dst(%dma_wait3A_313 : memref<100x64xf32, #tpu.memory_space<vmem>>)
      %broadcast_in_dim3A_320 = arith.constant 0.000000e+00 : f32
      %broadcast_in_dim3A_321 = vector.broadcast %broadcast_in_dim3A_320 : f32 to vector<16xf32>
      %broadcast_in_dim3A_322 = arith.constant 0.000000e+00 : f32
      %broadcast_in_dim3A_323 = vector.broadcast %broadcast_in_dim3A_322 : f32 to vector<16xf32>
      %broadcast_in_dim3A_324 = arith.constant 0.000000e+00 : f32
      %broadcast_in_dim3A_325 = vector.broadcast %broadcast_in_dim3A_324 : f32 to vector<16xf32>
      %broadcast_in_dim3A_326 = arith.constant 0.000000e+00 : f32
      %broadcast_in_dim3A_327 = vector.broadcast %broadcast_in_dim3A_326 : f32 to vector<16xf32>
      %scan3A_328 = arith.constant 0 : i32
      %scan3A_329 = arith.constant 10 : i32
      %scan3A_330 = arith.addi %scan3A_328, %scan3A_329 : i32
      %scan3A_331 = arith.constant 1 : i32
      %scan3A_332:4 = scf.for %scan3A_935 = %scan3A_328 to %scan3A_330 step %scan3A_331 iter_args(%scan3A_936 = %broadcast_in_dim3A_321, %scan3A_937 = %broadcast_in_dim3A_323, %scan3A_938 = %broadcast_in_dim3A_325, %scan3A_939 = %broadcast_in_dim3A_327) -> (vector<16xf32>, vector<16xf32>, vector<16xf32>, vector<16xf32>)  : i32 {
        %mul3A_940 = arith.constant 5 : i32
        %mul3A_941 = arith.muli %scan3A_935, %mul3A_940 : i32
        %add3A_942 = arith.constant 0 : i32
        %add3A_943 = arith.addi %add3A_942, %mul3A_941 : i32
        %add3A_944 = arith.constant 0 : i32
        %add3A_945 = arith.addi %add3A_943, %add3A_944 : i32
        %get3A = arith.index_cast %add3A_945 : i32 to index
        %get3A_946 = arith.constant 0 : index
        %get3A_947 = tpu.vector_load %arg7[%get3A, %get3A_946] {strides = array<i32>} : memref<200x64xf32, #tpu.memory_space<vmem>>, vector<1x16xf32>,
        %get3A_948 = vector.shape_cast %get3A_947 : vector<1x16xf32> to vector<16xf32>
        %add3A_949 = arith.addf %scan3A_936, %get3A_948 : vector<16xf32>
        %get3A_950 = arith.index_cast %add3A_945 : i32 to index
        %get3A_951 = arith.constant 16 : index
        %get3A_952 = tpu.vector_load %arg7[%get3A_950, %get3A_951] {strides = array<i32>} : memref<200x64xf32, #tpu.memory_space<vmem>>, vector<1x16xf32>,
        %get3A_953 = vector.shape_cast %get3A_952 : vector<1x16xf32> to vector<16xf32>
        %add3A_954 = arith.addf %scan3A_937, %get3A_953 : vector<16xf32>
        %get3A_955 = arith.index_cast %add3A_945 : i32 to index
        %get3A_956 = arith.constant 32 : index
        %get3A_957 = tpu.vector_load %arg7[%get3A_955, %get3A_956] {strides = array<i32>} : memref<200x64xf32, #tpu.memory_space<vmem>>, vector<1x16xf32>,
        %get3A_958 = vector.shape_cast %get3A_957 : vector<1x16xf32> to vector<16xf32>
        %add3A_959 = arith.addf %scan3A_938, %get3A_958 : vector<16xf32>
        %get3A_960 = arith.index_cast %add3A_945 : i32 to index
        %get3A_961 = arith.constant 48 : index
        %get3A_962 = tpu.vector_load %arg7[%get3A_960, %get3A_961] {strides = array<i32>} : memref<200x64xf32, #tpu.memory_space<vmem>>, vector<1x16xf32>,
        %get3A_963 = vector.shape_cast %get3A_962 : vector<1x16xf32> to vector<16xf32>
        %add3A_964 = arith.addf %scan3A_939, %get3A_963 : vector<16xf32>
        %mul3A_965 = arith.constant 5 : i32
        %mul3A_966 = arith.muli %scan3A_935, %mul3A_965 : i32
        %add3A_967 = arith.constant 0 : i32
        %add3A_968 = arith.addi %add3A_967, %mul3A_966 : i32
        %add3A_969 = arith.constant 1 : i32
        %add3A_970 = arith.addi %add3A_968, %add3A_969 : i32
        %get3A_971 = arith.index_cast %add3A_970 : i32 to index
        %get3A_972 = arith.constant 0 : index
        %get3A_973 = tpu.vector_load %arg7[%get3A_971, %get3A_972] {strides = array<i32>} : memref<200x64xf32, #tpu.memory_space<vmem>>, vector<1x16xf32>,
        %get3A_974 = vector.shape_cast %get3A_973 : vector<1x16xf32> to vector<16xf32>
        %add3A_975 = arith.addf %add3A_949, %get3A_974 : vector<16xf32>
        %get3A_976 = arith.index_cast %add3A_970 : i32 to index
        %get3A_977 = arith.constant 16 : index
        %get3A_978 = tpu.vector_load %arg7[%get3A_976, %get3A_977] {strides = array<i32>} : memref<200x64xf32, #tpu.memory_space<vmem>>, vector<1x16xf32>,
        %get3A_979 = vector.shape_cast %get3A_978 : vector<1x16xf32> to vector<16xf32>
        %add3A_980 = arith.addf %add3A_954, %get3A_979 : vector<16xf32>
        %get3A_981 = arith.index_cast %add3A_970 : i32 to index
        %get3A_982 = arith.constant 32 : index
        %get3A_983 = tpu.vector_load %arg7[%get3A_981, %get3A_982] {strides = array<i32>} : memref<200x64xf32, #tpu.memory_space<vmem>>, vector<1x16xf32>,
        %get3A_984 = vector.shape_cast %get3A_983 : vector<1x16xf32> to vector<16xf32>
        %add3A_985 = arith.addf %add3A_959, %get3A_984 : vector<16xf32>
        %get3A_986 = arith.index_cast %add3A_970 : i32 to index
        %get3A_987 = arith.constant 48 : index
        %get3A_988 = tpu.vector_load %arg7[%get3A_986, %get3A_987] {strides = array<i32>} : memref<200x64xf32, #tpu.memory_space<vmem>>, vector<1x16xf32>,
        %get3A_989 = vector.shape_cast %get3A_988 : vector<1x16xf32> to vector<16xf32>
        %add3A_990 = arith.addf %add3A_964, %get3A_989 : vector<16xf32>
        %mul3A_991 = arith.constant 5 : i32
        %mul3A_992 = arith.muli %scan3A_935, %mul3A_991 : i32
        %add3A_993 = arith.constant 0 : i32
        %add3A_994 = arith.addi %add3A_993, %mul3A_992 : i32
        %add3A_995 = arith.constant 2 : i32
        %add3A_996 = arith.addi %add3A_994, %add3A_995 : i32
        %get3A_997 = arith.index_cast %add3A_996 : i32 to index
        %get3A_998 = arith.constant 0 : index
        %get3A_999 = tpu.vector_load %arg7[%get3A_997, %get3A_998] {strides = array<i32>} : memref<200x64xf32, #tpu.memory_space<vmem>>, vector<1x16xf32>,
        %get3A_1000 = vector.shape_cast %get3A_999 : vector<1x16xf32> to vector<16xf32>
        %add3A_1001 = arith.addf %add3A_975, %get3A_1000 : vector<16xf32>
        %get3A_1002 = arith.index_cast %add3A_996 : i32 to index
        %get3A_1003 = arith.constant 16 : index
        %get3A_1004 = tpu.vector_load %arg7[%get3A_1002, %get3A_1003] {strides = array<i32>} : memref<200x64xf32, #tpu.memory_space<vmem>>, vector<1x16xf32>,
        %get3A_1005 = vector.shape_cast %get3A_1004 : vector<1x16xf32> to vector<16xf32>
        %add3A_1006 = arith.addf %add3A_980, %get3A_1005 : vector<16xf32>
        %get3A_1007 = arith.index_cast %add3A_996 : i32 to index
        %get3A_1008 = arith.constant 32 : index
        %get3A_1009 = tpu.vector_load %arg7[%get3A_1007, %get3A_1008] {strides = array<i32>} : memref<200x64xf32, #tpu.memory_space<vmem>>, vector<1x16xf32>,
        %get3A_1010 = vector.shape_cast %get3A_1009 : vector<1x16xf32> to vector<16xf32>
        %add3A_1011 = arith.addf %add3A_985, %get3A_1010 : vector<16xf32>
        %get3A_1012 = arith.index_cast %add3A_996 : i32 to index
        %get3A_1013 = arith.constant 48 : index
        %get3A_1014 = tpu.vector_load %arg7[%get3A_1012, %get3A_1013] {strides = array<i32>} : memref<200x64xf32, #tpu.memory_space<vmem>>, vector<1x16xf32>,
        %get3A_1015 = vector.shape_cast %get3A_1014 : vector<1x16xf32> to vector<16xf32>
        %add3A_1016 = arith.addf %add3A_990, %get3A_1015 : vector<16xf32>
        %mul3A_1017 = arith.constant 5 : i32
        %mul3A_1018 = arith.muli %scan3A_935, %mul3A_1017 : i32
        %add3A_1019 = arith.constant 0 : i32
        %add3A_1020 = arith.addi %add3A_1019, %mul3A_1018 : i32
        %add3A_1021 = arith.constant 3 : i32
        %add3A_1022 = arith.addi %add3A_1020, %add3A_1021 : i32
        %get3A_1023 = arith.index_cast %add3A_1022 : i32 to index
        %get3A_1024 = arith.constant 0 : index
        %get3A_1025 = tpu.vector_load %arg7[%get3A_1023, %get3A_1024] {strides = array<i32>} : memref<200x64xf32, #tpu.memory_space<vmem>>, vector<1x16xf32>,
        %get3A_1026 = vector.shape_cast %get3A_1025 : vector<1x16xf32> to vector<16xf32>
        %add3A_1027 = arith.addf %add3A_1001, %get3A_1026 : vector<16xf32>
        %get3A_1028 = arith.index_cast %add3A_1022 : i32 to index
        %get3A_1029 = arith.constant 16 : index
        %get3A_1030 = tpu.vector_load %arg7[%get3A_1028, %get3A_1029] {strides = array<i32>} : memref<200x64xf32, #tpu.memory_space<vmem>>, vector<1x16xf32>,
        %get3A_1031 = vector.shape_cast %get3A_1030 : vector<1x16xf32> to vector<16xf32>
        %add3A_1032 = arith.addf %add3A_1006, %get3A_1031 : vector<16xf32>
        %get3A_1033 = arith.index_cast %add3A_1022 : i32 to index
        %get3A_1034 = arith.constant 32 : index
        %get3A_1035 = tpu.vector_load %arg7[%get3A_1033, %get3A_1034] {strides = array<i32>} : memref<200x64xf32, #tpu.memory_space<vmem>>, vector<1x16xf32>,
        %get3A_1036 = vector.shape_cast %get3A_1035 : vector<1x16xf32> to vector<16xf32>
        %add3A_1037 = arith.addf %add3A_1011, %get3A_1036 : vector<16xf32>
        %get3A_1038 = arith.index_cast %add3A_1022 : i32 to index
        %get3A_1039 = arith.constant 48 : index
        %get3A_1040 = tpu.vector_load %arg7[%get3A_1038, %get3A_1039] {strides = array<i32>} : memref<200x64xf32, #tpu.memory_space<vmem>>, vector<1x16xf32>,
        %get3A_1041 = vector.shape_cast %get3A_1040 : vector<1x16xf32> to vector<16xf32>
        %add3A_1042 = arith.addf %add3A_1016, %get3A_1041 : vector<16xf32>
        %mul3A_1043 = arith.constant 5 : i32
        %mul3A_1044 = arith.muli %scan3A_935, %mul3A_1043 : i32
        %add3A_1045 = arith.constant 0 : i32
        %add3A_1046 = arith.addi %add3A_1045, %mul3A_1044 : i32
        %add3A_1047 = arith.constant 4 : i32
        %add3A_1048 = arith.addi %add3A_1046, %add3A_1047 : i32
        %get3A_1049 = arith.index_cast %add3A_1048 : i32 to index
        %get3A_1050 = arith.constant 0 : index
        %get3A_1051 = tpu.vector_load %arg7[%get3A_1049, %get3A_1050] {strides = array<i32>} : memref<200x64xf32, #tpu.memory_space<vmem>>, vector<1x16xf32>,
        %get3A_1052 = vector.shape_cast %get3A_1051 : vector<1x16xf32> to vector<16xf32>
        %add3A_1053 = arith.addf %add3A_1027, %get3A_1052 : vector<16xf32>
        %get3A_1054 = arith.index_cast %add3A_1048 : i32 to index
        %get3A_1055 = arith.constant 16 : index
        %get3A_1056 = tpu.vector_load %arg7[%get3A_1054, %get3A_1055] {strides = array<i32>} : memref<200x64xf32, #tpu.memory_space<vmem>>, vector<1x16xf32>,
        %get3A_1057 = vector.shape_cast %get3A_1056 : vector<1x16xf32> to vector<16xf32>
        %add3A_1058 = arith.addf %add3A_1032, %get3A_1057 : vector<16xf32>
        %get3A_1059 = arith.index_cast %add3A_1048 : i32 to index
        %get3A_1060 = arith.constant 32 : index
        %get3A_1061 = tpu.vector_load %arg7[%get3A_1059, %get3A_1060] {strides = array<i32>} : memref<200x64xf32, #tpu.memory_space<vmem>>, vector<1x16xf32>,
        %get3A_1062 = vector.shape_cast %get3A_1061 : vector<1x16xf32> to vector<16xf32>
        %add3A_1063 = arith.addf %add3A_1037, %get3A_1062 : vector<16xf32>
        %get3A_1064 = arith.index_cast %add3A_1048 : i32 to index
        %get3A_1065 = arith.constant 48 : index
        %get3A_1066 = tpu.vector_load %arg7[%get3A_1064, %get3A_1065] {strides = array<i32>} : memref<200x64xf32, #tpu.memory_space<vmem>>, vector<1x16xf32>,
        %get3A_1067 = vector.shape_cast %get3A_1066 : vector<1x16xf32> to vector<16xf32>
        %add3A_1068 = arith.addf %add3A_1042, %get3A_1067 : vector<16xf32>
        scf.yield %add3A_1053, %add3A_1058, %add3A_1063, %add3A_1068 : vector<16xf32>, vector<16xf32>, vector<16xf32>, vector<16xf32>
      }
      %scan3A_333 = arith.constant 10 : i32
      %mul3A_334 = arith.constant 4 : i32
      %mul3A_335 = arith.muli %add3A_299, %mul3A_334 : i32
      %add3A_336 = arith.constant 0 : i32
      %add3A_337 = arith.addi %mul3A_335, %add3A_336 : i32
      %mul3A_338 = vector.broadcast %scan3A_80 : f32 to vector<16xf32>
      %mul3A_339 = arith.mulf %scan3A_332#0, %mul3A_338 : vector<16xf32>
      %swap3A_340 = arith.index_cast %add3A_337 : i32 to index
      %swap3A_341 = arith.constant 0 : index
      %swap3A_342 = tpu.vector_load %arg10[%swap3A_340, %swap3A_341] {strides = array<i32>} : memref<512x64xf32, #tpu.memory_space<vmem>>, vector<1x16xf32>,
      %swap3A_343 = vector.shape_cast %swap3A_342 : vector<1x16xf32> to vector<16xf32>
      %swap3A_344 = vector.shape_cast %mul3A_339 : vector<16xf32> to vector<1x16xf32>
      tpu.vector_store %arg10[%swap3A_340, %swap3A_341], %swap3A_344 {strides = array<i32>} : memref<512x64xf32, #tpu.memory_space<vmem>>, vector<1x16xf32>,
      %mul3A_345 = vector.broadcast %scan3A_80 : f32 to vector<16xf32>
      %mul3A_346 = arith.mulf %scan3A_332#1, %mul3A_345 : vector<16xf32>
      %swap3A_347 = arith.index_cast %add3A_337 : i32 to index
      %swap3A_348 = arith.constant 16 : index
      %swap3A_349 = tpu.vector_load %arg10[%swap3A_347, %swap3A_348] {strides = array<i32>} : memref<512x64xf32, #tpu.memory_space<vmem>>, vector<1x16xf32>,
      %swap3A_350 = vector.shape_cast %swap3A_349 : vector<1x16xf32> to vector<16xf32>
      %swap3A_351 = vector.shape_cast %mul3A_346 : vector<16xf32> to vector<1x16xf32>
      tpu.vector_store %arg10[%swap3A_347, %swap3A_348], %swap3A_351 {strides = array<i32>} : memref<512x64xf32, #tpu.memory_space<vmem>>, vector<1x16xf32>,
      %mul3A_352 = vector.broadcast %scan3A_80 : f32 to vector<16xf32>
      %mul3A_353 = arith.mulf %scan3A_332#2, %mul3A_352 : vector<16xf32>
      %swap3A_354 = arith.index_cast %add3A_337 : i32 to index
      %swap3A_355 = arith.constant 32 : index
      %swap3A_356 = tpu.vector_load %arg10[%swap3A_354, %swap3A_355] {strides = array<i32>} : memref<512x64xf32, #tpu.memory_space<vmem>>, vector<1x16xf32>,
      %swap3A_357 = vector.shape_cast %swap3A_356 : vector<1x16xf32> to vector<16xf32>
      %swap3A_358 = vector.shape_cast %mul3A_353 : vector<16xf32> to vector<1x16xf32>
      tpu.vector_store %arg10[%swap3A_354, %swap3A_355], %swap3A_358 {strides = array<i32>} : memref<512x64xf32, #tpu.memory_space<vmem>>, vector<1x16xf32>,
      %mul3A_359 = vector.broadcast %scan3A_80 : f32 to vector<16xf32>
      %mul3A_360 = arith.mulf %scan3A_332#3, %mul3A_359 : vector<16xf32>
      %swap3A_361 = arith.index_cast %add3A_337 : i32 to index
      %swap3A_362 = arith.constant 48 : index
      %swap3A_363 = tpu.vector_load %arg10[%swap3A_361, %swap3A_362] {strides = array<i32>} : memref<512x64xf32, #tpu.memory_space<vmem>>, vector<1x16xf32>,
      %swap3A_364 = vector.shape_cast %swap3A_363 : vector<1x16xf32> to vector<16xf32>
      %swap3A_365 = vector.shape_cast %mul3A_360 : vector<16xf32> to vector<1x16xf32>
      tpu.vector_store %arg10[%swap3A_361, %swap3A_362], %swap3A_365 {strides = array<i32>} : memref<512x64xf32, #tpu.memory_space<vmem>>, vector<1x16xf32>,
      %broadcast_in_dim3A_366 = arith.constant 0.000000e+00 : f32
      %broadcast_in_dim3A_367 = vector.broadcast %broadcast_in_dim3A_366 : f32 to vector<16xf32>
      %broadcast_in_dim3A_368 = arith.constant 0.000000e+00 : f32
      %broadcast_in_dim3A_369 = vector.broadcast %broadcast_in_dim3A_368 : f32 to vector<16xf32>
      %broadcast_in_dim3A_370 = arith.constant 0.000000e+00 : f32
      %broadcast_in_dim3A_371 = vector.broadcast %broadcast_in_dim3A_370 : f32 to vector<16xf32>
      %broadcast_in_dim3A_372 = arith.constant 0.000000e+00 : f32
      %broadcast_in_dim3A_373 = vector.broadcast %broadcast_in_dim3A_372 : f32 to vector<16xf32>
      %scan3A_374 = arith.constant 0 : i32
      %scan3A_375 = arith.constant 10 : i32
      %scan3A_376 = arith.addi %scan3A_374, %scan3A_375 : i32
      %scan3A_377 = arith.constant 1 : i32
      %scan3A_378:4 = scf.for %scan3A_935 = %scan3A_374 to %scan3A_376 step %scan3A_377 iter_args(%scan3A_936 = %broadcast_in_dim3A_367, %scan3A_937 = %broadcast_in_dim3A_369, %scan3A_938 = %broadcast_in_dim3A_371, %scan3A_939 = %broadcast_in_dim3A_373) -> (vector<16xf32>, vector<16xf32>, vector<16xf32>, vector<16xf32>)  : i32 {
        %mul3A_940 = arith.constant 5 : i32
        %mul3A_941 = arith.muli %scan3A_935, %mul3A_940 : i32
        %add3A_942 = arith.constant 50 : i32
        %add3A_943 = arith.addi %add3A_942, %mul3A_941 : i32
        %add3A_944 = arith.constant 0 : i32
        %add3A_945 = arith.addi %add3A_943, %add3A_944 : i32
        %get3A = arith.index_cast %add3A_945 : i32 to index
        %get3A_946 = arith.constant 0 : index
        %get3A_947 = tpu.vector_load %arg7[%get3A, %get3A_946] {strides = array<i32>} : memref<200x64xf32, #tpu.memory_space<vmem>>, vector<1x16xf32>,
        %get3A_948 = vector.shape_cast %get3A_947 : vector<1x16xf32> to vector<16xf32>
        %add3A_949 = arith.addf %scan3A_936, %get3A_948 : vector<16xf32>
        %get3A_950 = arith.index_cast %add3A_945 : i32 to index
        %get3A_951 = arith.constant 16 : index
        %get3A_952 = tpu.vector_load %arg7[%get3A_950, %get3A_951] {strides = array<i32>} : memref<200x64xf32, #tpu.memory_space<vmem>>, vector<1x16xf32>,
        %get3A_953 = vector.shape_cast %get3A_952 : vector<1x16xf32> to vector<16xf32>
        %add3A_954 = arith.addf %scan3A_937, %get3A_953 : vector<16xf32>
        %get3A_955 = arith.index_cast %add3A_945 : i32 to index
        %get3A_956 = arith.constant 32 : index
        %get3A_957 = tpu.vector_load %arg7[%get3A_955, %get3A_956] {strides = array<i32>} : memref<200x64xf32, #tpu.memory_space<vmem>>, vector<1x16xf32>,
        %get3A_958 = vector.shape_cast %get3A_957 : vector<1x16xf32> to vector<16xf32>
        %add3A_959 = arith.addf %scan3A_938, %get3A_958 : vector<16xf32>
        %get3A_960 = arith.index_cast %add3A_945 : i32 to index
        %get3A_961 = arith.constant 48 : index
        %get3A_962 = tpu.vector_load %arg7[%get3A_960, %get3A_961] {strides = array<i32>} : memref<200x64xf32, #tpu.memory_space<vmem>>, vector<1x16xf32>,
        %get3A_963 = vector.shape_cast %get3A_962 : vector<1x16xf32> to vector<16xf32>
        %add3A_964 = arith.addf %scan3A_939, %get3A_963 : vector<16xf32>
        %mul3A_965 = arith.constant 5 : i32
        %mul3A_966 = arith.muli %scan3A_935, %mul3A_965 : i32
        %add3A_967 = arith.constant 50 : i32
        %add3A_968 = arith.addi %add3A_967, %mul3A_966 : i32
        %add3A_969 = arith.constant 1 : i32
        %add3A_970 = arith.addi %add3A_968, %add3A_969 : i32
        %get3A_971 = arith.index_cast %add3A_970 : i32 to index
        %get3A_972 = arith.constant 0 : index
        %get3A_973 = tpu.vector_load %arg7[%get3A_971, %get3A_972] {strides = array<i32>} : memref<200x64xf32, #tpu.memory_space<vmem>>, vector<1x16xf32>,
        %get3A_974 = vector.shape_cast %get3A_973 : vector<1x16xf32> to vector<16xf32>
        %add3A_975 = arith.addf %add3A_949, %get3A_974 : vector<16xf32>
        %get3A_976 = arith.index_cast %add3A_970 : i32 to index
        %get3A_977 = arith.constant 16 : index
        %get3A_978 = tpu.vector_load %arg7[%get3A_976, %get3A_977] {strides = array<i32>} : memref<200x64xf32, #tpu.memory_space<vmem>>, vector<1x16xf32>,
        %get3A_979 = vector.shape_cast %get3A_978 : vector<1x16xf32> to vector<16xf32>
        %add3A_980 = arith.addf %add3A_954, %get3A_979 : vector<16xf32>
        %get3A_981 = arith.index_cast %add3A_970 : i32 to index
        %get3A_982 = arith.constant 32 : index
        %get3A_983 = tpu.vector_load %arg7[%get3A_981, %get3A_982] {strides = array<i32>} : memref<200x64xf32, #tpu.memory_space<vmem>>, vector<1x16xf32>,
        %get3A_984 = vector.shape_cast %get3A_983 : vector<1x16xf32> to vector<16xf32>
        %add3A_985 = arith.addf %add3A_959, %get3A_984 : vector<16xf32>
        %get3A_986 = arith.index_cast %add3A_970 : i32 to index
        %get3A_987 = arith.constant 48 : index
        %get3A_988 = tpu.vector_load %arg7[%get3A_986, %get3A_987] {strides = array<i32>} : memref<200x64xf32, #tpu.memory_space<vmem>>, vector<1x16xf32>,
        %get3A_989 = vector.shape_cast %get3A_988 : vector<1x16xf32> to vector<16xf32>
        %add3A_990 = arith.addf %add3A_964, %get3A_989 : vector<16xf32>
        %mul3A_991 = arith.constant 5 : i32
        %mul3A_992 = arith.muli %scan3A_935, %mul3A_991 : i32
        %add3A_993 = arith.constant 50 : i32
        %add3A_994 = arith.addi %add3A_993, %mul3A_992 : i32
        %add3A_995 = arith.constant 2 : i32
        %add3A_996 = arith.addi %add3A_994, %add3A_995 : i32
        %get3A_997 = arith.index_cast %add3A_996 : i32 to index
        %get3A_998 = arith.constant 0 : index
        %get3A_999 = tpu.vector_load %arg7[%get3A_997, %get3A_998] {strides = array<i32>} : memref<200x64xf32, #tpu.memory_space<vmem>>, vector<1x16xf32>,
        %get3A_1000 = vector.shape_cast %get3A_999 : vector<1x16xf32> to vector<16xf32>
        %add3A_1001 = arith.addf %add3A_975, %get3A_1000 : vector<16xf32>
        %get3A_1002 = arith.index_cast %add3A_996 : i32 to index
        %get3A_1003 = arith.constant 16 : index
        %get3A_1004 = tpu.vector_load %arg7[%get3A_1002, %get3A_1003] {strides = array<i32>} : memref<200x64xf32, #tpu.memory_space<vmem>>, vector<1x16xf32>,
        %get3A_1005 = vector.shape_cast %get3A_1004 : vector<1x16xf32> to vector<16xf32>
        %add3A_1006 = arith.addf %add3A_980, %get3A_1005 : vector<16xf32>
        %get3A_1007 = arith.index_cast %add3A_996 : i32 to index
        %get3A_1008 = arith.constant 32 : index
        %get3A_1009 = tpu.vector_load %arg7[%get3A_1007, %get3A_1008] {strides = array<i32>} : memref<200x64xf32, #tpu.memory_space<vmem>>, vector<1x16xf32>,
        %get3A_1010 = vector.shape_cast %get3A_1009 : vector<1x16xf32> to vector<16xf32>
        %add3A_1011 = arith.addf %add3A_985, %get3A_1010 : vector<16xf32>
        %get3A_1012 = arith.index_cast %add3A_996 : i32 to index
        %get3A_1013 = arith.constant 48 : index
        %get3A_1014 = tpu.vector_load %arg7[%get3A_1012, %get3A_1013] {strides = array<i32>} : memref<200x64xf32, #tpu.memory_space<vmem>>, vector<1x16xf32>,
        %get3A_1015 = vector.shape_cast %get3A_1014 : vector<1x16xf32> to vector<16xf32>
        %add3A_1016 = arith.addf %add3A_990, %get3A_1015 : vector<16xf32>
        %mul3A_1017 = arith.constant 5 : i32
        %mul3A_1018 = arith.muli %scan3A_935, %mul3A_1017 : i32
        %add3A_1019 = arith.constant 50 : i32
        %add3A_1020 = arith.addi %add3A_1019, %mul3A_1018 : i32
        %add3A_1021 = arith.constant 3 : i32
        %add3A_1022 = arith.addi %add3A_1020, %add3A_1021 : i32
        %get3A_1023 = arith.index_cast %add3A_1022 : i32 to index
        %get3A_1024 = arith.constant 0 : index
        %get3A_1025 = tpu.vector_load %arg7[%get3A_1023, %get3A_1024] {strides = array<i32>} : memref<200x64xf32, #tpu.memory_space<vmem>>, vector<1x16xf32>,
        %get3A_1026 = vector.shape_cast %get3A_1025 : vector<1x16xf32> to vector<16xf32>
        %add3A_1027 = arith.addf %add3A_1001, %get3A_1026 : vector<16xf32>
        %get3A_1028 = arith.index_cast %add3A_1022 : i32 to index
        %get3A_1029 = arith.constant 16 : index
        %get3A_1030 = tpu.vector_load %arg7[%get3A_1028, %get3A_1029] {strides = array<i32>} : memref<200x64xf32, #tpu.memory_space<vmem>>, vector<1x16xf32>,
        %get3A_1031 = vector.shape_cast %get3A_1030 : vector<1x16xf32> to vector<16xf32>
        %add3A_1032 = arith.addf %add3A_1006, %get3A_1031 : vector<16xf32>
        %get3A_1033 = arith.index_cast %add3A_1022 : i32 to index
        %get3A_1034 = arith.constant 32 : index
        %get3A_1035 = tpu.vector_load %arg7[%get3A_1033, %get3A_1034] {strides = array<i32>} : memref<200x64xf32, #tpu.memory_space<vmem>>, vector<1x16xf32>,
        %get3A_1036 = vector.shape_cast %get3A_1035 : vector<1x16xf32> to vector<16xf32>
        %add3A_1037 = arith.addf %add3A_1011, %get3A_1036 : vector<16xf32>
        %get3A_1038 = arith.index_cast %add3A_1022 : i32 to index
        %get3A_1039 = arith.constant 48 : index
        %get3A_1040 = tpu.vector_load %arg7[%get3A_1038, %get3A_1039] {strides = array<i32>} : memref<200x64xf32, #tpu.memory_space<vmem>>, vector<1x16xf32>,
        %get3A_1041 = vector.shape_cast %get3A_1040 : vector<1x16xf32> to vector<16xf32>
        %add3A_1042 = arith.addf %add3A_1016, %get3A_1041 : vector<16xf32>
        %mul3A_1043 = arith.constant 5 : i32
        %mul3A_1044 = arith.muli %scan3A_935, %mul3A_1043 : i32
        %add3A_1045 = arith.constant 50 : i32
        %add3A_1046 = arith.addi %add3A_1045, %mul3A_1044 : i32
        %add3A_1047 = arith.constant 4 : i32
        %add3A_1048 = arith.addi %add3A_1046, %add3A_1047 : i32
        %get3A_1049 = arith.index_cast %add3A_1048 : i32 to index
        %get3A_1050 = arith.constant 0 : index
        %get3A_1051 = tpu.vector_load %arg7[%get3A_1049, %get3A_1050] {strides = array<i32>} : memref<200x64xf32, #tpu.memory_space<vmem>>, vector<1x16xf32>,
        %get3A_1052 = vector.shape_cast %get3A_1051 : vector<1x16xf32> to vector<16xf32>
        %add3A_1053 = arith.addf %add3A_1027, %get3A_1052 : vector<16xf32>
        %get3A_1054 = arith.index_cast %add3A_1048 : i32 to index
        %get3A_1055 = arith.constant 16 : index
        %get3A_1056 = tpu.vector_load %arg7[%get3A_1054, %get3A_1055] {strides = array<i32>} : memref<200x64xf32, #tpu.memory_space<vmem>>, vector<1x16xf32>,
        %get3A_1057 = vector.shape_cast %get3A_1056 : vector<1x16xf32> to vector<16xf32>
        %add3A_1058 = arith.addf %add3A_1032, %get3A_1057 : vector<16xf32>
        %get3A_1059 = arith.index_cast %add3A_1048 : i32 to index
        %get3A_1060 = arith.constant 32 : index
        %get3A_1061 = tpu.vector_load %arg7[%get3A_1059, %get3A_1060] {strides = array<i32>} : memref<200x64xf32, #tpu.memory_space<vmem>>, vector<1x16xf32>,
        %get3A_1062 = vector.shape_cast %get3A_1061 : vector<1x16xf32> to vector<16xf32>
        %add3A_1063 = arith.addf %add3A_1037, %get3A_1062 : vector<16xf32>
        %get3A_1064 = arith.index_cast %add3A_1048 : i32 to index
        %get3A_1065 = arith.constant 48 : index
        %get3A_1066 = tpu.vector_load %arg7[%get3A_1064, %get3A_1065] {strides = array<i32>} : memref<200x64xf32, #tpu.memory_space<vmem>>, vector<1x16xf32>,
        %get3A_1067 = vector.shape_cast %get3A_1066 : vector<1x16xf32> to vector<16xf32>
        %add3A_1068 = arith.addf %add3A_1042, %get3A_1067 : vector<16xf32>
        scf.yield %add3A_1053, %add3A_1058, %add3A_1063, %add3A_1068 : vector<16xf32>, vector<16xf32>, vector<16xf32>, vector<16xf32>
      }
      %scan3A_379 = arith.constant 10 : i32
      %mul3A_380 = arith.constant 4 : i32
      %mul3A_381 = arith.muli %add3A_299, %mul3A_380 : i32
      %add3A_382 = arith.constant 1 : i32
      %add3A_383 = arith.addi %mul3A_381, %add3A_382 : i32
      %mul3A_384 = vector.broadcast %scan3A_80 : f32 to vector<16xf32>
      %mul3A_385 = arith.mulf %scan3A_378#0, %mul3A_384 : vector<16xf32>
      %swap3A_386 = arith.index_cast %add3A_383 : i32 to index
      %swap3A_387 = arith.constant 0 : index
      %swap3A_388 = tpu.vector_load %arg10[%swap3A_386, %swap3A_387] {strides = array<i32>} : memref<512x64xf32, #tpu.memory_space<vmem>>, vector<1x16xf32>,
      %swap3A_389 = vector.shape_cast %swap3A_388 : vector<1x16xf32> to vector<16xf32>
      %swap3A_390 = vector.shape_cast %mul3A_385 : vector<16xf32> to vector<1x16xf32>
      tpu.vector_store %arg10[%swap3A_386, %swap3A_387], %swap3A_390 {strides = array<i32>} : memref<512x64xf32, #tpu.memory_space<vmem>>, vector<1x16xf32>,
      %mul3A_391 = vector.broadcast %scan3A_80 : f32 to vector<16xf32>
      %mul3A_392 = arith.mulf %scan3A_378#1, %mul3A_391 : vector<16xf32>
      %swap3A_393 = arith.index_cast %add3A_383 : i32 to index
      %swap3A_394 = arith.constant 16 : index
      %swap3A_395 = tpu.vector_load %arg10[%swap3A_393, %swap3A_394] {strides = array<i32>} : memref<512x64xf32, #tpu.memory_space<vmem>>, vector<1x16xf32>,
      %swap3A_396 = vector.shape_cast %swap3A_395 : vector<1x16xf32> to vector<16xf32>
      %swap3A_397 = vector.shape_cast %mul3A_392 : vector<16xf32> to vector<1x16xf32>
      tpu.vector_store %arg10[%swap3A_393, %swap3A_394], %swap3A_397 {strides = array<i32>} : memref<512x64xf32, #tpu.memory_space<vmem>>, vector<1x16xf32>,
      %mul3A_398 = vector.broadcast %scan3A_80 : f32 to vector<16xf32>
      %mul3A_399 = arith.mulf %scan3A_378#2, %mul3A_398 : vector<16xf32>
      %swap3A_400 = arith.index_cast %add3A_383 : i32 to index
      %swap3A_401 = arith.constant 32 : index
      %swap3A_402 = tpu.vector_load %arg10[%swap3A_400, %swap3A_401] {strides = array<i32>} : memref<512x64xf32, #tpu.memory_space<vmem>>, vector<1x16xf32>,
      %swap3A_403 = vector.shape_cast %swap3A_402 : vector<1x16xf32> to vector<16xf32>
      %swap3A_404 = vector.shape_cast %mul3A_399 : vector<16xf32> to vector<1x16xf32>
      tpu.vector_store %arg10[%swap3A_400, %swap3A_401], %swap3A_404 {strides = array<i32>} : memref<512x64xf32, #tpu.memory_space<vmem>>, vector<1x16xf32>,
      %mul3A_405 = vector.broadcast %scan3A_80 : f32 to vector<16xf32>
      %mul3A_406 = arith.mulf %scan3A_378#3, %mul3A_405 : vector<16xf32>
      %swap3A_407 = arith.index_cast %add3A_383 : i32 to index
      %swap3A_408 = arith.constant 48 : index
      %swap3A_409 = tpu.vector_load %arg10[%swap3A_407, %swap3A_408] {strides = array<i32>} : memref<512x64xf32, #tpu.memory_space<vmem>>, vector<1x16xf32>,
      %swap3A_410 = vector.shape_cast %swap3A_409 : vector<1x16xf32> to vector<16xf32>
      %swap3A_411 = vector.shape_cast %mul3A_406 : vector<16xf32> to vector<1x16xf32>
      tpu.vector_store %arg10[%swap3A_407, %swap3A_408], %swap3A_411 {strides = array<i32>} : memref<512x64xf32, #tpu.memory_space<vmem>>, vector<1x16xf32>,
      %broadcast_in_dim3A_412 = arith.constant 0.000000e+00 : f32
      %broadcast_in_dim3A_413 = vector.broadcast %broadcast_in_dim3A_412 : f32 to vector<16xf32>
      %broadcast_in_dim3A_414 = arith.constant 0.000000e+00 : f32
      %broadcast_in_dim3A_415 = vector.broadcast %broadcast_in_dim3A_414 : f32 to vector<16xf32>
      %broadcast_in_dim3A_416 = arith.constant 0.000000e+00 : f32
      %broadcast_in_dim3A_417 = vector.broadcast %broadcast_in_dim3A_416 : f32 to vector<16xf32>
      %broadcast_in_dim3A_418 = arith.constant 0.000000e+00 : f32
      %broadcast_in_dim3A_419 = vector.broadcast %broadcast_in_dim3A_418 : f32 to vector<16xf32>
      %scan3A_420 = arith.constant 0 : i32
      %scan3A_421 = arith.constant 10 : i32
      %scan3A_422 = arith.addi %scan3A_420, %scan3A_421 : i32
      %scan3A_423 = arith.constant 1 : i32
      %scan3A_424:4 = scf.for %scan3A_935 = %scan3A_420 to %scan3A_422 step %scan3A_423 iter_args(%scan3A_936 = %broadcast_in_dim3A_413, %scan3A_937 = %broadcast_in_dim3A_415, %scan3A_938 = %broadcast_in_dim3A_417, %scan3A_939 = %broadcast_in_dim3A_419) -> (vector<16xf32>, vector<16xf32>, vector<16xf32>, vector<16xf32>)  : i32 {
        %mul3A_940 = arith.constant 5 : i32
        %mul3A_941 = arith.muli %scan3A_935, %mul3A_940 : i32
        %add3A_942 = arith.constant 100 : i32
        %add3A_943 = arith.addi %add3A_942, %mul3A_941 : i32
        %add3A_944 = arith.constant 0 : i32
        %add3A_945 = arith.addi %add3A_943, %add3A_944 : i32
        %get3A = arith.index_cast %add3A_945 : i32 to index
        %get3A_946 = arith.constant 0 : index
        %get3A_947 = tpu.vector_load %arg7[%get3A, %get3A_946] {strides = array<i32>} : memref<200x64xf32, #tpu.memory_space<vmem>>, vector<1x16xf32>,
        %get3A_948 = vector.shape_cast %get3A_947 : vector<1x16xf32> to vector<16xf32>
        %add3A_949 = arith.addf %scan3A_936, %get3A_948 : vector<16xf32>
        %get3A_950 = arith.index_cast %add3A_945 : i32 to index
        %get3A_951 = arith.constant 16 : index
        %get3A_952 = tpu.vector_load %arg7[%get3A_950, %get3A_951] {strides = array<i32>} : memref<200x64xf32, #tpu.memory_space<vmem>>, vector<1x16xf32>,
        %get3A_953 = vector.shape_cast %get3A_952 : vector<1x16xf32> to vector<16xf32>
        %add3A_954 = arith.addf %scan3A_937, %get3A_953 : vector<16xf32>
        %get3A_955 = arith.index_cast %add3A_945 : i32 to index
        %get3A_956 = arith.constant 32 : index
        %get3A_957 = tpu.vector_load %arg7[%get3A_955, %get3A_956] {strides = array<i32>} : memref<200x64xf32, #tpu.memory_space<vmem>>, vector<1x16xf32>,
        %get3A_958 = vector.shape_cast %get3A_957 : vector<1x16xf32> to vector<16xf32>
        %add3A_959 = arith.addf %scan3A_938, %get3A_958 : vector<16xf32>
        %get3A_960 = arith.index_cast %add3A_945 : i32 to index
        %get3A_961 = arith.constant 48 : index
        %get3A_962 = tpu.vector_load %arg7[%get3A_960, %get3A_961] {strides = array<i32>} : memref<200x64xf32, #tpu.memory_space<vmem>>, vector<1x16xf32>,
        %get3A_963 = vector.shape_cast %get3A_962 : vector<1x16xf32> to vector<16xf32>
        %add3A_964 = arith.addf %scan3A_939, %get3A_963 : vector<16xf32>
        %mul3A_965 = arith.constant 5 : i32
        %mul3A_966 = arith.muli %scan3A_935, %mul3A_965 : i32
        %add3A_967 = arith.constant 100 : i32
        %add3A_968 = arith.addi %add3A_967, %mul3A_966 : i32
        %add3A_969 = arith.constant 1 : i32
        %add3A_970 = arith.addi %add3A_968, %add3A_969 : i32
        %get3A_971 = arith.index_cast %add3A_970 : i32 to index
        %get3A_972 = arith.constant 0 : index
        %get3A_973 = tpu.vector_load %arg7[%get3A_971, %get3A_972] {strides = array<i32>} : memref<200x64xf32, #tpu.memory_space<vmem>>, vector<1x16xf32>,
        %get3A_974 = vector.shape_cast %get3A_973 : vector<1x16xf32> to vector<16xf32>
        %add3A_975 = arith.addf %add3A_949, %get3A_974 : vector<16xf32>
        %get3A_976 = arith.index_cast %add3A_970 : i32 to index
        %get3A_977 = arith.constant 16 : index
        %get3A_978 = tpu.vector_load %arg7[%get3A_976, %get3A_977] {strides = array<i32>} : memref<200x64xf32, #tpu.memory_space<vmem>>, vector<1x16xf32>,
        %get3A_979 = vector.shape_cast %get3A_978 : vector<1x16xf32> to vector<16xf32>
        %add3A_980 = arith.addf %add3A_954, %get3A_979 : vector<16xf32>
        %get3A_981 = arith.index_cast %add3A_970 : i32 to index
        %get3A_982 = arith.constant 32 : index
        %get3A_983 = tpu.vector_load %arg7[%get3A_981, %get3A_982] {strides = array<i32>} : memref<200x64xf32, #tpu.memory_space<vmem>>, vector<1x16xf32>,
        %get3A_984 = vector.shape_cast %get3A_983 : vector<1x16xf32> to vector<16xf32>
        %add3A_985 = arith.addf %add3A_959, %get3A_984 : vector<16xf32>
        %get3A_986 = arith.index_cast %add3A_970 : i32 to index
        %get3A_987 = arith.constant 48 : index
        %get3A_988 = tpu.vector_load %arg7[%get3A_986, %get3A_987] {strides = array<i32>} : memref<200x64xf32, #tpu.memory_space<vmem>>, vector<1x16xf32>,
        %get3A_989 = vector.shape_cast %get3A_988 : vector<1x16xf32> to vector<16xf32>
        %add3A_990 = arith.addf %add3A_964, %get3A_989 : vector<16xf32>
        %mul3A_991 = arith.constant 5 : i32
        %mul3A_992 = arith.muli %scan3A_935, %mul3A_991 : i32
        %add3A_993 = arith.constant 100 : i32
        %add3A_994 = arith.addi %add3A_993, %mul3A_992 : i32
        %add3A_995 = arith.constant 2 : i32
        %add3A_996 = arith.addi %add3A_994, %add3A_995 : i32
        %get3A_997 = arith.index_cast %add3A_996 : i32 to index
        %get3A_998 = arith.constant 0 : index
        %get3A_999 = tpu.vector_load %arg7[%get3A_997, %get3A_998] {strides = array<i32>} : memref<200x64xf32, #tpu.memory_space<vmem>>, vector<1x16xf32>,
        %get3A_1000 = vector.shape_cast %get3A_999 : vector<1x16xf32> to vector<16xf32>
        %add3A_1001 = arith.addf %add3A_975, %get3A_1000 : vector<16xf32>
        %get3A_1002 = arith.index_cast %add3A_996 : i32 to index
        %get3A_1003 = arith.constant 16 : index
        %get3A_1004 = tpu.vector_load %arg7[%get3A_1002, %get3A_1003] {strides = array<i32>} : memref<200x64xf32, #tpu.memory_space<vmem>>, vector<1x16xf32>,
        %get3A_1005 = vector.shape_cast %get3A_1004 : vector<1x16xf32> to vector<16xf32>
        %add3A_1006 = arith.addf %add3A_980, %get3A_1005 : vector<16xf32>
        %get3A_1007 = arith.index_cast %add3A_996 : i32 to index
        %get3A_1008 = arith.constant 32 : index
        %get3A_1009 = tpu.vector_load %arg7[%get3A_1007, %get3A_1008] {strides = array<i32>} : memref<200x64xf32, #tpu.memory_space<vmem>>, vector<1x16xf32>,
        %get3A_1010 = vector.shape_cast %get3A_1009 : vector<1x16xf32> to vector<16xf32>
        %add3A_1011 = arith.addf %add3A_985, %get3A_1010 : vector<16xf32>
        %get3A_1012 = arith.index_cast %add3A_996 : i32 to index
        %get3A_1013 = arith.constant 48 : index
        %get3A_1014 = tpu.vector_load %arg7[%get3A_1012, %get3A_1013] {strides = array<i32>} : memref<200x64xf32, #tpu.memory_space<vmem>>, vector<1x16xf32>,
        %get3A_1015 = vector.shape_cast %get3A_1014 : vector<1x16xf32> to vector<16xf32>
        %add3A_1016 = arith.addf %add3A_990, %get3A_1015 : vector<16xf32>
        %mul3A_1017 = arith.constant 5 : i32
        %mul3A_1018 = arith.muli %scan3A_935, %mul3A_1017 : i32
        %add3A_1019 = arith.constant 100 : i32
        %add3A_1020 = arith.addi %add3A_1019, %mul3A_1018 : i32
        %add3A_1021 = arith.constant 3 : i32
        %add3A_1022 = arith.addi %add3A_1020, %add3A_1021 : i32
        %get3A_1023 = arith.index_cast %add3A_1022 : i32 to index
        %get3A_1024 = arith.constant 0 : index
        %get3A_1025 = tpu.vector_load %arg7[%get3A_1023, %get3A_1024] {strides = array<i32>} : memref<200x64xf32, #tpu.memory_space<vmem>>, vector<1x16xf32>,
        %get3A_1026 = vector.shape_cast %get3A_1025 : vector<1x16xf32> to vector<16xf32>
        %add3A_1027 = arith.addf %add3A_1001, %get3A_1026 : vector<16xf32>
        %get3A_1028 = arith.index_cast %add3A_1022 : i32 to index
        %get3A_1029 = arith.constant 16 : index
        %get3A_1030 = tpu.vector_load %arg7[%get3A_1028, %get3A_1029] {strides = array<i32>} : memref<200x64xf32, #tpu.memory_space<vmem>>, vector<1x16xf32>,
        %get3A_1031 = vector.shape_cast %get3A_1030 : vector<1x16xf32> to vector<16xf32>
        %add3A_1032 = arith.addf %add3A_1006, %get3A_1031 : vector<16xf32>
        %get3A_1033 = arith.index_cast %add3A_1022 : i32 to index
        %get3A_1034 = arith.constant 32 : index
        %get3A_1035 = tpu.vector_load %arg7[%get3A_1033, %get3A_1034] {strides = array<i32>} : memref<200x64xf32, #tpu.memory_space<vmem>>, vector<1x16xf32>,
        %get3A_1036 = vector.shape_cast %get3A_1035 : vector<1x16xf32> to vector<16xf32>
        %add3A_1037 = arith.addf %add3A_1011, %get3A_1036 : vector<16xf32>
        %get3A_1038 = arith.index_cast %add3A_1022 : i32 to index
        %get3A_1039 = arith.constant 48 : index
        %get3A_1040 = tpu.vector_load %arg7[%get3A_1038, %get3A_1039] {strides = array<i32>} : memref<200x64xf32, #tpu.memory_space<vmem>>, vector<1x16xf32>,
        %get3A_1041 = vector.shape_cast %get3A_1040 : vector<1x16xf32> to vector<16xf32>
        %add3A_1042 = arith.addf %add3A_1016, %get3A_1041 : vector<16xf32>
        %mul3A_1043 = arith.constant 5 : i32
        %mul3A_1044 = arith.muli %scan3A_935, %mul3A_1043 : i32
        %add3A_1045 = arith.constant 100 : i32
        %add3A_1046 = arith.addi %add3A_1045, %mul3A_1044 : i32
        %add3A_1047 = arith.constant 4 : i32
        %add3A_1048 = arith.addi %add3A_1046, %add3A_1047 : i32
        %get3A_1049 = arith.index_cast %add3A_1048 : i32 to index
        %get3A_1050 = arith.constant 0 : index
        %get3A_1051 = tpu.vector_load %arg7[%get3A_1049, %get3A_1050] {strides = array<i32>} : memref<200x64xf32, #tpu.memory_space<vmem>>, vector<1x16xf32>,
        %get3A_1052 = vector.shape_cast %get3A_1051 : vector<1x16xf32> to vector<16xf32>
        %add3A_1053 = arith.addf %add3A_1027, %get3A_1052 : vector<16xf32>
        %get3A_1054 = arith.index_cast %add3A_1048 : i32 to index
        %get3A_1055 = arith.constant 16 : index
        %get3A_1056 = tpu.vector_load %arg7[%get3A_1054, %get3A_1055] {strides = array<i32>} : memref<200x64xf32, #tpu.memory_space<vmem>>, vector<1x16xf32>,
        %get3A_1057 = vector.shape_cast %get3A_1056 : vector<1x16xf32> to vector<16xf32>
        %add3A_1058 = arith.addf %add3A_1032, %get3A_1057 : vector<16xf32>
        %get3A_1059 = arith.index_cast %add3A_1048 : i32 to index
        %get3A_1060 = arith.constant 32 : index
        %get3A_1061 = tpu.vector_load %arg7[%get3A_1059, %get3A_1060] {strides = array<i32>} : memref<200x64xf32, #tpu.memory_space<vmem>>, vector<1x16xf32>,
        %get3A_1062 = vector.shape_cast %get3A_1061 : vector<1x16xf32> to vector<16xf32>
        %add3A_1063 = arith.addf %add3A_1037, %get3A_1062 : vector<16xf32>
        %get3A_1064 = arith.index_cast %add3A_1048 : i32 to index
        %get3A_1065 = arith.constant 48 : index
        %get3A_1066 = tpu.vector_load %arg7[%get3A_1064, %get3A_1065] {strides = array<i32>} : memref<200x64xf32, #tpu.memory_space<vmem>>, vector<1x16xf32>,
        %get3A_1067 = vector.shape_cast %get3A_1066 : vector<1x16xf32> to vector<16xf32>
        %add3A_1068 = arith.addf %add3A_1042, %get3A_1067 : vector<16xf32>
        scf.yield %add3A_1053, %add3A_1058, %add3A_1063, %add3A_1068 : vector<16xf32>, vector<16xf32>, vector<16xf32>, vector<16xf32>
      }
      %scan3A_425 = arith.constant 10 : i32
      %mul3A_426 = arith.constant 4 : i32
      %mul3A_427 = arith.muli %add3A_299, %mul3A_426 : i32
      %add3A_428 = arith.constant 2 : i32
      %add3A_429 = arith.addi %mul3A_427, %add3A_428 : i32
      %mul3A_430 = vector.broadcast %scan3A_80 : f32 to vector<16xf32>
      %mul3A_431 = arith.mulf %scan3A_424#0, %mul3A_430 : vector<16xf32>
      %swap3A_432 = arith.index_cast %add3A_429 : i32 to index
      %swap3A_433 = arith.constant 0 : index
      %swap3A_434 = tpu.vector_load %arg10[%swap3A_432, %swap3A_433] {strides = array<i32>} : memref<512x64xf32, #tpu.memory_space<vmem>>, vector<1x16xf32>,
      %swap3A_435 = vector.shape_cast %swap3A_434 : vector<1x16xf32> to vector<16xf32>
      %swap3A_436 = vector.shape_cast %mul3A_431 : vector<16xf32> to vector<1x16xf32>
      tpu.vector_store %arg10[%swap3A_432, %swap3A_433], %swap3A_436 {strides = array<i32>} : memref<512x64xf32, #tpu.memory_space<vmem>>, vector<1x16xf32>,
      %mul3A_437 = vector.broadcast %scan3A_80 : f32 to vector<16xf32>
      %mul3A_438 = arith.mulf %scan3A_424#1, %mul3A_437 : vector<16xf32>
      %swap3A_439 = arith.index_cast %add3A_429 : i32 to index
      %swap3A_440 = arith.constant 16 : index
      %swap3A_441 = tpu.vector_load %arg10[%swap3A_439, %swap3A_440] {strides = array<i32>} : memref<512x64xf32, #tpu.memory_space<vmem>>, vector<1x16xf32>,
      %swap3A_442 = vector.shape_cast %swap3A_441 : vector<1x16xf32> to vector<16xf32>
      %swap3A_443 = vector.shape_cast %mul3A_438 : vector<16xf32> to vector<1x16xf32>
      tpu.vector_store %arg10[%swap3A_439, %swap3A_440], %swap3A_443 {strides = array<i32>} : memref<512x64xf32, #tpu.memory_space<vmem>>, vector<1x16xf32>,
      %mul3A_444 = vector.broadcast %scan3A_80 : f32 to vector<16xf32>
      %mul3A_445 = arith.mulf %scan3A_424#2, %mul3A_444 : vector<16xf32>
      %swap3A_446 = arith.index_cast %add3A_429 : i32 to index
      %swap3A_447 = arith.constant 32 : index
      %swap3A_448 = tpu.vector_load %arg10[%swap3A_446, %swap3A_447] {strides = array<i32>} : memref<512x64xf32, #tpu.memory_space<vmem>>, vector<1x16xf32>,
      %swap3A_449 = vector.shape_cast %swap3A_448 : vector<1x16xf32> to vector<16xf32>
      %swap3A_450 = vector.shape_cast %mul3A_445 : vector<16xf32> to vector<1x16xf32>
      tpu.vector_store %arg10[%swap3A_446, %swap3A_447], %swap3A_450 {strides = array<i32>} : memref<512x64xf32, #tpu.memory_space<vmem>>, vector<1x16xf32>,
      %mul3A_451 = vector.broadcast %scan3A_80 : f32 to vector<16xf32>
      %mul3A_452 = arith.mulf %scan3A_424#3, %mul3A_451 : vector<16xf32>
      %swap3A_453 = arith.index_cast %add3A_429 : i32 to index
      %swap3A_454 = arith.constant 48 : index
      %swap3A_455 = tpu.vector_load %arg10[%swap3A_453, %swap3A_454] {strides = array<i32>} : memref<512x64xf32, #tpu.memory_space<vmem>>, vector<1x16xf32>,
      %swap3A_456 = vector.shape_cast %swap3A_455 : vector<1x16xf32> to vector<16xf32>
      %swap3A_457 = vector.shape_cast %mul3A_452 : vector<16xf32> to vector<1x16xf32>
      tpu.vector_store %arg10[%swap3A_453, %swap3A_454], %swap3A_457 {strides = array<i32>} : memref<512x64xf32, #tpu.memory_space<vmem>>, vector<1x16xf32>,
      %broadcast_in_dim3A_458 = arith.constant 0.000000e+00 : f32
      %broadcast_in_dim3A_459 = vector.broadcast %broadcast_in_dim3A_458 : f32 to vector<16xf32>
      %broadcast_in_dim3A_460 = arith.constant 0.000000e+00 : f32
      %broadcast_in_dim3A_461 = vector.broadcast %broadcast_in_dim3A_460 : f32 to vector<16xf32>
      %broadcast_in_dim3A_462 = arith.constant 0.000000e+00 : f32
      %broadcast_in_dim3A_463 = vector.broadcast %broadcast_in_dim3A_462 : f32 to vector<16xf32>
      %broadcast_in_dim3A_464 = arith.constant 0.000000e+00 : f32
      %broadcast_in_dim3A_465 = vector.broadcast %broadcast_in_dim3A_464 : f32 to vector<16xf32>
      %scan3A_466 = arith.constant 0 : i32
      %scan3A_467 = arith.constant 10 : i32
      %scan3A_468 = arith.addi %scan3A_466, %scan3A_467 : i32
      %scan3A_469 = arith.constant 1 : i32
      %scan3A_470:4 = scf.for %scan3A_935 = %scan3A_466 to %scan3A_468 step %scan3A_469 iter_args(%scan3A_936 = %broadcast_in_dim3A_459, %scan3A_937 = %broadcast_in_dim3A_461, %scan3A_938 = %broadcast_in_dim3A_463, %scan3A_939 = %broadcast_in_dim3A_465) -> (vector<16xf32>, vector<16xf32>, vector<16xf32>, vector<16xf32>)  : i32 {
        %mul3A_940 = arith.constant 5 : i32
        %mul3A_941 = arith.muli %scan3A_935, %mul3A_940 : i32
        %add3A_942 = arith.constant 150 : i32
        %add3A_943 = arith.addi %add3A_942, %mul3A_941 : i32
        %add3A_944 = arith.constant 0 : i32
        %add3A_945 = arith.addi %add3A_943, %add3A_944 : i32
        %get3A = arith.index_cast %add3A_945 : i32 to index
        %get3A_946 = arith.constant 0 : index
        %get3A_947 = tpu.vector_load %arg7[%get3A, %get3A_946] {strides = array<i32>} : memref<200x64xf32, #tpu.memory_space<vmem>>, vector<1x16xf32>,
        %get3A_948 = vector.shape_cast %get3A_947 : vector<1x16xf32> to vector<16xf32>
        %add3A_949 = arith.addf %scan3A_936, %get3A_948 : vector<16xf32>
        %get3A_950 = arith.index_cast %add3A_945 : i32 to index
        %get3A_951 = arith.constant 16 : index
        %get3A_952 = tpu.vector_load %arg7[%get3A_950, %get3A_951] {strides = array<i32>} : memref<200x64xf32, #tpu.memory_space<vmem>>, vector<1x16xf32>,
        %get3A_953 = vector.shape_cast %get3A_952 : vector<1x16xf32> to vector<16xf32>
        %add3A_954 = arith.addf %scan3A_937, %get3A_953 : vector<16xf32>
        %get3A_955 = arith.index_cast %add3A_945 : i32 to index
        %get3A_956 = arith.constant 32 : index
        %get3A_957 = tpu.vector_load %arg7[%get3A_955, %get3A_956] {strides = array<i32>} : memref<200x64xf32, #tpu.memory_space<vmem>>, vector<1x16xf32>,
        %get3A_958 = vector.shape_cast %get3A_957 : vector<1x16xf32> to vector<16xf32>
        %add3A_959 = arith.addf %scan3A_938, %get3A_958 : vector<16xf32>
        %get3A_960 = arith.index_cast %add3A_945 : i32 to index
        %get3A_961 = arith.constant 48 : index
        %get3A_962 = tpu.vector_load %arg7[%get3A_960, %get3A_961] {strides = array<i32>} : memref<200x64xf32, #tpu.memory_space<vmem>>, vector<1x16xf32>,
        %get3A_963 = vector.shape_cast %get3A_962 : vector<1x16xf32> to vector<16xf32>
        %add3A_964 = arith.addf %scan3A_939, %get3A_963 : vector<16xf32>
        %mul3A_965 = arith.constant 5 : i32
        %mul3A_966 = arith.muli %scan3A_935, %mul3A_965 : i32
        %add3A_967 = arith.constant 150 : i32
        %add3A_968 = arith.addi %add3A_967, %mul3A_966 : i32
        %add3A_969 = arith.constant 1 : i32
        %add3A_970 = arith.addi %add3A_968, %add3A_969 : i32
        %get3A_971 = arith.index_cast %add3A_970 : i32 to index
        %get3A_972 = arith.constant 0 : index
        %get3A_973 = tpu.vector_load %arg7[%get3A_971, %get3A_972] {strides = array<i32>} : memref<200x64xf32, #tpu.memory_space<vmem>>, vector<1x16xf32>,
        %get3A_974 = vector.shape_cast %get3A_973 : vector<1x16xf32> to vector<16xf32>
        %add3A_975 = arith.addf %add3A_949, %get3A_974 : vector<16xf32>
        %get3A_976 = arith.index_cast %add3A_970 : i32 to index
        %get3A_977 = arith.constant 16 : index
        %get3A_978 = tpu.vector_load %arg7[%get3A_976, %get3A_977] {strides = array<i32>} : memref<200x64xf32, #tpu.memory_space<vmem>>, vector<1x16xf32>,
        %get3A_979 = vector.shape_cast %get3A_978 : vector<1x16xf32> to vector<16xf32>
        %add3A_980 = arith.addf %add3A_954, %get3A_979 : vector<16xf32>
        %get3A_981 = arith.index_cast %add3A_970 : i32 to index
        %get3A_982 = arith.constant 32 : index
        %get3A_983 = tpu.vector_load %arg7[%get3A_981, %get3A_982] {strides = array<i32>} : memref<200x64xf32, #tpu.memory_space<vmem>>, vector<1x16xf32>,
        %get3A_984 = vector.shape_cast %get3A_983 : vector<1x16xf32> to vector<16xf32>
        %add3A_985 = arith.addf %add3A_959, %get3A_984 : vector<16xf32>
        %get3A_986 = arith.index_cast %add3A_970 : i32 to index
        %get3A_987 = arith.constant 48 : index
        %get3A_988 = tpu.vector_load %arg7[%get3A_986, %get3A_987] {strides = array<i32>} : memref<200x64xf32, #tpu.memory_space<vmem>>, vector<1x16xf32>,
        %get3A_989 = vector.shape_cast %get3A_988 : vector<1x16xf32> to vector<16xf32>
        %add3A_990 = arith.addf %add3A_964, %get3A_989 : vector<16xf32>
        %mul3A_991 = arith.constant 5 : i32
        %mul3A_992 = arith.muli %scan3A_935, %mul3A_991 : i32
        %add3A_993 = arith.constant 150 : i32
        %add3A_994 = arith.addi %add3A_993, %mul3A_992 : i32
        %add3A_995 = arith.constant 2 : i32
        %add3A_996 = arith.addi %add3A_994, %add3A_995 : i32
        %get3A_997 = arith.index_cast %add3A_996 : i32 to index
        %get3A_998 = arith.constant 0 : index
        %get3A_999 = tpu.vector_load %arg7[%get3A_997, %get3A_998] {strides = array<i32>} : memref<200x64xf32, #tpu.memory_space<vmem>>, vector<1x16xf32>,
        %get3A_1000 = vector.shape_cast %get3A_999 : vector<1x16xf32> to vector<16xf32>
        %add3A_1001 = arith.addf %add3A_975, %get3A_1000 : vector<16xf32>
        %get3A_1002 = arith.index_cast %add3A_996 : i32 to index
        %get3A_1003 = arith.constant 16 : index
        %get3A_1004 = tpu.vector_load %arg7[%get3A_1002, %get3A_1003] {strides = array<i32>} : memref<200x64xf32, #tpu.memory_space<vmem>>, vector<1x16xf32>,
        %get3A_1005 = vector.shape_cast %get3A_1004 : vector<1x16xf32> to vector<16xf32>
        %add3A_1006 = arith.addf %add3A_980, %get3A_1005 : vector<16xf32>
        %get3A_1007 = arith.index_cast %add3A_996 : i32 to index
        %get3A_1008 = arith.constant 32 : index
        %get3A_1009 = tpu.vector_load %arg7[%get3A_1007, %get3A_1008] {strides = array<i32>} : memref<200x64xf32, #tpu.memory_space<vmem>>, vector<1x16xf32>,
        %get3A_1010 = vector.shape_cast %get3A_1009 : vector<1x16xf32> to vector<16xf32>
        %add3A_1011 = arith.addf %add3A_985, %get3A_1010 : vector<16xf32>
        %get3A_1012 = arith.index_cast %add3A_996 : i32 to index
        %get3A_1013 = arith.constant 48 : index
        %get3A_1014 = tpu.vector_load %arg7[%get3A_1012, %get3A_1013] {strides = array<i32>} : memref<200x64xf32, #tpu.memory_space<vmem>>, vector<1x16xf32>,
        %get3A_1015 = vector.shape_cast %get3A_1014 : vector<1x16xf32> to vector<16xf32>
        %add3A_1016 = arith.addf %add3A_990, %get3A_1015 : vector<16xf32>
        %mul3A_1017 = arith.constant 5 : i32
        %mul3A_1018 = arith.muli %scan3A_935, %mul3A_1017 : i32
        %add3A_1019 = arith.constant 150 : i32
        %add3A_1020 = arith.addi %add3A_1019, %mul3A_1018 : i32
        %add3A_1021 = arith.constant 3 : i32
        %add3A_1022 = arith.addi %add3A_1020, %add3A_1021 : i32
        %get3A_1023 = arith.index_cast %add3A_1022 : i32 to index
        %get3A_1024 = arith.constant 0 : index
        %get3A_1025 = tpu.vector_load %arg7[%get3A_1023, %get3A_1024] {strides = array<i32>} : memref<200x64xf32, #tpu.memory_space<vmem>>, vector<1x16xf32>,
        %get3A_1026 = vector.shape_cast %get3A_1025 : vector<1x16xf32> to vector<16xf32>
        %add3A_1027 = arith.addf %add3A_1001, %get3A_1026 : vector<16xf32>
        %get3A_1028 = arith.index_cast %add3A_1022 : i32 to index
        %get3A_1029 = arith.constant 16 : index
        %get3A_1030 = tpu.vector_load %arg7[%get3A_1028, %get3A_1029] {strides = array<i32>} : memref<200x64xf32, #tpu.memory_space<vmem>>, vector<1x16xf32>,
        %get3A_1031 = vector.shape_cast %get3A_1030 : vector<1x16xf32> to vector<16xf32>
        %add3A_1032 = arith.addf %add3A_1006, %get3A_1031 : vector<16xf32>
        %get3A_1033 = arith.index_cast %add3A_1022 : i32 to index
        %get3A_1034 = arith.constant 32 : index
        %get3A_1035 = tpu.vector_load %arg7[%get3A_1033, %get3A_1034] {strides = array<i32>} : memref<200x64xf32, #tpu.memory_space<vmem>>, vector<1x16xf32>,
        %get3A_1036 = vector.shape_cast %get3A_1035 : vector<1x16xf32> to vector<16xf32>
        %add3A_1037 = arith.addf %add3A_1011, %get3A_1036 : vector<16xf32>
        %get3A_1038 = arith.index_cast %add3A_1022 : i32 to index
        %get3A_1039 = arith.constant 48 : index
        %get3A_1040 = tpu.vector_load %arg7[%get3A_1038, %get3A_1039] {strides = array<i32>} : memref<200x64xf32, #tpu.memory_space<vmem>>, vector<1x16xf32>,
        %get3A_1041 = vector.shape_cast %get3A_1040 : vector<1x16xf32> to vector<16xf32>
        %add3A_1042 = arith.addf %add3A_1016, %get3A_1041 : vector<16xf32>
        %mul3A_1043 = arith.constant 5 : i32
        %mul3A_1044 = arith.muli %scan3A_935, %mul3A_1043 : i32
        %add3A_1045 = arith.constant 150 : i32
        %add3A_1046 = arith.addi %add3A_1045, %mul3A_1044 : i32
        %add3A_1047 = arith.constant 4 : i32
        %add3A_1048 = arith.addi %add3A_1046, %add3A_1047 : i32
        %get3A_1049 = arith.index_cast %add3A_1048 : i32 to index
        %get3A_1050 = arith.constant 0 : index
        %get3A_1051 = tpu.vector_load %arg7[%get3A_1049, %get3A_1050] {strides = array<i32>} : memref<200x64xf32, #tpu.memory_space<vmem>>, vector<1x16xf32>,
        %get3A_1052 = vector.shape_cast %get3A_1051 : vector<1x16xf32> to vector<16xf32>
        %add3A_1053 = arith.addf %add3A_1027, %get3A_1052 : vector<16xf32>
        %get3A_1054 = arith.index_cast %add3A_1048 : i32 to index
        %get3A_1055 = arith.constant 16 : index
        %get3A_1056 = tpu.vector_load %arg7[%get3A_1054, %get3A_1055] {strides = array<i32>} : memref<200x64xf32, #tpu.memory_space<vmem>>, vector<1x16xf32>,
        %get3A_1057 = vector.shape_cast %get3A_1056 : vector<1x16xf32> to vector<16xf32>
        %add3A_1058 = arith.addf %add3A_1032, %get3A_1057 : vector<16xf32>
        %get3A_1059 = arith.index_cast %add3A_1048 : i32 to index
        %get3A_1060 = arith.constant 32 : index
        %get3A_1061 = tpu.vector_load %arg7[%get3A_1059, %get3A_1060] {strides = array<i32>} : memref<200x64xf32, #tpu.memory_space<vmem>>, vector<1x16xf32>,
        %get3A_1062 = vector.shape_cast %get3A_1061 : vector<1x16xf32> to vector<16xf32>
        %add3A_1063 = arith.addf %add3A_1037, %get3A_1062 : vector<16xf32>
        %get3A_1064 = arith.index_cast %add3A_1048 : i32 to index
        %get3A_1065 = arith.constant 48 : index
        %get3A_1066 = tpu.vector_load %arg7[%get3A_1064, %get3A_1065] {strides = array<i32>} : memref<200x64xf32, #tpu.memory_space<vmem>>, vector<1x16xf32>,
        %get3A_1067 = vector.shape_cast %get3A_1066 : vector<1x16xf32> to vector<16xf32>
        %add3A_1068 = arith.addf %add3A_1042, %get3A_1067 : vector<16xf32>
        scf.yield %add3A_1053, %add3A_1058, %add3A_1063, %add3A_1068 : vector<16xf32>, vector<16xf32>, vector<16xf32>, vector<16xf32>
      }
      %scan3A_471 = arith.constant 10 : i32
      %mul3A_472 = arith.constant 4 : i32
      %mul3A_473 = arith.muli %add3A_299, %mul3A_472 : i32
      %add3A_474 = arith.constant 3 : i32
      %add3A_475 = arith.addi %mul3A_473, %add3A_474 : i32
      %mul3A_476 = vector.broadcast %scan3A_80 : f32 to vector<16xf32>
      %mul3A_477 = arith.mulf %scan3A_470#0, %mul3A_476 : vector<16xf32>
      %swap3A_478 = arith.index_cast %add3A_475 : i32 to index
      %swap3A_479 = arith.constant 0 : index
      %swap3A_480 = tpu.vector_load %arg10[%swap3A_478, %swap3A_479] {strides = array<i32>} : memref<512x64xf32, #tpu.memory_space<vmem>>, vector<1x16xf32>,
      %swap3A_481 = vector.shape_cast %swap3A_480 : vector<1x16xf32> to vector<16xf32>
      %swap3A_482 = vector.shape_cast %mul3A_477 : vector<16xf32> to vector<1x16xf32>
      tpu.vector_store %arg10[%swap3A_478, %swap3A_479], %swap3A_482 {strides = array<i32>} : memref<512x64xf32, #tpu.memory_space<vmem>>, vector<1x16xf32>,
      %mul3A_483 = vector.broadcast %scan3A_80 : f32 to vector<16xf32>
      %mul3A_484 = arith.mulf %scan3A_470#1, %mul3A_483 : vector<16xf32>
      %swap3A_485 = arith.index_cast %add3A_475 : i32 to index
      %swap3A_486 = arith.constant 16 : index
      %swap3A_487 = tpu.vector_load %arg10[%swap3A_485, %swap3A_486] {strides = array<i32>} : memref<512x64xf32, #tpu.memory_space<vmem>>, vector<1x16xf32>,
      %swap3A_488 = vector.shape_cast %swap3A_487 : vector<1x16xf32> to vector<16xf32>
      %swap3A_489 = vector.shape_cast %mul3A_484 : vector<16xf32> to vector<1x16xf32>
      tpu.vector_store %arg10[%swap3A_485, %swap3A_486], %swap3A_489 {strides = array<i32>} : memref<512x64xf32, #tpu.memory_space<vmem>>, vector<1x16xf32>,
      %mul3A_490 = vector.broadcast %scan3A_80 : f32 to vector<16xf32>
      %mul3A_491 = arith.mulf %scan3A_470#2, %mul3A_490 : vector<16xf32>
      %swap3A_492 = arith.index_cast %add3A_475 : i32 to index
      %swap3A_493 = arith.constant 32 : index
      %swap3A_494 = tpu.vector_load %arg10[%swap3A_492, %swap3A_493] {strides = array<i32>} : memref<512x64xf32, #tpu.memory_space<vmem>>, vector<1x16xf32>,
      %swap3A_495 = vector.shape_cast %swap3A_494 : vector<1x16xf32> to vector<16xf32>
      %swap3A_496 = vector.shape_cast %mul3A_491 : vector<16xf32> to vector<1x16xf32>
      tpu.vector_store %arg10[%swap3A_492, %swap3A_493], %swap3A_496 {strides = array<i32>} : memref<512x64xf32, #tpu.memory_space<vmem>>, vector<1x16xf32>,
      %mul3A_497 = vector.broadcast %scan3A_80 : f32 to vector<16xf32>
      %mul3A_498 = arith.mulf %scan3A_470#3, %mul3A_497 : vector<16xf32>
      %swap3A_499 = arith.index_cast %add3A_475 : i32 to index
      %swap3A_500 = arith.constant 48 : index
      %swap3A_501 = tpu.vector_load %arg10[%swap3A_499, %swap3A_500] {strides = array<i32>} : memref<512x64xf32, #tpu.memory_space<vmem>>, vector<1x16xf32>,
      %swap3A_502 = vector.shape_cast %swap3A_501 : vector<1x16xf32> to vector<16xf32>
      %swap3A_503 = vector.shape_cast %mul3A_498 : vector<16xf32> to vector<1x16xf32>
      tpu.vector_store %arg10[%swap3A_499, %swap3A_500], %swap3A_503 {strides = array<i32>} : memref<512x64xf32, #tpu.memory_space<vmem>>, vector<1x16xf32>,
      %lt3A_504 = arith.constant 31 : i32
      %lt3A_505 = arith.cmpi slt, %scan3A_88, %lt3A_504 : i32
      %convert_element_type3A_506 = arith.extui %lt3A_505 : i1 to i32
      %cond3A_507 = arith.constant 0 : i32
      %cond3A_508 = arith.cmpi ne, %convert_element_type3A_506, %cond3A_507 : i32
      scf.if %cond3A_508 {
        %add3A_935 = arith.constant 4 : i32
        %add3A_936 = arith.addi %add3A_299, %add3A_935 : i32
        %mul3A_937 = arith.constant 2 : i32
        %mul3A_938 = arith.muli %add3A_936, %mul3A_937 : i32
        %add3A_939 = arith.constant 0 : i32
        %add3A_940 = arith.addi %mul3A_938, %add3A_939 : i32
        %dma_start3A_941 = arith.constant 0 : i32
        %dma_start3A_942 = arith.constant 0 : i32
        %dma_start3A_943 = tpu.memref_slice %arg7[%dma_start3A_941, %dma_start3A_942] : memref<200x64xf32, #tpu.memory_space<vmem>> -> memref<100x64xf32, #tpu.memory_space<vmem>>
        %dma_start3A_944 = arith.constant 0 : i32
        %dma_start3A_945 = tpu.memref_slice %arg5[%add3A_940, %dma_start3A_944] : memref<256x100xi32, #tpu.memory_space<vmem>> -> memref<1x100xi32, #tpu.memory_space<vmem>>
        %dma_start3A_946 = tpu.memref_squeeze %dma_start3A_945 : memref<1x100xi32, #tpu.memory_space<vmem>> -> memref<100xi32, #tpu.memory_space<vmem>>
        %dma_start3A_947 = arith.constant 0 : i32
        %dma_start3A_948 = arith.constant 0 : i32
        %dma_start3A_949 = tpu.memref_slice %arg3[%dma_start3A_947, %dma_start3A_948] : memref<100000x64xf32, #tpu.memory_space<hbm>> -> memref<100000x64xf32, #tpu.memory_space<hbm>>
        tpu.enqueue_indirect_dma source(%dma_start3A_949 : memref<100000x64xf32, #tpu.memory_space<hbm>>) target(%dma_start3A_943 : memref<100x64xf32, #tpu.memory_space<vmem>>) offsets(%dma_start3A_946 : memref<100xi32, #tpu.memory_space<vmem>>) semaphore(%arg12 : memref<!tpu.dma_semaphore, #tpu.memory_space<semaphore_mem>>)
        %mul3A_950 = arith.constant 2 : i32
        %mul3A_951 = arith.muli %add3A_936, %mul3A_950 : i32
        %add3A_952 = arith.constant 1 : i32
        %add3A_953 = arith.addi %mul3A_951, %add3A_952 : i32
        %dma_start3A_954 = arith.constant 100 : i32
        %dma_start3A_955 = arith.constant 0 : i32
        %dma_start3A_956 = tpu.memref_slice %arg7[%dma_start3A_954, %dma_start3A_955] : memref<200x64xf32, #tpu.memory_space<vmem>> -> memref<100x64xf32, #tpu.memory_space<vmem>>
        %dma_start3A_957 = arith.constant 0 : i32
        %dma_start3A_958 = tpu.memref_slice %arg5[%add3A_953, %dma_start3A_957] : memref<256x100xi32, #tpu.memory_space<vmem>> -> memref<1x100xi32, #tpu.memory_space<vmem>>
        %dma_start3A_959 = tpu.memref_squeeze %dma_start3A_958 : memref<1x100xi32, #tpu.memory_space<vmem>> -> memref<100xi32, #tpu.memory_space<vmem>>
        %dma_start3A_960 = arith.constant 0 : i32
        %dma_start3A_961 = arith.constant 0 : i32
        %dma_start3A_962 = tpu.memref_slice %arg3[%dma_start3A_960, %dma_start3A_961] : memref<100000x64xf32, #tpu.memory_space<hbm>> -> memref<100000x64xf32, #tpu.memory_space<hbm>>
        tpu.enqueue_indirect_dma source(%dma_start3A_962 : memref<100000x64xf32, #tpu.memory_space<hbm>>) target(%dma_start3A_956 : memref<100x64xf32, #tpu.memory_space<vmem>>) offsets(%dma_start3A_959 : memref<100xi32, #tpu.memory_space<vmem>>) semaphore(%arg12 : memref<!tpu.dma_semaphore, #tpu.memory_space<semaphore_mem>>)
      } else {
      }
      %mul3A_509 = arith.constant 4 : i32
      %mul3A_510 = arith.muli %scan3A_88, %mul3A_509 : i32
      %add3A_511 = arith.constant 2 : i32
      %add3A_512 = arith.addi %mul3A_510, %add3A_511 : i32
      %dma_wait3A_513 = arith.constant 0 : i32
      %dma_wait3A_514 = arith.constant 0 : i32
      %dma_wait3A_515 = arith.constant 0 : i32
      %dma_wait3A_516 = tpu.memref_slice %arg8[%dma_wait3A_514, %dma_wait3A_515] : memref<200x64xf32, #tpu.memory_space<vmem>> -> memref<100x64xf32, #tpu.memory_space<vmem>>
      %dma_wait3A_517 = arith.constant 0 : i32
      %dma_wait3A_518 = tpu.memref_slice %arg5[%dma_wait3A_513, %dma_wait3A_517] : memref<256x100xi32, #tpu.memory_space<vmem>> -> memref<1x100xi32, #tpu.memory_space<vmem>>
      %dma_wait3A_519 = tpu.memref_squeeze %dma_wait3A_518 : memref<1x100xi32, #tpu.memory_space<vmem>> -> memref<100xi32, #tpu.memory_space<vmem>>
      %dma_wait3A_520 = arith.constant 0 : i32
      %dma_wait3A_521 = arith.constant 0 : i32
      %dma_wait3A_522 = tpu.memref_slice %arg3[%dma_wait3A_520, %dma_wait3A_521] : memref<100000x64xf32, #tpu.memory_space<hbm>> -> memref<100000x64xf32, #tpu.memory_space<hbm>>
      tpu.wait_indirect_dma semaphore(%arg13 : memref<!tpu.dma_semaphore, #tpu.memory_space<semaphore_mem>>) src(%dma_wait3A_522 : memref<100000x64xf32, #tpu.memory_space<hbm>>) dst(%dma_wait3A_516 : memref<100x64xf32, #tpu.memory_space<vmem>>)
      %dma_wait3A_523 = arith.constant 0 : i32
      %dma_wait3A_524 = arith.constant 100 : i32
      %dma_wait3A_525 = arith.constant 0 : i32
      %dma_wait3A_526 = tpu.memref_slice %arg8[%dma_wait3A_524, %dma_wait3A_525] : memref<200x64xf32, #tpu.memory_space<vmem>> -> memref<100x64xf32, #tpu.memory_space<vmem>>
      %dma_wait3A_527 = arith.constant 0 : i32
      %dma_wait3A_528 = tpu.memref_slice %arg5[%dma_wait3A_523, %dma_wait3A_527] : memref<256x100xi32, #tpu.memory_space<vmem>> -> memref<1x100xi32, #tpu.memory_space<vmem>>
      %dma_wait3A_529 = tpu.memref_squeeze %dma_wait3A_528 : memref<1x100xi32, #tpu.memory_space<vmem>> -> memref<100xi32, #tpu.memory_space<vmem>>
      %dma_wait3A_530 = arith.constant 0 : i32
      %dma_wait3A_531 = arith.constant 0 : i32
      %dma_wait3A_532 = tpu.memref_slice %arg3[%dma_wait3A_530, %dma_wait3A_531] : memref<100000x64xf32, #tpu.memory_space<hbm>> -> memref<100000x64xf32, #tpu.memory_space<hbm>>
      tpu.wait_indirect_dma semaphore(%arg13 : memref<!tpu.dma_semaphore, #tpu.memory_space<semaphore_mem>>) src(%dma_wait3A_532 : memref<100000x64xf32, #tpu.memory_space<hbm>>) dst(%dma_wait3A_526 : memref<100x64xf32, #tpu.memory_space<vmem>>)
      %broadcast_in_dim3A_533 = arith.constant 0.000000e+00 : f32
      %broadcast_in_dim3A_534 = vector.broadcast %broadcast_in_dim3A_533 : f32 to vector<16xf32>
      %broadcast_in_dim3A_535 = arith.constant 0.000000e+00 : f32
      %broadcast_in_dim3A_536 = vector.broadcast %broadcast_in_dim3A_535 : f32 to vector<16xf32>
      %broadcast_in_dim3A_537 = arith.constant 0.000000e+00 : f32
      %broadcast_in_dim3A_538 = vector.broadcast %broadcast_in_dim3A_537 : f32 to vector<16xf32>
      %broadcast_in_dim3A_539 = arith.constant 0.000000e+00 : f32
      %broadcast_in_dim3A_540 = vector.broadcast %broadcast_in_dim3A_539 : f32 to vector<16xf32>
      %scan3A_541 = arith.constant 0 : i32
      %scan3A_542 = arith.constant 10 : i32
      %scan3A_543 = arith.addi %scan3A_541, %scan3A_542 : i32
      %scan3A_544 = arith.constant 1 : i32
      %scan3A_545:4 = scf.for %scan3A_935 = %scan3A_541 to %scan3A_543 step %scan3A_544 iter_args(%scan3A_936 = %broadcast_in_dim3A_534, %scan3A_937 = %broadcast_in_dim3A_536, %scan3A_938 = %broadcast_in_dim3A_538, %scan3A_939 = %broadcast_in_dim3A_540) -> (vector<16xf32>, vector<16xf32>, vector<16xf32>, vector<16xf32>)  : i32 {
        %mul3A_940 = arith.constant 5 : i32
        %mul3A_941 = arith.muli %scan3A_935, %mul3A_940 : i32
        %add3A_942 = arith.constant 0 : i32
        %add3A_943 = arith.addi %add3A_942, %mul3A_941 : i32
        %add3A_944 = arith.constant 0 : i32
        %add3A_945 = arith.addi %add3A_943, %add3A_944 : i32
        %get3A = arith.index_cast %add3A_945 : i32 to index
        %get3A_946 = arith.constant 0 : index
        %get3A_947 = tpu.vector_load %arg8[%get3A, %get3A_946] {strides = array<i32>} : memref<200x64xf32, #tpu.memory_space<vmem>>, vector<1x16xf32>,
        %get3A_948 = vector.shape_cast %get3A_947 : vector<1x16xf32> to vector<16xf32>
        %add3A_949 = arith.addf %scan3A_936, %get3A_948 : vector<16xf32>
        %get3A_950 = arith.index_cast %add3A_945 : i32 to index
        %get3A_951 = arith.constant 16 : index
        %get3A_952 = tpu.vector_load %arg8[%get3A_950, %get3A_951] {strides = array<i32>} : memref<200x64xf32, #tpu.memory_space<vmem>>, vector<1x16xf32>,
        %get3A_953 = vector.shape_cast %get3A_952 : vector<1x16xf32> to vector<16xf32>
        %add3A_954 = arith.addf %scan3A_937, %get3A_953 : vector<16xf32>
        %get3A_955 = arith.index_cast %add3A_945 : i32 to index
        %get3A_956 = arith.constant 32 : index
        %get3A_957 = tpu.vector_load %arg8[%get3A_955, %get3A_956] {strides = array<i32>} : memref<200x64xf32, #tpu.memory_space<vmem>>, vector<1x16xf32>,
        %get3A_958 = vector.shape_cast %get3A_957 : vector<1x16xf32> to vector<16xf32>
        %add3A_959 = arith.addf %scan3A_938, %get3A_958 : vector<16xf32>
        %get3A_960 = arith.index_cast %add3A_945 : i32 to index
        %get3A_961 = arith.constant 48 : index
        %get3A_962 = tpu.vector_load %arg8[%get3A_960, %get3A_961] {strides = array<i32>} : memref<200x64xf32, #tpu.memory_space<vmem>>, vector<1x16xf32>,
        %get3A_963 = vector.shape_cast %get3A_962 : vector<1x16xf32> to vector<16xf32>
        %add3A_964 = arith.addf %scan3A_939, %get3A_963 : vector<16xf32>
        %mul3A_965 = arith.constant 5 : i32
        %mul3A_966 = arith.muli %scan3A_935, %mul3A_965 : i32
        %add3A_967 = arith.constant 0 : i32
        %add3A_968 = arith.addi %add3A_967, %mul3A_966 : i32
        %add3A_969 = arith.constant 1 : i32
        %add3A_970 = arith.addi %add3A_968, %add3A_969 : i32
        %get3A_971 = arith.index_cast %add3A_970 : i32 to index
        %get3A_972 = arith.constant 0 : index
        %get3A_973 = tpu.vector_load %arg8[%get3A_971, %get3A_972] {strides = array<i32>} : memref<200x64xf32, #tpu.memory_space<vmem>>, vector<1x16xf32>,
        %get3A_974 = vector.shape_cast %get3A_973 : vector<1x16xf32> to vector<16xf32>
        %add3A_975 = arith.addf %add3A_949, %get3A_974 : vector<16xf32>
        %get3A_976 = arith.index_cast %add3A_970 : i32 to index
        %get3A_977 = arith.constant 16 : index
        %get3A_978 = tpu.vector_load %arg8[%get3A_976, %get3A_977] {strides = array<i32>} : memref<200x64xf32, #tpu.memory_space<vmem>>, vector<1x16xf32>,
        %get3A_979 = vector.shape_cast %get3A_978 : vector<1x16xf32> to vector<16xf32>
        %add3A_980 = arith.addf %add3A_954, %get3A_979 : vector<16xf32>
        %get3A_981 = arith.index_cast %add3A_970 : i32 to index
        %get3A_982 = arith.constant 32 : index
        %get3A_983 = tpu.vector_load %arg8[%get3A_981, %get3A_982] {strides = array<i32>} : memref<200x64xf32, #tpu.memory_space<vmem>>, vector<1x16xf32>,
        %get3A_984 = vector.shape_cast %get3A_983 : vector<1x16xf32> to vector<16xf32>
        %add3A_985 = arith.addf %add3A_959, %get3A_984 : vector<16xf32>
        %get3A_986 = arith.index_cast %add3A_970 : i32 to index
        %get3A_987 = arith.constant 48 : index
        %get3A_988 = tpu.vector_load %arg8[%get3A_986, %get3A_987] {strides = array<i32>} : memref<200x64xf32, #tpu.memory_space<vmem>>, vector<1x16xf32>,
        %get3A_989 = vector.shape_cast %get3A_988 : vector<1x16xf32> to vector<16xf32>
        %add3A_990 = arith.addf %add3A_964, %get3A_989 : vector<16xf32>
        %mul3A_991 = arith.constant 5 : i32
        %mul3A_992 = arith.muli %scan3A_935, %mul3A_991 : i32
        %add3A_993 = arith.constant 0 : i32
        %add3A_994 = arith.addi %add3A_993, %mul3A_992 : i32
        %add3A_995 = arith.constant 2 : i32
        %add3A_996 = arith.addi %add3A_994, %add3A_995 : i32
        %get3A_997 = arith.index_cast %add3A_996 : i32 to index
        %get3A_998 = arith.constant 0 : index
        %get3A_999 = tpu.vector_load %arg8[%get3A_997, %get3A_998] {strides = array<i32>} : memref<200x64xf32, #tpu.memory_space<vmem>>, vector<1x16xf32>,
        %get3A_1000 = vector.shape_cast %get3A_999 : vector<1x16xf32> to vector<16xf32>
        %add3A_1001 = arith.addf %add3A_975, %get3A_1000 : vector<16xf32>
        %get3A_1002 = arith.index_cast %add3A_996 : i32 to index
        %get3A_1003 = arith.constant 16 : index
        %get3A_1004 = tpu.vector_load %arg8[%get3A_1002, %get3A_1003] {strides = array<i32>} : memref<200x64xf32, #tpu.memory_space<vmem>>, vector<1x16xf32>,
        %get3A_1005 = vector.shape_cast %get3A_1004 : vector<1x16xf32> to vector<16xf32>
        %add3A_1006 = arith.addf %add3A_980, %get3A_1005 : vector<16xf32>
        %get3A_1007 = arith.index_cast %add3A_996 : i32 to index
        %get3A_1008 = arith.constant 32 : index
        %get3A_1009 = tpu.vector_load %arg8[%get3A_1007, %get3A_1008] {strides = array<i32>} : memref<200x64xf32, #tpu.memory_space<vmem>>, vector<1x16xf32>,
        %get3A_1010 = vector.shape_cast %get3A_1009 : vector<1x16xf32> to vector<16xf32>
        %add3A_1011 = arith.addf %add3A_985, %get3A_1010 : vector<16xf32>
        %get3A_1012 = arith.index_cast %add3A_996 : i32 to index
        %get3A_1013 = arith.constant 48 : index
        %get3A_1014 = tpu.vector_load %arg8[%get3A_1012, %get3A_1013] {strides = array<i32>} : memref<200x64xf32, #tpu.memory_space<vmem>>, vector<1x16xf32>,
        %get3A_1015 = vector.shape_cast %get3A_1014 : vector<1x16xf32> to vector<16xf32>
        %add3A_1016 = arith.addf %add3A_990, %get3A_1015 : vector<16xf32>
        %mul3A_1017 = arith.constant 5 : i32
        %mul3A_1018 = arith.muli %scan3A_935, %mul3A_1017 : i32
        %add3A_1019 = arith.constant 0 : i32
        %add3A_1020 = arith.addi %add3A_1019, %mul3A_1018 : i32
        %add3A_1021 = arith.constant 3 : i32
        %add3A_1022 = arith.addi %add3A_1020, %add3A_1021 : i32
        %get3A_1023 = arith.index_cast %add3A_1022 : i32 to index
        %get3A_1024 = arith.constant 0 : index
        %get3A_1025 = tpu.vector_load %arg8[%get3A_1023, %get3A_1024] {strides = array<i32>} : memref<200x64xf32, #tpu.memory_space<vmem>>, vector<1x16xf32>,
        %get3A_1026 = vector.shape_cast %get3A_1025 : vector<1x16xf32> to vector<16xf32>
        %add3A_1027 = arith.addf %add3A_1001, %get3A_1026 : vector<16xf32>
        %get3A_1028 = arith.index_cast %add3A_1022 : i32 to index
        %get3A_1029 = arith.constant 16 : index
        %get3A_1030 = tpu.vector_load %arg8[%get3A_1028, %get3A_1029] {strides = array<i32>} : memref<200x64xf32, #tpu.memory_space<vmem>>, vector<1x16xf32>,
        %get3A_1031 = vector.shape_cast %get3A_1030 : vector<1x16xf32> to vector<16xf32>
        %add3A_1032 = arith.addf %add3A_1006, %get3A_1031 : vector<16xf32>
        %get3A_1033 = arith.index_cast %add3A_1022 : i32 to index
        %get3A_1034 = arith.constant 32 : index
        %get3A_1035 = tpu.vector_load %arg8[%get3A_1033, %get3A_1034] {strides = array<i32>} : memref<200x64xf32, #tpu.memory_space<vmem>>, vector<1x16xf32>,
        %get3A_1036 = vector.shape_cast %get3A_1035 : vector<1x16xf32> to vector<16xf32>
        %add3A_1037 = arith.addf %add3A_1011, %get3A_1036 : vector<16xf32>
        %get3A_1038 = arith.index_cast %add3A_1022 : i32 to index
        %get3A_1039 = arith.constant 48 : index
        %get3A_1040 = tpu.vector_load %arg8[%get3A_1038, %get3A_1039] {strides = array<i32>} : memref<200x64xf32, #tpu.memory_space<vmem>>, vector<1x16xf32>,
        %get3A_1041 = vector.shape_cast %get3A_1040 : vector<1x16xf32> to vector<16xf32>
        %add3A_1042 = arith.addf %add3A_1016, %get3A_1041 : vector<16xf32>
        %mul3A_1043 = arith.constant 5 : i32
        %mul3A_1044 = arith.muli %scan3A_935, %mul3A_1043 : i32
        %add3A_1045 = arith.constant 0 : i32
        %add3A_1046 = arith.addi %add3A_1045, %mul3A_1044 : i32
        %add3A_1047 = arith.constant 4 : i32
        %add3A_1048 = arith.addi %add3A_1046, %add3A_1047 : i32
        %get3A_1049 = arith.index_cast %add3A_1048 : i32 to index
        %get3A_1050 = arith.constant 0 : index
        %get3A_1051 = tpu.vector_load %arg8[%get3A_1049, %get3A_1050] {strides = array<i32>} : memref<200x64xf32, #tpu.memory_space<vmem>>, vector<1x16xf32>,
        %get3A_1052 = vector.shape_cast %get3A_1051 : vector<1x16xf32> to vector<16xf32>
        %add3A_1053 = arith.addf %add3A_1027, %get3A_1052 : vector<16xf32>
        %get3A_1054 = arith.index_cast %add3A_1048 : i32 to index
        %get3A_1055 = arith.constant 16 : index
        %get3A_1056 = tpu.vector_load %arg8[%get3A_1054, %get3A_1055] {strides = array<i32>} : memref<200x64xf32, #tpu.memory_space<vmem>>, vector<1x16xf32>,
        %get3A_1057 = vector.shape_cast %get3A_1056 : vector<1x16xf32> to vector<16xf32>
        %add3A_1058 = arith.addf %add3A_1032, %get3A_1057 : vector<16xf32>
        %get3A_1059 = arith.index_cast %add3A_1048 : i32 to index
        %get3A_1060 = arith.constant 32 : index
        %get3A_1061 = tpu.vector_load %arg8[%get3A_1059, %get3A_1060] {strides = array<i32>} : memref<200x64xf32, #tpu.memory_space<vmem>>, vector<1x16xf32>,
        %get3A_1062 = vector.shape_cast %get3A_1061 : vector<1x16xf32> to vector<16xf32>
        %add3A_1063 = arith.addf %add3A_1037, %get3A_1062 : vector<16xf32>
        %get3A_1064 = arith.index_cast %add3A_1048 : i32 to index
        %get3A_1065 = arith.constant 48 : index
        %get3A_1066 = tpu.vector_load %arg8[%get3A_1064, %get3A_1065] {strides = array<i32>} : memref<200x64xf32, #tpu.memory_space<vmem>>, vector<1x16xf32>,
        %get3A_1067 = vector.shape_cast %get3A_1066 : vector<1x16xf32> to vector<16xf32>
        %add3A_1068 = arith.addf %add3A_1042, %get3A_1067 : vector<16xf32>
        scf.yield %add3A_1053, %add3A_1058, %add3A_1063, %add3A_1068 : vector<16xf32>, vector<16xf32>, vector<16xf32>, vector<16xf32>
      }
      %scan3A_546 = arith.constant 10 : i32
      %mul3A_547 = arith.constant 4 : i32
      %mul3A_548 = arith.muli %add3A_512, %mul3A_547 : i32
      %add3A_549 = arith.constant 0 : i32
      %add3A_550 = arith.addi %mul3A_548, %add3A_549 : i32
      %mul3A_551 = vector.broadcast %scan3A_80 : f32 to vector<16xf32>
      %mul3A_552 = arith.mulf %scan3A_545#0, %mul3A_551 : vector<16xf32>
      %swap3A_553 = arith.index_cast %add3A_550 : i32 to index
      %swap3A_554 = arith.constant 0 : index
      %swap3A_555 = tpu.vector_load %arg10[%swap3A_553, %swap3A_554] {strides = array<i32>} : memref<512x64xf32, #tpu.memory_space<vmem>>, vector<1x16xf32>,
      %swap3A_556 = vector.shape_cast %swap3A_555 : vector<1x16xf32> to vector<16xf32>
      %swap3A_557 = vector.shape_cast %mul3A_552 : vector<16xf32> to vector<1x16xf32>
      tpu.vector_store %arg10[%swap3A_553, %swap3A_554], %swap3A_557 {strides = array<i32>} : memref<512x64xf32, #tpu.memory_space<vmem>>, vector<1x16xf32>,
      %mul3A_558 = vector.broadcast %scan3A_80 : f32 to vector<16xf32>
      %mul3A_559 = arith.mulf %scan3A_545#1, %mul3A_558 : vector<16xf32>
      %swap3A_560 = arith.index_cast %add3A_550 : i32 to index
      %swap3A_561 = arith.constant 16 : index
      %swap3A_562 = tpu.vector_load %arg10[%swap3A_560, %swap3A_561] {strides = array<i32>} : memref<512x64xf32, #tpu.memory_space<vmem>>, vector<1x16xf32>,
      %swap3A_563 = vector.shape_cast %swap3A_562 : vector<1x16xf32> to vector<16xf32>
      %swap3A_564 = vector.shape_cast %mul3A_559 : vector<16xf32> to vector<1x16xf32>
      tpu.vector_store %arg10[%swap3A_560, %swap3A_561], %swap3A_564 {strides = array<i32>} : memref<512x64xf32, #tpu.memory_space<vmem>>, vector<1x16xf32>,
      %mul3A_565 = vector.broadcast %scan3A_80 : f32 to vector<16xf32>
      %mul3A_566 = arith.mulf %scan3A_545#2, %mul3A_565 : vector<16xf32>
      %swap3A_567 = arith.index_cast %add3A_550 : i32 to index
      %swap3A_568 = arith.constant 32 : index
      %swap3A_569 = tpu.vector_load %arg10[%swap3A_567, %swap3A_568] {strides = array<i32>} : memref<512x64xf32, #tpu.memory_space<vmem>>, vector<1x16xf32>,
      %swap3A_570 = vector.shape_cast %swap3A_569 : vector<1x16xf32> to vector<16xf32>
      %swap3A_571 = vector.shape_cast %mul3A_566 : vector<16xf32> to vector<1x16xf32>
      tpu.vector_store %arg10[%swap3A_567, %swap3A_568], %swap3A_571 {strides = array<i32>} : memref<512x64xf32, #tpu.memory_space<vmem>>, vector<1x16xf32>,
      %mul3A_572 = vector.broadcast %scan3A_80 : f32 to vector<16xf32>
      %mul3A_573 = arith.mulf %scan3A_545#3, %mul3A_572 : vector<16xf32>
      %swap3A_574 = arith.index_cast %add3A_550 : i32 to index
      %swap3A_575 = arith.constant 48 : index
      %swap3A_576 = tpu.vector_load %arg10[%swap3A_574, %swap3A_575] {strides = array<i32>} : memref<512x64xf32, #tpu.memory_space<vmem>>, vector<1x16xf32>,
      %swap3A_577 = vector.shape_cast %swap3A_576 : vector<1x16xf32> to vector<16xf32>
      %swap3A_578 = vector.shape_cast %mul3A_573 : vector<16xf32> to vector<1x16xf32>
      tpu.vector_store %arg10[%swap3A_574, %swap3A_575], %swap3A_578 {strides = array<i32>} : memref<512x64xf32, #tpu.memory_space<vmem>>, vector<1x16xf32>,
      %broadcast_in_dim3A_579 = arith.constant 0.000000e+00 : f32
      %broadcast_in_dim3A_580 = vector.broadcast %broadcast_in_dim3A_579 : f32 to vector<16xf32>
      %broadcast_in_dim3A_581 = arith.constant 0.000000e+00 : f32
      %broadcast_in_dim3A_582 = vector.broadcast %broadcast_in_dim3A_581 : f32 to vector<16xf32>
      %broadcast_in_dim3A_583 = arith.constant 0.000000e+00 : f32
      %broadcast_in_dim3A_584 = vector.broadcast %broadcast_in_dim3A_583 : f32 to vector<16xf32>
      %broadcast_in_dim3A_585 = arith.constant 0.000000e+00 : f32
      %broadcast_in_dim3A_586 = vector.broadcast %broadcast_in_dim3A_585 : f32 to vector<16xf32>
      %scan3A_587 = arith.constant 0 : i32
      %scan3A_588 = arith.constant 10 : i32
      %scan3A_589 = arith.addi %scan3A_587, %scan3A_588 : i32
      %scan3A_590 = arith.constant 1 : i32
      %scan3A_591:4 = scf.for %scan3A_935 = %scan3A_587 to %scan3A_589 step %scan3A_590 iter_args(%scan3A_936 = %broadcast_in_dim3A_580, %scan3A_937 = %broadcast_in_dim3A_582, %scan3A_938 = %broadcast_in_dim3A_584, %scan3A_939 = %broadcast_in_dim3A_586) -> (vector<16xf32>, vector<16xf32>, vector<16xf32>, vector<16xf32>)  : i32 {
        %mul3A_940 = arith.constant 5 : i32
        %mul3A_941 = arith.muli %scan3A_935, %mul3A_940 : i32
        %add3A_942 = arith.constant 50 : i32
        %add3A_943 = arith.addi %add3A_942, %mul3A_941 : i32
        %add3A_944 = arith.constant 0 : i32
        %add3A_945 = arith.addi %add3A_943, %add3A_944 : i32
        %get3A = arith.index_cast %add3A_945 : i32 to index
        %get3A_946 = arith.constant 0 : index
        %get3A_947 = tpu.vector_load %arg8[%get3A, %get3A_946] {strides = array<i32>} : memref<200x64xf32, #tpu.memory_space<vmem>>, vector<1x16xf32>,
        %get3A_948 = vector.shape_cast %get3A_947 : vector<1x16xf32> to vector<16xf32>
        %add3A_949 = arith.addf %scan3A_936, %get3A_948 : vector<16xf32>
        %get3A_950 = arith.index_cast %add3A_945 : i32 to index
        %get3A_951 = arith.constant 16 : index
        %get3A_952 = tpu.vector_load %arg8[%get3A_950, %get3A_951] {strides = array<i32>} : memref<200x64xf32, #tpu.memory_space<vmem>>, vector<1x16xf32>,
        %get3A_953 = vector.shape_cast %get3A_952 : vector<1x16xf32> to vector<16xf32>
        %add3A_954 = arith.addf %scan3A_937, %get3A_953 : vector<16xf32>
        %get3A_955 = arith.index_cast %add3A_945 : i32 to index
        %get3A_956 = arith.constant 32 : index
        %get3A_957 = tpu.vector_load %arg8[%get3A_955, %get3A_956] {strides = array<i32>} : memref<200x64xf32, #tpu.memory_space<vmem>>, vector<1x16xf32>,
        %get3A_958 = vector.shape_cast %get3A_957 : vector<1x16xf32> to vector<16xf32>
        %add3A_959 = arith.addf %scan3A_938, %get3A_958 : vector<16xf32>
        %get3A_960 = arith.index_cast %add3A_945 : i32 to index
        %get3A_961 = arith.constant 48 : index
        %get3A_962 = tpu.vector_load %arg8[%get3A_960, %get3A_961] {strides = array<i32>} : memref<200x64xf32, #tpu.memory_space<vmem>>, vector<1x16xf32>,
        %get3A_963 = vector.shape_cast %get3A_962 : vector<1x16xf32> to vector<16xf32>
        %add3A_964 = arith.addf %scan3A_939, %get3A_963 : vector<16xf32>
        %mul3A_965 = arith.constant 5 : i32
        %mul3A_966 = arith.muli %scan3A_935, %mul3A_965 : i32
        %add3A_967 = arith.constant 50 : i32
        %add3A_968 = arith.addi %add3A_967, %mul3A_966 : i32
        %add3A_969 = arith.constant 1 : i32
        %add3A_970 = arith.addi %add3A_968, %add3A_969 : i32
        %get3A_971 = arith.index_cast %add3A_970 : i32 to index
        %get3A_972 = arith.constant 0 : index
        %get3A_973 = tpu.vector_load %arg8[%get3A_971, %get3A_972] {strides = array<i32>} : memref<200x64xf32, #tpu.memory_space<vmem>>, vector<1x16xf32>,
        %get3A_974 = vector.shape_cast %get3A_973 : vector<1x16xf32> to vector<16xf32>
        %add3A_975 = arith.addf %add3A_949, %get3A_974 : vector<16xf32>
        %get3A_976 = arith.index_cast %add3A_970 : i32 to index
        %get3A_977 = arith.constant 16 : index
        %get3A_978 = tpu.vector_load %arg8[%get3A_976, %get3A_977] {strides = array<i32>} : memref<200x64xf32, #tpu.memory_space<vmem>>, vector<1x16xf32>,
        %get3A_979 = vector.shape_cast %get3A_978 : vector<1x16xf32> to vector<16xf32>
        %add3A_980 = arith.addf %add3A_954, %get3A_979 : vector<16xf32>
        %get3A_981 = arith.index_cast %add3A_970 : i32 to index
        %get3A_982 = arith.constant 32 : index
        %get3A_983 = tpu.vector_load %arg8[%get3A_981, %get3A_982] {strides = array<i32>} : memref<200x64xf32, #tpu.memory_space<vmem>>, vector<1x16xf32>,
        %get3A_984 = vector.shape_cast %get3A_983 : vector<1x16xf32> to vector<16xf32>
        %add3A_985 = arith.addf %add3A_959, %get3A_984 : vector<16xf32>
        %get3A_986 = arith.index_cast %add3A_970 : i32 to index
        %get3A_987 = arith.constant 48 : index
        %get3A_988 = tpu.vector_load %arg8[%get3A_986, %get3A_987] {strides = array<i32>} : memref<200x64xf32, #tpu.memory_space<vmem>>, vector<1x16xf32>,
        %get3A_989 = vector.shape_cast %get3A_988 : vector<1x16xf32> to vector<16xf32>
        %add3A_990 = arith.addf %add3A_964, %get3A_989 : vector<16xf32>
        %mul3A_991 = arith.constant 5 : i32
        %mul3A_992 = arith.muli %scan3A_935, %mul3A_991 : i32
        %add3A_993 = arith.constant 50 : i32
        %add3A_994 = arith.addi %add3A_993, %mul3A_992 : i32
        %add3A_995 = arith.constant 2 : i32
        %add3A_996 = arith.addi %add3A_994, %add3A_995 : i32
        %get3A_997 = arith.index_cast %add3A_996 : i32 to index
        %get3A_998 = arith.constant 0 : index
        %get3A_999 = tpu.vector_load %arg8[%get3A_997, %get3A_998] {strides = array<i32>} : memref<200x64xf32, #tpu.memory_space<vmem>>, vector<1x16xf32>,
        %get3A_1000 = vector.shape_cast %get3A_999 : vector<1x16xf32> to vector<16xf32>
        %add3A_1001 = arith.addf %add3A_975, %get3A_1000 : vector<16xf32>
        %get3A_1002 = arith.index_cast %add3A_996 : i32 to index
        %get3A_1003 = arith.constant 16 : index
        %get3A_1004 = tpu.vector_load %arg8[%get3A_1002, %get3A_1003] {strides = array<i32>} : memref<200x64xf32, #tpu.memory_space<vmem>>, vector<1x16xf32>,
        %get3A_1005 = vector.shape_cast %get3A_1004 : vector<1x16xf32> to vector<16xf32>
        %add3A_1006 = arith.addf %add3A_980, %get3A_1005 : vector<16xf32>
        %get3A_1007 = arith.index_cast %add3A_996 : i32 to index
        %get3A_1008 = arith.constant 32 : index
        %get3A_1009 = tpu.vector_load %arg8[%get3A_1007, %get3A_1008] {strides = array<i32>} : memref<200x64xf32, #tpu.memory_space<vmem>>, vector<1x16xf32>,
        %get3A_1010 = vector.shape_cast %get3A_1009 : vector<1x16xf32> to vector<16xf32>
        %add3A_1011 = arith.addf %add3A_985, %get3A_1010 : vector<16xf32>
        %get3A_1012 = arith.index_cast %add3A_996 : i32 to index
        %get3A_1013 = arith.constant 48 : index
        %get3A_1014 = tpu.vector_load %arg8[%get3A_1012, %get3A_1013] {strides = array<i32>} : memref<200x64xf32, #tpu.memory_space<vmem>>, vector<1x16xf32>,
        %get3A_1015 = vector.shape_cast %get3A_1014 : vector<1x16xf32> to vector<16xf32>
        %add3A_1016 = arith.addf %add3A_990, %get3A_1015 : vector<16xf32>
        %mul3A_1017 = arith.constant 5 : i32
        %mul3A_1018 = arith.muli %scan3A_935, %mul3A_1017 : i32
        %add3A_1019 = arith.constant 50 : i32
        %add3A_1020 = arith.addi %add3A_1019, %mul3A_1018 : i32
        %add3A_1021 = arith.constant 3 : i32
        %add3A_1022 = arith.addi %add3A_1020, %add3A_1021 : i32
        %get3A_1023 = arith.index_cast %add3A_1022 : i32 to index
        %get3A_1024 = arith.constant 0 : index
        %get3A_1025 = tpu.vector_load %arg8[%get3A_1023, %get3A_1024] {strides = array<i32>} : memref<200x64xf32, #tpu.memory_space<vmem>>, vector<1x16xf32>,
        %get3A_1026 = vector.shape_cast %get3A_1025 : vector<1x16xf32> to vector<16xf32>
        %add3A_1027 = arith.addf %add3A_1001, %get3A_1026 : vector<16xf32>
        %get3A_1028 = arith.index_cast %add3A_1022 : i32 to index
        %get3A_1029 = arith.constant 16 : index
        %get3A_1030 = tpu.vector_load %arg8[%get3A_1028, %get3A_1029] {strides = array<i32>} : memref<200x64xf32, #tpu.memory_space<vmem>>, vector<1x16xf32>,
        %get3A_1031 = vector.shape_cast %get3A_1030 : vector<1x16xf32> to vector<16xf32>
        %add3A_1032 = arith.addf %add3A_1006, %get3A_1031 : vector<16xf32>
        %get3A_1033 = arith.index_cast %add3A_1022 : i32 to index
        %get3A_1034 = arith.constant 32 : index
        %get3A_1035 = tpu.vector_load %arg8[%get3A_1033, %get3A_1034] {strides = array<i32>} : memref<200x64xf32, #tpu.memory_space<vmem>>, vector<1x16xf32>,
        %get3A_1036 = vector.shape_cast %get3A_1035 : vector<1x16xf32> to vector<16xf32>
        %add3A_1037 = arith.addf %add3A_1011, %get3A_1036 : vector<16xf32>
        %get3A_1038 = arith.index_cast %add3A_1022 : i32 to index
        %get3A_1039 = arith.constant 48 : index
        %get3A_1040 = tpu.vector_load %arg8[%get3A_1038, %get3A_1039] {strides = array<i32>} : memref<200x64xf32, #tpu.memory_space<vmem>>, vector<1x16xf32>,
        %get3A_1041 = vector.shape_cast %get3A_1040 : vector<1x16xf32> to vector<16xf32>
        %add3A_1042 = arith.addf %add3A_1016, %get3A_1041 : vector<16xf32>
        %mul3A_1043 = arith.constant 5 : i32
        %mul3A_1044 = arith.muli %scan3A_935, %mul3A_1043 : i32
        %add3A_1045 = arith.constant 50 : i32
        %add3A_1046 = arith.addi %add3A_1045, %mul3A_1044 : i32
        %add3A_1047 = arith.constant 4 : i32
        %add3A_1048 = arith.addi %add3A_1046, %add3A_1047 : i32
        %get3A_1049 = arith.index_cast %add3A_1048 : i32 to index
        %get3A_1050 = arith.constant 0 : index
        %get3A_1051 = tpu.vector_load %arg8[%get3A_1049, %get3A_1050] {strides = array<i32>} : memref<200x64xf32, #tpu.memory_space<vmem>>, vector<1x16xf32>,
        %get3A_1052 = vector.shape_cast %get3A_1051 : vector<1x16xf32> to vector<16xf32>
        %add3A_1053 = arith.addf %add3A_1027, %get3A_1052 : vector<16xf32>
        %get3A_1054 = arith.index_cast %add3A_1048 : i32 to index
        %get3A_1055 = arith.constant 16 : index
        %get3A_1056 = tpu.vector_load %arg8[%get3A_1054, %get3A_1055] {strides = array<i32>} : memref<200x64xf32, #tpu.memory_space<vmem>>, vector<1x16xf32>,
        %get3A_1057 = vector.shape_cast %get3A_1056 : vector<1x16xf32> to vector<16xf32>
        %add3A_1058 = arith.addf %add3A_1032, %get3A_1057 : vector<16xf32>
        %get3A_1059 = arith.index_cast %add3A_1048 : i32 to index
        %get3A_1060 = arith.constant 32 : index
        %get3A_1061 = tpu.vector_load %arg8[%get3A_1059, %get3A_1060] {strides = array<i32>} : memref<200x64xf32, #tpu.memory_space<vmem>>, vector<1x16xf32>,
        %get3A_1062 = vector.shape_cast %get3A_1061 : vector<1x16xf32> to vector<16xf32>
        %add3A_1063 = arith.addf %add3A_1037, %get3A_1062 : vector<16xf32>
        %get3A_1064 = arith.index_cast %add3A_1048 : i32 to index
        %get3A_1065 = arith.constant 48 : index
        %get3A_1066 = tpu.vector_load %arg8[%get3A_1064, %get3A_1065] {strides = array<i32>} : memref<200x64xf32, #tpu.memory_space<vmem>>, vector<1x16xf32>,
        %get3A_1067 = vector.shape_cast %get3A_1066 : vector<1x16xf32> to vector<16xf32>
        %add3A_1068 = arith.addf %add3A_1042, %get3A_1067 : vector<16xf32>
        scf.yield %add3A_1053, %add3A_1058, %add3A_1063, %add3A_1068 : vector<16xf32>, vector<16xf32>, vector<16xf32>, vector<16xf32>
      }
      %scan3A_592 = arith.constant 10 : i32
      %mul3A_593 = arith.constant 4 : i32
      %mul3A_594 = arith.muli %add3A_512, %mul3A_593 : i32
      %add3A_595 = arith.constant 1 : i32
      %add3A_596 = arith.addi %mul3A_594, %add3A_595 : i32
      %mul3A_597 = vector.broadcast %scan3A_80 : f32 to vector<16xf32>
      %mul3A_598 = arith.mulf %scan3A_591#0, %mul3A_597 : vector<16xf32>
      %swap3A_599 = arith.index_cast %add3A_596 : i32 to index
      %swap3A_600 = arith.constant 0 : index
      %swap3A_601 = tpu.vector_load %arg10[%swap3A_599, %swap3A_600] {strides = array<i32>} : memref<512x64xf32, #tpu.memory_space<vmem>>, vector<1x16xf32>,
      %swap3A_602 = vector.shape_cast %swap3A_601 : vector<1x16xf32> to vector<16xf32>
      %swap3A_603 = vector.shape_cast %mul3A_598 : vector<16xf32> to vector<1x16xf32>
      tpu.vector_store %arg10[%swap3A_599, %swap3A_600], %swap3A_603 {strides = array<i32>} : memref<512x64xf32, #tpu.memory_space<vmem>>, vector<1x16xf32>,
      %mul3A_604 = vector.broadcast %scan3A_80 : f32 to vector<16xf32>
      %mul3A_605 = arith.mulf %scan3A_591#1, %mul3A_604 : vector<16xf32>
      %swap3A_606 = arith.index_cast %add3A_596 : i32 to index
      %swap3A_607 = arith.constant 16 : index
      %swap3A_608 = tpu.vector_load %arg10[%swap3A_606, %swap3A_607] {strides = array<i32>} : memref<512x64xf32, #tpu.memory_space<vmem>>, vector<1x16xf32>,
      %swap3A_609 = vector.shape_cast %swap3A_608 : vector<1x16xf32> to vector<16xf32>
      %swap3A_610 = vector.shape_cast %mul3A_605 : vector<16xf32> to vector<1x16xf32>
      tpu.vector_store %arg10[%swap3A_606, %swap3A_607], %swap3A_610 {strides = array<i32>} : memref<512x64xf32, #tpu.memory_space<vmem>>, vector<1x16xf32>,
      %mul3A_611 = vector.broadcast %scan3A_80 : f32 to vector<16xf32>
      %mul3A_612 = arith.mulf %scan3A_591#2, %mul3A_611 : vector<16xf32>
      %swap3A_613 = arith.index_cast %add3A_596 : i32 to index
      %swap3A_614 = arith.constant 32 : index
      %swap3A_615 = tpu.vector_load %arg10[%swap3A_613, %swap3A_614] {strides = array<i32>} : memref<512x64xf32, #tpu.memory_space<vmem>>, vector<1x16xf32>,
      %swap3A_616 = vector.shape_cast %swap3A_615 : vector<1x16xf32> to vector<16xf32>
      %swap3A_617 = vector.shape_cast %mul3A_612 : vector<16xf32> to vector<1x16xf32>
      tpu.vector_store %arg10[%swap3A_613, %swap3A_614], %swap3A_617 {strides = array<i32>} : memref<512x64xf32, #tpu.memory_space<vmem>>, vector<1x16xf32>,
      %mul3A_618 = vector.broadcast %scan3A_80 : f32 to vector<16xf32>
      %mul3A_619 = arith.mulf %scan3A_591#3, %mul3A_618 : vector<16xf32>
      %swap3A_620 = arith.index_cast %add3A_596 : i32 to index
      %swap3A_621 = arith.constant 48 : index
      %swap3A_622 = tpu.vector_load %arg10[%swap3A_620, %swap3A_621] {strides = array<i32>} : memref<512x64xf32, #tpu.memory_space<vmem>>, vector<1x16xf32>,
      %swap3A_623 = vector.shape_cast %swap3A_622 : vector<1x16xf32> to vector<16xf32>
      %swap3A_624 = vector.shape_cast %mul3A_619 : vector<16xf32> to vector<1x16xf32>
      tpu.vector_store %arg10[%swap3A_620, %swap3A_621], %swap3A_624 {strides = array<i32>} : memref<512x64xf32, #tpu.memory_space<vmem>>, vector<1x16xf32>,
      %broadcast_in_dim3A_625 = arith.constant 0.000000e+00 : f32
      %broadcast_in_dim3A_626 = vector.broadcast %broadcast_in_dim3A_625 : f32 to vector<16xf32>
      %broadcast_in_dim3A_627 = arith.constant 0.000000e+00 : f32
      %broadcast_in_dim3A_628 = vector.broadcast %broadcast_in_dim3A_627 : f32 to vector<16xf32>
      %broadcast_in_dim3A_629 = arith.constant 0.000000e+00 : f32
      %broadcast_in_dim3A_630 = vector.broadcast %broadcast_in_dim3A_629 : f32 to vector<16xf32>
      %broadcast_in_dim3A_631 = arith.constant 0.000000e+00 : f32
      %broadcast_in_dim3A_632 = vector.broadcast %broadcast_in_dim3A_631 : f32 to vector<16xf32>
      %scan3A_633 = arith.constant 0 : i32
      %scan3A_634 = arith.constant 10 : i32
      %scan3A_635 = arith.addi %scan3A_633, %scan3A_634 : i32
      %scan3A_636 = arith.constant 1 : i32
      %scan3A_637:4 = scf.for %scan3A_935 = %scan3A_633 to %scan3A_635 step %scan3A_636 iter_args(%scan3A_936 = %broadcast_in_dim3A_626, %scan3A_937 = %broadcast_in_dim3A_628, %scan3A_938 = %broadcast_in_dim3A_630, %scan3A_939 = %broadcast_in_dim3A_632) -> (vector<16xf32>, vector<16xf32>, vector<16xf32>, vector<16xf32>)  : i32 {
        %mul3A_940 = arith.constant 5 : i32
        %mul3A_941 = arith.muli %scan3A_935, %mul3A_940 : i32
        %add3A_942 = arith.constant 100 : i32
        %add3A_943 = arith.addi %add3A_942, %mul3A_941 : i32
        %add3A_944 = arith.constant 0 : i32
        %add3A_945 = arith.addi %add3A_943, %add3A_944 : i32
        %get3A = arith.index_cast %add3A_945 : i32 to index
        %get3A_946 = arith.constant 0 : index
        %get3A_947 = tpu.vector_load %arg8[%get3A, %get3A_946] {strides = array<i32>} : memref<200x64xf32, #tpu.memory_space<vmem>>, vector<1x16xf32>,
        %get3A_948 = vector.shape_cast %get3A_947 : vector<1x16xf32> to vector<16xf32>
        %add3A_949 = arith.addf %scan3A_936, %get3A_948 : vector<16xf32>
        %get3A_950 = arith.index_cast %add3A_945 : i32 to index
        %get3A_951 = arith.constant 16 : index
        %get3A_952 = tpu.vector_load %arg8[%get3A_950, %get3A_951] {strides = array<i32>} : memref<200x64xf32, #tpu.memory_space<vmem>>, vector<1x16xf32>,
        %get3A_953 = vector.shape_cast %get3A_952 : vector<1x16xf32> to vector<16xf32>
        %add3A_954 = arith.addf %scan3A_937, %get3A_953 : vector<16xf32>
        %get3A_955 = arith.index_cast %add3A_945 : i32 to index
        %get3A_956 = arith.constant 32 : index
        %get3A_957 = tpu.vector_load %arg8[%get3A_955, %get3A_956] {strides = array<i32>} : memref<200x64xf32, #tpu.memory_space<vmem>>, vector<1x16xf32>,
        %get3A_958 = vector.shape_cast %get3A_957 : vector<1x16xf32> to vector<16xf32>
        %add3A_959 = arith.addf %scan3A_938, %get3A_958 : vector<16xf32>
        %get3A_960 = arith.index_cast %add3A_945 : i32 to index
        %get3A_961 = arith.constant 48 : index
        %get3A_962 = tpu.vector_load %arg8[%get3A_960, %get3A_961] {strides = array<i32>} : memref<200x64xf32, #tpu.memory_space<vmem>>, vector<1x16xf32>,
        %get3A_963 = vector.shape_cast %get3A_962 : vector<1x16xf32> to vector<16xf32>
        %add3A_964 = arith.addf %scan3A_939, %get3A_963 : vector<16xf32>
        %mul3A_965 = arith.constant 5 : i32
        %mul3A_966 = arith.muli %scan3A_935, %mul3A_965 : i32
        %add3A_967 = arith.constant 100 : i32
        %add3A_968 = arith.addi %add3A_967, %mul3A_966 : i32
        %add3A_969 = arith.constant 1 : i32
        %add3A_970 = arith.addi %add3A_968, %add3A_969 : i32
        %get3A_971 = arith.index_cast %add3A_970 : i32 to index
        %get3A_972 = arith.constant 0 : index
        %get3A_973 = tpu.vector_load %arg8[%get3A_971, %get3A_972] {strides = array<i32>} : memref<200x64xf32, #tpu.memory_space<vmem>>, vector<1x16xf32>,
        %get3A_974 = vector.shape_cast %get3A_973 : vector<1x16xf32> to vector<16xf32>
        %add3A_975 = arith.addf %add3A_949, %get3A_974 : vector<16xf32>
        %get3A_976 = arith.index_cast %add3A_970 : i32 to index
        %get3A_977 = arith.constant 16 : index
        %get3A_978 = tpu.vector_load %arg8[%get3A_976, %get3A_977] {strides = array<i32>} : memref<200x64xf32, #tpu.memory_space<vmem>>, vector<1x16xf32>,
        %get3A_979 = vector.shape_cast %get3A_978 : vector<1x16xf32> to vector<16xf32>
        %add3A_980 = arith.addf %add3A_954, %get3A_979 : vector<16xf32>
        %get3A_981 = arith.index_cast %add3A_970 : i32 to index
        %get3A_982 = arith.constant 32 : index
        %get3A_983 = tpu.vector_load %arg8[%get3A_981, %get3A_982] {strides = array<i32>} : memref<200x64xf32, #tpu.memory_space<vmem>>, vector<1x16xf32>,
        %get3A_984 = vector.shape_cast %get3A_983 : vector<1x16xf32> to vector<16xf32>
        %add3A_985 = arith.addf %add3A_959, %get3A_984 : vector<16xf32>
        %get3A_986 = arith.index_cast %add3A_970 : i32 to index
        %get3A_987 = arith.constant 48 : index
        %get3A_988 = tpu.vector_load %arg8[%get3A_986, %get3A_987] {strides = array<i32>} : memref<200x64xf32, #tpu.memory_space<vmem>>, vector<1x16xf32>,
        %get3A_989 = vector.shape_cast %get3A_988 : vector<1x16xf32> to vector<16xf32>
        %add3A_990 = arith.addf %add3A_964, %get3A_989 : vector<16xf32>
        %mul3A_991 = arith.constant 5 : i32
        %mul3A_992 = arith.muli %scan3A_935, %mul3A_991 : i32
        %add3A_993 = arith.constant 100 : i32
        %add3A_994 = arith.addi %add3A_993, %mul3A_992 : i32
        %add3A_995 = arith.constant 2 : i32
        %add3A_996 = arith.addi %add3A_994, %add3A_995 : i32
        %get3A_997 = arith.index_cast %add3A_996 : i32 to index
        %get3A_998 = arith.constant 0 : index
        %get3A_999 = tpu.vector_load %arg8[%get3A_997, %get3A_998] {strides = array<i32>} : memref<200x64xf32, #tpu.memory_space<vmem>>, vector<1x16xf32>,
        %get3A_1000 = vector.shape_cast %get3A_999 : vector<1x16xf32> to vector<16xf32>
        %add3A_1001 = arith.addf %add3A_975, %get3A_1000 : vector<16xf32>
        %get3A_1002 = arith.index_cast %add3A_996 : i32 to index
        %get3A_1003 = arith.constant 16 : index
        %get3A_1004 = tpu.vector_load %arg8[%get3A_1002, %get3A_1003] {strides = array<i32>} : memref<200x64xf32, #tpu.memory_space<vmem>>, vector<1x16xf32>,
        %get3A_1005 = vector.shape_cast %get3A_1004 : vector<1x16xf32> to vector<16xf32>
        %add3A_1006 = arith.addf %add3A_980, %get3A_1005 : vector<16xf32>
        %get3A_1007 = arith.index_cast %add3A_996 : i32 to index
        %get3A_1008 = arith.constant 32 : index
        %get3A_1009 = tpu.vector_load %arg8[%get3A_1007, %get3A_1008] {strides = array<i32>} : memref<200x64xf32, #tpu.memory_space<vmem>>, vector<1x16xf32>,
        %get3A_1010 = vector.shape_cast %get3A_1009 : vector<1x16xf32> to vector<16xf32>
        %add3A_1011 = arith.addf %add3A_985, %get3A_1010 : vector<16xf32>
        %get3A_1012 = arith.index_cast %add3A_996 : i32 to index
        %get3A_1013 = arith.constant 48 : index
        %get3A_1014 = tpu.vector_load %arg8[%get3A_1012, %get3A_1013] {strides = array<i32>} : memref<200x64xf32, #tpu.memory_space<vmem>>, vector<1x16xf32>,
        %get3A_1015 = vector.shape_cast %get3A_1014 : vector<1x16xf32> to vector<16xf32>
        %add3A_1016 = arith.addf %add3A_990, %get3A_1015 : vector<16xf32>
        %mul3A_1017 = arith.constant 5 : i32
        %mul3A_1018 = arith.muli %scan3A_935, %mul3A_1017 : i32
        %add3A_1019 = arith.constant 100 : i32
        %add3A_1020 = arith.addi %add3A_1019, %mul3A_1018 : i32
        %add3A_1021 = arith.constant 3 : i32
        %add3A_1022 = arith.addi %add3A_1020, %add3A_1021 : i32
        %get3A_1023 = arith.index_cast %add3A_1022 : i32 to index
        %get3A_1024 = arith.constant 0 : index
        %get3A_1025 = tpu.vector_load %arg8[%get3A_1023, %get3A_1024] {strides = array<i32>} : memref<200x64xf32, #tpu.memory_space<vmem>>, vector<1x16xf32>,
        %get3A_1026 = vector.shape_cast %get3A_1025 : vector<1x16xf32> to vector<16xf32>
        %add3A_1027 = arith.addf %add3A_1001, %get3A_1026 : vector<16xf32>
        %get3A_1028 = arith.index_cast %add3A_1022 : i32 to index
        %get3A_1029 = arith.constant 16 : index
        %get3A_1030 = tpu.vector_load %arg8[%get3A_1028, %get3A_1029] {strides = array<i32>} : memref<200x64xf32, #tpu.memory_space<vmem>>, vector<1x16xf32>,
        %get3A_1031 = vector.shape_cast %get3A_1030 : vector<1x16xf32> to vector<16xf32>
        %add3A_1032 = arith.addf %add3A_1006, %get3A_1031 : vector<16xf32>
        %get3A_1033 = arith.index_cast %add3A_1022 : i32 to index
        %get3A_1034 = arith.constant 32 : index
        %get3A_1035 = tpu.vector_load %arg8[%get3A_1033, %get3A_1034] {strides = array<i32>} : memref<200x64xf32, #tpu.memory_space<vmem>>, vector<1x16xf32>,
        %get3A_1036 = vector.shape_cast %get3A_1035 : vector<1x16xf32> to vector<16xf32>
        %add3A_1037 = arith.addf %add3A_1011, %get3A_1036 : vector<16xf32>
        %get3A_1038 = arith.index_cast %add3A_1022 : i32 to index
        %get3A_1039 = arith.constant 48 : index
        %get3A_1040 = tpu.vector_load %arg8[%get3A_1038, %get3A_1039] {strides = array<i32>} : memref<200x64xf32, #tpu.memory_space<vmem>>, vector<1x16xf32>,
        %get3A_1041 = vector.shape_cast %get3A_1040 : vector<1x16xf32> to vector<16xf32>
        %add3A_1042 = arith.addf %add3A_1016, %get3A_1041 : vector<16xf32>
        %mul3A_1043 = arith.constant 5 : i32
        %mul3A_1044 = arith.muli %scan3A_935, %mul3A_1043 : i32
        %add3A_1045 = arith.constant 100 : i32
        %add3A_1046 = arith.addi %add3A_1045, %mul3A_1044 : i32
        %add3A_1047 = arith.constant 4 : i32
        %add3A_1048 = arith.addi %add3A_1046, %add3A_1047 : i32
        %get3A_1049 = arith.index_cast %add3A_1048 : i32 to index
        %get3A_1050 = arith.constant 0 : index
        %get3A_1051 = tpu.vector_load %arg8[%get3A_1049, %get3A_1050] {strides = array<i32>} : memref<200x64xf32, #tpu.memory_space<vmem>>, vector<1x16xf32>,
        %get3A_1052 = vector.shape_cast %get3A_1051 : vector<1x16xf32> to vector<16xf32>
        %add3A_1053 = arith.addf %add3A_1027, %get3A_1052 : vector<16xf32>
        %get3A_1054 = arith.index_cast %add3A_1048 : i32 to index
        %get3A_1055 = arith.constant 16 : index
        %get3A_1056 = tpu.vector_load %arg8[%get3A_1054, %get3A_1055] {strides = array<i32>} : memref<200x64xf32, #tpu.memory_space<vmem>>, vector<1x16xf32>,
        %get3A_1057 = vector.shape_cast %get3A_1056 : vector<1x16xf32> to vector<16xf32>
        %add3A_1058 = arith.addf %add3A_1032, %get3A_1057 : vector<16xf32>
        %get3A_1059 = arith.index_cast %add3A_1048 : i32 to index
        %get3A_1060 = arith.constant 32 : index
        %get3A_1061 = tpu.vector_load %arg8[%get3A_1059, %get3A_1060] {strides = array<i32>} : memref<200x64xf32, #tpu.memory_space<vmem>>, vector<1x16xf32>,
        %get3A_1062 = vector.shape_cast %get3A_1061 : vector<1x16xf32> to vector<16xf32>
        %add3A_1063 = arith.addf %add3A_1037, %get3A_1062 : vector<16xf32>
        %get3A_1064 = arith.index_cast %add3A_1048 : i32 to index
        %get3A_1065 = arith.constant 48 : index
        %get3A_1066 = tpu.vector_load %arg8[%get3A_1064, %get3A_1065] {strides = array<i32>} : memref<200x64xf32, #tpu.memory_space<vmem>>, vector<1x16xf32>,
        %get3A_1067 = vector.shape_cast %get3A_1066 : vector<1x16xf32> to vector<16xf32>
        %add3A_1068 = arith.addf %add3A_1042, %get3A_1067 : vector<16xf32>
        scf.yield %add3A_1053, %add3A_1058, %add3A_1063, %add3A_1068 : vector<16xf32>, vector<16xf32>, vector<16xf32>, vector<16xf32>
      }
      %scan3A_638 = arith.constant 10 : i32
      %mul3A_639 = arith.constant 4 : i32
      %mul3A_640 = arith.muli %add3A_512, %mul3A_639 : i32
      %add3A_641 = arith.constant 2 : i32
      %add3A_642 = arith.addi %mul3A_640, %add3A_641 : i32
      %mul3A_643 = vector.broadcast %scan3A_80 : f32 to vector<16xf32>
      %mul3A_644 = arith.mulf %scan3A_637#0, %mul3A_643 : vector<16xf32>
      %swap3A_645 = arith.index_cast %add3A_642 : i32 to index
      %swap3A_646 = arith.constant 0 : index
      %swap3A_647 = tpu.vector_load %arg10[%swap3A_645, %swap3A_646] {strides = array<i32>} : memref<512x64xf32, #tpu.memory_space<vmem>>, vector<1x16xf32>,
      %swap3A_648 = vector.shape_cast %swap3A_647 : vector<1x16xf32> to vector<16xf32>
      %swap3A_649 = vector.shape_cast %mul3A_644 : vector<16xf32> to vector<1x16xf32>
      tpu.vector_store %arg10[%swap3A_645, %swap3A_646], %swap3A_649 {strides = array<i32>} : memref<512x64xf32, #tpu.memory_space<vmem>>, vector<1x16xf32>,
      %mul3A_650 = vector.broadcast %scan3A_80 : f32 to vector<16xf32>
      %mul3A_651 = arith.mulf %scan3A_637#1, %mul3A_650 : vector<16xf32>
      %swap3A_652 = arith.index_cast %add3A_642 : i32 to index
      %swap3A_653 = arith.constant 16 : index
      %swap3A_654 = tpu.vector_load %arg10[%swap3A_652, %swap3A_653] {strides = array<i32>} : memref<512x64xf32, #tpu.memory_space<vmem>>, vector<1x16xf32>,
      %swap3A_655 = vector.shape_cast %swap3A_654 : vector<1x16xf32> to vector<16xf32>
      %swap3A_656 = vector.shape_cast %mul3A_651 : vector<16xf32> to vector<1x16xf32>
      tpu.vector_store %arg10[%swap3A_652, %swap3A_653], %swap3A_656 {strides = array<i32>} : memref<512x64xf32, #tpu.memory_space<vmem>>, vector<1x16xf32>,
      %mul3A_657 = vector.broadcast %scan3A_80 : f32 to vector<16xf32>
      %mul3A_658 = arith.mulf %scan3A_637#2, %mul3A_657 : vector<16xf32>
      %swap3A_659 = arith.index_cast %add3A_642 : i32 to index
      %swap3A_660 = arith.constant 32 : index
      %swap3A_661 = tpu.vector_load %arg10[%swap3A_659, %swap3A_660] {strides = array<i32>} : memref<512x64xf32, #tpu.memory_space<vmem>>, vector<1x16xf32>,
      %swap3A_662 = vector.shape_cast %swap3A_661 : vector<1x16xf32> to vector<16xf32>
      %swap3A_663 = vector.shape_cast %mul3A_658 : vector<16xf32> to vector<1x16xf32>
      tpu.vector_store %arg10[%swap3A_659, %swap3A_660], %swap3A_663 {strides = array<i32>} : memref<512x64xf32, #tpu.memory_space<vmem>>, vector<1x16xf32>,
      %mul3A_664 = vector.broadcast %scan3A_80 : f32 to vector<16xf32>
      %mul3A_665 = arith.mulf %scan3A_637#3, %mul3A_664 : vector<16xf32>
      %swap3A_666 = arith.index_cast %add3A_642 : i32 to index
      %swap3A_667 = arith.constant 48 : index
      %swap3A_668 = tpu.vector_load %arg10[%swap3A_666, %swap3A_667] {strides = array<i32>} : memref<512x64xf32, #tpu.memory_space<vmem>>, vector<1x16xf32>,
      %swap3A_669 = vector.shape_cast %swap3A_668 : vector<1x16xf32> to vector<16xf32>
      %swap3A_670 = vector.shape_cast %mul3A_665 : vector<16xf32> to vector<1x16xf32>
      tpu.vector_store %arg10[%swap3A_666, %swap3A_667], %swap3A_670 {strides = array<i32>} : memref<512x64xf32, #tpu.memory_space<vmem>>, vector<1x16xf32>,
      %broadcast_in_dim3A_671 = arith.constant 0.000000e+00 : f32
      %broadcast_in_dim3A_672 = vector.broadcast %broadcast_in_dim3A_671 : f32 to vector<16xf32>
      %broadcast_in_dim3A_673 = arith.constant 0.000000e+00 : f32
      %broadcast_in_dim3A_674 = vector.broadcast %broadcast_in_dim3A_673 : f32 to vector<16xf32>
      %broadcast_in_dim3A_675 = arith.constant 0.000000e+00 : f32
      %broadcast_in_dim3A_676 = vector.broadcast %broadcast_in_dim3A_675 : f32 to vector<16xf32>
      %broadcast_in_dim3A_677 = arith.constant 0.000000e+00 : f32
      %broadcast_in_dim3A_678 = vector.broadcast %broadcast_in_dim3A_677 : f32 to vector<16xf32>
      %scan3A_679 = arith.constant 0 : i32
      %scan3A_680 = arith.constant 10 : i32
      %scan3A_681 = arith.addi %scan3A_679, %scan3A_680 : i32
      %scan3A_682 = arith.constant 1 : i32
      %scan3A_683:4 = scf.for %scan3A_935 = %scan3A_679 to %scan3A_681 step %scan3A_682 iter_args(%scan3A_936 = %broadcast_in_dim3A_672, %scan3A_937 = %broadcast_in_dim3A_674, %scan3A_938 = %broadcast_in_dim3A_676, %scan3A_939 = %broadcast_in_dim3A_678) -> (vector<16xf32>, vector<16xf32>, vector<16xf32>, vector<16xf32>)  : i32 {
        %mul3A_940 = arith.constant 5 : i32
        %mul3A_941 = arith.muli %scan3A_935, %mul3A_940 : i32
        %add3A_942 = arith.constant 150 : i32
        %add3A_943 = arith.addi %add3A_942, %mul3A_941 : i32
        %add3A_944 = arith.constant 0 : i32
        %add3A_945 = arith.addi %add3A_943, %add3A_944 : i32
        %get3A = arith.index_cast %add3A_945 : i32 to index
        %get3A_946 = arith.constant 0 : index
        %get3A_947 = tpu.vector_load %arg8[%get3A, %get3A_946] {strides = array<i32>} : memref<200x64xf32, #tpu.memory_space<vmem>>, vector<1x16xf32>,
        %get3A_948 = vector.shape_cast %get3A_947 : vector<1x16xf32> to vector<16xf32>
        %add3A_949 = arith.addf %scan3A_936, %get3A_948 : vector<16xf32>
        %get3A_950 = arith.index_cast %add3A_945 : i32 to index
        %get3A_951 = arith.constant 16 : index
        %get3A_952 = tpu.vector_load %arg8[%get3A_950, %get3A_951] {strides = array<i32>} : memref<200x64xf32, #tpu.memory_space<vmem>>, vector<1x16xf32>,
        %get3A_953 = vector.shape_cast %get3A_952 : vector<1x16xf32> to vector<16xf32>
        %add3A_954 = arith.addf %scan3A_937, %get3A_953 : vector<16xf32>
        %get3A_955 = arith.index_cast %add3A_945 : i32 to index
        %get3A_956 = arith.constant 32 : index
        %get3A_957 = tpu.vector_load %arg8[%get3A_955, %get3A_956] {strides = array<i32>} : memref<200x64xf32, #tpu.memory_space<vmem>>, vector<1x16xf32>,
        %get3A_958 = vector.shape_cast %get3A_957 : vector<1x16xf32> to vector<16xf32>
        %add3A_959 = arith.addf %scan3A_938, %get3A_958 : vector<16xf32>
        %get3A_960 = arith.index_cast %add3A_945 : i32 to index
        %get3A_961 = arith.constant 48 : index
        %get3A_962 = tpu.vector_load %arg8[%get3A_960, %get3A_961] {strides = array<i32>} : memref<200x64xf32, #tpu.memory_space<vmem>>, vector<1x16xf32>,
        %get3A_963 = vector.shape_cast %get3A_962 : vector<1x16xf32> to vector<16xf32>
        %add3A_964 = arith.addf %scan3A_939, %get3A_963 : vector<16xf32>
        %mul3A_965 = arith.constant 5 : i32
        %mul3A_966 = arith.muli %scan3A_935, %mul3A_965 : i32
        %add3A_967 = arith.constant 150 : i32
        %add3A_968 = arith.addi %add3A_967, %mul3A_966 : i32
        %add3A_969 = arith.constant 1 : i32
        %add3A_970 = arith.addi %add3A_968, %add3A_969 : i32
        %get3A_971 = arith.index_cast %add3A_970 : i32 to index
        %get3A_972 = arith.constant 0 : index
        %get3A_973 = tpu.vector_load %arg8[%get3A_971, %get3A_972] {strides = array<i32>} : memref<200x64xf32, #tpu.memory_space<vmem>>, vector<1x16xf32>,
        %get3A_974 = vector.shape_cast %get3A_973 : vector<1x16xf32> to vector<16xf32>
        %add3A_975 = arith.addf %add3A_949, %get3A_974 : vector<16xf32>
        %get3A_976 = arith.index_cast %add3A_970 : i32 to index
        %get3A_977 = arith.constant 16 : index
        %get3A_978 = tpu.vector_load %arg8[%get3A_976, %get3A_977] {strides = array<i32>} : memref<200x64xf32, #tpu.memory_space<vmem>>, vector<1x16xf32>,
        %get3A_979 = vector.shape_cast %get3A_978 : vector<1x16xf32> to vector<16xf32>
        %add3A_980 = arith.addf %add3A_954, %get3A_979 : vector<16xf32>
        %get3A_981 = arith.index_cast %add3A_970 : i32 to index
        %get3A_982 = arith.constant 32 : index
        %get3A_983 = tpu.vector_load %arg8[%get3A_981, %get3A_982] {strides = array<i32>} : memref<200x64xf32, #tpu.memory_space<vmem>>, vector<1x16xf32>,
        %get3A_984 = vector.shape_cast %get3A_983 : vector<1x16xf32> to vector<16xf32>
        %add3A_985 = arith.addf %add3A_959, %get3A_984 : vector<16xf32>
        %get3A_986 = arith.index_cast %add3A_970 : i32 to index
        %get3A_987 = arith.constant 48 : index
        %get3A_988 = tpu.vector_load %arg8[%get3A_986, %get3A_987] {strides = array<i32>} : memref<200x64xf32, #tpu.memory_space<vmem>>, vector<1x16xf32>,
        %get3A_989 = vector.shape_cast %get3A_988 : vector<1x16xf32> to vector<16xf32>
        %add3A_990 = arith.addf %add3A_964, %get3A_989 : vector<16xf32>
        %mul3A_991 = arith.constant 5 : i32
        %mul3A_992 = arith.muli %scan3A_935, %mul3A_991 : i32
        %add3A_993 = arith.constant 150 : i32
        %add3A_994 = arith.addi %add3A_993, %mul3A_992 : i32
        %add3A_995 = arith.constant 2 : i32
        %add3A_996 = arith.addi %add3A_994, %add3A_995 : i32
        %get3A_997 = arith.index_cast %add3A_996 : i32 to index
        %get3A_998 = arith.constant 0 : index
        %get3A_999 = tpu.vector_load %arg8[%get3A_997, %get3A_998] {strides = array<i32>} : memref<200x64xf32, #tpu.memory_space<vmem>>, vector<1x16xf32>,
        %get3A_1000 = vector.shape_cast %get3A_999 : vector<1x16xf32> to vector<16xf32>
        %add3A_1001 = arith.addf %add3A_975, %get3A_1000 : vector<16xf32>
        %get3A_1002 = arith.index_cast %add3A_996 : i32 to index
        %get3A_1003 = arith.constant 16 : index
        %get3A_1004 = tpu.vector_load %arg8[%get3A_1002, %get3A_1003] {strides = array<i32>} : memref<200x64xf32, #tpu.memory_space<vmem>>, vector<1x16xf32>,
        %get3A_1005 = vector.shape_cast %get3A_1004 : vector<1x16xf32> to vector<16xf32>
        %add3A_1006 = arith.addf %add3A_980, %get3A_1005 : vector<16xf32>
        %get3A_1007 = arith.index_cast %add3A_996 : i32 to index
        %get3A_1008 = arith.constant 32 : index
        %get3A_1009 = tpu.vector_load %arg8[%get3A_1007, %get3A_1008] {strides = array<i32>} : memref<200x64xf32, #tpu.memory_space<vmem>>, vector<1x16xf32>,
        %get3A_1010 = vector.shape_cast %get3A_1009 : vector<1x16xf32> to vector<16xf32>
        %add3A_1011 = arith.addf %add3A_985, %get3A_1010 : vector<16xf32>
        %get3A_1012 = arith.index_cast %add3A_996 : i32 to index
        %get3A_1013 = arith.constant 48 : index
        %get3A_1014 = tpu.vector_load %arg8[%get3A_1012, %get3A_1013] {strides = array<i32>} : memref<200x64xf32, #tpu.memory_space<vmem>>, vector<1x16xf32>,
        %get3A_1015 = vector.shape_cast %get3A_1014 : vector<1x16xf32> to vector<16xf32>
        %add3A_1016 = arith.addf %add3A_990, %get3A_1015 : vector<16xf32>
        %mul3A_1017 = arith.constant 5 : i32
        %mul3A_1018 = arith.muli %scan3A_935, %mul3A_1017 : i32
        %add3A_1019 = arith.constant 150 : i32
        %add3A_1020 = arith.addi %add3A_1019, %mul3A_1018 : i32
        %add3A_1021 = arith.constant 3 : i32
        %add3A_1022 = arith.addi %add3A_1020, %add3A_1021 : i32
        %get3A_1023 = arith.index_cast %add3A_1022 : i32 to index
        %get3A_1024 = arith.constant 0 : index
        %get3A_1025 = tpu.vector_load %arg8[%get3A_1023, %get3A_1024] {strides = array<i32>} : memref<200x64xf32, #tpu.memory_space<vmem>>, vector<1x16xf32>,
        %get3A_1026 = vector.shape_cast %get3A_1025 : vector<1x16xf32> to vector<16xf32>
        %add3A_1027 = arith.addf %add3A_1001, %get3A_1026 : vector<16xf32>
        %get3A_1028 = arith.index_cast %add3A_1022 : i32 to index
        %get3A_1029 = arith.constant 16 : index
        %get3A_1030 = tpu.vector_load %arg8[%get3A_1028, %get3A_1029] {strides = array<i32>} : memref<200x64xf32, #tpu.memory_space<vmem>>, vector<1x16xf32>,
        %get3A_1031 = vector.shape_cast %get3A_1030 : vector<1x16xf32> to vector<16xf32>
        %add3A_1032 = arith.addf %add3A_1006, %get3A_1031 : vector<16xf32>
        %get3A_1033 = arith.index_cast %add3A_1022 : i32 to index
        %get3A_1034 = arith.constant 32 : index
        %get3A_1035 = tpu.vector_load %arg8[%get3A_1033, %get3A_1034] {strides = array<i32>} : memref<200x64xf32, #tpu.memory_space<vmem>>, vector<1x16xf32>,
        %get3A_1036 = vector.shape_cast %get3A_1035 : vector<1x16xf32> to vector<16xf32>
        %add3A_1037 = arith.addf %add3A_1011, %get3A_1036 : vector<16xf32>
        %get3A_1038 = arith.index_cast %add3A_1022 : i32 to index
        %get3A_1039 = arith.constant 48 : index
        %get3A_1040 = tpu.vector_load %arg8[%get3A_1038, %get3A_1039] {strides = array<i32>} : memref<200x64xf32, #tpu.memory_space<vmem>>, vector<1x16xf32>,
        %get3A_1041 = vector.shape_cast %get3A_1040 : vector<1x16xf32> to vector<16xf32>
        %add3A_1042 = arith.addf %add3A_1016, %get3A_1041 : vector<16xf32>
        %mul3A_1043 = arith.constant 5 : i32
        %mul3A_1044 = arith.muli %scan3A_935, %mul3A_1043 : i32
        %add3A_1045 = arith.constant 150 : i32
        %add3A_1046 = arith.addi %add3A_1045, %mul3A_1044 : i32
        %add3A_1047 = arith.constant 4 : i32
        %add3A_1048 = arith.addi %add3A_1046, %add3A_1047 : i32
        %get3A_1049 = arith.index_cast %add3A_1048 : i32 to index
        %get3A_1050 = arith.constant 0 : index
        %get3A_1051 = tpu.vector_load %arg8[%get3A_1049, %get3A_1050] {strides = array<i32>} : memref<200x64xf32, #tpu.memory_space<vmem>>, vector<1x16xf32>,
        %get3A_1052 = vector.shape_cast %get3A_1051 : vector<1x16xf32> to vector<16xf32>
        %add3A_1053 = arith.addf %add3A_1027, %get3A_1052 : vector<16xf32>
        %get3A_1054 = arith.index_cast %add3A_1048 : i32 to index
        %get3A_1055 = arith.constant 16 : index
        %get3A_1056 = tpu.vector_load %arg8[%get3A_1054, %get3A_1055] {strides = array<i32>} : memref<200x64xf32, #tpu.memory_space<vmem>>, vector<1x16xf32>,
        %get3A_1057 = vector.shape_cast %get3A_1056 : vector<1x16xf32> to vector<16xf32>
        %add3A_1058 = arith.addf %add3A_1032, %get3A_1057 : vector<16xf32>
        %get3A_1059 = arith.index_cast %add3A_1048 : i32 to index
        %get3A_1060 = arith.constant 32 : index
        %get3A_1061 = tpu.vector_load %arg8[%get3A_1059, %get3A_1060] {strides = array<i32>} : memref<200x64xf32, #tpu.memory_space<vmem>>, vector<1x16xf32>,
        %get3A_1062 = vector.shape_cast %get3A_1061 : vector<1x16xf32> to vector<16xf32>
        %add3A_1063 = arith.addf %add3A_1037, %get3A_1062 : vector<16xf32>
        %get3A_1064 = arith.index_cast %add3A_1048 : i32 to index
        %get3A_1065 = arith.constant 48 : index
        %get3A_1066 = tpu.vector_load %arg8[%get3A_1064, %get3A_1065] {strides = array<i32>} : memref<200x64xf32, #tpu.memory_space<vmem>>, vector<1x16xf32>,
        %get3A_1067 = vector.shape_cast %get3A_1066 : vector<1x16xf32> to vector<16xf32>
        %add3A_1068 = arith.addf %add3A_1042, %get3A_1067 : vector<16xf32>
        scf.yield %add3A_1053, %add3A_1058, %add3A_1063, %add3A_1068 : vector<16xf32>, vector<16xf32>, vector<16xf32>, vector<16xf32>
      }
      %scan3A_684 = arith.constant 10 : i32
      %mul3A_685 = arith.constant 4 : i32
      %mul3A_686 = arith.muli %add3A_512, %mul3A_685 : i32
      %add3A_687 = arith.constant 3 : i32
      %add3A_688 = arith.addi %mul3A_686, %add3A_687 : i32
      %mul3A_689 = vector.broadcast %scan3A_80 : f32 to vector<16xf32>
      %mul3A_690 = arith.mulf %scan3A_683#0, %mul3A_689 : vector<16xf32>
      %swap3A_691 = arith.index_cast %add3A_688 : i32 to index
      %swap3A_692 = arith.constant 0 : index
      %swap3A_693 = tpu.vector_load %arg10[%swap3A_691, %swap3A_692] {strides = array<i32>} : memref<512x64xf32, #tpu.memory_space<vmem>>, vector<1x16xf32>,
      %swap3A_694 = vector.shape_cast %swap3A_693 : vector<1x16xf32> to vector<16xf32>
      %swap3A_695 = vector.shape_cast %mul3A_690 : vector<16xf32> to vector<1x16xf32>
      tpu.vector_store %arg10[%swap3A_691, %swap3A_692], %swap3A_695 {strides = array<i32>} : memref<512x64xf32, #tpu.memory_space<vmem>>, vector<1x16xf32>,
      %mul3A_696 = vector.broadcast %scan3A_80 : f32 to vector<16xf32>
      %mul3A_697 = arith.mulf %scan3A_683#1, %mul3A_696 : vector<16xf32>
      %swap3A_698 = arith.index_cast %add3A_688 : i32 to index
      %swap3A_699 = arith.constant 16 : index
      %swap3A_700 = tpu.vector_load %arg10[%swap3A_698, %swap3A_699] {strides = array<i32>} : memref<512x64xf32, #tpu.memory_space<vmem>>, vector<1x16xf32>,
      %swap3A_701 = vector.shape_cast %swap3A_700 : vector<1x16xf32> to vector<16xf32>
      %swap3A_702 = vector.shape_cast %mul3A_697 : vector<16xf32> to vector<1x16xf32>
      tpu.vector_store %arg10[%swap3A_698, %swap3A_699], %swap3A_702 {strides = array<i32>} : memref<512x64xf32, #tpu.memory_space<vmem>>, vector<1x16xf32>,
      %mul3A_703 = vector.broadcast %scan3A_80 : f32 to vector<16xf32>
      %mul3A_704 = arith.mulf %scan3A_683#2, %mul3A_703 : vector<16xf32>
      %swap3A_705 = arith.index_cast %add3A_688 : i32 to index
      %swap3A_706 = arith.constant 32 : index
      %swap3A_707 = tpu.vector_load %arg10[%swap3A_705, %swap3A_706] {strides = array<i32>} : memref<512x64xf32, #tpu.memory_space<vmem>>, vector<1x16xf32>,
      %swap3A_708 = vector.shape_cast %swap3A_707 : vector<1x16xf32> to vector<16xf32>
      %swap3A_709 = vector.shape_cast %mul3A_704 : vector<16xf32> to vector<1x16xf32>
      tpu.vector_store %arg10[%swap3A_705, %swap3A_706], %swap3A_709 {strides = array<i32>} : memref<512x64xf32, #tpu.memory_space<vmem>>, vector<1x16xf32>,
      %mul3A_710 = vector.broadcast %scan3A_80 : f32 to vector<16xf32>
      %mul3A_711 = arith.mulf %scan3A_683#3, %mul3A_710 : vector<16xf32>
      %swap3A_712 = arith.index_cast %add3A_688 : i32 to index
      %swap3A_713 = arith.constant 48 : index
      %swap3A_714 = tpu.vector_load %arg10[%swap3A_712, %swap3A_713] {strides = array<i32>} : memref<512x64xf32, #tpu.memory_space<vmem>>, vector<1x16xf32>,
      %swap3A_715 = vector.shape_cast %swap3A_714 : vector<1x16xf32> to vector<16xf32>
      %swap3A_716 = vector.shape_cast %mul3A_711 : vector<16xf32> to vector<1x16xf32>
      tpu.vector_store %arg10[%swap3A_712, %swap3A_713], %swap3A_716 {strides = array<i32>} : memref<512x64xf32, #tpu.memory_space<vmem>>, vector<1x16xf32>,
      %lt3A_717 = arith.constant 31 : i32
      %lt3A_718 = arith.cmpi slt, %scan3A_88, %lt3A_717 : i32
      %convert_element_type3A_719 = arith.extui %lt3A_718 : i1 to i32
      %cond3A_720 = arith.constant 0 : i32
      %cond3A_721 = arith.cmpi ne, %convert_element_type3A_719, %cond3A_720 : i32
      scf.if %cond3A_721 {
        %add3A_935 = arith.constant 4 : i32
        %add3A_936 = arith.addi %add3A_512, %add3A_935 : i32
        %mul3A_937 = arith.constant 2 : i32
        %mul3A_938 = arith.muli %add3A_936, %mul3A_937 : i32
        %add3A_939 = arith.constant 0 : i32
        %add3A_940 = arith.addi %mul3A_938, %add3A_939 : i32
        %dma_start3A_941 = arith.constant 0 : i32
        %dma_start3A_942 = arith.constant 0 : i32
        %dma_start3A_943 = tpu.memref_slice %arg8[%dma_start3A_941, %dma_start3A_942] : memref<200x64xf32, #tpu.memory_space<vmem>> -> memref<100x64xf32, #tpu.memory_space<vmem>>
        %dma_start3A_944 = arith.constant 0 : i32
        %dma_start3A_945 = tpu.memref_slice %arg5[%add3A_940, %dma_start3A_944] : memref<256x100xi32, #tpu.memory_space<vmem>> -> memref<1x100xi32, #tpu.memory_space<vmem>>
        %dma_start3A_946 = tpu.memref_squeeze %dma_start3A_945 : memref<1x100xi32, #tpu.memory_space<vmem>> -> memref<100xi32, #tpu.memory_space<vmem>>
        %dma_start3A_947 = arith.constant 0 : i32
        %dma_start3A_948 = arith.constant 0 : i32
        %dma_start3A_949 = tpu.memref_slice %arg3[%dma_start3A_947, %dma_start3A_948] : memref<100000x64xf32, #tpu.memory_space<hbm>> -> memref<100000x64xf32, #tpu.memory_space<hbm>>
        tpu.enqueue_indirect_dma source(%dma_start3A_949 : memref<100000x64xf32, #tpu.memory_space<hbm>>) target(%dma_start3A_943 : memref<100x64xf32, #tpu.memory_space<vmem>>) offsets(%dma_start3A_946 : memref<100xi32, #tpu.memory_space<vmem>>) semaphore(%arg13 : memref<!tpu.dma_semaphore, #tpu.memory_space<semaphore_mem>>)
        %mul3A_950 = arith.constant 2 : i32
        %mul3A_951 = arith.muli %add3A_936, %mul3A_950 : i32
        %add3A_952 = arith.constant 1 : i32
        %add3A_953 = arith.addi %mul3A_951, %add3A_952 : i32
        %dma_start3A_954 = arith.constant 100 : i32
        %dma_start3A_955 = arith.constant 0 : i32
        %dma_start3A_956 = tpu.memref_slice %arg8[%dma_start3A_954, %dma_start3A_955] : memref<200x64xf32, #tpu.memory_space<vmem>> -> memref<100x64xf32, #tpu.memory_space<vmem>>
        %dma_start3A_957 = arith.constant 0 : i32
        %dma_start3A_958 = tpu.memref_slice %arg5[%add3A_953, %dma_start3A_957] : memref<256x100xi32, #tpu.memory_space<vmem>> -> memref<1x100xi32, #tpu.memory_space<vmem>>
        %dma_start3A_959 = tpu.memref_squeeze %dma_start3A_958 : memref<1x100xi32, #tpu.memory_space<vmem>> -> memref<100xi32, #tpu.memory_space<vmem>>
        %dma_start3A_960 = arith.constant 0 : i32
        %dma_start3A_961 = arith.constant 0 : i32
        %dma_start3A_962 = tpu.memref_slice %arg3[%dma_start3A_960, %dma_start3A_961] : memref<100000x64xf32, #tpu.memory_space<hbm>> -> memref<100000x64xf32, #tpu.memory_space<hbm>>
        tpu.enqueue_indirect_dma source(%dma_start3A_962 : memref<100000x64xf32, #tpu.memory_space<hbm>>) target(%dma_start3A_956 : memref<100x64xf32, #tpu.memory_space<vmem>>) offsets(%dma_start3A_959 : memref<100xi32, #tpu.memory_space<vmem>>) semaphore(%arg13 : memref<!tpu.dma_semaphore, #tpu.memory_space<semaphore_mem>>)
      } else {
      }
      %mul3A_722 = arith.constant 4 : i32
      %mul3A_723 = arith.muli %scan3A_88, %mul3A_722 : i32
      %add3A_724 = arith.constant 3 : i32
      %add3A_725 = arith.addi %mul3A_723, %add3A_724 : i32
      %dma_wait3A_726 = arith.constant 0 : i32
      %dma_wait3A_727 = arith.constant 0 : i32
      %dma_wait3A_728 = arith.constant 0 : i32
      %dma_wait3A_729 = tpu.memref_slice %arg9[%dma_wait3A_727, %dma_wait3A_728] : memref<200x64xf32, #tpu.memory_space<vmem>> -> memref<100x64xf32, #tpu.memory_space<vmem>>
      %dma_wait3A_730 = arith.constant 0 : i32
      %dma_wait3A_731 = tpu.memref_slice %arg5[%dma_wait3A_726, %dma_wait3A_730] : memref<256x100xi32, #tpu.memory_space<vmem>> -> memref<1x100xi32, #tpu.memory_space<vmem>>
      %dma_wait3A_732 = tpu.memref_squeeze %dma_wait3A_731 : memref<1x100xi32, #tpu.memory_space<vmem>> -> memref<100xi32, #tpu.memory_space<vmem>>
      %dma_wait3A_733 = arith.constant 0 : i32
      %dma_wait3A_734 = arith.constant 0 : i32
      %dma_wait3A_735 = tpu.memref_slice %arg3[%dma_wait3A_733, %dma_wait3A_734] : memref<100000x64xf32, #tpu.memory_space<hbm>> -> memref<100000x64xf32, #tpu.memory_space<hbm>>
      tpu.wait_indirect_dma semaphore(%arg14 : memref<!tpu.dma_semaphore, #tpu.memory_space<semaphore_mem>>) src(%dma_wait3A_735 : memref<100000x64xf32, #tpu.memory_space<hbm>>) dst(%dma_wait3A_729 : memref<100x64xf32, #tpu.memory_space<vmem>>)
      %dma_wait3A_736 = arith.constant 0 : i32
      %dma_wait3A_737 = arith.constant 100 : i32
      %dma_wait3A_738 = arith.constant 0 : i32
      %dma_wait3A_739 = tpu.memref_slice %arg9[%dma_wait3A_737, %dma_wait3A_738] : memref<200x64xf32, #tpu.memory_space<vmem>> -> memref<100x64xf32, #tpu.memory_space<vmem>>
      %dma_wait3A_740 = arith.constant 0 : i32
      %dma_wait3A_741 = tpu.memref_slice %arg5[%dma_wait3A_736, %dma_wait3A_740] : memref<256x100xi32, #tpu.memory_space<vmem>> -> memref<1x100xi32, #tpu.memory_space<vmem>>
      %dma_wait3A_742 = tpu.memref_squeeze %dma_wait3A_741 : memref<1x100xi32, #tpu.memory_space<vmem>> -> memref<100xi32, #tpu.memory_space<vmem>>
      %dma_wait3A_743 = arith.constant 0 : i32
      %dma_wait3A_744 = arith.constant 0 : i32
      %dma_wait3A_745 = tpu.memref_slice %arg3[%dma_wait3A_743, %dma_wait3A_744] : memref<100000x64xf32, #tpu.memory_space<hbm>> -> memref<100000x64xf32, #tpu.memory_space<hbm>>
      tpu.wait_indirect_dma semaphore(%arg14 : memref<!tpu.dma_semaphore, #tpu.memory_space<semaphore_mem>>) src(%dma_wait3A_745 : memref<100000x64xf32, #tpu.memory_space<hbm>>) dst(%dma_wait3A_739 : memref<100x64xf32, #tpu.memory_space<vmem>>)
      %broadcast_in_dim3A_746 = arith.constant 0.000000e+00 : f32
      %broadcast_in_dim3A_747 = vector.broadcast %broadcast_in_dim3A_746 : f32 to vector<16xf32>
      %broadcast_in_dim3A_748 = arith.constant 0.000000e+00 : f32
      %broadcast_in_dim3A_749 = vector.broadcast %broadcast_in_dim3A_748 : f32 to vector<16xf32>
      %broadcast_in_dim3A_750 = arith.constant 0.000000e+00 : f32
      %broadcast_in_dim3A_751 = vector.broadcast %broadcast_in_dim3A_750 : f32 to vector<16xf32>
      %broadcast_in_dim3A_752 = arith.constant 0.000000e+00 : f32
      %broadcast_in_dim3A_753 = vector.broadcast %broadcast_in_dim3A_752 : f32 to vector<16xf32>
      %scan3A_754 = arith.constant 0 : i32
      %scan3A_755 = arith.constant 10 : i32
      %scan3A_756 = arith.addi %scan3A_754, %scan3A_755 : i32
      %scan3A_757 = arith.constant 1 : i32
      %scan3A_758:4 = scf.for %scan3A_935 = %scan3A_754 to %scan3A_756 step %scan3A_757 iter_args(%scan3A_936 = %broadcast_in_dim3A_747, %scan3A_937 = %broadcast_in_dim3A_749, %scan3A_938 = %broadcast_in_dim3A_751, %scan3A_939 = %broadcast_in_dim3A_753) -> (vector<16xf32>, vector<16xf32>, vector<16xf32>, vector<16xf32>)  : i32 {
        %mul3A_940 = arith.constant 5 : i32
        %mul3A_941 = arith.muli %scan3A_935, %mul3A_940 : i32
        %add3A_942 = arith.constant 0 : i32
        %add3A_943 = arith.addi %add3A_942, %mul3A_941 : i32
        %add3A_944 = arith.constant 0 : i32
        %add3A_945 = arith.addi %add3A_943, %add3A_944 : i32
        %get3A = arith.index_cast %add3A_945 : i32 to index
        %get3A_946 = arith.constant 0 : index
        %get3A_947 = tpu.vector_load %arg9[%get3A, %get3A_946] {strides = array<i32>} : memref<200x64xf32, #tpu.memory_space<vmem>>, vector<1x16xf32>,
        %get3A_948 = vector.shape_cast %get3A_947 : vector<1x16xf32> to vector<16xf32>
        %add3A_949 = arith.addf %scan3A_936, %get3A_948 : vector<16xf32>
        %get3A_950 = arith.index_cast %add3A_945 : i32 to index
        %get3A_951 = arith.constant 16 : index
        %get3A_952 = tpu.vector_load %arg9[%get3A_950, %get3A_951] {strides = array<i32>} : memref<200x64xf32, #tpu.memory_space<vmem>>, vector<1x16xf32>,
        %get3A_953 = vector.shape_cast %get3A_952 : vector<1x16xf32> to vector<16xf32>
        %add3A_954 = arith.addf %scan3A_937, %get3A_953 : vector<16xf32>
        %get3A_955 = arith.index_cast %add3A_945 : i32 to index
        %get3A_956 = arith.constant 32 : index
        %get3A_957 = tpu.vector_load %arg9[%get3A_955, %get3A_956] {strides = array<i32>} : memref<200x64xf32, #tpu.memory_space<vmem>>, vector<1x16xf32>,
        %get3A_958 = vector.shape_cast %get3A_957 : vector<1x16xf32> to vector<16xf32>
        %add3A_959 = arith.addf %scan3A_938, %get3A_958 : vector<16xf32>
        %get3A_960 = arith.index_cast %add3A_945 : i32 to index
        %get3A_961 = arith.constant 48 : index
        %get3A_962 = tpu.vector_load %arg9[%get3A_960, %get3A_961] {strides = array<i32>} : memref<200x64xf32, #tpu.memory_space<vmem>>, vector<1x16xf32>,
        %get3A_963 = vector.shape_cast %get3A_962 : vector<1x16xf32> to vector<16xf32>
        %add3A_964 = arith.addf %scan3A_939, %get3A_963 : vector<16xf32>
        %mul3A_965 = arith.constant 5 : i32
        %mul3A_966 = arith.muli %scan3A_935, %mul3A_965 : i32
        %add3A_967 = arith.constant 0 : i32
        %add3A_968 = arith.addi %add3A_967, %mul3A_966 : i32
        %add3A_969 = arith.constant 1 : i32
        %add3A_970 = arith.addi %add3A_968, %add3A_969 : i32
        %get3A_971 = arith.index_cast %add3A_970 : i32 to index
        %get3A_972 = arith.constant 0 : index
        %get3A_973 = tpu.vector_load %arg9[%get3A_971, %get3A_972] {strides = array<i32>} : memref<200x64xf32, #tpu.memory_space<vmem>>, vector<1x16xf32>,
        %get3A_974 = vector.shape_cast %get3A_973 : vector<1x16xf32> to vector<16xf32>
        %add3A_975 = arith.addf %add3A_949, %get3A_974 : vector<16xf32>
        %get3A_976 = arith.index_cast %add3A_970 : i32 to index
        %get3A_977 = arith.constant 16 : index
        %get3A_978 = tpu.vector_load %arg9[%get3A_976, %get3A_977] {strides = array<i32>} : memref<200x64xf32, #tpu.memory_space<vmem>>, vector<1x16xf32>,
        %get3A_979 = vector.shape_cast %get3A_978 : vector<1x16xf32> to vector<16xf32>
        %add3A_980 = arith.addf %add3A_954, %get3A_979 : vector<16xf32>
        %get3A_981 = arith.index_cast %add3A_970 : i32 to index
        %get3A_982 = arith.constant 32 : index
        %get3A_983 = tpu.vector_load %arg9[%get3A_981, %get3A_982] {strides = array<i32>} : memref<200x64xf32, #tpu.memory_space<vmem>>, vector<1x16xf32>,
        %get3A_984 = vector.shape_cast %get3A_983 : vector<1x16xf32> to vector<16xf32>
        %add3A_985 = arith.addf %add3A_959, %get3A_984 : vector<16xf32>
        %get3A_986 = arith.index_cast %add3A_970 : i32 to index
        %get3A_987 = arith.constant 48 : index
        %get3A_988 = tpu.vector_load %arg9[%get3A_986, %get3A_987] {strides = array<i32>} : memref<200x64xf32, #tpu.memory_space<vmem>>, vector<1x16xf32>,
        %get3A_989 = vector.shape_cast %get3A_988 : vector<1x16xf32> to vector<16xf32>
        %add3A_990 = arith.addf %add3A_964, %get3A_989 : vector<16xf32>
        %mul3A_991 = arith.constant 5 : i32
        %mul3A_992 = arith.muli %scan3A_935, %mul3A_991 : i32
        %add3A_993 = arith.constant 0 : i32
        %add3A_994 = arith.addi %add3A_993, %mul3A_992 : i32
        %add3A_995 = arith.constant 2 : i32
        %add3A_996 = arith.addi %add3A_994, %add3A_995 : i32
        %get3A_997 = arith.index_cast %add3A_996 : i32 to index
        %get3A_998 = arith.constant 0 : index
        %get3A_999 = tpu.vector_load %arg9[%get3A_997, %get3A_998] {strides = array<i32>} : memref<200x64xf32, #tpu.memory_space<vmem>>, vector<1x16xf32>,
        %get3A_1000 = vector.shape_cast %get3A_999 : vector<1x16xf32> to vector<16xf32>
        %add3A_1001 = arith.addf %add3A_975, %get3A_1000 : vector<16xf32>
        %get3A_1002 = arith.index_cast %add3A_996 : i32 to index
        %get3A_1003 = arith.constant 16 : index
        %get3A_1004 = tpu.vector_load %arg9[%get3A_1002, %get3A_1003] {strides = array<i32>} : memref<200x64xf32, #tpu.memory_space<vmem>>, vector<1x16xf32>,
        %get3A_1005 = vector.shape_cast %get3A_1004 : vector<1x16xf32> to vector<16xf32>
        %add3A_1006 = arith.addf %add3A_980, %get3A_1005 : vector<16xf32>
        %get3A_1007 = arith.index_cast %add3A_996 : i32 to index
        %get3A_1008 = arith.constant 32 : index
        %get3A_1009 = tpu.vector_load %arg9[%get3A_1007, %get3A_1008] {strides = array<i32>} : memref<200x64xf32, #tpu.memory_space<vmem>>, vector<1x16xf32>,
        %get3A_1010 = vector.shape_cast %get3A_1009 : vector<1x16xf32> to vector<16xf32>
        %add3A_1011 = arith.addf %add3A_985, %get3A_1010 : vector<16xf32>
        %get3A_1012 = arith.index_cast %add3A_996 : i32 to index
        %get3A_1013 = arith.constant 48 : index
        %get3A_1014 = tpu.vector_load %arg9[%get3A_1012, %get3A_1013] {strides = array<i32>} : memref<200x64xf32, #tpu.memory_space<vmem>>, vector<1x16xf32>,
        %get3A_1015 = vector.shape_cast %get3A_1014 : vector<1x16xf32> to vector<16xf32>
        %add3A_1016 = arith.addf %add3A_990, %get3A_1015 : vector<16xf32>
        %mul3A_1017 = arith.constant 5 : i32
        %mul3A_1018 = arith.muli %scan3A_935, %mul3A_1017 : i32
        %add3A_1019 = arith.constant 0 : i32
        %add3A_1020 = arith.addi %add3A_1019, %mul3A_1018 : i32
        %add3A_1021 = arith.constant 3 : i32
        %add3A_1022 = arith.addi %add3A_1020, %add3A_1021 : i32
        %get3A_1023 = arith.index_cast %add3A_1022 : i32 to index
        %get3A_1024 = arith.constant 0 : index
        %get3A_1025 = tpu.vector_load %arg9[%get3A_1023, %get3A_1024] {strides = array<i32>} : memref<200x64xf32, #tpu.memory_space<vmem>>, vector<1x16xf32>,
        %get3A_1026 = vector.shape_cast %get3A_1025 : vector<1x16xf32> to vector<16xf32>
        %add3A_1027 = arith.addf %add3A_1001, %get3A_1026 : vector<16xf32>
        %get3A_1028 = arith.index_cast %add3A_1022 : i32 to index
        %get3A_1029 = arith.constant 16 : index
        %get3A_1030 = tpu.vector_load %arg9[%get3A_1028, %get3A_1029] {strides = array<i32>} : memref<200x64xf32, #tpu.memory_space<vmem>>, vector<1x16xf32>,
        %get3A_1031 = vector.shape_cast %get3A_1030 : vector<1x16xf32> to vector<16xf32>
        %add3A_1032 = arith.addf %add3A_1006, %get3A_1031 : vector<16xf32>
        %get3A_1033 = arith.index_cast %add3A_1022 : i32 to index
        %get3A_1034 = arith.constant 32 : index
        %get3A_1035 = tpu.vector_load %arg9[%get3A_1033, %get3A_1034] {strides = array<i32>} : memref<200x64xf32, #tpu.memory_space<vmem>>, vector<1x16xf32>,
        %get3A_1036 = vector.shape_cast %get3A_1035 : vector<1x16xf32> to vector<16xf32>
        %add3A_1037 = arith.addf %add3A_1011, %get3A_1036 : vector<16xf32>
        %get3A_1038 = arith.index_cast %add3A_1022 : i32 to index
        %get3A_1039 = arith.constant 48 : index
        %get3A_1040 = tpu.vector_load %arg9[%get3A_1038, %get3A_1039] {strides = array<i32>} : memref<200x64xf32, #tpu.memory_space<vmem>>, vector<1x16xf32>,
        %get3A_1041 = vector.shape_cast %get3A_1040 : vector<1x16xf32> to vector<16xf32>
        %add3A_1042 = arith.addf %add3A_1016, %get3A_1041 : vector<16xf32>
        %mul3A_1043 = arith.constant 5 : i32
        %mul3A_1044 = arith.muli %scan3A_935, %mul3A_1043 : i32
        %add3A_1045 = arith.constant 0 : i32
        %add3A_1046 = arith.addi %add3A_1045, %mul3A_1044 : i32
        %add3A_1047 = arith.constant 4 : i32
        %add3A_1048 = arith.addi %add3A_1046, %add3A_1047 : i32
        %get3A_1049 = arith.index_cast %add3A_1048 : i32 to index
        %get3A_1050 = arith.constant 0 : index
        %get3A_1051 = tpu.vector_load %arg9[%get3A_1049, %get3A_1050] {strides = array<i32>} : memref<200x64xf32, #tpu.memory_space<vmem>>, vector<1x16xf32>,
        %get3A_1052 = vector.shape_cast %get3A_1051 : vector<1x16xf32> to vector<16xf32>
        %add3A_1053 = arith.addf %add3A_1027, %get3A_1052 : vector<16xf32>
        %get3A_1054 = arith.index_cast %add3A_1048 : i32 to index
        %get3A_1055 = arith.constant 16 : index
        %get3A_1056 = tpu.vector_load %arg9[%get3A_1054, %get3A_1055] {strides = array<i32>} : memref<200x64xf32, #tpu.memory_space<vmem>>, vector<1x16xf32>,
        %get3A_1057 = vector.shape_cast %get3A_1056 : vector<1x16xf32> to vector<16xf32>
        %add3A_1058 = arith.addf %add3A_1032, %get3A_1057 : vector<16xf32>
        %get3A_1059 = arith.index_cast %add3A_1048 : i32 to index
        %get3A_1060 = arith.constant 32 : index
        %get3A_1061 = tpu.vector_load %arg9[%get3A_1059, %get3A_1060] {strides = array<i32>} : memref<200x64xf32, #tpu.memory_space<vmem>>, vector<1x16xf32>,
        %get3A_1062 = vector.shape_cast %get3A_1061 : vector<1x16xf32> to vector<16xf32>
        %add3A_1063 = arith.addf %add3A_1037, %get3A_1062 : vector<16xf32>
        %get3A_1064 = arith.index_cast %add3A_1048 : i32 to index
        %get3A_1065 = arith.constant 48 : index
        %get3A_1066 = tpu.vector_load %arg9[%get3A_1064, %get3A_1065] {strides = array<i32>} : memref<200x64xf32, #tpu.memory_space<vmem>>, vector<1x16xf32>,
        %get3A_1067 = vector.shape_cast %get3A_1066 : vector<1x16xf32> to vector<16xf32>
        %add3A_1068 = arith.addf %add3A_1042, %get3A_1067 : vector<16xf32>
        scf.yield %add3A_1053, %add3A_1058, %add3A_1063, %add3A_1068 : vector<16xf32>, vector<16xf32>, vector<16xf32>, vector<16xf32>
      }
      %scan3A_759 = arith.constant 10 : i32
      %mul3A_760 = arith.constant 4 : i32
      %mul3A_761 = arith.muli %add3A_725, %mul3A_760 : i32
      %add3A_762 = arith.constant 0 : i32
      %add3A_763 = arith.addi %mul3A_761, %add3A_762 : i32
      %mul3A_764 = vector.broadcast %scan3A_80 : f32 to vector<16xf32>
      %mul3A_765 = arith.mulf %scan3A_758#0, %mul3A_764 : vector<16xf32>
      %swap3A_766 = arith.index_cast %add3A_763 : i32 to index
      %swap3A_767 = arith.constant 0 : index
      %swap3A_768 = tpu.vector_load %arg10[%swap3A_766, %swap3A_767] {strides = array<i32>} : memref<512x64xf32, #tpu.memory_space<vmem>>, vector<1x16xf32>,
      %swap3A_769 = vector.shape_cast %swap3A_768 : vector<1x16xf32> to vector<16xf32>
      %swap3A_770 = vector.shape_cast %mul3A_765 : vector<16xf32> to vector<1x16xf32>
      tpu.vector_store %arg10[%swap3A_766, %swap3A_767], %swap3A_770 {strides = array<i32>} : memref<512x64xf32, #tpu.memory_space<vmem>>, vector<1x16xf32>,
      %mul3A_771 = vector.broadcast %scan3A_80 : f32 to vector<16xf32>
      %mul3A_772 = arith.mulf %scan3A_758#1, %mul3A_771 : vector<16xf32>
      %swap3A_773 = arith.index_cast %add3A_763 : i32 to index
      %swap3A_774 = arith.constant 16 : index
      %swap3A_775 = tpu.vector_load %arg10[%swap3A_773, %swap3A_774] {strides = array<i32>} : memref<512x64xf32, #tpu.memory_space<vmem>>, vector<1x16xf32>,
      %swap3A_776 = vector.shape_cast %swap3A_775 : vector<1x16xf32> to vector<16xf32>
      %swap3A_777 = vector.shape_cast %mul3A_772 : vector<16xf32> to vector<1x16xf32>
      tpu.vector_store %arg10[%swap3A_773, %swap3A_774], %swap3A_777 {strides = array<i32>} : memref<512x64xf32, #tpu.memory_space<vmem>>, vector<1x16xf32>,
      %mul3A_778 = vector.broadcast %scan3A_80 : f32 to vector<16xf32>
      %mul3A_779 = arith.mulf %scan3A_758#2, %mul3A_778 : vector<16xf32>
      %swap3A_780 = arith.index_cast %add3A_763 : i32 to index
      %swap3A_781 = arith.constant 32 : index
      %swap3A_782 = tpu.vector_load %arg10[%swap3A_780, %swap3A_781] {strides = array<i32>} : memref<512x64xf32, #tpu.memory_space<vmem>>, vector<1x16xf32>,
      %swap3A_783 = vector.shape_cast %swap3A_782 : vector<1x16xf32> to vector<16xf32>
      %swap3A_784 = vector.shape_cast %mul3A_779 : vector<16xf32> to vector<1x16xf32>
      tpu.vector_store %arg10[%swap3A_780, %swap3A_781], %swap3A_784 {strides = array<i32>} : memref<512x64xf32, #tpu.memory_space<vmem>>, vector<1x16xf32>,
      %mul3A_785 = vector.broadcast %scan3A_80 : f32 to vector<16xf32>
      %mul3A_786 = arith.mulf %scan3A_758#3, %mul3A_785 : vector<16xf32>
      %swap3A_787 = arith.index_cast %add3A_763 : i32 to index
      %swap3A_788 = arith.constant 48 : index
      %swap3A_789 = tpu.vector_load %arg10[%swap3A_787, %swap3A_788] {strides = array<i32>} : memref<512x64xf32, #tpu.memory_space<vmem>>, vector<1x16xf32>,
      %swap3A_790 = vector.shape_cast %swap3A_789 : vector<1x16xf32> to vector<16xf32>
      %swap3A_791 = vector.shape_cast %mul3A_786 : vector<16xf32> to vector<1x16xf32>
      tpu.vector_store %arg10[%swap3A_787, %swap3A_788], %swap3A_791 {strides = array<i32>} : memref<512x64xf32, #tpu.memory_space<vmem>>, vector<1x16xf32>,
      %broadcast_in_dim3A_792 = arith.constant 0.000000e+00 : f32
      %broadcast_in_dim3A_793 = vector.broadcast %broadcast_in_dim3A_792 : f32 to vector<16xf32>
      %broadcast_in_dim3A_794 = arith.constant 0.000000e+00 : f32
      %broadcast_in_dim3A_795 = vector.broadcast %broadcast_in_dim3A_794 : f32 to vector<16xf32>
      %broadcast_in_dim3A_796 = arith.constant 0.000000e+00 : f32
      %broadcast_in_dim3A_797 = vector.broadcast %broadcast_in_dim3A_796 : f32 to vector<16xf32>
      %broadcast_in_dim3A_798 = arith.constant 0.000000e+00 : f32
      %broadcast_in_dim3A_799 = vector.broadcast %broadcast_in_dim3A_798 : f32 to vector<16xf32>
      %scan3A_800 = arith.constant 0 : i32
      %scan3A_801 = arith.constant 10 : i32
      %scan3A_802 = arith.addi %scan3A_800, %scan3A_801 : i32
      %scan3A_803 = arith.constant 1 : i32
      %scan3A_804:4 = scf.for %scan3A_935 = %scan3A_800 to %scan3A_802 step %scan3A_803 iter_args(%scan3A_936 = %broadcast_in_dim3A_793, %scan3A_937 = %broadcast_in_dim3A_795, %scan3A_938 = %broadcast_in_dim3A_797, %scan3A_939 = %broadcast_in_dim3A_799) -> (vector<16xf32>, vector<16xf32>, vector<16xf32>, vector<16xf32>)  : i32 {
        %mul3A_940 = arith.constant 5 : i32
        %mul3A_941 = arith.muli %scan3A_935, %mul3A_940 : i32
        %add3A_942 = arith.constant 50 : i32
        %add3A_943 = arith.addi %add3A_942, %mul3A_941 : i32
        %add3A_944 = arith.constant 0 : i32
        %add3A_945 = arith.addi %add3A_943, %add3A_944 : i32
        %get3A = arith.index_cast %add3A_945 : i32 to index
        %get3A_946 = arith.constant 0 : index
        %get3A_947 = tpu.vector_load %arg9[%get3A, %get3A_946] {strides = array<i32>} : memref<200x64xf32, #tpu.memory_space<vmem>>, vector<1x16xf32>,
        %get3A_948 = vector.shape_cast %get3A_947 : vector<1x16xf32> to vector<16xf32>
        %add3A_949 = arith.addf %scan3A_936, %get3A_948 : vector<16xf32>
        %get3A_950 = arith.index_cast %add3A_945 : i32 to index
        %get3A_951 = arith.constant 16 : index
        %get3A_952 = tpu.vector_load %arg9[%get3A_950, %get3A_951] {strides = array<i32>} : memref<200x64xf32, #tpu.memory_space<vmem>>, vector<1x16xf32>,
        %get3A_953 = vector.shape_cast %get3A_952 : vector<1x16xf32> to vector<16xf32>
        %add3A_954 = arith.addf %scan3A_937, %get3A_953 : vector<16xf32>
        %get3A_955 = arith.index_cast %add3A_945 : i32 to index
        %get3A_956 = arith.constant 32 : index
        %get3A_957 = tpu.vector_load %arg9[%get3A_955, %get3A_956] {strides = array<i32>} : memref<200x64xf32, #tpu.memory_space<vmem>>, vector<1x16xf32>,
        %get3A_958 = vector.shape_cast %get3A_957 : vector<1x16xf32> to vector<16xf32>
        %add3A_959 = arith.addf %scan3A_938, %get3A_958 : vector<16xf32>
        %get3A_960 = arith.index_cast %add3A_945 : i32 to index
        %get3A_961 = arith.constant 48 : index
        %get3A_962 = tpu.vector_load %arg9[%get3A_960, %get3A_961] {strides = array<i32>} : memref<200x64xf32, #tpu.memory_space<vmem>>, vector<1x16xf32>,
        %get3A_963 = vector.shape_cast %get3A_962 : vector<1x16xf32> to vector<16xf32>
        %add3A_964 = arith.addf %scan3A_939, %get3A_963 : vector<16xf32>
        %mul3A_965 = arith.constant 5 : i32
        %mul3A_966 = arith.muli %scan3A_935, %mul3A_965 : i32
        %add3A_967 = arith.constant 50 : i32
        %add3A_968 = arith.addi %add3A_967, %mul3A_966 : i32
        %add3A_969 = arith.constant 1 : i32
        %add3A_970 = arith.addi %add3A_968, %add3A_969 : i32
        %get3A_971 = arith.index_cast %add3A_970 : i32 to index
        %get3A_972 = arith.constant 0 : index
        %get3A_973 = tpu.vector_load %arg9[%get3A_971, %get3A_972] {strides = array<i32>} : memref<200x64xf32, #tpu.memory_space<vmem>>, vector<1x16xf32>,
        %get3A_974 = vector.shape_cast %get3A_973 : vector<1x16xf32> to vector<16xf32>
        %add3A_975 = arith.addf %add3A_949, %get3A_974 : vector<16xf32>
        %get3A_976 = arith.index_cast %add3A_970 : i32 to index
        %get3A_977 = arith.constant 16 : index
        %get3A_978 = tpu.vector_load %arg9[%get3A_976, %get3A_977] {strides = array<i32>} : memref<200x64xf32, #tpu.memory_space<vmem>>, vector<1x16xf32>,
        %get3A_979 = vector.shape_cast %get3A_978 : vector<1x16xf32> to vector<16xf32>
        %add3A_980 = arith.addf %add3A_954, %get3A_979 : vector<16xf32>
        %get3A_981 = arith.index_cast %add3A_970 : i32 to index
        %get3A_982 = arith.constant 32 : index
        %get3A_983 = tpu.vector_load %arg9[%get3A_981, %get3A_982] {strides = array<i32>} : memref<200x64xf32, #tpu.memory_space<vmem>>, vector<1x16xf32>,
        %get3A_984 = vector.shape_cast %get3A_983 : vector<1x16xf32> to vector<16xf32>
        %add3A_985 = arith.addf %add3A_959, %get3A_984 : vector<16xf32>
        %get3A_986 = arith.index_cast %add3A_970 : i32 to index
        %get3A_987 = arith.constant 48 : index
        %get3A_988 = tpu.vector_load %arg9[%get3A_986, %get3A_987] {strides = array<i32>} : memref<200x64xf32, #tpu.memory_space<vmem>>, vector<1x16xf32>,
        %get3A_989 = vector.shape_cast %get3A_988 : vector<1x16xf32> to vector<16xf32>
        %add3A_990 = arith.addf %add3A_964, %get3A_989 : vector<16xf32>
        %mul3A_991 = arith.constant 5 : i32
        %mul3A_992 = arith.muli %scan3A_935, %mul3A_991 : i32
        %add3A_993 = arith.constant 50 : i32
        %add3A_994 = arith.addi %add3A_993, %mul3A_992 : i32
        %add3A_995 = arith.constant 2 : i32
        %add3A_996 = arith.addi %add3A_994, %add3A_995 : i32
        %get3A_997 = arith.index_cast %add3A_996 : i32 to index
        %get3A_998 = arith.constant 0 : index
        %get3A_999 = tpu.vector_load %arg9[%get3A_997, %get3A_998] {strides = array<i32>} : memref<200x64xf32, #tpu.memory_space<vmem>>, vector<1x16xf32>,
        %get3A_1000 = vector.shape_cast %get3A_999 : vector<1x16xf32> to vector<16xf32>
        %add3A_1001 = arith.addf %add3A_975, %get3A_1000 : vector<16xf32>
        %get3A_1002 = arith.index_cast %add3A_996 : i32 to index
        %get3A_1003 = arith.constant 16 : index
        %get3A_1004 = tpu.vector_load %arg9[%get3A_1002, %get3A_1003] {strides = array<i32>} : memref<200x64xf32, #tpu.memory_space<vmem>>, vector<1x16xf32>,
        %get3A_1005 = vector.shape_cast %get3A_1004 : vector<1x16xf32> to vector<16xf32>
        %add3A_1006 = arith.addf %add3A_980, %get3A_1005 : vector<16xf32>
        %get3A_1007 = arith.index_cast %add3A_996 : i32 to index
        %get3A_1008 = arith.constant 32 : index
        %get3A_1009 = tpu.vector_load %arg9[%get3A_1007, %get3A_1008] {strides = array<i32>} : memref<200x64xf32, #tpu.memory_space<vmem>>, vector<1x16xf32>,
        %get3A_1010 = vector.shape_cast %get3A_1009 : vector<1x16xf32> to vector<16xf32>
        %add3A_1011 = arith.addf %add3A_985, %get3A_1010 : vector<16xf32>
        %get3A_1012 = arith.index_cast %add3A_996 : i32 to index
        %get3A_1013 = arith.constant 48 : index
        %get3A_1014 = tpu.vector_load %arg9[%get3A_1012, %get3A_1013] {strides = array<i32>} : memref<200x64xf32, #tpu.memory_space<vmem>>, vector<1x16xf32>,
        %get3A_1015 = vector.shape_cast %get3A_1014 : vector<1x16xf32> to vector<16xf32>
        %add3A_1016 = arith.addf %add3A_990, %get3A_1015 : vector<16xf32>
        %mul3A_1017 = arith.constant 5 : i32
        %mul3A_1018 = arith.muli %scan3A_935, %mul3A_1017 : i32
        %add3A_1019 = arith.constant 50 : i32
        %add3A_1020 = arith.addi %add3A_1019, %mul3A_1018 : i32
        %add3A_1021 = arith.constant 3 : i32
        %add3A_1022 = arith.addi %add3A_1020, %add3A_1021 : i32
        %get3A_1023 = arith.index_cast %add3A_1022 : i32 to index
        %get3A_1024 = arith.constant 0 : index
        %get3A_1025 = tpu.vector_load %arg9[%get3A_1023, %get3A_1024] {strides = array<i32>} : memref<200x64xf32, #tpu.memory_space<vmem>>, vector<1x16xf32>,
        %get3A_1026 = vector.shape_cast %get3A_1025 : vector<1x16xf32> to vector<16xf32>
        %add3A_1027 = arith.addf %add3A_1001, %get3A_1026 : vector<16xf32>
        %get3A_1028 = arith.index_cast %add3A_1022 : i32 to index
        %get3A_1029 = arith.constant 16 : index
        %get3A_1030 = tpu.vector_load %arg9[%get3A_1028, %get3A_1029] {strides = array<i32>} : memref<200x64xf32, #tpu.memory_space<vmem>>, vector<1x16xf32>,
        %get3A_1031 = vector.shape_cast %get3A_1030 : vector<1x16xf32> to vector<16xf32>
        %add3A_1032 = arith.addf %add3A_1006, %get3A_1031 : vector<16xf32>
        %get3A_1033 = arith.index_cast %add3A_1022 : i32 to index
        %get3A_1034 = arith.constant 32 : index
        %get3A_1035 = tpu.vector_load %arg9[%get3A_1033, %get3A_1034] {strides = array<i32>} : memref<200x64xf32, #tpu.memory_space<vmem>>, vector<1x16xf32>,
        %get3A_1036 = vector.shape_cast %get3A_1035 : vector<1x16xf32> to vector<16xf32>
        %add3A_1037 = arith.addf %add3A_1011, %get3A_1036 : vector<16xf32>
        %get3A_1038 = arith.index_cast %add3A_1022 : i32 to index
        %get3A_1039 = arith.constant 48 : index
        %get3A_1040 = tpu.vector_load %arg9[%get3A_1038, %get3A_1039] {strides = array<i32>} : memref<200x64xf32, #tpu.memory_space<vmem>>, vector<1x16xf32>,
        %get3A_1041 = vector.shape_cast %get3A_1040 : vector<1x16xf32> to vector<16xf32>
        %add3A_1042 = arith.addf %add3A_1016, %get3A_1041 : vector<16xf32>
        %mul3A_1043 = arith.constant 5 : i32
        %mul3A_1044 = arith.muli %scan3A_935, %mul3A_1043 : i32
        %add3A_1045 = arith.constant 50 : i32
        %add3A_1046 = arith.addi %add3A_1045, %mul3A_1044 : i32
        %add3A_1047 = arith.constant 4 : i32
        %add3A_1048 = arith.addi %add3A_1046, %add3A_1047 : i32
        %get3A_1049 = arith.index_cast %add3A_1048 : i32 to index
        %get3A_1050 = arith.constant 0 : index
        %get3A_1051 = tpu.vector_load %arg9[%get3A_1049, %get3A_1050] {strides = array<i32>} : memref<200x64xf32, #tpu.memory_space<vmem>>, vector<1x16xf32>,
        %get3A_1052 = vector.shape_cast %get3A_1051 : vector<1x16xf32> to vector<16xf32>
        %add3A_1053 = arith.addf %add3A_1027, %get3A_1052 : vector<16xf32>
        %get3A_1054 = arith.index_cast %add3A_1048 : i32 to index
        %get3A_1055 = arith.constant 16 : index
        %get3A_1056 = tpu.vector_load %arg9[%get3A_1054, %get3A_1055] {strides = array<i32>} : memref<200x64xf32, #tpu.memory_space<vmem>>, vector<1x16xf32>,
        %get3A_1057 = vector.shape_cast %get3A_1056 : vector<1x16xf32> to vector<16xf32>
        %add3A_1058 = arith.addf %add3A_1032, %get3A_1057 : vector<16xf32>
        %get3A_1059 = arith.index_cast %add3A_1048 : i32 to index
        %get3A_1060 = arith.constant 32 : index
        %get3A_1061 = tpu.vector_load %arg9[%get3A_1059, %get3A_1060] {strides = array<i32>} : memref<200x64xf32, #tpu.memory_space<vmem>>, vector<1x16xf32>,
        %get3A_1062 = vector.shape_cast %get3A_1061 : vector<1x16xf32> to vector<16xf32>
        %add3A_1063 = arith.addf %add3A_1037, %get3A_1062 : vector<16xf32>
        %get3A_1064 = arith.index_cast %add3A_1048 : i32 to index
        %get3A_1065 = arith.constant 48 : index
        %get3A_1066 = tpu.vector_load %arg9[%get3A_1064, %get3A_1065] {strides = array<i32>} : memref<200x64xf32, #tpu.memory_space<vmem>>, vector<1x16xf32>,
        %get3A_1067 = vector.shape_cast %get3A_1066 : vector<1x16xf32> to vector<16xf32>
        %add3A_1068 = arith.addf %add3A_1042, %get3A_1067 : vector<16xf32>
        scf.yield %add3A_1053, %add3A_1058, %add3A_1063, %add3A_1068 : vector<16xf32>, vector<16xf32>, vector<16xf32>, vector<16xf32>
      }
      %scan3A_805 = arith.constant 10 : i32
      %mul3A_806 = arith.constant 4 : i32
      %mul3A_807 = arith.muli %add3A_725, %mul3A_806 : i32
      %add3A_808 = arith.constant 1 : i32
      %add3A_809 = arith.addi %mul3A_807, %add3A_808 : i32
      %mul3A_810 = vector.broadcast %scan3A_80 : f32 to vector<16xf32>
      %mul3A_811 = arith.mulf %scan3A_804#0, %mul3A_810 : vector<16xf32>
      %swap3A_812 = arith.index_cast %add3A_809 : i32 to index
      %swap3A_813 = arith.constant 0 : index
      %swap3A_814 = tpu.vector_load %arg10[%swap3A_812, %swap3A_813] {strides = array<i32>} : memref<512x64xf32, #tpu.memory_space<vmem>>, vector<1x16xf32>,
      %swap3A_815 = vector.shape_cast %swap3A_814 : vector<1x16xf32> to vector<16xf32>
      %swap3A_816 = vector.shape_cast %mul3A_811 : vector<16xf32> to vector<1x16xf32>
      tpu.vector_store %arg10[%swap3A_812, %swap3A_813], %swap3A_816 {strides = array<i32>} : memref<512x64xf32, #tpu.memory_space<vmem>>, vector<1x16xf32>,
      %mul3A_817 = vector.broadcast %scan3A_80 : f32 to vector<16xf32>
      %mul3A_818 = arith.mulf %scan3A_804#1, %mul3A_817 : vector<16xf32>
      %swap3A_819 = arith.index_cast %add3A_809 : i32 to index
      %swap3A_820 = arith.constant 16 : index
      %swap3A_821 = tpu.vector_load %arg10[%swap3A_819, %swap3A_820] {strides = array<i32>} : memref<512x64xf32, #tpu.memory_space<vmem>>, vector<1x16xf32>,
      %swap3A_822 = vector.shape_cast %swap3A_821 : vector<1x16xf32> to vector<16xf32>
      %swap3A_823 = vector.shape_cast %mul3A_818 : vector<16xf32> to vector<1x16xf32>
      tpu.vector_store %arg10[%swap3A_819, %swap3A_820], %swap3A_823 {strides = array<i32>} : memref<512x64xf32, #tpu.memory_space<vmem>>, vector<1x16xf32>,
      %mul3A_824 = vector.broadcast %scan3A_80 : f32 to vector<16xf32>
      %mul3A_825 = arith.mulf %scan3A_804#2, %mul3A_824 : vector<16xf32>
      %swap3A_826 = arith.index_cast %add3A_809 : i32 to index
      %swap3A_827 = arith.constant 32 : index
      %swap3A_828 = tpu.vector_load %arg10[%swap3A_826, %swap3A_827] {strides = array<i32>} : memref<512x64xf32, #tpu.memory_space<vmem>>, vector<1x16xf32>,
      %swap3A_829 = vector.shape_cast %swap3A_828 : vector<1x16xf32> to vector<16xf32>
      %swap3A_830 = vector.shape_cast %mul3A_825 : vector<16xf32> to vector<1x16xf32>
      tpu.vector_store %arg10[%swap3A_826, %swap3A_827], %swap3A_830 {strides = array<i32>} : memref<512x64xf32, #tpu.memory_space<vmem>>, vector<1x16xf32>,
      %mul3A_831 = vector.broadcast %scan3A_80 : f32 to vector<16xf32>
      %mul3A_832 = arith.mulf %scan3A_804#3, %mul3A_831 : vector<16xf32>
      %swap3A_833 = arith.index_cast %add3A_809 : i32 to index
      %swap3A_834 = arith.constant 48 : index
      %swap3A_835 = tpu.vector_load %arg10[%swap3A_833, %swap3A_834] {strides = array<i32>} : memref<512x64xf32, #tpu.memory_space<vmem>>, vector<1x16xf32>,
      %swap3A_836 = vector.shape_cast %swap3A_835 : vector<1x16xf32> to vector<16xf32>
      %swap3A_837 = vector.shape_cast %mul3A_832 : vector<16xf32> to vector<1x16xf32>
      tpu.vector_store %arg10[%swap3A_833, %swap3A_834], %swap3A_837 {strides = array<i32>} : memref<512x64xf32, #tpu.memory_space<vmem>>, vector<1x16xf32>,
      %broadcast_in_dim3A_838 = arith.constant 0.000000e+00 : f32
      %broadcast_in_dim3A_839 = vector.broadcast %broadcast_in_dim3A_838 : f32 to vector<16xf32>
      %broadcast_in_dim3A_840 = arith.constant 0.000000e+00 : f32
      %broadcast_in_dim3A_841 = vector.broadcast %broadcast_in_dim3A_840 : f32 to vector<16xf32>
      %broadcast_in_dim3A_842 = arith.constant 0.000000e+00 : f32
      %broadcast_in_dim3A_843 = vector.broadcast %broadcast_in_dim3A_842 : f32 to vector<16xf32>
      %broadcast_in_dim3A_844 = arith.constant 0.000000e+00 : f32
      %broadcast_in_dim3A_845 = vector.broadcast %broadcast_in_dim3A_844 : f32 to vector<16xf32>
      %scan3A_846 = arith.constant 0 : i32
      %scan3A_847 = arith.constant 10 : i32
      %scan3A_848 = arith.addi %scan3A_846, %scan3A_847 : i32
      %scan3A_849 = arith.constant 1 : i32
      %scan3A_850:4 = scf.for %scan3A_935 = %scan3A_846 to %scan3A_848 step %scan3A_849 iter_args(%scan3A_936 = %broadcast_in_dim3A_839, %scan3A_937 = %broadcast_in_dim3A_841, %scan3A_938 = %broadcast_in_dim3A_843, %scan3A_939 = %broadcast_in_dim3A_845) -> (vector<16xf32>, vector<16xf32>, vector<16xf32>, vector<16xf32>)  : i32 {
        %mul3A_940 = arith.constant 5 : i32
        %mul3A_941 = arith.muli %scan3A_935, %mul3A_940 : i32
        %add3A_942 = arith.constant 100 : i32
        %add3A_943 = arith.addi %add3A_942, %mul3A_941 : i32
        %add3A_944 = arith.constant 0 : i32
        %add3A_945 = arith.addi %add3A_943, %add3A_944 : i32
        %get3A = arith.index_cast %add3A_945 : i32 to index
        %get3A_946 = arith.constant 0 : index
        %get3A_947 = tpu.vector_load %arg9[%get3A, %get3A_946] {strides = array<i32>} : memref<200x64xf32, #tpu.memory_space<vmem>>, vector<1x16xf32>,
        %get3A_948 = vector.shape_cast %get3A_947 : vector<1x16xf32> to vector<16xf32>
        %add3A_949 = arith.addf %scan3A_936, %get3A_948 : vector<16xf32>
        %get3A_950 = arith.index_cast %add3A_945 : i32 to index
        %get3A_951 = arith.constant 16 : index
        %get3A_952 = tpu.vector_load %arg9[%get3A_950, %get3A_951] {strides = array<i32>} : memref<200x64xf32, #tpu.memory_space<vmem>>, vector<1x16xf32>,
        %get3A_953 = vector.shape_cast %get3A_952 : vector<1x16xf32> to vector<16xf32>
        %add3A_954 = arith.addf %scan3A_937, %get3A_953 : vector<16xf32>
        %get3A_955 = arith.index_cast %add3A_945 : i32 to index
        %get3A_956 = arith.constant 32 : index
        %get3A_957 = tpu.vector_load %arg9[%get3A_955, %get3A_956] {strides = array<i32>} : memref<200x64xf32, #tpu.memory_space<vmem>>, vector<1x16xf32>,
        %get3A_958 = vector.shape_cast %get3A_957 : vector<1x16xf32> to vector<16xf32>
        %add3A_959 = arith.addf %scan3A_938, %get3A_958 : vector<16xf32>
        %get3A_960 = arith.index_cast %add3A_945 : i32 to index
        %get3A_961 = arith.constant 48 : index
        %get3A_962 = tpu.vector_load %arg9[%get3A_960, %get3A_961] {strides = array<i32>} : memref<200x64xf32, #tpu.memory_space<vmem>>, vector<1x16xf32>,
        %get3A_963 = vector.shape_cast %get3A_962 : vector<1x16xf32> to vector<16xf32>
        %add3A_964 = arith.addf %scan3A_939, %get3A_963 : vector<16xf32>
        %mul3A_965 = arith.constant 5 : i32
        %mul3A_966 = arith.muli %scan3A_935, %mul3A_965 : i32
        %add3A_967 = arith.constant 100 : i32
        %add3A_968 = arith.addi %add3A_967, %mul3A_966 : i32
        %add3A_969 = arith.constant 1 : i32
        %add3A_970 = arith.addi %add3A_968, %add3A_969 : i32
        %get3A_971 = arith.index_cast %add3A_970 : i32 to index
        %get3A_972 = arith.constant 0 : index
        %get3A_973 = tpu.vector_load %arg9[%get3A_971, %get3A_972] {strides = array<i32>} : memref<200x64xf32, #tpu.memory_space<vmem>>, vector<1x16xf32>,
        %get3A_974 = vector.shape_cast %get3A_973 : vector<1x16xf32> to vector<16xf32>
        %add3A_975 = arith.addf %add3A_949, %get3A_974 : vector<16xf32>
        %get3A_976 = arith.index_cast %add3A_970 : i32 to index
        %get3A_977 = arith.constant 16 : index
        %get3A_978 = tpu.vector_load %arg9[%get3A_976, %get3A_977] {strides = array<i32>} : memref<200x64xf32, #tpu.memory_space<vmem>>, vector<1x16xf32>,
        %get3A_979 = vector.shape_cast %get3A_978 : vector<1x16xf32> to vector<16xf32>
        %add3A_980 = arith.addf %add3A_954, %get3A_979 : vector<16xf32>
        %get3A_981 = arith.index_cast %add3A_970 : i32 to index
        %get3A_982 = arith.constant 32 : index
        %get3A_983 = tpu.vector_load %arg9[%get3A_981, %get3A_982] {strides = array<i32>} : memref<200x64xf32, #tpu.memory_space<vmem>>, vector<1x16xf32>,
        %get3A_984 = vector.shape_cast %get3A_983 : vector<1x16xf32> to vector<16xf32>
        %add3A_985 = arith.addf %add3A_959, %get3A_984 : vector<16xf32>
        %get3A_986 = arith.index_cast %add3A_970 : i32 to index
        %get3A_987 = arith.constant 48 : index
        %get3A_988 = tpu.vector_load %arg9[%get3A_986, %get3A_987] {strides = array<i32>} : memref<200x64xf32, #tpu.memory_space<vmem>>, vector<1x16xf32>,
        %get3A_989 = vector.shape_cast %get3A_988 : vector<1x16xf32> to vector<16xf32>
        %add3A_990 = arith.addf %add3A_964, %get3A_989 : vector<16xf32>
        %mul3A_991 = arith.constant 5 : i32
        %mul3A_992 = arith.muli %scan3A_935, %mul3A_991 : i32
        %add3A_993 = arith.constant 100 : i32
        %add3A_994 = arith.addi %add3A_993, %mul3A_992 : i32
        %add3A_995 = arith.constant 2 : i32
        %add3A_996 = arith.addi %add3A_994, %add3A_995 : i32
        %get3A_997 = arith.index_cast %add3A_996 : i32 to index
        %get3A_998 = arith.constant 0 : index
        %get3A_999 = tpu.vector_load %arg9[%get3A_997, %get3A_998] {strides = array<i32>} : memref<200x64xf32, #tpu.memory_space<vmem>>, vector<1x16xf32>,
        %get3A_1000 = vector.shape_cast %get3A_999 : vector<1x16xf32> to vector<16xf32>
        %add3A_1001 = arith.addf %add3A_975, %get3A_1000 : vector<16xf32>
        %get3A_1002 = arith.index_cast %add3A_996 : i32 to index
        %get3A_1003 = arith.constant 16 : index
        %get3A_1004 = tpu.vector_load %arg9[%get3A_1002, %get3A_1003] {strides = array<i32>} : memref<200x64xf32, #tpu.memory_space<vmem>>, vector<1x16xf32>,
        %get3A_1005 = vector.shape_cast %get3A_1004 : vector<1x16xf32> to vector<16xf32>
        %add3A_1006 = arith.addf %add3A_980, %get3A_1005 : vector<16xf32>
        %get3A_1007 = arith.index_cast %add3A_996 : i32 to index
        %get3A_1008 = arith.constant 32 : index
        %get3A_1009 = tpu.vector_load %arg9[%get3A_1007, %get3A_1008] {strides = array<i32>} : memref<200x64xf32, #tpu.memory_space<vmem>>, vector<1x16xf32>,
        %get3A_1010 = vector.shape_cast %get3A_1009 : vector<1x16xf32> to vector<16xf32>
        %add3A_1011 = arith.addf %add3A_985, %get3A_1010 : vector<16xf32>
        %get3A_1012 = arith.index_cast %add3A_996 : i32 to index
        %get3A_1013 = arith.constant 48 : index
        %get3A_1014 = tpu.vector_load %arg9[%get3A_1012, %get3A_1013] {strides = array<i32>} : memref<200x64xf32, #tpu.memory_space<vmem>>, vector<1x16xf32>,
        %get3A_1015 = vector.shape_cast %get3A_1014 : vector<1x16xf32> to vector<16xf32>
        %add3A_1016 = arith.addf %add3A_990, %get3A_1015 : vector<16xf32>
        %mul3A_1017 = arith.constant 5 : i32
        %mul3A_1018 = arith.muli %scan3A_935, %mul3A_1017 : i32
        %add3A_1019 = arith.constant 100 : i32
        %add3A_1020 = arith.addi %add3A_1019, %mul3A_1018 : i32
        %add3A_1021 = arith.constant 3 : i32
        %add3A_1022 = arith.addi %add3A_1020, %add3A_1021 : i32
        %get3A_1023 = arith.index_cast %add3A_1022 : i32 to index
        %get3A_1024 = arith.constant 0 : index
        %get3A_1025 = tpu.vector_load %arg9[%get3A_1023, %get3A_1024] {strides = array<i32>} : memref<200x64xf32, #tpu.memory_space<vmem>>, vector<1x16xf32>,
        %get3A_1026 = vector.shape_cast %get3A_1025 : vector<1x16xf32> to vector<16xf32>
        %add3A_1027 = arith.addf %add3A_1001, %get3A_1026 : vector<16xf32>
        %get3A_1028 = arith.index_cast %add3A_1022 : i32 to index
        %get3A_1029 = arith.constant 16 : index
        %get3A_1030 = tpu.vector_load %arg9[%get3A_1028, %get3A_1029] {strides = array<i32>} : memref<200x64xf32, #tpu.memory_space<vmem>>, vector<1x16xf32>,
        %get3A_1031 = vector.shape_cast %get3A_1030 : vector<1x16xf32> to vector<16xf32>
        %add3A_1032 = arith.addf %add3A_1006, %get3A_1031 : vector<16xf32>
        %get3A_1033 = arith.index_cast %add3A_1022 : i32 to index
        %get3A_1034 = arith.constant 32 : index
        %get3A_1035 = tpu.vector_load %arg9[%get3A_1033, %get3A_1034] {strides = array<i32>} : memref<200x64xf32, #tpu.memory_space<vmem>>, vector<1x16xf32>,
        %get3A_1036 = vector.shape_cast %get3A_1035 : vector<1x16xf32> to vector<16xf32>
        %add3A_1037 = arith.addf %add3A_1011, %get3A_1036 : vector<16xf32>
        %get3A_1038 = arith.index_cast %add3A_1022 : i32 to index
        %get3A_1039 = arith.constant 48 : index
        %get3A_1040 = tpu.vector_load %arg9[%get3A_1038, %get3A_1039] {strides = array<i32>} : memref<200x64xf32, #tpu.memory_space<vmem>>, vector<1x16xf32>,
        %get3A_1041 = vector.shape_cast %get3A_1040 : vector<1x16xf32> to vector<16xf32>
        %add3A_1042 = arith.addf %add3A_1016, %get3A_1041 : vector<16xf32>
        %mul3A_1043 = arith.constant 5 : i32
        %mul3A_1044 = arith.muli %scan3A_935, %mul3A_1043 : i32
        %add3A_1045 = arith.constant 100 : i32
        %add3A_1046 = arith.addi %add3A_1045, %mul3A_1044 : i32
        %add3A_1047 = arith.constant 4 : i32
        %add3A_1048 = arith.addi %add3A_1046, %add3A_1047 : i32
        %get3A_1049 = arith.index_cast %add3A_1048 : i32 to index
        %get3A_1050 = arith.constant 0 : index
        %get3A_1051 = tpu.vector_load %arg9[%get3A_1049, %get3A_1050] {strides = array<i32>} : memref<200x64xf32, #tpu.memory_space<vmem>>, vector<1x16xf32>,
        %get3A_1052 = vector.shape_cast %get3A_1051 : vector<1x16xf32> to vector<16xf32>
        %add3A_1053 = arith.addf %add3A_1027, %get3A_1052 : vector<16xf32>
        %get3A_1054 = arith.index_cast %add3A_1048 : i32 to index
        %get3A_1055 = arith.constant 16 : index
        %get3A_1056 = tpu.vector_load %arg9[%get3A_1054, %get3A_1055] {strides = array<i32>} : memref<200x64xf32, #tpu.memory_space<vmem>>, vector<1x16xf32>,
        %get3A_1057 = vector.shape_cast %get3A_1056 : vector<1x16xf32> to vector<16xf32>
        %add3A_1058 = arith.addf %add3A_1032, %get3A_1057 : vector<16xf32>
        %get3A_1059 = arith.index_cast %add3A_1048 : i32 to index
        %get3A_1060 = arith.constant 32 : index
        %get3A_1061 = tpu.vector_load %arg9[%get3A_1059, %get3A_1060] {strides = array<i32>} : memref<200x64xf32, #tpu.memory_space<vmem>>, vector<1x16xf32>,
        %get3A_1062 = vector.shape_cast %get3A_1061 : vector<1x16xf32> to vector<16xf32>
        %add3A_1063 = arith.addf %add3A_1037, %get3A_1062 : vector<16xf32>
        %get3A_1064 = arith.index_cast %add3A_1048 : i32 to index
        %get3A_1065 = arith.constant 48 : index
        %get3A_1066 = tpu.vector_load %arg9[%get3A_1064, %get3A_1065] {strides = array<i32>} : memref<200x64xf32, #tpu.memory_space<vmem>>, vector<1x16xf32>,
        %get3A_1067 = vector.shape_cast %get3A_1066 : vector<1x16xf32> to vector<16xf32>
        %add3A_1068 = arith.addf %add3A_1042, %get3A_1067 : vector<16xf32>
        scf.yield %add3A_1053, %add3A_1058, %add3A_1063, %add3A_1068 : vector<16xf32>, vector<16xf32>, vector<16xf32>, vector<16xf32>
      }
      %scan3A_851 = arith.constant 10 : i32
      %mul3A_852 = arith.constant 4 : i32
      %mul3A_853 = arith.muli %add3A_725, %mul3A_852 : i32
      %add3A_854 = arith.constant 2 : i32
      %add3A_855 = arith.addi %mul3A_853, %add3A_854 : i32
      %mul3A_856 = vector.broadcast %scan3A_80 : f32 to vector<16xf32>
      %mul3A_857 = arith.mulf %scan3A_850#0, %mul3A_856 : vector<16xf32>
      %swap3A_858 = arith.index_cast %add3A_855 : i32 to index
      %swap3A_859 = arith.constant 0 : index
      %swap3A_860 = tpu.vector_load %arg10[%swap3A_858, %swap3A_859] {strides = array<i32>} : memref<512x64xf32, #tpu.memory_space<vmem>>, vector<1x16xf32>,
      %swap3A_861 = vector.shape_cast %swap3A_860 : vector<1x16xf32> to vector<16xf32>
      %swap3A_862 = vector.shape_cast %mul3A_857 : vector<16xf32> to vector<1x16xf32>
      tpu.vector_store %arg10[%swap3A_858, %swap3A_859], %swap3A_862 {strides = array<i32>} : memref<512x64xf32, #tpu.memory_space<vmem>>, vector<1x16xf32>,
      %mul3A_863 = vector.broadcast %scan3A_80 : f32 to vector<16xf32>
      %mul3A_864 = arith.mulf %scan3A_850#1, %mul3A_863 : vector<16xf32>
      %swap3A_865 = arith.index_cast %add3A_855 : i32 to index
      %swap3A_866 = arith.constant 16 : index
      %swap3A_867 = tpu.vector_load %arg10[%swap3A_865, %swap3A_866] {strides = array<i32>} : memref<512x64xf32, #tpu.memory_space<vmem>>, vector<1x16xf32>,
      %swap3A_868 = vector.shape_cast %swap3A_867 : vector<1x16xf32> to vector<16xf32>
      %swap3A_869 = vector.shape_cast %mul3A_864 : vector<16xf32> to vector<1x16xf32>
      tpu.vector_store %arg10[%swap3A_865, %swap3A_866], %swap3A_869 {strides = array<i32>} : memref<512x64xf32, #tpu.memory_space<vmem>>, vector<1x16xf32>,
      %mul3A_870 = vector.broadcast %scan3A_80 : f32 to vector<16xf32>
      %mul3A_871 = arith.mulf %scan3A_850#2, %mul3A_870 : vector<16xf32>
      %swap3A_872 = arith.index_cast %add3A_855 : i32 to index
      %swap3A_873 = arith.constant 32 : index
      %swap3A_874 = tpu.vector_load %arg10[%swap3A_872, %swap3A_873] {strides = array<i32>} : memref<512x64xf32, #tpu.memory_space<vmem>>, vector<1x16xf32>,
      %swap3A_875 = vector.shape_cast %swap3A_874 : vector<1x16xf32> to vector<16xf32>
      %swap3A_876 = vector.shape_cast %mul3A_871 : vector<16xf32> to vector<1x16xf32>
      tpu.vector_store %arg10[%swap3A_872, %swap3A_873], %swap3A_876 {strides = array<i32>} : memref<512x64xf32, #tpu.memory_space<vmem>>, vector<1x16xf32>,
      %mul3A_877 = vector.broadcast %scan3A_80 : f32 to vector<16xf32>
      %mul3A_878 = arith.mulf %scan3A_850#3, %mul3A_877 : vector<16xf32>
      %swap3A_879 = arith.index_cast %add3A_855 : i32 to index
      %swap3A_880 = arith.constant 48 : index
      %swap3A_881 = tpu.vector_load %arg10[%swap3A_879, %swap3A_880] {strides = array<i32>} : memref<512x64xf32, #tpu.memory_space<vmem>>, vector<1x16xf32>,
      %swap3A_882 = vector.shape_cast %swap3A_881 : vector<1x16xf32> to vector<16xf32>
      %swap3A_883 = vector.shape_cast %mul3A_878 : vector<16xf32> to vector<1x16xf32>
      tpu.vector_store %arg10[%swap3A_879, %swap3A_880], %swap3A_883 {strides = array<i32>} : memref<512x64xf32, #tpu.memory_space<vmem>>, vector<1x16xf32>,
      %broadcast_in_dim3A_884 = arith.constant 0.000000e+00 : f32
      %broadcast_in_dim3A_885 = vector.broadcast %broadcast_in_dim3A_884 : f32 to vector<16xf32>
      %broadcast_in_dim3A_886 = arith.constant 0.000000e+00 : f32
      %broadcast_in_dim3A_887 = vector.broadcast %broadcast_in_dim3A_886 : f32 to vector<16xf32>
      %broadcast_in_dim3A_888 = arith.constant 0.000000e+00 : f32
      %broadcast_in_dim3A_889 = vector.broadcast %broadcast_in_dim3A_888 : f32 to vector<16xf32>
      %broadcast_in_dim3A_890 = arith.constant 0.000000e+00 : f32
      %broadcast_in_dim3A_891 = vector.broadcast %broadcast_in_dim3A_890 : f32 to vector<16xf32>
      %scan3A_892 = arith.constant 0 : i32
      %scan3A_893 = arith.constant 10 : i32
      %scan3A_894 = arith.addi %scan3A_892, %scan3A_893 : i32
      %scan3A_895 = arith.constant 1 : i32
      %scan3A_896:4 = scf.for %scan3A_935 = %scan3A_892 to %scan3A_894 step %scan3A_895 iter_args(%scan3A_936 = %broadcast_in_dim3A_885, %scan3A_937 = %broadcast_in_dim3A_887, %scan3A_938 = %broadcast_in_dim3A_889, %scan3A_939 = %broadcast_in_dim3A_891) -> (vector<16xf32>, vector<16xf32>, vector<16xf32>, vector<16xf32>)  : i32 {
        %mul3A_940 = arith.constant 5 : i32
        %mul3A_941 = arith.muli %scan3A_935, %mul3A_940 : i32
        %add3A_942 = arith.constant 150 : i32
        %add3A_943 = arith.addi %add3A_942, %mul3A_941 : i32
        %add3A_944 = arith.constant 0 : i32
        %add3A_945 = arith.addi %add3A_943, %add3A_944 : i32
        %get3A = arith.index_cast %add3A_945 : i32 to index
        %get3A_946 = arith.constant 0 : index
        %get3A_947 = tpu.vector_load %arg9[%get3A, %get3A_946] {strides = array<i32>} : memref<200x64xf32, #tpu.memory_space<vmem>>, vector<1x16xf32>,
        %get3A_948 = vector.shape_cast %get3A_947 : vector<1x16xf32> to vector<16xf32>
        %add3A_949 = arith.addf %scan3A_936, %get3A_948 : vector<16xf32>
        %get3A_950 = arith.index_cast %add3A_945 : i32 to index
        %get3A_951 = arith.constant 16 : index
        %get3A_952 = tpu.vector_load %arg9[%get3A_950, %get3A_951] {strides = array<i32>} : memref<200x64xf32, #tpu.memory_space<vmem>>, vector<1x16xf32>,
        %get3A_953 = vector.shape_cast %get3A_952 : vector<1x16xf32> to vector<16xf32>
        %add3A_954 = arith.addf %scan3A_937, %get3A_953 : vector<16xf32>
        %get3A_955 = arith.index_cast %add3A_945 : i32 to index
        %get3A_956 = arith.constant 32 : index
        %get3A_957 = tpu.vector_load %arg9[%get3A_955, %get3A_956] {strides = array<i32>} : memref<200x64xf32, #tpu.memory_space<vmem>>, vector<1x16xf32>,
        %get3A_958 = vector.shape_cast %get3A_957 : vector<1x16xf32> to vector<16xf32>
        %add3A_959 = arith.addf %scan3A_938, %get3A_958 : vector<16xf32>
        %get3A_960 = arith.index_cast %add3A_945 : i32 to index
        %get3A_961 = arith.constant 48 : index
        %get3A_962 = tpu.vector_load %arg9[%get3A_960, %get3A_961] {strides = array<i32>} : memref<200x64xf32, #tpu.memory_space<vmem>>, vector<1x16xf32>,
        %get3A_963 = vector.shape_cast %get3A_962 : vector<1x16xf32> to vector<16xf32>
        %add3A_964 = arith.addf %scan3A_939, %get3A_963 : vector<16xf32>
        %mul3A_965 = arith.constant 5 : i32
        %mul3A_966 = arith.muli %scan3A_935, %mul3A_965 : i32
        %add3A_967 = arith.constant 150 : i32
        %add3A_968 = arith.addi %add3A_967, %mul3A_966 : i32
        %add3A_969 = arith.constant 1 : i32
        %add3A_970 = arith.addi %add3A_968, %add3A_969 : i32
        %get3A_971 = arith.index_cast %add3A_970 : i32 to index
        %get3A_972 = arith.constant 0 : index
        %get3A_973 = tpu.vector_load %arg9[%get3A_971, %get3A_972] {strides = array<i32>} : memref<200x64xf32, #tpu.memory_space<vmem>>, vector<1x16xf32>,
        %get3A_974 = vector.shape_cast %get3A_973 : vector<1x16xf32> to vector<16xf32>
        %add3A_975 = arith.addf %add3A_949, %get3A_974 : vector<16xf32>
        %get3A_976 = arith.index_cast %add3A_970 : i32 to index
        %get3A_977 = arith.constant 16 : index
        %get3A_978 = tpu.vector_load %arg9[%get3A_976, %get3A_977] {strides = array<i32>} : memref<200x64xf32, #tpu.memory_space<vmem>>, vector<1x16xf32>,
        %get3A_979 = vector.shape_cast %get3A_978 : vector<1x16xf32> to vector<16xf32>
        %add3A_980 = arith.addf %add3A_954, %get3A_979 : vector<16xf32>
        %get3A_981 = arith.index_cast %add3A_970 : i32 to index
        %get3A_982 = arith.constant 32 : index
        %get3A_983 = tpu.vector_load %arg9[%get3A_981, %get3A_982] {strides = array<i32>} : memref<200x64xf32, #tpu.memory_space<vmem>>, vector<1x16xf32>,
        %get3A_984 = vector.shape_cast %get3A_983 : vector<1x16xf32> to vector<16xf32>
        %add3A_985 = arith.addf %add3A_959, %get3A_984 : vector<16xf32>
        %get3A_986 = arith.index_cast %add3A_970 : i32 to index
        %get3A_987 = arith.constant 48 : index
        %get3A_988 = tpu.vector_load %arg9[%get3A_986, %get3A_987] {strides = array<i32>} : memref<200x64xf32, #tpu.memory_space<vmem>>, vector<1x16xf32>,
        %get3A_989 = vector.shape_cast %get3A_988 : vector<1x16xf32> to vector<16xf32>
        %add3A_990 = arith.addf %add3A_964, %get3A_989 : vector<16xf32>
        %mul3A_991 = arith.constant 5 : i32
        %mul3A_992 = arith.muli %scan3A_935, %mul3A_991 : i32
        %add3A_993 = arith.constant 150 : i32
        %add3A_994 = arith.addi %add3A_993, %mul3A_992 : i32
        %add3A_995 = arith.constant 2 : i32
        %add3A_996 = arith.addi %add3A_994, %add3A_995 : i32
        %get3A_997 = arith.index_cast %add3A_996 : i32 to index
        %get3A_998 = arith.constant 0 : index
        %get3A_999 = tpu.vector_load %arg9[%get3A_997, %get3A_998] {strides = array<i32>} : memref<200x64xf32, #tpu.memory_space<vmem>>, vector<1x16xf32>,
        %get3A_1000 = vector.shape_cast %get3A_999 : vector<1x16xf32> to vector<16xf32>
        %add3A_1001 = arith.addf %add3A_975, %get3A_1000 : vector<16xf32>
        %get3A_1002 = arith.index_cast %add3A_996 : i32 to index
        %get3A_1003 = arith.constant 16 : index
        %get3A_1004 = tpu.vector_load %arg9[%get3A_1002, %get3A_1003] {strides = array<i32>} : memref<200x64xf32, #tpu.memory_space<vmem>>, vector<1x16xf32>,
        %get3A_1005 = vector.shape_cast %get3A_1004 : vector<1x16xf32> to vector<16xf32>
        %add3A_1006 = arith.addf %add3A_980, %get3A_1005 : vector<16xf32>
        %get3A_1007 = arith.index_cast %add3A_996 : i32 to index
        %get3A_1008 = arith.constant 32 : index
        %get3A_1009 = tpu.vector_load %arg9[%get3A_1007, %get3A_1008] {strides = array<i32>} : memref<200x64xf32, #tpu.memory_space<vmem>>, vector<1x16xf32>,
        %get3A_1010 = vector.shape_cast %get3A_1009 : vector<1x16xf32> to vector<16xf32>
        %add3A_1011 = arith.addf %add3A_985, %get3A_1010 : vector<16xf32>
        %get3A_1012 = arith.index_cast %add3A_996 : i32 to index
        %get3A_1013 = arith.constant 48 : index
        %get3A_1014 = tpu.vector_load %arg9[%get3A_1012, %get3A_1013] {strides = array<i32>} : memref<200x64xf32, #tpu.memory_space<vmem>>, vector<1x16xf32>,
        %get3A_1015 = vector.shape_cast %get3A_1014 : vector<1x16xf32> to vector<16xf32>
        %add3A_1016 = arith.addf %add3A_990, %get3A_1015 : vector<16xf32>
        %mul3A_1017 = arith.constant 5 : i32
        %mul3A_1018 = arith.muli %scan3A_935, %mul3A_1017 : i32
        %add3A_1019 = arith.constant 150 : i32
        %add3A_1020 = arith.addi %add3A_1019, %mul3A_1018 : i32
        %add3A_1021 = arith.constant 3 : i32
        %add3A_1022 = arith.addi %add3A_1020, %add3A_1021 : i32
        %get3A_1023 = arith.index_cast %add3A_1022 : i32 to index
        %get3A_1024 = arith.constant 0 : index
        %get3A_1025 = tpu.vector_load %arg9[%get3A_1023, %get3A_1024] {strides = array<i32>} : memref<200x64xf32, #tpu.memory_space<vmem>>, vector<1x16xf32>,
        %get3A_1026 = vector.shape_cast %get3A_1025 : vector<1x16xf32> to vector<16xf32>
        %add3A_1027 = arith.addf %add3A_1001, %get3A_1026 : vector<16xf32>
        %get3A_1028 = arith.index_cast %add3A_1022 : i32 to index
        %get3A_1029 = arith.constant 16 : index
        %get3A_1030 = tpu.vector_load %arg9[%get3A_1028, %get3A_1029] {strides = array<i32>} : memref<200x64xf32, #tpu.memory_space<vmem>>, vector<1x16xf32>,
        %get3A_1031 = vector.shape_cast %get3A_1030 : vector<1x16xf32> to vector<16xf32>
        %add3A_1032 = arith.addf %add3A_1006, %get3A_1031 : vector<16xf32>
        %get3A_1033 = arith.index_cast %add3A_1022 : i32 to index
        %get3A_1034 = arith.constant 32 : index
        %get3A_1035 = tpu.vector_load %arg9[%get3A_1033, %get3A_1034] {strides = array<i32>} : memref<200x64xf32, #tpu.memory_space<vmem>>, vector<1x16xf32>,
        %get3A_1036 = vector.shape_cast %get3A_1035 : vector<1x16xf32> to vector<16xf32>
        %add3A_1037 = arith.addf %add3A_1011, %get3A_1036 : vector<16xf32>
        %get3A_1038 = arith.index_cast %add3A_1022 : i32 to index
        %get3A_1039 = arith.constant 48 : index
        %get3A_1040 = tpu.vector_load %arg9[%get3A_1038, %get3A_1039] {strides = array<i32>} : memref<200x64xf32, #tpu.memory_space<vmem>>, vector<1x16xf32>,
        %get3A_1041 = vector.shape_cast %get3A_1040 : vector<1x16xf32> to vector<16xf32>
        %add3A_1042 = arith.addf %add3A_1016, %get3A_1041 : vector<16xf32>
        %mul3A_1043 = arith.constant 5 : i32
        %mul3A_1044 = arith.muli %scan3A_935, %mul3A_1043 : i32
        %add3A_1045 = arith.constant 150 : i32
        %add3A_1046 = arith.addi %add3A_1045, %mul3A_1044 : i32
        %add3A_1047 = arith.constant 4 : i32
        %add3A_1048 = arith.addi %add3A_1046, %add3A_1047 : i32
        %get3A_1049 = arith.index_cast %add3A_1048 : i32 to index
        %get3A_1050 = arith.constant 0 : index
        %get3A_1051 = tpu.vector_load %arg9[%get3A_1049, %get3A_1050] {strides = array<i32>} : memref<200x64xf32, #tpu.memory_space<vmem>>, vector<1x16xf32>,
        %get3A_1052 = vector.shape_cast %get3A_1051 : vector<1x16xf32> to vector<16xf32>
        %add3A_1053 = arith.addf %add3A_1027, %get3A_1052 : vector<16xf32>
        %get3A_1054 = arith.index_cast %add3A_1048 : i32 to index
        %get3A_1055 = arith.constant 16 : index
        %get3A_1056 = tpu.vector_load %arg9[%get3A_1054, %get3A_1055] {strides = array<i32>} : memref<200x64xf32, #tpu.memory_space<vmem>>, vector<1x16xf32>,
        %get3A_1057 = vector.shape_cast %get3A_1056 : vector<1x16xf32> to vector<16xf32>
        %add3A_1058 = arith.addf %add3A_1032, %get3A_1057 : vector<16xf32>
        %get3A_1059 = arith.index_cast %add3A_1048 : i32 to index
        %get3A_1060 = arith.constant 32 : index
        %get3A_1061 = tpu.vector_load %arg9[%get3A_1059, %get3A_1060] {strides = array<i32>} : memref<200x64xf32, #tpu.memory_space<vmem>>, vector<1x16xf32>,
        %get3A_1062 = vector.shape_cast %get3A_1061 : vector<1x16xf32> to vector<16xf32>
        %add3A_1063 = arith.addf %add3A_1037, %get3A_1062 : vector<16xf32>
        %get3A_1064 = arith.index_cast %add3A_1048 : i32 to index
        %get3A_1065 = arith.constant 48 : index
        %get3A_1066 = tpu.vector_load %arg9[%get3A_1064, %get3A_1065] {strides = array<i32>} : memref<200x64xf32, #tpu.memory_space<vmem>>, vector<1x16xf32>,
        %get3A_1067 = vector.shape_cast %get3A_1066 : vector<1x16xf32> to vector<16xf32>
        %add3A_1068 = arith.addf %add3A_1042, %get3A_1067 : vector<16xf32>
        scf.yield %add3A_1053, %add3A_1058, %add3A_1063, %add3A_1068 : vector<16xf32>, vector<16xf32>, vector<16xf32>, vector<16xf32>
      }
      %scan3A_897 = arith.constant 10 : i32
      %mul3A_898 = arith.constant 4 : i32
      %mul3A_899 = arith.muli %add3A_725, %mul3A_898 : i32
      %add3A_900 = arith.constant 3 : i32
      %add3A_901 = arith.addi %mul3A_899, %add3A_900 : i32
      %mul3A_902 = vector.broadcast %scan3A_80 : f32 to vector<16xf32>
      %mul3A_903 = arith.mulf %scan3A_896#0, %mul3A_902 : vector<16xf32>
      %swap3A_904 = arith.index_cast %add3A_901 : i32 to index
      %swap3A_905 = arith.constant 0 : index
      %swap3A_906 = tpu.vector_load %arg10[%swap3A_904, %swap3A_905] {strides = array<i32>} : memref<512x64xf32, #tpu.memory_space<vmem>>, vector<1x16xf32>,
      %swap3A_907 = vector.shape_cast %swap3A_906 : vector<1x16xf32> to vector<16xf32>
      %swap3A_908 = vector.shape_cast %mul3A_903 : vector<16xf32> to vector<1x16xf32>
      tpu.vector_store %arg10[%swap3A_904, %swap3A_905], %swap3A_908 {strides = array<i32>} : memref<512x64xf32, #tpu.memory_space<vmem>>, vector<1x16xf32>,
      %mul3A_909 = vector.broadcast %scan3A_80 : f32 to vector<16xf32>
      %mul3A_910 = arith.mulf %scan3A_896#1, %mul3A_909 : vector<16xf32>
      %swap3A_911 = arith.index_cast %add3A_901 : i32 to index
      %swap3A_912 = arith.constant 16 : index
      %swap3A_913 = tpu.vector_load %arg10[%swap3A_911, %swap3A_912] {strides = array<i32>} : memref<512x64xf32, #tpu.memory_space<vmem>>, vector<1x16xf32>,
      %swap3A_914 = vector.shape_cast %swap3A_913 : vector<1x16xf32> to vector<16xf32>
      %swap3A_915 = vector.shape_cast %mul3A_910 : vector<16xf32> to vector<1x16xf32>
      tpu.vector_store %arg10[%swap3A_911, %swap3A_912], %swap3A_915 {strides = array<i32>} : memref<512x64xf32, #tpu.memory_space<vmem>>, vector<1x16xf32>,
      %mul3A_916 = vector.broadcast %scan3A_80 : f32 to vector<16xf32>
      %mul3A_917 = arith.mulf %scan3A_896#2, %mul3A_916 : vector<16xf32>
      %swap3A_918 = arith.index_cast %add3A_901 : i32 to index
      %swap3A_919 = arith.constant 32 : index
      %swap3A_920 = tpu.vector_load %arg10[%swap3A_918, %swap3A_919] {strides = array<i32>} : memref<512x64xf32, #tpu.memory_space<vmem>>, vector<1x16xf32>,
      %swap3A_921 = vector.shape_cast %swap3A_920 : vector<1x16xf32> to vector<16xf32>
      %swap3A_922 = vector.shape_cast %mul3A_917 : vector<16xf32> to vector<1x16xf32>
      tpu.vector_store %arg10[%swap3A_918, %swap3A_919], %swap3A_922 {strides = array<i32>} : memref<512x64xf32, #tpu.memory_space<vmem>>, vector<1x16xf32>,
      %mul3A_923 = vector.broadcast %scan3A_80 : f32 to vector<16xf32>
      %mul3A_924 = arith.mulf %scan3A_896#3, %mul3A_923 : vector<16xf32>
      %swap3A_925 = arith.index_cast %add3A_901 : i32 to index
      %swap3A_926 = arith.constant 48 : index
      %swap3A_927 = tpu.vector_load %arg10[%swap3A_925, %swap3A_926] {strides = array<i32>} : memref<512x64xf32, #tpu.memory_space<vmem>>, vector<1x16xf32>,
      %swap3A_928 = vector.shape_cast %swap3A_927 : vector<1x16xf32> to vector<16xf32>
      %swap3A_929 = vector.shape_cast %mul3A_924 : vector<16xf32> to vector<1x16xf32>
      tpu.vector_store %arg10[%swap3A_925, %swap3A_926], %swap3A_929 {strides = array<i32>} : memref<512x64xf32, #tpu.memory_space<vmem>>, vector<1x16xf32>,
      %lt3A_930 = arith.constant 31 : i32
      %lt3A_931 = arith.cmpi slt, %scan3A_88, %lt3A_930 : i32
      %convert_element_type3A_932 = arith.extui %lt3A_931 : i1 to i32
      %cond3A_933 = arith.constant 0 : i32
      %cond3A_934 = arith.cmpi ne, %convert_element_type3A_932, %cond3A_933 : i32
      scf.if %cond3A_934 {
        %add3A_935 = arith.constant 4 : i32
        %add3A_936 = arith.addi %add3A_725, %add3A_935 : i32
        %mul3A_937 = arith.constant 2 : i32
        %mul3A_938 = arith.muli %add3A_936, %mul3A_937 : i32
        %add3A_939 = arith.constant 0 : i32
        %add3A_940 = arith.addi %mul3A_938, %add3A_939 : i32
        %dma_start3A_941 = arith.constant 0 : i32
        %dma_start3A_942 = arith.constant 0 : i32
        %dma_start3A_943 = tpu.memref_slice %arg9[%dma_start3A_941, %dma_start3A_942] : memref<200x64xf32, #tpu.memory_space<vmem>> -> memref<100x64xf32, #tpu.memory_space<vmem>>
        %dma_start3A_944 = arith.constant 0 : i32
        %dma_start3A_945 = tpu.memref_slice %arg5[%add3A_940, %dma_start3A_944] : memref<256x100xi32, #tpu.memory_space<vmem>> -> memref<1x100xi32, #tpu.memory_space<vmem>>
        %dma_start3A_946 = tpu.memref_squeeze %dma_start3A_945 : memref<1x100xi32, #tpu.memory_space<vmem>> -> memref<100xi32, #tpu.memory_space<vmem>>
        %dma_start3A_947 = arith.constant 0 : i32
        %dma_start3A_948 = arith.constant 0 : i32
        %dma_start3A_949 = tpu.memref_slice %arg3[%dma_start3A_947, %dma_start3A_948] : memref<100000x64xf32, #tpu.memory_space<hbm>> -> memref<100000x64xf32, #tpu.memory_space<hbm>>
        tpu.enqueue_indirect_dma source(%dma_start3A_949 : memref<100000x64xf32, #tpu.memory_space<hbm>>) target(%dma_start3A_943 : memref<100x64xf32, #tpu.memory_space<vmem>>) offsets(%dma_start3A_946 : memref<100xi32, #tpu.memory_space<vmem>>) semaphore(%arg14 : memref<!tpu.dma_semaphore, #tpu.memory_space<semaphore_mem>>)
        %mul3A_950 = arith.constant 2 : i32
        %mul3A_951 = arith.muli %add3A_936, %mul3A_950 : i32
        %add3A_952 = arith.constant 1 : i32
        %add3A_953 = arith.addi %mul3A_951, %add3A_952 : i32
        %dma_start3A_954 = arith.constant 100 : i32
        %dma_start3A_955 = arith.constant 0 : i32
        %dma_start3A_956 = tpu.memref_slice %arg9[%dma_start3A_954, %dma_start3A_955] : memref<200x64xf32, #tpu.memory_space<vmem>> -> memref<100x64xf32, #tpu.memory_space<vmem>>
        %dma_start3A_957 = arith.constant 0 : i32
        %dma_start3A_958 = tpu.memref_slice %arg5[%add3A_953, %dma_start3A_957] : memref<256x100xi32, #tpu.memory_space<vmem>> -> memref<1x100xi32, #tpu.memory_space<vmem>>
        %dma_start3A_959 = tpu.memref_squeeze %dma_start3A_958 : memref<1x100xi32, #tpu.memory_space<vmem>> -> memref<100xi32, #tpu.memory_space<vmem>>
        %dma_start3A_960 = arith.constant 0 : i32
        %dma_start3A_961 = arith.constant 0 : i32
        %dma_start3A_962 = tpu.memref_slice %arg3[%dma_start3A_960, %dma_start3A_961] : memref<100000x64xf32, #tpu.memory_space<hbm>> -> memref<100000x64xf32, #tpu.memory_space<hbm>>
        tpu.enqueue_indirect_dma source(%dma_start3A_962 : memref<100000x64xf32, #tpu.memory_space<hbm>>) target(%dma_start3A_956 : memref<100x64xf32, #tpu.memory_space<vmem>>) offsets(%dma_start3A_959 : memref<100xi32, #tpu.memory_space<vmem>>) semaphore(%arg14 : memref<!tpu.dma_semaphore, #tpu.memory_space<semaphore_mem>>)
      } else {
      }
    }
    %scan3A_85 = arith.constant 32 : i32
    %mul3A_86 = arith.constant 512 : i32
    %mul3A_87 = arith.muli %add3A, %mul3A_86 : i32
    "tpu.region"() ({
      %run_scoped3A = tpu.sem_alloc : memref<!tpu.dma_semaphore, #tpu.memory_space<semaphore_mem>>
      %dma_start3A_88 = arith.constant 0 : i32
      %dma_start3A_89 = tpu.memref_slice %arg4[%mul3A_87, %dma_start3A_88] : memref<16384x64xf32, #tpu.memory_space<hbm>> -> memref<512x64xf32, #tpu.memory_space<hbm>>
      %dma_start3A_90 = arith.constant 0 : i32
      %dma_start3A_91 = tpu.memref_slice %arg4[%mul3A_87, %dma_start3A_90] : memref<16384x64xf32, #tpu.memory_space<hbm>> -> memref<512x64xf32, #tpu.memory_space<hbm>>
      tpu.enqueue_dma source(%arg10 : memref<512x64xf32, #tpu.memory_space<vmem>>) target(%dma_start3A_91 : memref<512x64xf32, #tpu.memory_space<hbm>>) target_semaphore(%run_scoped3A : memref<!tpu.dma_semaphore, #tpu.memory_space<semaphore_mem>>)
      %dma_wait3A = arith.constant 0 : i32
      %dma_wait3A_92 = tpu.memref_slice %arg4[%mul3A_87, %dma_wait3A] : memref<16384x64xf32, #tpu.memory_space<hbm>> -> memref<512x64xf32, #tpu.memory_space<hbm>>
      %dma_wait3A_93 = arith.constant 0 : i32
      %dma_wait3A_94 = tpu.memref_slice %arg4[%mul3A_87, %dma_wait3A_93] : memref<16384x64xf32, #tpu.memory_space<hbm>> -> memref<512x64xf32, #tpu.memory_space<hbm>>
      tpu.wait_dma2 semaphore(%run_scoped3A : memref<!tpu.dma_semaphore, #tpu.memory_space<semaphore_mem>>) src(%arg10 : memref<512x64xf32, #tpu.memory_space<vmem>>) dst(%dma_wait3A_94 : memref<512x64xf32, #tpu.memory_space<hbm>>)
      tpu.yield
    }) : () -> ()
    return
  }
}

module attributes {stable_mosaic.version = 14 : i64} {
  func.func @_ln_body(%arg0: i32, %arg1: memref<1024x64xf32, #tpu.memory_space<vmem>>, %arg2: memref<64xf32, #tpu.memory_space<vmem>>, %arg3: memref<64xf32, #tpu.memory_space<vmem>>, %arg4: memref<1024x64xf32, #tpu.memory_space<vmem>>) attributes {dimension_semantics = [#tpu.dimension_semantics<arbitrary>], iteration_bounds = array<i64: 16>, scalar_prefetch = 0 : i64, scratch_operands = 0 : i64, tpu.core_type = #tpu.core_type<tc>, window_params = [{transform_indices = @transform_0, window_bounds = array<i64: 1024, 64>}, {pipeline_mode = #tpu.pipeline_mode<synchronous>, transform_indices = @transform_1, window_bounds = array<i64: 64>}, {pipeline_mode = #tpu.pipeline_mode<synchronous>, transform_indices = @transform_2, window_bounds = array<i64: 64>}, {transform_indices = @transform_3, window_bounds = array<i64: 1024, 64>}]} {
    %get3A = arith.constant 0 : index
    %get3A_0 = arith.constant 0 : index
    %get3A_1 = vector.load %arg1[%get3A, %get3A_0] : memref<1024x64xf32, #tpu.memory_space<vmem>>, vector<1024x64xf32>
    %reduce_sum3A = arith.constant dense<0.000000e+00> : vector<1024xf32>
    %reduce_sum3A_2 = vector.multi_reduction <add>, %get3A_1, %reduce_sum3A [1] : vector<1024x64xf32> to vector<1024xf32>
    %broadcast_in_dim3A = vector.shape_cast %reduce_sum3A_2 : vector<1024xf32> to vector<1024x1xf32>
    %div3A = arith.constant 6.400000e+01 : f32
    %div3A_3 = vector.broadcast %div3A : f32 to vector<1024x1xf32>
    %div3A_4 = arith.divf %broadcast_in_dim3A, %div3A_3 : vector<1024x1xf32>
    %sub3A = vector.broadcast %div3A_4 : vector<1024x1xf32> to vector<1024x64xf32>
    %sub3A_5 = arith.subf %get3A_1, %sub3A : vector<1024x64xf32>
    %mul3A = arith.mulf %sub3A_5, %sub3A_5 : vector<1024x64xf32>
    %reduce_sum3A_6 = arith.constant dense<0.000000e+00> : vector<1024xf32>
    %reduce_sum3A_7 = vector.multi_reduction <add>, %mul3A, %reduce_sum3A_6 [1] : vector<1024x64xf32> to vector<1024xf32>
    %broadcast_in_dim3A_8 = vector.shape_cast %reduce_sum3A_7 : vector<1024xf32> to vector<1024x1xf32>
    %div3A_9 = arith.constant 6.400000e+01 : f32
    %div3A_10 = vector.broadcast %div3A_9 : f32 to vector<1024x1xf32>
    %div3A_11 = arith.divf %broadcast_in_dim3A_8, %div3A_10 : vector<1024x1xf32>
    %add3A = arith.constant 9.99999974E-6 : f32
    %add3A_12 = vector.broadcast %add3A : f32 to vector<1024x1xf32>
    %add3A_13 = arith.addf %div3A_11, %add3A_12 : vector<1024x1xf32>
    %rsqrt3A = math.rsqrt %add3A_13 : vector<1024x1xf32>
    %mul3A_14 = vector.broadcast %rsqrt3A : vector<1024x1xf32> to vector<1024x64xf32>
    %mul3A_15 = arith.mulf %sub3A_5, %mul3A_14 : vector<1024x64xf32>
    %get3A_16 = arith.constant 0 : index
    %get3A_17 = vector.load %arg2[%get3A_16] : memref<64xf32, #tpu.memory_space<vmem>>, vector<64xf32>
    %broadcast_in_dim3A_18 = vector.shape_cast %get3A_17 : vector<64xf32> to vector<1x64xf32>
    %mul3A_19 = vector.broadcast %broadcast_in_dim3A_18 : vector<1x64xf32> to vector<1024x64xf32>
    %mul3A_20 = arith.mulf %mul3A_15, %mul3A_19 : vector<1024x64xf32>
    %get3A_21 = arith.constant 0 : index
    %get3A_22 = vector.load %arg3[%get3A_21] : memref<64xf32, #tpu.memory_space<vmem>>, vector<64xf32>
    %broadcast_in_dim3A_23 = vector.shape_cast %get3A_22 : vector<64xf32> to vector<1x64xf32>
    %add3A_24 = vector.broadcast %broadcast_in_dim3A_23 : vector<1x64xf32> to vector<1024x64xf32>
    %add3A_25 = arith.addf %mul3A_20, %add3A_24 : vector<1024x64xf32>
    %swap3A = arith.constant 0 : index
    %swap3A_26 = arith.constant 0 : index
    %swap3A_27 = vector.load %arg4[%swap3A, %swap3A_26] : memref<1024x64xf32, #tpu.memory_space<vmem>>, vector<1024x64xf32>
    tpu.vector_store %arg4[%swap3A, %swap3A_26], %add3A_25 {strides = array<i32>} : memref<1024x64xf32, #tpu.memory_space<vmem>>, vector<1024x64xf32>,
    return
  }
  func.func @transform_0(%arg0: i32) -> (i32, i32) {
    %c0_i32 = arith.constant 0 : i32
    %c0_i32_0 = arith.constant 0 : i32
    return %arg0, %c0_i32 : i32, i32
  }
  func.func @transform_1(%arg0: i32) -> i32 {
    %c0_i32 = arith.constant 0 : i32
    %c0_i32_0 = arith.constant 0 : i32
    return %c0_i32 : i32
  }
  func.func @transform_2(%arg0: i32) -> i32 {
    %c0_i32 = arith.constant 0 : i32
    %c0_i32_0 = arith.constant 0 : i32
    return %c0_i32 : i32
  }
  func.func @transform_3(%arg0: i32) -> (i32, i32) {
    %c0_i32 = arith.constant 0 : i32
    %c0_i32_0 = arith.constant 0 : i32
    return %arg0, %c0_i32 : i32, i32
  }
}

</mosaic_0001>

<sc_bundles>
// kernel: kernel.4.cloned.1.call-start
scs
__scs_entry_jumppad:
0x0: {  	(pc) =	sbr.rel $0x88, $3  }
0x1: {  	(tag) =	ssettag $0x0;
	lr =	simm.s32 $0x1  }
0x2: {  	[smem:$0x3F9D] =	sst lr;
	_ =	strace $0xD0000000  }
0x3: {  	_ = 	snop  }
0x4: {  	_ = 	snop  }
0x5: {  	_ = 	snop  }
0x6: {  	_ = 	snop  }
0x7: {  	_ = 	snop  }
__scs_overlays_trampoline_lowered:
0x8: {  	[smem:$0x3FAC] =	sst s0  }
0x9: {  	[smem:$0x3FAD] =	sst s1  }
0xa: {  	[smem:$0x3FAE] =	sst s2  }
0xb: {  	[smem:$0x3FAF] =	sst s3  }
0xc: {  	[smem:$0x3FB0] =	sst s4  }
0xd: {  	[smem:$0x3FB1] =	sst s5  }
0xe: {  	[smem:$0x3FB2] =	sst s6  }
0xf: {  	[smem:$0x3FB3] =	sst s7  }
0x10: {  	[smem:$0x3FB4] =	sst s8  }
0x11: {  	[smem:$0x3FB5] =	sst s9;
	s0 =	simm.s32 @!p0 $0x0  }
0x12: {  	s1 =	sld [smem:$0x3F9B];
	s0 =	simm.s32 @p0 $0x1  }
0x13: {  	[smem:$0x3FB6] =	sst s0;
	s0 =	simm.s32 @!p1 $0x0  }
0x14: {  	s2 =	sld [smem:$0x3F9A];
	s0 =	simm.s32 @p1 $0x1  }
0x15: {  	[smem:$0x3FB7] =	sst s0;
	s0 =	simm.s32 @!p2 $0x0  }
0x16: {  	s3 =	sld [smem:$0x3FDB];
	s0 =	simm.s32 @p2 $0x1  }
0x17: {  	s4 =	simm.s32 $0x1BF5;
	[smem:$0x3FB9] =	sst s0  }
0x18: {  	s0 =	sld [smem:$0x3F9C];
	_ =	swait.ge [sflag:s4], $0x0  }
0x19: {  	s7 =	sld [smem:$0x3F9D]  }
0x1a: {  	s8 =	sadd.s32 $0xFFFFE003, lr  }
0x1b: {  	s9 =	sadd.s32 $0xFFFFFEF7, lr;
	s5 =	simm.s32 $0xFFFFFFFF;
	p2 =	slt.u32 s8, $0xFFFFF086  }
0x1c: {  	p1 =	slt.u32 s9, $0xF7A;
	s5 =	simm.s32 @!p2 $0x0  }
0x1d: {  	s5 =	simm.s32 @p1 $0x1;
	p0 =	seq.s32 s7, s2  }
0x1e: {  	s7 =	smul.u32 @!p0 $0xF7A, s2;
	p2 =	seq.s32 @!p0 s5, $0x0  }
0x1f: {  	s9 =	smul.u32 $0xF7A, s1;
	s8 =	simm.s32 @!p0 $0x1BF5;
	p2 =	por !p2, p0  }
0x20: {  	[sflag:s8] =	ssyncset.s32 @!p0 $0xFFFFF086;
	s6 =	sadd.s32 @!p0 s3, s7;
	s7 =	simm.s32 @!p0 $0x108  }
0x21: {  	s3 =	sadd.s32 s3, s9;
	s6 =	sadd.s32 @!p0 $0x88, s6;
	s7 =	simm.s32 @p2 $0x1082  }
0x22: {  	[simem:s7], [sflag:s8] =	dma.local @!p0 [hbm:s6], $0xF7A  }
0x23: {  	s9 =	sor.u32 $0xD0000000, s2;
	s6 =	simm.s32 $0x108;
	_ =	swait.ge @!p0 [sflag:s8], $0x0  }
0x24: {  	s3 =	sadd.s32 $0x88, s3;
	s6 =	simm.s32 @!p1 $0x1082;
	[sflag:s4] =	ssyncset.s32 $0xFFFFF086  }
0x25: {  	[simem:s6], [sflag:s4] =	dma.local [hbm:s3], $0xF7A  }
0x26: {  	[smem:$0x3F9D] =	sst s1;
	(tag) =	ssettag s2;
	_ =	strace s9  }
0x27: {  	s1 =	sld [smem:$0x3FAD]  }
0x28: {  	s2 =	sld [smem:$0x3FAE]  }
0x29: {  	s4 =	sld [smem:$0x3FB0]  }
0x2a: {  	p0 =	seq.s32 s5, $0x0;
	s5 =	sld [smem:$0x3FB1]  }
0x2b: {  	s6 =	sld [smem:$0x3FB2]  }
0x2c: {  	s7 =	sld [smem:$0x3FB3]  }
0x2d: {  	s3 =	simm.s32 $0x108;
	s8 =	sld [smem:$0x3FB4]  }
0x2e: {  	s3 =	simm.s32 @!p0 $0x1082;
	s9 =	sld [smem:$0x3FB5]  }
0x2f: {  	lr =	sadd.s32 s0, s3;
	s0 =	sld [smem:$0x3FAC]  }
0x30: {  	s3 =	sld [smem:$0x3FAF]  }
0x31: {  	[smem:$0x3FB8] =	sst s10  }
0x32: {  	s10 =	sld [smem:$0x3FB6];
	_ =	sdelay $0x3  }
0x33: {  	p0 =	seq.s32 s10, $0x1;
	s10 =	sld [smem:$0x3FB8];
	_ =	sdelay $0x3  }
0x34: {  	[smem:$0x3FB8] =	sst s10  }
0x35: {  	s10 =	sld [smem:$0x3FB7];
	_ =	sdelay $0x3  }
0x36: {  	p1 =	seq.s32 s10, $0x1;
	s10 =	sld [smem:$0x3FB8];
	_ =	sdelay $0x3  }
0x37: {  	[smem:$0x3FB8] =	sst s10  }
0x38: {  	s10 =	sld [smem:$0x3FB9]  }
0x39: {  	_ = 	snop;
	(pc) =	sbr.ind lr, $3  }
0x3a: {  	_ = 	snop  }
0x3b: {  	_ = 	snop  }
0x3c: {  	p2 =	seq.s32 s10, $0x1;
	s10 =	sld [smem:$0x3FB8]  }
0x3d: {  	_ =	shalt  }
0x3e: {  	_ =	shalt  }
0x3f: {  	_ =	shalt  }
0x40: {  	_ =	shalt  }
0x41: {  	_ =	shalt  }
0x42: {  	_ =	shalt  }
0x43: {  	_ =	shalt  }
0x44: {  	_ =	shalt  }
0x45: {  	_ =	shalt  }
0x46: {  	_ =	shalt  }
0x47: {  	_ =	shalt  }
0x48: {  	_ =	shalt  }
0x49: {  	_ =	shalt  }
0x4a: {  	_ =	shalt  }
0x4b: {  	_ =	shalt  }
0x4c: {  	_ =	shalt  }
0x4d: {  	_ =	shalt  }
0x4e: {  	_ =	shalt  }
0x4f: {  	_ =	shalt  }
0x50: {  	_ =	shalt  }
0x51: {  	_ =	shalt  }
0x52: {  	_ =	shalt  }
0x53: {  	_ =	shalt  }
0x54: {  	_ =	shalt  }
0x55: {  	_ =	shalt  }
0x56: {  	_ =	shalt  }
0x57: {  	_ =	shalt  }
0x58: {  	_ =	shalt  }
0x59: {  	_ =	shalt  }
0x5a: {  	_ =	shalt  }
0x5b: {  	_ =	shalt  }
0x5c: {  	_ =	shalt  }
0x5d: {  	_ =	shalt  }
0x5e: {  	_ =	shalt  }
0x5f: {  	_ =	shalt  }
0x60: {  	_ =	shalt  }
0x61: {  	_ =	shalt  }
0x62: {  	_ =	shalt  }
0x63: {  	_ =	shalt  }
0x64: {  	_ =	shalt  }
0x65: {  	_ =	shalt  }
0x66: {  	_ =	shalt  }
0x67: {  	_ =	shalt  }
0x68: {  	_ =	shalt  }
0x69: {  	_ =	shalt  }
0x6a: {  	_ =	shalt  }
0x6b: {  	_ =	shalt  }
0x6c: {  	_ =	shalt  }
0x6d: {  	_ =	shalt  }
0x6e: {  	_ =	shalt  }
0x6f: {  	_ =	shalt  }
0x70: {  	_ =	shalt  }
0x71: {  	_ =	shalt  }
0x72: {  	_ =	shalt  }
0x73: {  	_ =	shalt  }
0x74: {  	_ =	shalt  }
0x75: {  	_ =	shalt  }
0x76: {  	_ =	shalt  }
0x77: {  	_ =	shalt  }
0x78: {  	_ =	shalt  }
0x79: {  	_ =	shalt  }
0x7a: {  	_ =	shalt  }
0x7b: {  	_ =	shalt  }
0x7c: {  	_ =	shalt  }
0x7d: {  	_ =	shalt  }
0x7e: {  	_ =	shalt  }
0x7f: {  	_ =	shalt  }
0x80: {  	_ =	shalt  }
0x81: {  	_ =	shalt  }
0x82: {  	_ =	shalt  }
0x83: {  	_ =	shalt  }
0x84: {  	_ =	shalt  }
0x85: {  	_ =	shalt  }
0x86: {  	_ =	shalt  }
0x87: {  	_ =	shalt  }
.Lfunc_end0:
.L_simem_size_0:
called_computation_lowered:
.L_overlay_start_0:
0x88: {  	s2 =	sld [smem:$0x3FD9]  }
0x89: {  	s3 =	sld [smem:$0x3FFE];
	_ =	sdelay $0x1  }
0x8a: {  	s1 =	srdreg.scid  }
0x8b: {  	s0 =	sand.u32 $0x1, s1  }
0x8c: {  	s17 =	sshll.u32 s0, $0xA;
	s2 =	sadd.s32 s3, s2  }
0x8d: {  	s2 =	sadd.s32 s2, s17  }
0x8e: {  	[smem:$0x3FC4] =	sst s2  }
0x8f: {  	_ = 	snop  }
0x90: {  	s2 =	sld [smem:$0x3FD0];
	(tm) =	ssettm $0x1  }
0x91: {  	s18 =	sld [smem:$0x3FFB];
	_ =	sdelay $0x3  }
0x92: {  	_ =	strace s18  }
0x93: {  	s3 =	sld [smem:$0x3FFC];
	_ =	sdelay $0x3  }
0x94: {  	_ =	strace s3  }
0x95: {  	s3 =	sld [smem:$0x3FFD];
	_ =	sdelay $0x3  }
0x96: {  	_ =	strace s3  }
0x97: {  	_ =	strace $0x8FFFFFFF  }
0x98: {  	s19 =	sld [smem:$0x3FDB];
	_ =	sdelay $0x1  }
0x99: {  	s4 =	simm.s32 $_scs_section_size  }
0x9a: {  	s5 =	simm.s32 $_size__tile_overlayer_lowered;
	s6 =	simm.s32 $_tile_overlayer_lowered  }
0x9b: {  	s22 =	simm.s32 $0x1BFF;
	s21 =	sshll.u32 s6, $0x1;
	s3 =	sadd.s32 s4, s19  }
0x9c: {  	s7 =	simm.s32 $0x0;
	s20 =	sshll.u32 s5, $0x1;
	s5 =	sadd.s32 s21, s3  }
0x9d: {  	[timem:s7], [sflag:s22] =	dma.local [hbm:s5], s20  }
0x9e: {  	_ =	swait.ge [sflag:s22], s20  }
0x9f: {  	s4 =	ssub.s32 $0x0, s20;
	[sflag:s22] =	ssyncset.done $0x0  }
0xa0: {  	[sflag:s22] =	ssyncadd.s32 s4;
	_ =	sdelay $0x1  }
0xa1: {  	s23 =	simm.s32 $0x1B8B  }
0xa2: {  	_ =	swait.ge [sflag:s23], $0x1  }
0xa3: {  	[sflag:s23] =	ssyncset.done $0x0  }
0xa4: {  	s25 =	simm.s32 $0x1B8E;
	s24 =	sld [smem:$0x3FFE];
	[sflag:s23] =	ssyncadd.s32 $0xFFFFFFFF  }
0xa5: {  	s26 =	simm.s32 $execute0_lowered;
	[smem:$0x3FD2] =	sst s25  }
0xa6: {  	s5 =	sshll.u32 s26, $0x1;
	_ =	strace $0x80000046;
	[dreg:$0x1] =	wrdreg $0xFFFFFFFF  }
0xa7: {  	s28 =	simm.s32 $_size_execute0_lowered;
	s3 =	sadd.s32 s3, s5;
	[dreg:$0x0] =	wrdreg $0x0  }
0xa8: {  	s5 =	sshll.u32 s28, $0x1;
	[dreg:$0x2] =	wrdreg s3  }
0xa9: {  	[dreg:$0x3] =	wrdreg s5  }
0xaa: {  	[dreg:$0x4] =	wrdreg $0xC0  }
0xab: {  	_ =	task [dreg:s7], $0x5FFFF  }
0xac: {  	[dreg:$0x1] =	wrdreg $0xFFFFFFFF  }
0xad: {  	[dreg:$0x0] =	wrdreg $0x60  }
0xae: {  	[dreg:$0x2] =	wrdreg s24  }
0xaf: {  	[dreg:$0x3] =	wrdreg s2  }
0xb0: {  	[dreg:$0x4] =	wrdreg $0x9  }
0xb1: {  	_ =	task.clear_ibuf [dreg:s7], $0x5FFFF;
	_ =	strace $0x90000046  }
0xb2: {  	s29 =	simm.s32 $0x9;
	_ =	strace $0x80000048  }
0xb3: {  	_ =	swait.ge [sflag:s29], $0x1  }
0xb4: {  	[sflag:s29] =	ssyncadd.s32 $0xFFFFFFFF  }
0xb5: {  	_ =	strace $0x90000048  }
0xb6: {  	_ =	sfence  }
0xb7: {  	s30 =	sld [smem:$0x0];
	_ =	sdelay $0x2  }
0xb8: {  	s31 =	sshll.u32 s1, $0xD;
	s1 =	sshrl.u32 s1, $0x2  }
0xb9: {  	s3 =	sand.u32 $0x4000, s31;
	s1 =	sadd.s32 s1, s30  }
0xba: {  	s0 =	sor.u32 s3, s0;
	s1 =	sshll.u32 s1, $0x11  }
0xbb: {  	s0 =	sor.u32 s1, s0  }
0xbc: {  	s0 =	sadd.s32 $0x8F2B, s0  }
0xbd: {  	[sflag:s0] =	ssyncadd.remote.s32 $0x1  }
0xbe: {  	_ =	sfence.sel $0xFFFF  }
0xbf: {  	[dreg:$0x0] =	wrdreg $0xFFFFFFFF;
	(pc) =	sbr.abs _section_cstart, $3  }
0xc0: {  	[dreg:$0x1] =	wrdreg $0xFFFFFFFF  }
0xc1: {  	_ =	task.clear_ibuf [dreg:s7], $0x2FFFF;
	_ =	strace $0x9FFFFFFF  }
0xc2: {  	(tm) =	ssettm $0x7FFFFFFF  }
0xc3: {  	_ =	shalt  }
tec
execute0_lowered:
.L_overlay_start_1:
0x0: {  	(tag) =	ssettag $0x1  }
0x1: {  	s0 =	srdreg.scid;
	s1 =	rddreg [dreg:$0x0]  }
0x2: {  	s2 =	stileid.u32;
	s5 =	rddreg [dreg:$0x1];
	s8 =	simm.s32 $0x64  }
0x3: {  	s12 =	simm.s32 $0xD0;
	s13 =	simm.s32 $0x9A00;
	s14 =	simm.s32 $0x138  }
0x4: {  	s15 =	simm.s32 $0xB300;
	s16 =	simm.s32 $0x1A0;
	s17 =	simm.s32 $0xCC00  }
0x5: {  	s18 =	simm.s32 $0x208;
	s19 =	simm.s32 $0xE500;
	s20 =	simm.s32 $0x270  }
0x6: {  	s21 =	simm.s32 $0xFE00;
	s22 =	simm.s32 $0x2D8;
	s23 =	simm.s32 $0x11700  }
0x7: {  	s24 =	simm.s32 $0x1;
	s25 =	simm.s32 $0x2;
	s26 =	simm.s32 $0x3  }
0x8: {  	s28 =	simm.s32 $0x4;
	s0 =	sand.u32 $0x1, s0;
	s2 =	sshll.u32 s2, $0x1  }
0x9: {  	s29 =	simm.s32 $0x13000;
	s30 =	simm.s32 $0x0;
	s4 =	sor.u32 s0, s2  }
.Ltmp0:
0xa: {  	s2 =	simm.s32 $0x0;
	s0 =	ssub.s32 $0x2, s0;
	(pc) =	sbr.rel .LBB2_1-.Ltmp0, $4  }
0xb: {  	s3 =	smul.u32 $0xD00, s4;
	[smem:$0x7FF] =	sst s2;
	s31 =	sshrl.u32 s0, $0x1  }
0xc: {  	s7 =	sshll.u32 s4, $0xC;
	_ =	strace $0x80000047;
	s0 =	ssub.s32 s0, s31  }
0xd: {  	s5 =	sadd.s32 s5, s7;
	s7 =	simm.s32 $0x5;
	s6 =	sadd.s32 s3, s1  }
0xe: {  	s3 =	sadd.s32 $0x187400, s1;
	s4 =	sadd.s32 $0xA00, s6;
	s6 =	smax.u32 s0, $0x1  }
.LBB2_36:
0xf: {  	s30 =	sadd.s32 $0x1, s30  }
0x10: {  	p0 =	sne.s32 s30, s6  }
.Ltmp1:
0x11: {  	_ = 	snop;
	(pc) =	sbr.rel @!p0 .LBB2_37-.Ltmp1, $4  }
0x12: {  	[hbm4b:s5+s2] =	stream.linear.scatter [tilespmem:s29], [sflag:$0x5], $0x8000, $0x38;
	[tilespmem:$0x1B000] =	vst v63  }
0x13: {  	_ =	swait.ge [sflag:s7], $0x8000  }
0x14: {  	[sflag:s7] =	ssyncset.done $0x0  }
0x15: {  	[sflag:s7] =	ssyncadd.s32 $0xFFFF8000  }
.LBB2_1:
0x16: {  	[tilespmem:s2], [sflag:$0x5] =	stream.linear.gather [hbm4b:s4+s2], $0x6800, $0x38;
	[tilespmem:$0x1B000] =	vst v63  }
0x17: {  	_ =	swait.ge [sflag:s7], $0x6800  }
0x18: {  	[sflag:s7] =	ssyncset.done $0x0  }
0x19: {  	s0 =	simm.s32 $0x6800;
	[sflag:s7] =	ssyncadd.s32 $0xFFFF9800  }
0x1a: {  	[tilespmem:s0], [sflag:$0x1] =	stream.indirect.gather [hbm4b:s3+s8], $0x40, s2, s8, $0xb8;
	[tilespmem:$0x1B000] =	vst v63  }
0x1b: {  	s11 =	simm.s32 $0x68;
	s1 =	simm.s32 $0x8100  }
0x1c: {  	[tilespmem:s1], [sflag:$0x1] =	stream.indirect.gather [hbm4b:s3+s8], $0x40, s11, s8, $0xb8;
	[tilespmem:$0x1B000] =	vst v63  }
0x1d: {  	_ = 	snop  }
0x1e: {  	[tilespmem:s13], [sflag:$0x2] =	stream.indirect.gather [hbm4b:s3+s8], $0x40, s12, s8, $0xb8;
	[tilespmem:$0x1B000] =	vst v63  }
0x1f: {  	_ = 	snop  }
0x20: {  	[tilespmem:s15], [sflag:$0x2] =	stream.indirect.gather [hbm4b:s3+s8], $0x40, s14, s8, $0xb8;
	[tilespmem:$0x1B000] =	vst v63  }
0x21: {  	_ = 	snop  }
0x22: {  	[tilespmem:s17], [sflag:$0x3] =	stream.indirect.gather [hbm4b:s3+s8], $0x40, s16, s8, $0xb8;
	[tilespmem:$0x1B000] =	vst v63  }
0x23: {  	_ = 	snop  }
0x24: {  	[tilespmem:s19], [sflag:$0x3] =	stream.indirect.gather [hbm4b:s3+s8], $0x40, s18, s8, $0xb8;
	[tilespmem:$0x1B000] =	vst v63  }
0x25: {  	_ = 	snop  }
0x26: {  	[tilespmem:s21], [sflag:$0x4] =	stream.indirect.gather [hbm4b:s3+s8], $0x40, s20, s8, $0xb8;
	[tilespmem:$0x1B000] =	vst v63  }
0x27: {  	s31 =	simm.s32 $0x0  }
0x28: {  	[tilespmem:s23], [sflag:$0x4] =	stream.indirect.gather [hbm4b:s3+s8], $0x40, s22, s8, $0xb8;
	[tilespmem:$0x1B000] =	vst v63  }
.LBB2_2:
0x29: {  	_ =	swait.ge [sflag:s24], $0x1900  }
0x2a: {  	[sflag:s24] =	ssyncset.done $0x0  }
0x2b: {  	[sflag:s24] =	ssyncadd.s32 $0xFFFFE700  }
0x2c: {  	_ =	swait.ge [sflag:s24], $0x1900  }
0x2d: {  	[sflag:s24] =	ssyncset.done $0x0  }
0x2e: {  	s0 =	simm.s32 $0x0;
	[sflag:s24] =	ssyncadd.s32 $0xFFFFE700  }
0x2f: {  	v0 =	vld [tilespmem:s0+$0x6900]  }
0x30: {  	v1 =	vld [tilespmem:s0+$0x6910]  }
0x31: {  	v2 =	vld [tilespmem:s0+$0x68C0]  }
0x32: {  	v3 =	vld [tilespmem:s0+$0x68D0]  }
0x33: {  	v4 =	vld [tilespmem:s0+$0x6880]  }
0x34: {  	v5 =	vld [tilespmem:s0+$0x6890]  }
0x35: {  	v6 =	vld [tilespmem:s0+$0x6840]  }
0x36: {  	v7 =	vld [tilespmem:s0+$0x6850]  }
0x37: {  	v13 =	vld [tilespmem:s0+$0x6800]  }
0x38: {  	v8 =	vimm.f32 $0.0e+00;
	v14 =	vld [tilespmem:s0+$0x6810]  }
0x39: {  	s1 =	simm.s32 $0x500;
	v11 =	vimm.f32 $0.0e+00;
	v10 =	vimm.f32 $0.0e+00;
	v9 =	vimm.f32 $0.0e+00;
	v12 =	vld [tilespmem:s0+$0x6820]  }
.LBB2_3:
0x3a: {  	p0 =	sne.s32 s1, $0x2D00;
	v15 =	vld [tilespmem:s0+$0x6830]  }
0x3b: {  	v16 =	vld [tilespmem:s0+$0x6860]  }
0x3c: {  	v17 =	vld [tilespmem:s0+$0x6870]  }
0x3d: {  	v18 =	vld [tilespmem:s0+$0x68A0]  }
0x3e: {  	v8 =	vadd.f32 v13, v8;
	v11 =	vadd.f32 v14, v11;
	v13 =	vld [tilespmem:s0+$0x68B0]  }
0x3f: {  	v10 =	vadd.f32 v12, v10;
	v9 =	vadd.f32 v15, v9;
	v12 =	vld [tilespmem:s0+$0x68E0]  }
0x40: {  	v6 =	vadd.f32 v6, v8;
	v7 =	vadd.f32 v7, v11;
	v8 =	vld [tilespmem:s0+$0x68F0]  }
0x41: {  	v10 =	vadd.f32 v16, v10;
	v9 =	vadd.f32 v17, v9;
	v14 =	vld [tilespmem:s0+$0x6920]  }
0x42: {  	v4 =	vadd.f32 v4, v6;
	v5 =	vadd.f32 v5, v7;
	v6 =	vld [tilespmem:s0+$0x6930];
	s0 =	sshra.s32 s1, $0x2  }
0x43: {  	v10 =	vadd.f32 v18, v10;
	v7 =	vld [tilespmem:s0+$0x6900];
	v9 =	vadd.f32 v13, v9  }
0x44: {  	v4 =	vadd.f32 v2, v4;
	v5 =	vadd.f32 v3, v5;
	v13 =	vld [tilespmem:s0+$0x6910]  }
0x45: {  	v10 =	vadd.f32 v12, v10;
	v2 =	vld [tilespmem:s0+$0x68C0];
	v9 =	vadd.f32 v8, v9  }
0x46: {  	v8 =	vadd.f32 v0, v4;
	v11 =	vadd.f32 v1, v5;
	v3 =	vld [tilespmem:s0+$0x68D0]  }
0x47: {  	v10 =	vadd.f32 v14, v10;
	v4 =	vld [tilespmem:s0+$0x6880];
	v9 =	vadd.f32 v6, v9  }
0x48: {  	v5 =	vld [tilespmem:s0+$0x6890];
	v0 =	vmov v7  }
.Ltmp2:
0x49: {  	v6 =	vld [tilespmem:s0+$0x6840];
	v1 =	vmov v13;
	(pc) =	sbr.rel @p0 .LBB2_3-.Ltmp2, $4  }
0x4a: {  	v7 =	vld [tilespmem:s0+$0x6850]  }
0x4b: {  	v13 =	vld [tilespmem:s0+$0x6800]  }
0x4c: {  	v14 =	vld [tilespmem:s0+$0x6810]  }
0x4d: {  	s1 =	sadd.s32 $0x500, s1;
	v12 =	vld [tilespmem:s0+$0x6820]  }
0x4e: {  	v15 =	vld [tilespmem:s0+$0x6830]  }
0x4f: {  	v16 =	vld [tilespmem:s0+$0x6860]  }
0x50: {  	v17 =	vld [tilespmem:s0+$0x6870];
	v8 =	vadd.f32 v13, v8  }
0x51: {  	v13 =	vld [tilespmem:s0+$0x68A0];
	v11 =	vadd.f32 v14, v11  }
0x52: {  	v14 =	vld [tilespmem:s0+$0x68B0];
	v10 =	vadd.f32 v12, v10;
	v6 =	vadd.f32 v6, v8  }
0x53: {  	v8 =	vadd.f32 v15, v9;
	v9 =	vld [tilespmem:s0+$0x68E0];
	v7 =	vadd.f32 v7, v11  }
0x54: {  	v11 =	vld [tilespmem:s0+$0x68F0];
	v10 =	vadd.f32 v16, v10;
	v4 =	vadd.f32 v4, v6  }
0x55: {  	v6 =	vadd.f32 v17, v8;
	v8 =	vld [tilespmem:s0+$0x6920];
	v5 =	vadd.f32 v5, v7  }
0x56: {  	v7 =	vld [tilespmem:s0+$0x6930];
	v10 =	vadd.f32 v13, v10;
	v2 =	vadd.f32 v2, v4  }
0x57: {  	v4 =	vadd.f32 v14, v6;
	v3 =	vadd.f32 v3, v5  }
0x58: {  	v5 =	vadd.f32 v9, v10;
	v0 =	vadd.f32 v0, v2  }
0x59: {  	v2 =	vadd.f32 v11, v4;
	v1 =	vadd.f32 v1, v3  }
0x5a: {  	s11 =	sshll.u32 s31, $0xC;
	v3 =	vadd.f32 v8, v5;
	v0 =	vmul.f32 $1.999999960e-02, v0  }
0x5b: {  	s1 =	sshra.s32 s11, $0x2;
	v2 =	vadd.f32 v7, v2;
	v1 =	vmul.f32 $1.999999960e-02, v1  }
0x5c: {  	[tilespmem:s1+$0x13000] =	vst v0;
	v0 =	vmul.f32 $1.999999960e-02, v3  }
0x5d: {  	[tilespmem:s1+$0x13010] =	vst v1;
	v1 =	vmul.f32 $1.999999960e-02, v2  }
0x5e: {  	[tilespmem:s1+$0x13020] =	vst v0  }
0x5f: {  	s0 =	simm.s32 $0x0;
	[tilespmem:s1+$0x13030] =	vst v1  }
0x60: {  	v0 =	vld [tilespmem:s0+$0x7580]  }
0x61: {  	v1 =	vld [tilespmem:s0+$0x7590]  }
0x62: {  	v2 =	vld [tilespmem:s0+$0x7540]  }
0x63: {  	v3 =	vld [tilespmem:s0+$0x7550]  }
0x64: {  	v4 =	vld [tilespmem:s0+$0x7500]  }
0x65: {  	v5 =	vld [tilespmem:s0+$0x7510]  }
0x66: {  	v6 =	vld [tilespmem:s0+$0x74C0]  }
0x67: {  	v7 =	vld [tilespmem:s0+$0x74D0]  }
0x68: {  	v13 =	vld [tilespmem:s0+$0x7480]  }
0x69: {  	v10 =	vimm.f32 $0.0e+00;
	v14 =	vld [tilespmem:s0+$0x7490]  }
0x6a: {  	s9 =	simm.s32 $0x500;
	v9 =	vimm.f32 $0.0e+00;
	v11 =	vimm.f32 $0.0e+00;
	v8 =	vimm.f32 $0.0e+00;
	v12 =	vld [tilespmem:s0+$0x74A0]  }
.LBB2_5:
0x6b: {  	p0 =	sne.s32 s9, $0x2D00;
	v15 =	vld [tilespmem:s0+$0x74B0]  }
0x6c: {  	v16 =	vld [tilespmem:s0+$0x74E0]  }
0x6d: {  	v17 =	vld [tilespmem:s0+$0x74F0]  }
0x6e: {  	v18 =	vld [tilespmem:s0+$0x7520]  }
0x6f: {  	v8 =	vadd.f32 v13, v8;
	v11 =	vadd.f32 v14, v11;
	v13 =	vld [tilespmem:s0+$0x7530]  }
0x70: {  	v10 =	vadd.f32 v12, v10;
	v9 =	vadd.f32 v15, v9;
	v12 =	vld [tilespmem:s0+$0x7560]  }
0x71: {  	v6 =	vadd.f32 v6, v8;
	v7 =	vadd.f32 v7, v11;
	v8 =	vld [tilespmem:s0+$0x7570]  }
0x72: {  	v10 =	vadd.f32 v16, v10;
	v9 =	vadd.f32 v17, v9;
	v14 =	vld [tilespmem:s0+$0x75A0]  }
0x73: {  	v4 =	vadd.f32 v4, v6;
	v5 =	vadd.f32 v5, v7;
	v6 =	vld [tilespmem:s0+$0x75B0];
	s0 =	sshra.s32 s9, $0x2  }
0x74: {  	v10 =	vadd.f32 v18, v10;
	v7 =	vld [tilespmem:s0+$0x7580];
	v9 =	vadd.f32 v13, v9  }
0x75: {  	v4 =	vadd.f32 v2, v4;
	v5 =	vadd.f32 v3, v5;
	v13 =	vld [tilespmem:s0+$0x7590]  }
0x76: {  	v10 =	vadd.f32 v12, v10;
	v2 =	vld [tilespmem:s0+$0x7540];
	v9 =	vadd.f32 v8, v9  }
0x77: {  	v8 =	vadd.f32 v0, v4;
	v11 =	vadd.f32 v1, v5;
	v3 =	vld [tilespmem:s0+$0x7550]  }
0x78: {  	v10 =	vadd.f32 v14, v10;
	v4 =	vld [tilespmem:s0+$0x7500];
	v9 =	vadd.f32 v6, v9  }
0x79: {  	v5 =	vld [tilespmem:s0+$0x7510];
	v0 =	vmov v7  }
.Ltmp3:
0x7a: {  	v6 =	vld [tilespmem:s0+$0x74C0];
	v1 =	vmov v13;
	(pc) =	sbr.rel @p0 .LBB2_5-.Ltmp3, $4  }
0x7b: {  	v7 =	vld [tilespmem:s0+$0x74D0]  }
0x7c: {  	v13 =	vld [tilespmem:s0+$0x7480]  }
0x7d: {  	v14 =	vld [tilespmem:s0+$0x7490]  }
0x7e: {  	s9 =	sadd.s32 $0x500, s9;
	v12 =	vld [tilespmem:s0+$0x74A0]  }
0x7f: {  	v15 =	vld [tilespmem:s0+$0x74B0]  }
0x80: {  	v16 =	vld [tilespmem:s0+$0x74E0]  }
0x81: {  	v17 =	vld [tilespmem:s0+$0x74F0];
	v8 =	vadd.f32 v13, v8  }
0x82: {  	v13 =	vld [tilespmem:s0+$0x7520];
	v11 =	vadd.f32 v14, v11  }
0x83: {  	v14 =	vld [tilespmem:s0+$0x7530];
	v10 =	vadd.f32 v12, v10;
	v6 =	vadd.f32 v6, v8  }
0x84: {  	v8 =	vadd.f32 v15, v9;
	v9 =	vld [tilespmem:s0+$0x7560];
	v7 =	vadd.f32 v7, v11  }
0x85: {  	v11 =	vld [tilespmem:s0+$0x7570];
	v10 =	vadd.f32 v16, v10;
	v4 =	vadd.f32 v4, v6  }
0x86: {  	v6 =	vadd.f32 v17, v8;
	v8 =	vld [tilespmem:s0+$0x75A0];
	v5 =	vadd.f32 v5, v7  }
0x87: {  	v7 =	vld [tilespmem:s0+$0x75B0];
	v10 =	vadd.f32 v13, v10;
	v2 =	vadd.f32 v2, v4  }
0x88: {  	v4 =	vadd.f32 v14, v6;
	v3 =	vadd.f32 v3, v5  }
0x89: {  	v5 =	vadd.f32 v9, v10;
	v0 =	vadd.f32 v0, v2  }
0x8a: {  	v2 =	vadd.f32 v11, v4;
	v1 =	vadd.f32 v1, v3  }
0x8b: {  	v3 =	vadd.f32 v8, v5;
	v0 =	vmul.f32 $1.999999960e-02, v0  }
0x8c: {  	v2 =	vadd.f32 v7, v2;
	v1 =	vmul.f32 $1.999999960e-02, v1  }
0x8d: {  	[tilespmem:s1+$0x13040] =	vst v0;
	v0 =	vmul.f32 $1.999999960e-02, v3  }
0x8e: {  	[tilespmem:s1+$0x13050] =	vst v1;
	v1 =	vmul.f32 $1.999999960e-02, v2  }
0x8f: {  	[tilespmem:s1+$0x13060] =	vst v0  }
0x90: {  	s0 =	simm.s32 $0x0;
	[tilespmem:s1+$0x13070] =	vst v1  }
0x91: {  	v0 =	vld [tilespmem:s0+$0x8200]  }
0x92: {  	v1 =	vld [tilespmem:s0+$0x8210]  }
0x93: {  	v2 =	vld [tilespmem:s0+$0x81C0]  }
0x94: {  	v3 =	vld [tilespmem:s0+$0x81D0]  }
0x95: {  	v4 =	vld [tilespmem:s0+$0x8180]  }
0x96: {  	v5 =	vld [tilespmem:s0+$0x8190]  }
0x97: {  	v6 =	vld [tilespmem:s0+$0x8140]  }
0x98: {  	v7 =	vld [tilespmem:s0+$0x8150]  }
0x99: {  	v13 =	vld [tilespmem:s0+$0x8100]  }
0x9a: {  	v10 =	vimm.f32 $0.0e+00;
	v14 =	vld [tilespmem:s0+$0x8110]  }
0x9b: {  	s9 =	simm.s32 $0x500;
	v9 =	vimm.f32 $0.0e+00;
	v11 =	vimm.f32 $0.0e+00;
	v8 =	vimm.f32 $0.0e+00;
	v12 =	vld [tilespmem:s0+$0x8120]  }
.LBB2_7:
0x9c: {  	p0 =	sne.s32 s9, $0x2D00;
	v15 =	vld [tilespmem:s0+$0x8130]  }
0x9d: {  	v16 =	vld [tilespmem:s0+$0x8160]  }
0x9e: {  	v17 =	vld [tilespmem:s0+$0x8170]  }
0x9f: {  	v18 =	vld [tilespmem:s0+$0x81A0]  }
0xa0: {  	v8 =	vadd.f32 v13, v8;
	v11 =	vadd.f32 v14, v11;
	v13 =	vld [tilespmem:s0+$0x81B0]  }
0xa1: {  	v10 =	vadd.f32 v12, v10;
	v9 =	vadd.f32 v15, v9;
	v12 =	vld [tilespmem:s0+$0x81E0]  }
0xa2: {  	v6 =	vadd.f32 v6, v8;
	v7 =	vadd.f32 v7, v11;
	v8 =	vld [tilespmem:s0+$0x81F0]  }
0xa3: {  	v10 =	vadd.f32 v16, v10;
	v9 =	vadd.f32 v17, v9;
	v14 =	vld [tilespmem:s0+$0x8220]  }
0xa4: {  	v4 =	vadd.f32 v4, v6;
	v5 =	vadd.f32 v5, v7;
	v6 =	vld [tilespmem:s0+$0x8230];
	s0 =	sshra.s32 s9, $0x2  }
0xa5: {  	v10 =	vadd.f32 v18, v10;
	v7 =	vld [tilespmem:s0+$0x8200];
	v9 =	vadd.f32 v13, v9  }
0xa6: {  	v4 =	vadd.f32 v2, v4;
	v5 =	vadd.f32 v3, v5;
	v13 =	vld [tilespmem:s0+$0x8210]  }
0xa7: {  	v10 =	vadd.f32 v12, v10;
	v2 =	vld [tilespmem:s0+$0x81C0];
	v9 =	vadd.f32 v8, v9  }
0xa8: {  	v8 =	vadd.f32 v0, v4;
	v11 =	vadd.f32 v1, v5;
	v3 =	vld [tilespmem:s0+$0x81D0]  }
0xa9: {  	v10 =	vadd.f32 v14, v10;
	v4 =	vld [tilespmem:s0+$0x8180];
	v9 =	vadd.f32 v6, v9  }
0xaa: {  	v5 =	vld [tilespmem:s0+$0x8190];
	v0 =	vmov v7  }
.Ltmp4:
0xab: {  	v6 =	vld [tilespmem:s0+$0x8140];
	v1 =	vmov v13;
	(pc) =	sbr.rel @p0 .LBB2_7-.Ltmp4, $4  }
0xac: {  	v7 =	vld [tilespmem:s0+$0x8150]  }
0xad: {  	v13 =	vld [tilespmem:s0+$0x8100]  }
0xae: {  	v14 =	vld [tilespmem:s0+$0x8110]  }
0xaf: {  	s9 =	sadd.s32 $0x500, s9;
	v12 =	vld [tilespmem:s0+$0x8120]  }
0xb0: {  	v15 =	vld [tilespmem:s0+$0x8130]  }
0xb1: {  	v16 =	vld [tilespmem:s0+$0x8160]  }
0xb2: {  	v17 =	vld [tilespmem:s0+$0x8170];
	v8 =	vadd.f32 v13, v8  }
0xb3: {  	v13 =	vld [tilespmem:s0+$0x81A0];
	v11 =	vadd.f32 v14, v11  }
0xb4: {  	v14 =	vld [tilespmem:s0+$0x81B0];
	v10 =	vadd.f32 v12, v10;
	v6 =	vadd.f32 v6, v8  }
0xb5: {  	v8 =	vadd.f32 v15, v9;
	v9 =	vld [tilespmem:s0+$0x81E0];
	v7 =	vadd.f32 v7, v11  }
0xb6: {  	v11 =	vld [tilespmem:s0+$0x81F0];
	v10 =	vadd.f32 v16, v10;
	v4 =	vadd.f32 v4, v6  }
0xb7: {  	v6 =	vadd.f32 v17, v8;
	v8 =	vld [tilespmem:s0+$0x8220];
	v5 =	vadd.f32 v5, v7  }
0xb8: {  	v7 =	vld [tilespmem:s0+$0x8230];
	v10 =	vadd.f32 v13, v10;
	v2 =	vadd.f32 v2, v4  }
0xb9: {  	v4 =	vadd.f32 v14, v6;
	v3 =	vadd.f32 v3, v5  }
0xba: {  	v5 =	vadd.f32 v9, v10;
	v0 =	vadd.f32 v0, v2  }
0xbb: {  	v2 =	vadd.f32 v11, v4;
	v1 =	vadd.f32 v1, v3  }
0xbc: {  	v3 =	vadd.f32 v8, v5;
	v0 =	vmul.f32 $1.999999960e-02, v0  }
0xbd: {  	v2 =	vadd.f32 v7, v2;
	v1 =	vmul.f32 $1.999999960e-02, v1  }
0xbe: {  	[tilespmem:s1+$0x13080] =	vst v0;
	v0 =	vmul.f32 $1.999999960e-02, v3  }
0xbf: {  	[tilespmem:s1+$0x13090] =	vst v1;
	v1 =	vmul.f32 $1.999999960e-02, v2  }
0xc0: {  	[tilespmem:s1+$0x130A0] =	vst v0  }
0xc1: {  	s0 =	simm.s32 $0x0;
	[tilespmem:s1+$0x130B0] =	vst v1  }
0xc2: {  	v0 =	vld [tilespmem:s0+$0x8E80]  }
0xc3: {  	v1 =	vld [tilespmem:s0+$0x8E90]  }
0xc4: {  	v2 =	vld [tilespmem:s0+$0x8E40]  }
0xc5: {  	v3 =	vld [tilespmem:s0+$0x8E50]  }
0xc6: {  	v4 =	vld [tilespmem:s0+$0x8E00]  }
0xc7: {  	v5 =	vld [tilespmem:s0+$0x8E10]  }
0xc8: {  	v6 =	vld [tilespmem:s0+$0x8DC0]  }
0xc9: {  	v7 =	vld [tilespmem:s0+$0x8DD0]  }
0xca: {  	v13 =	vld [tilespmem:s0+$0x8D80]  }
0xcb: {  	v10 =	vimm.f32 $0.0e+00;
	v14 =	vld [tilespmem:s0+$0x8D90]  }
0xcc: {  	s9 =	simm.s32 $0x500;
	v9 =	vimm.f32 $0.0e+00;
	v11 =	vimm.f32 $0.0e+00;
	v8 =	vimm.f32 $0.0e+00;
	v12 =	vld [tilespmem:s0+$0x8DA0]  }
.LBB2_9:
0xcd: {  	p0 =	sne.s32 s9, $0x2D00;
	v15 =	vld [tilespmem:s0+$0x8DB0]  }
0xce: {  	v16 =	vld [tilespmem:s0+$0x8DE0]  }
0xcf: {  	v17 =	vld [tilespmem:s0+$0x8DF0]  }
0xd0: {  	v18 =	vld [tilespmem:s0+$0x8E20]  }
0xd1: {  	v8 =	vadd.f32 v13, v8;
	v11 =	vadd.f32 v14, v11;
	v13 =	vld [tilespmem:s0+$0x8E30]  }
0xd2: {  	v10 =	vadd.f32 v12, v10;
	v9 =	vadd.f32 v15, v9;
	v12 =	vld [tilespmem:s0+$0x8E60]  }
0xd3: {  	v6 =	vadd.f32 v6, v8;
	v7 =	vadd.f32 v7, v11;
	v8 =	vld [tilespmem:s0+$0x8E70]  }
0xd4: {  	v10 =	vadd.f32 v16, v10;
	v9 =	vadd.f32 v17, v9;
	v14 =	vld [tilespmem:s0+$0x8EA0]  }
0xd5: {  	v4 =	vadd.f32 v4, v6;
	v5 =	vadd.f32 v5, v7;
	v6 =	vld [tilespmem:s0+$0x8EB0];
	s0 =	sshra.s32 s9, $0x2  }
0xd6: {  	v10 =	vadd.f32 v18, v10;
	v7 =	vld [tilespmem:s0+$0x8E80];
	v9 =	vadd.f32 v13, v9  }
0xd7: {  	v4 =	vadd.f32 v2, v4;
	v5 =	vadd.f32 v3, v5;
	v13 =	vld [tilespmem:s0+$0x8E90]  }
0xd8: {  	v10 =	vadd.f32 v12, v10;
	v2 =	vld [tilespmem:s0+$0x8E40];
	v9 =	vadd.f32 v8, v9  }
0xd9: {  	v8 =	vadd.f32 v0, v4;
	v11 =	vadd.f32 v1, v5;
	v3 =	vld [tilespmem:s0+$0x8E50]  }
0xda: {  	v10 =	vadd.f32 v14, v10;
	v4 =	vld [tilespmem:s0+$0x8E00];
	v9 =	vadd.f32 v6, v9  }
0xdb: {  	v5 =	vld [tilespmem:s0+$0x8E10];
	v0 =	vmov v7  }
.Ltmp5:
0xdc: {  	v6 =	vld [tilespmem:s0+$0x8DC0];
	v1 =	vmov v13;
	(pc) =	sbr.rel @p0 .LBB2_9-.Ltmp5, $4  }
0xdd: {  	v7 =	vld [tilespmem:s0+$0x8DD0]  }
0xde: {  	v13 =	vld [tilespmem:s0+$0x8D80]  }
0xdf: {  	v14 =	vld [tilespmem:s0+$0x8D90]  }
0xe0: {  	s9 =	sadd.s32 $0x500, s9;
	v12 =	vld [tilespmem:s0+$0x8DA0]  }
0xe1: {  	v15 =	vld [tilespmem:s0+$0x8DB0]  }
0xe2: {  	v16 =	vld [tilespmem:s0+$0x8DE0]  }
0xe3: {  	v17 =	vld [tilespmem:s0+$0x8DF0];
	v8 =	vadd.f32 v13, v8  }
0xe4: {  	v13 =	vld [tilespmem:s0+$0x8E20];
	v11 =	vadd.f32 v14, v11  }
0xe5: {  	v14 =	vld [tilespmem:s0+$0x8E30];
	v10 =	vadd.f32 v12, v10;
	v6 =	vadd.f32 v6, v8  }
0xe6: {  	v8 =	vadd.f32 v15, v9;
	v9 =	vld [tilespmem:s0+$0x8E60];
	v7 =	vadd.f32 v7, v11  }
0xe7: {  	v11 =	vld [tilespmem:s0+$0x8E70];
	v10 =	vadd.f32 v16, v10;
	v4 =	vadd.f32 v4, v6  }
0xe8: {  	v6 =	vadd.f32 v17, v8;
	v8 =	vld [tilespmem:s0+$0x8EA0];
	v5 =	vadd.f32 v5, v7  }
0xe9: {  	v7 =	vld [tilespmem:s0+$0x8EB0];
	v10 =	vadd.f32 v13, v10;
	v2 =	vadd.f32 v2, v4  }
0xea: {  	v4 =	vadd.f32 v14, v6;
	v3 =	vadd.f32 v3, v5  }
0xeb: {  	v5 =	vadd.f32 v9, v10;
	v0 =	vadd.f32 v0, v2  }
0xec: {  	v2 =	vadd.f32 v11, v4;
	v1 =	vadd.f32 v1, v3  }
0xed: {  	v3 =	vadd.f32 v8, v5;
	v0 =	vmul.f32 $1.999999960e-02, v0  }
0xee: {  	p0 =	seq.s32 s31, $0x1F;
	v2 =	vadd.f32 v7, v2;
	v1 =	vmul.f32 $1.999999960e-02, v1  }
0xef: {  	s0 =	smul.u32 @!p0 $0xD00, s31;
	[tilespmem:s1+$0x130C0] =	vst v0;
	v0 =	vmul.f32 $1.999999960e-02, v3  }
0xf0: {  	[tilespmem:s1+$0x130D0] =	vst v1;
	v1 =	vmul.f32 $1.999999960e-02, v2  }
0xf1: {  	s0 =	sshra.s32 @!p0 s0, $0x2;
	[tilespmem:s1+$0x130E0] =	vst v0  }
0xf2: {  	s10 =	simm.s32 @!p0 $0x64;
	s11 =	simm.s32 @!p0 $0x6800;
	s9 =	sadd.s32 @!p0 $0x340, s0;
	[tilespmem:s1+$0x130F0] =	vst v1  }
0xf3: {  	[tilespmem:s11], [sflag:$0x1] =	stream.indirect.gather @!p0 [hbm4b:s3+s10], $0x40, s9, s10, $0xb8;
	[tilespmem:$0x1B000] =	vst v63  }
0xf4: {  	s9 =	sadd.s32 @!p0 $0x3A8, s0;
	s11 =	simm.s32 @!p0 $0x8100  }
0xf5: {  	[tilespmem:s11], [sflag:$0x1] =	stream.indirect.gather @!p0 [hbm4b:s3+s10], $0x40, s9, s10, $0xb8;
	[tilespmem:$0x1B000] =	vst v63  }
0xf6: {  	_ =	swait.ge [sflag:s25], $0x1900  }
0xf7: {  	[sflag:s25] =	ssyncset.done $0x0  }
0xf8: {  	[sflag:s25] =	ssyncadd.s32 $0xFFFFE700  }
0xf9: {  	_ =	swait.ge [sflag:s25], $0x1900  }
0xfa: {  	[sflag:s25] =	ssyncset.done $0x0  }
0xfb: {  	s9 =	simm.s32 $0x0;
	[sflag:s25] =	ssyncadd.s32 $0xFFFFE700  }
0xfc: {  	v0 =	vld [tilespmem:s9+$0x9B00]  }
0xfd: {  	v1 =	vld [tilespmem:s9+$0x9B10]  }
0xfe: {  	v2 =	vld [tilespmem:s9+$0x9AC0]  }
0xff: {  	v3 =	vld [tilespmem:s9+$0x9AD0]  }
0x100: {  	v4 =	vld [tilespmem:s9+$0x9A80]  }
0x101: {  	v5 =	vld [tilespmem:s9+$0x9A90]  }
0x102: {  	v6 =	vld [tilespmem:s9+$0x9A40]  }
0x103: {  	v7 =	vld [tilespmem:s9+$0x9A50]  }
0x104: {  	v13 =	vld [tilespmem:s9+$0x9A00]  }
0x105: {  	v10 =	vimm.f32 $0.0e+00;
	v14 =	vld [tilespmem:s9+$0x9A10]  }
0x106: {  	v9 =	vimm.f32 $0.0e+00;
	v11 =	vimm.f32 $0.0e+00;
	v8 =	vimm.f32 $0.0e+00;
	s10 =	simm.s32 $0x500;
	v12 =	vld [tilespmem:s9+$0x9A20]  }
.LBB2_11:
0x107: {  	p1 =	sne.s32 s10, $0x2D00;
	v15 =	vld [tilespmem:s9+$0x9A30]  }
0x108: {  	v16 =	vld [tilespmem:s9+$0x9A60]  }
0x109: {  	v17 =	vld [tilespmem:s9+$0x9A70]  }
0x10a: {  	v18 =	vld [tilespmem:s9+$0x9AA0]  }
0x10b: {  	v8 =	vadd.f32 v13, v8;
	v11 =	vadd.f32 v14, v11;
	v13 =	vld [tilespmem:s9+$0x9AB0]  }
0x10c: {  	v10 =	vadd.f32 v12, v10;
	v9 =	vadd.f32 v15, v9;
	v12 =	vld [tilespmem:s9+$0x9AE0]  }
0x10d: {  	v6 =	vadd.f32 v6, v8;
	v7 =	vadd.f32 v7, v11;
	v8 =	vld [tilespmem:s9+$0x9AF0]  }
0x10e: {  	v10 =	vadd.f32 v16, v10;
	v9 =	vadd.f32 v17, v9;
	v14 =	vld [tilespmem:s9+$0x9B20]  }
0x10f: {  	v4 =	vadd.f32 v4, v6;
	v5 =	vadd.f32 v5, v7;
	v6 =	vld [tilespmem:s9+$0x9B30];
	s9 =	sshra.s32 s10, $0x2  }
0x110: {  	v10 =	vadd.f32 v18, v10;
	v7 =	vld [tilespmem:s9+$0x9B00];
	v9 =	vadd.f32 v13, v9  }
0x111: {  	v4 =	vadd.f32 v2, v4;
	v5 =	vadd.f32 v3, v5;
	v13 =	vld [tilespmem:s9+$0x9B10]  }
0x112: {  	v10 =	vadd.f32 v12, v10;
	v2 =	vld [tilespmem:s9+$0x9AC0];
	v9 =	vadd.f32 v8, v9  }
0x113: {  	v8 =	vadd.f32 v0, v4;
	v11 =	vadd.f32 v1, v5;
	v3 =	vld [tilespmem:s9+$0x9AD0]  }
0x114: {  	v10 =	vadd.f32 v14, v10;
	v4 =	vld [tilespmem:s9+$0x9A80];
	v9 =	vadd.f32 v6, v9  }
0x115: {  	v5 =	vld [tilespmem:s9+$0x9A90];
	v0 =	vmov v7  }
.Ltmp6:
0x116: {  	v6 =	vld [tilespmem:s9+$0x9A40];
	v1 =	vmov v13;
	(pc) =	sbr.rel @p1 .LBB2_11-.Ltmp6, $4  }
0x117: {  	v7 =	vld [tilespmem:s9+$0x9A50]  }
0x118: {  	v13 =	vld [tilespmem:s9+$0x9A00]  }
0x119: {  	v14 =	vld [tilespmem:s9+$0x9A10]  }
0x11a: {  	s10 =	sadd.s32 $0x500, s10;
	v12 =	vld [tilespmem:s9+$0x9A20]  }
0x11b: {  	v15 =	vld [tilespmem:s9+$0x9A30]  }
0x11c: {  	v16 =	vld [tilespmem:s9+$0x9A60]  }
0x11d: {  	v17 =	vld [tilespmem:s9+$0x9A70];
	v8 =	vadd.f32 v13, v8  }
0x11e: {  	v13 =	vld [tilespmem:s9+$0x9AA0];
	v11 =	vadd.f32 v14, v11  }
0x11f: {  	v14 =	vld [tilespmem:s9+$0x9AB0];
	v10 =	vadd.f32 v12, v10;
	v6 =	vadd.f32 v6, v8  }
0x120: {  	v8 =	vadd.f32 v15, v9;
	v9 =	vld [tilespmem:s9+$0x9AE0];
	v7 =	vadd.f32 v7, v11  }
0x121: {  	v11 =	vld [tilespmem:s9+$0x9AF0];
	v10 =	vadd.f32 v16, v10;
	v4 =	vadd.f32 v4, v6  }
0x122: {  	v6 =	vadd.f32 v17, v8;
	v8 =	vld [tilespmem:s9+$0x9B20];
	v5 =	vadd.f32 v5, v7  }
0x123: {  	v7 =	vld [tilespmem:s9+$0x9B30];
	v10 =	vadd.f32 v13, v10;
	v2 =	vadd.f32 v2, v4  }
0x124: {  	v4 =	vadd.f32 v14, v6;
	v3 =	vadd.f32 v3, v5  }
0x125: {  	v5 =	vadd.f32 v9, v10;
	v0 =	vadd.f32 v0, v2  }
0x126: {  	v2 =	vadd.f32 v11, v4;
	v1 =	vadd.f32 v1, v3  }
0x127: {  	v3 =	vadd.f32 v8, v5;
	v0 =	vmul.f32 $1.999999960e-02, v0  }
0x128: {  	v2 =	vadd.f32 v7, v2;
	v1 =	vmul.f32 $1.999999960e-02, v1  }
0x129: {  	[tilespmem:s1+$0x13100] =	vst v0;
	v0 =	vmul.f32 $1.999999960e-02, v3  }
0x12a: {  	[tilespmem:s1+$0x13110] =	vst v1;
	v1 =	vmul.f32 $1.999999960e-02, v2  }
0x12b: {  	[tilespmem:s1+$0x13120] =	vst v0  }
0x12c: {  	s9 =	simm.s32 $0x0;
	[tilespmem:s1+$0x13130] =	vst v1  }
0x12d: {  	v0 =	vld [tilespmem:s9+$0xA780]  }
0x12e: {  	v1 =	vld [tilespmem:s9+$0xA790]  }
0x12f: {  	v2 =	vld [tilespmem:s9+$0xA740]  }
0x130: {  	v3 =	vld [tilespmem:s9+$0xA750]  }
0x131: {  	v4 =	vld [tilespmem:s9+$0xA700]  }
0x132: {  	v5 =	vld [tilespmem:s9+$0xA710]  }
0x133: {  	v6 =	vld [tilespmem:s9+$0xA6C0]  }
0x134: {  	v7 =	vld [tilespmem:s9+$0xA6D0]  }
0x135: {  	v13 =	vld [tilespmem:s9+$0xA680]  }
0x136: {  	v10 =	vimm.f32 $0.0e+00;
	v14 =	vld [tilespmem:s9+$0xA690]  }
0x137: {  	s10 =	simm.s32 $0x500;
	v9 =	vimm.f32 $0.0e+00;
	v11 =	vimm.f32 $0.0e+00;
	v8 =	vimm.f32 $0.0e+00;
	v12 =	vld [tilespmem:s9+$0xA6A0]  }
.LBB2_13:
0x138: {  	p1 =	sne.s32 s10, $0x2D00;
	v15 =	vld [tilespmem:s9+$0xA6B0]  }
0x139: {  	v16 =	vld [tilespmem:s9+$0xA6E0]  }
0x13a: {  	v17 =	vld [tilespmem:s9+$0xA6F0]  }
0x13b: {  	v18 =	vld [tilespmem:s9+$0xA720]  }
0x13c: {  	v8 =	vadd.f32 v13, v8;
	v11 =	vadd.f32 v14, v11;
	v13 =	vld [tilespmem:s9+$0xA730]  }
0x13d: {  	v10 =	vadd.f32 v12, v10;
	v9 =	vadd.f32 v15, v9;
	v12 =	vld [tilespmem:s9+$0xA760]  }
0x13e: {  	v6 =	vadd.f32 v6, v8;
	v7 =	vadd.f32 v7, v11;
	v8 =	vld [tilespmem:s9+$0xA770]  }
0x13f: {  	v10 =	vadd.f32 v16, v10;
	v9 =	vadd.f32 v17, v9;
	v14 =	vld [tilespmem:s9+$0xA7A0]  }
0x140: {  	v4 =	vadd.f32 v4, v6;
	v5 =	vadd.f32 v5, v7;
	v6 =	vld [tilespmem:s9+$0xA7B0];
	s9 =	sshra.s32 s10, $0x2  }
0x141: {  	v10 =	vadd.f32 v18, v10;
	v7 =	vld [tilespmem:s9+$0xA780];
	v9 =	vadd.f32 v13, v9  }
0x142: {  	v4 =	vadd.f32 v2, v4;
	v5 =	vadd.f32 v3, v5;
	v13 =	vld [tilespmem:s9+$0xA790]  }
0x143: {  	v10 =	vadd.f32 v12, v10;
	v2 =	vld [tilespmem:s9+$0xA740];
	v9 =	vadd.f32 v8, v9  }
0x144: {  	v8 =	vadd.f32 v0, v4;
	v11 =	vadd.f32 v1, v5;
	v3 =	vld [tilespmem:s9+$0xA750]  }
0x145: {  	v10 =	vadd.f32 v14, v10;
	v4 =	vld [tilespmem:s9+$0xA700];
	v9 =	vadd.f32 v6, v9  }
0x146: {  	v5 =	vld [tilespmem:s9+$0xA710];
	v0 =	vmov v7  }
.Ltmp7:
0x147: {  	v6 =	vld [tilespmem:s9+$0xA6C0];
	v1 =	vmov v13;
	(pc) =	sbr.rel @p1 .LBB2_13-.Ltmp7, $4  }
0x148: {  	v7 =	vld [tilespmem:s9+$0xA6D0]  }
0x149: {  	v13 =	vld [tilespmem:s9+$0xA680]  }
0x14a: {  	v14 =	vld [tilespmem:s9+$0xA690]  }
0x14b: {  	s10 =	sadd.s32 $0x500, s10;
	v12 =	vld [tilespmem:s9+$0xA6A0]  }
0x14c: {  	v15 =	vld [tilespmem:s9+$0xA6B0]  }
0x14d: {  	v16 =	vld [tilespmem:s9+$0xA6E0]  }
0x14e: {  	v17 =	vld [tilespmem:s9+$0xA6F0];
	v8 =	vadd.f32 v13, v8  }
0x14f: {  	v13 =	vld [tilespmem:s9+$0xA720];
	v11 =	vadd.f32 v14, v11  }
0x150: {  	v14 =	vld [tilespmem:s9+$0xA730];
	v10 =	vadd.f32 v12, v10;
	v6 =	vadd.f32 v6, v8  }
0x151: {  	v8 =	vadd.f32 v15, v9;
	v9 =	vld [tilespmem:s9+$0xA760];
	v7 =	vadd.f32 v7, v11  }
0x152: {  	v11 =	vld [tilespmem:s9+$0xA770];
	v10 =	vadd.f32 v16, v10;
	v4 =	vadd.f32 v4, v6  }
0x153: {  	v6 =	vadd.f32 v17, v8;
	v8 =	vld [tilespmem:s9+$0xA7A0];
	v5 =	vadd.f32 v5, v7  }
0x154: {  	v7 =	vld [tilespmem:s9+$0xA7B0];
	v10 =	vadd.f32 v13, v10;
	v2 =	vadd.f32 v2, v4  }
0x155: {  	v4 =	vadd.f32 v14, v6;
	v3 =	vadd.f32 v3, v5  }
0x156: {  	v5 =	vadd.f32 v9, v10;
	v0 =	vadd.f32 v0, v2  }
0x157: {  	v2 =	vadd.f32 v11, v4;
	v1 =	vadd.f32 v1, v3  }
0x158: {  	v3 =	vadd.f32 v8, v5;
	v0 =	vmul.f32 $1.999999960e-02, v0  }
0x159: {  	v2 =	vadd.f32 v7, v2;
	v1 =	vmul.f32 $1.999999960e-02, v1  }
0x15a: {  	[tilespmem:s1+$0x13140] =	vst v0;
	v0 =	vmul.f32 $1.999999960e-02, v3  }
0x15b: {  	[tilespmem:s1+$0x13150] =	vst v1;
	v1 =	vmul.f32 $1.999999960e-02, v2  }
0x15c: {  	[tilespmem:s1+$0x13160] =	vst v0  }
0x15d: {  	s9 =	simm.s32 $0x0;
	[tilespmem:s1+$0x13170] =	vst v1  }
0x15e: {  	v0 =	vld [tilespmem:s9+$0xB400]  }
0x15f: {  	v1 =	vld [tilespmem:s9+$0xB410]  }
0x160: {  	v2 =	vld [tilespmem:s9+$0xB3C0]  }
0x161: {  	v3 =	vld [tilespmem:s9+$0xB3D0]  }
0x162: {  	v4 =	vld [tilespmem:s9+$0xB380]  }
0x163: {  	v5 =	vld [tilespmem:s9+$0xB390]  }
0x164: {  	v6 =	vld [tilespmem:s9+$0xB340]  }
0x165: {  	v7 =	vld [tilespmem:s9+$0xB350]  }
0x166: {  	v13 =	vld [tilespmem:s9+$0xB300]  }
0x167: {  	v10 =	vimm.f32 $0.0e+00;
	v14 =	vld [tilespmem:s9+$0xB310]  }
0x168: {  	s10 =	simm.s32 $0x500;
	v9 =	vimm.f32 $0.0e+00;
	v11 =	vimm.f32 $0.0e+00;
	v8 =	vimm.f32 $0.0e+00;
	v12 =	vld [tilespmem:s9+$0xB320]  }
.LBB2_15:
0x169: {  	p1 =	sne.s32 s10, $0x2D00;
	v15 =	vld [tilespmem:s9+$0xB330]  }
0x16a: {  	v16 =	vld [tilespmem:s9+$0xB360]  }
0x16b: {  	v17 =	vld [tilespmem:s9+$0xB370]  }
0x16c: {  	v18 =	vld [tilespmem:s9+$0xB3A0]  }
0x16d: {  	v8 =	vadd.f32 v13, v8;
	v11 =	vadd.f32 v14, v11;
	v13 =	vld [tilespmem:s9+$0xB3B0]  }
0x16e: {  	v10 =	vadd.f32 v12, v10;
	v9 =	vadd.f32 v15, v9;
	v12 =	vld [tilespmem:s9+$0xB3E0]  }
0x16f: {  	v6 =	vadd.f32 v6, v8;
	v7 =	vadd.f32 v7, v11;
	v8 =	vld [tilespmem:s9+$0xB3F0]  }
0x170: {  	v10 =	vadd.f32 v16, v10;
	v9 =	vadd.f32 v17, v9;
	v14 =	vld [tilespmem:s9+$0xB420]  }
0x171: {  	v4 =	vadd.f32 v4, v6;
	v5 =	vadd.f32 v5, v7;
	v6 =	vld [tilespmem:s9+$0xB430];
	s9 =	sshra.s32 s10, $0x2  }
0x172: {  	v10 =	vadd.f32 v18, v10;
	v7 =	vld [tilespmem:s9+$0xB400];
	v9 =	vadd.f32 v13, v9  }
0x173: {  	v4 =	vadd.f32 v2, v4;
	v5 =	vadd.f32 v3, v5;
	v13 =	vld [tilespmem:s9+$0xB410]  }
0x174: {  	v10 =	vadd.f32 v12, v10;
	v2 =	vld [tilespmem:s9+$0xB3C0];
	v9 =	vadd.f32 v8, v9  }
0x175: {  	v8 =	vadd.f32 v0, v4;
	v11 =	vadd.f32 v1, v5;
	v3 =	vld [tilespmem:s9+$0xB3D0]  }
0x176: {  	v10 =	vadd.f32 v14, v10;
	v4 =	vld [tilespmem:s9+$0xB380];
	v9 =	vadd.f32 v6, v9  }
0x177: {  	v5 =	vld [tilespmem:s9+$0xB390];
	v0 =	vmov v7  }
.Ltmp8:
0x178: {  	v6 =	vld [tilespmem:s9+$0xB340];
	v1 =	vmov v13;
	(pc) =	sbr.rel @p1 .LBB2_15-.Ltmp8, $4  }
0x179: {  	v7 =	vld [tilespmem:s9+$0xB350]  }
0x17a: {  	v13 =	vld [tilespmem:s9+$0xB300]  }
0x17b: {  	v14 =	vld [tilespmem:s9+$0xB310]  }
0x17c: {  	s10 =	sadd.s32 $0x500, s10;
	v12 =	vld [tilespmem:s9+$0xB320]  }
0x17d: {  	v15 =	vld [tilespmem:s9+$0xB330]  }
0x17e: {  	v16 =	vld [tilespmem:s9+$0xB360]  }
0x17f: {  	v17 =	vld [tilespmem:s9+$0xB370];
	v8 =	vadd.f32 v13, v8  }
0x180: {  	v13 =	vld [tilespmem:s9+$0xB3A0];
	v11 =	vadd.f32 v14, v11  }
0x181: {  	v14 =	vld [tilespmem:s9+$0xB3B0];
	v10 =	vadd.f32 v12, v10;
	v6 =	vadd.f32 v6, v8  }
0x182: {  	v8 =	vadd.f32 v15, v9;
	v9 =	vld [tilespmem:s9+$0xB3E0];
	v7 =	vadd.f32 v7, v11  }
0x183: {  	v11 =	vld [tilespmem:s9+$0xB3F0];
	v10 =	vadd.f32 v16, v10;
	v4 =	vadd.f32 v4, v6  }
0x184: {  	v6 =	vadd.f32 v17, v8;
	v8 =	vld [tilespmem:s9+$0xB420];
	v5 =	vadd.f32 v5, v7  }
0x185: {  	v7 =	vld [tilespmem:s9+$0xB430];
	v10 =	vadd.f32 v13, v10;
	v2 =	vadd.f32 v2, v4  }
0x186: {  	v4 =	vadd.f32 v14, v6;
	v3 =	vadd.f32 v3, v5  }
0x187: {  	v5 =	vadd.f32 v9, v10;
	v0 =	vadd.f32 v0, v2  }
0x188: {  	v2 =	vadd.f32 v11, v4;
	v1 =	vadd.f32 v1, v3  }
0x189: {  	v3 =	vadd.f32 v8, v5;
	v0 =	vmul.f32 $1.999999960e-02, v0  }
0x18a: {  	v2 =	vadd.f32 v7, v2;
	v1 =	vmul.f32 $1.999999960e-02, v1  }
0x18b: {  	[tilespmem:s1+$0x13180] =	vst v0;
	v0 =	vmul.f32 $1.999999960e-02, v3  }
0x18c: {  	[tilespmem:s1+$0x13190] =	vst v1;
	v1 =	vmul.f32 $1.999999960e-02, v2  }
0x18d: {  	[tilespmem:s1+$0x131A0] =	vst v0  }
0x18e: {  	s9 =	simm.s32 $0x0;
	[tilespmem:s1+$0x131B0] =	vst v1  }
0x18f: {  	v0 =	vld [tilespmem:s9+$0xC080]  }
0x190: {  	v1 =	vld [tilespmem:s9+$0xC090]  }
0x191: {  	v2 =	vld [tilespmem:s9+$0xC040]  }
0x192: {  	v3 =	vld [tilespmem:s9+$0xC050]  }
0x193: {  	v4 =	vld [tilespmem:s9+$0xC000]  }
0x194: {  	v5 =	vld [tilespmem:s9+$0xC010]  }
0x195: {  	v6 =	vld [tilespmem:s9+$0xBFC0]  }
0x196: {  	v7 =	vld [tilespmem:s9+$0xBFD0]  }
0x197: {  	v13 =	vld [tilespmem:s9+$0xBF80]  }
0x198: {  	v10 =	vimm.f32 $0.0e+00;
	v14 =	vld [tilespmem:s9+$0xBF90]  }
0x199: {  	s10 =	simm.s32 $0x500;
	v9 =	vimm.f32 $0.0e+00;
	v11 =	vimm.f32 $0.0e+00;
	v8 =	vimm.f32 $0.0e+00;
	v12 =	vld [tilespmem:s9+$0xBFA0]  }
.LBB2_17:
0x19a: {  	p1 =	sne.s32 s10, $0x2D00;
	v15 =	vld [tilespmem:s9+$0xBFB0]  }
0x19b: {  	v16 =	vld [tilespmem:s9+$0xBFE0]  }
0x19c: {  	v17 =	vld [tilespmem:s9+$0xBFF0]  }
0x19d: {  	v18 =	vld [tilespmem:s9+$0xC020]  }
0x19e: {  	v8 =	vadd.f32 v13, v8;
	v11 =	vadd.f32 v14, v11;
	v13 =	vld [tilespmem:s9+$0xC030]  }
0x19f: {  	v10 =	vadd.f32 v12, v10;
	v9 =	vadd.f32 v15, v9;
	v12 =	vld [tilespmem:s9+$0xC060]  }
0x1a0: {  	v6 =	vadd.f32 v6, v8;
	v7 =	vadd.f32 v7, v11;
	v8 =	vld [tilespmem:s9+$0xC070]  }
0x1a1: {  	v10 =	vadd.f32 v16, v10;
	v9 =	vadd.f32 v17, v9;
	v14 =	vld [tilespmem:s9+$0xC0A0]  }
0x1a2: {  	v4 =	vadd.f32 v4, v6;
	v5 =	vadd.f32 v5, v7;
	v6 =	vld [tilespmem:s9+$0xC0B0];
	s9 =	sshra.s32 s10, $0x2  }
0x1a3: {  	v10 =	vadd.f32 v18, v10;
	v7 =	vld [tilespmem:s9+$0xC080];
	v9 =	vadd.f32 v13, v9  }
0x1a4: {  	v4 =	vadd.f32 v2, v4;
	v5 =	vadd.f32 v3, v5;
	v13 =	vld [tilespmem:s9+$0xC090]  }
0x1a5: {  	v10 =	vadd.f32 v12, v10;
	v2 =	vld [tilespmem:s9+$0xC040];
	v9 =	vadd.f32 v8, v9  }
0x1a6: {  	v8 =	vadd.f32 v0, v4;
	v11 =	vadd.f32 v1, v5;
	v3 =	vld [tilespmem:s9+$0xC050]  }
0x1a7: {  	v10 =	vadd.f32 v14, v10;
	v4 =	vld [tilespmem:s9+$0xC000];
	v9 =	vadd.f32 v6, v9  }
0x1a8: {  	v5 =	vld [tilespmem:s9+$0xC010];
	v0 =	vmov v7  }
.Ltmp9:
0x1a9: {  	v6 =	vld [tilespmem:s9+$0xBFC0];
	v1 =	vmov v13;
	(pc) =	sbr.rel @p1 .LBB2_17-.Ltmp9, $4  }
0x1aa: {  	v7 =	vld [tilespmem:s9+$0xBFD0]  }
0x1ab: {  	v13 =	vld [tilespmem:s9+$0xBF80]  }
0x1ac: {  	v14 =	vld [tilespmem:s9+$0xBF90]  }
0x1ad: {  	s10 =	sadd.s32 $0x500, s10;
	v12 =	vld [tilespmem:s9+$0xBFA0]  }
0x1ae: {  	v15 =	vld [tilespmem:s9+$0xBFB0]  }
0x1af: {  	v16 =	vld [tilespmem:s9+$0xBFE0]  }
0x1b0: {  	v17 =	vld [tilespmem:s9+$0xBFF0];
	v8 =	vadd.f32 v13, v8  }
0x1b1: {  	v13 =	vld [tilespmem:s9+$0xC020];
	v11 =	vadd.f32 v14, v11  }
0x1b2: {  	v14 =	vld [tilespmem:s9+$0xC030];
	v10 =	vadd.f32 v12, v10;
	v6 =	vadd.f32 v6, v8  }
0x1b3: {  	v8 =	vadd.f32 v15, v9;
	v9 =	vld [tilespmem:s9+$0xC060];
	v7 =	vadd.f32 v7, v11  }
0x1b4: {  	v11 =	vld [tilespmem:s9+$0xC070];
	v10 =	vadd.f32 v16, v10;
	v4 =	vadd.f32 v4, v6  }
0x1b5: {  	v6 =	vadd.f32 v17, v8;
	v8 =	vld [tilespmem:s9+$0xC0A0];
	v5 =	vadd.f32 v5, v7  }
0x1b6: {  	v7 =	vld [tilespmem:s9+$0xC0B0];
	v10 =	vadd.f32 v13, v10;
	v2 =	vadd.f32 v2, v4  }
0x1b7: {  	v4 =	vadd.f32 v14, v6;
	v3 =	vadd.f32 v3, v5  }
0x1b8: {  	v5 =	vadd.f32 v9, v10;
	v0 =	vadd.f32 v0, v2  }
0x1b9: {  	v2 =	vadd.f32 v11, v4;
	v1 =	vadd.f32 v1, v3  }
0x1ba: {  	v3 =	vadd.f32 v8, v5;
	v0 =	vmul.f32 $1.999999960e-02, v0  }
0x1bb: {  	v2 =	vadd.f32 v7, v2;
	v1 =	vmul.f32 $1.999999960e-02, v1  }
0x1bc: {  	[tilespmem:s1+$0x131C0] =	vst v0;
	v0 =	vmul.f32 $1.999999960e-02, v3  }
0x1bd: {  	[tilespmem:s1+$0x131D0] =	vst v1;
	v1 =	vmul.f32 $1.999999960e-02, v2  }
0x1be: {  	[tilespmem:s1+$0x131E0] =	vst v0  }
0x1bf: {  	s10 =	simm.s32 @!p0 $0x64;
	s11 =	simm.s32 @!p0 $0x9A00;
	s9 =	sadd.s32 @!p0 $0x410, s0;
	[tilespmem:s1+$0x131F0] =	vst v1  }
0x1c0: {  	[tilespmem:s11], [sflag:$0x2] =	stream.indirect.gather @!p0 [hbm4b:s3+s10], $0x40, s9, s10, $0xb8;
	[tilespmem:$0x1B000] =	vst v63  }
0x1c1: {  	s9 =	sadd.s32 @!p0 $0x478, s0;
	s11 =	simm.s32 @!p0 $0xB300  }
0x1c2: {  	[tilespmem:s11], [sflag:$0x2] =	stream.indirect.gather @!p0 [hbm4b:s3+s10], $0x40, s9, s10, $0xb8;
	[tilespmem:$0x1B000] =	vst v63  }
0x1c3: {  	_ =	swait.ge [sflag:s26], $0x1900  }
0x1c4: {  	[sflag:s26] =	ssyncset.done $0x0  }
0x1c5: {  	[sflag:s26] =	ssyncadd.s32 $0xFFFFE700  }
0x1c6: {  	_ =	swait.ge [sflag:s26], $0x1900  }
0x1c7: {  	[sflag:s26] =	ssyncset.done $0x0  }
0x1c8: {  	s9 =	simm.s32 $0x0;
	[sflag:s26] =	ssyncadd.s32 $0xFFFFE700  }
0x1c9: {  	v0 =	vld [tilespmem:s9+$0xCD00]  }
0x1ca: {  	v1 =	vld [tilespmem:s9+$0xCD10]  }
0x1cb: {  	v2 =	vld [tilespmem:s9+$0xCCC0]  }
0x1cc: {  	v3 =	vld [tilespmem:s9+$0xCCD0]  }
0x1cd: {  	v4 =	vld [tilespmem:s9+$0xCC80]  }
0x1ce: {  	v5 =	vld [tilespmem:s9+$0xCC90]  }
0x1cf: {  	v6 =	vld [tilespmem:s9+$0xCC40]  }
0x1d0: {  	v7 =	vld [tilespmem:s9+$0xCC50]  }
0x1d1: {  	v13 =	vld [tilespmem:s9+$0xCC00]  }
0x1d2: {  	v10 =	vimm.f32 $0.0e+00;
	v14 =	vld [tilespmem:s9+$0xCC10]  }
0x1d3: {  	v9 =	vimm.f32 $0.0e+00;
	v11 =	vimm.f32 $0.0e+00;
	v8 =	vimm.f32 $0.0e+00;
	s10 =	simm.s32 $0x500;
	v12 =	vld [tilespmem:s9+$0xCC20]  }
.LBB2_19:
0x1d4: {  	p1 =	sne.s32 s10, $0x2D00;
	v15 =	vld [tilespmem:s9+$0xCC30]  }
0x1d5: {  	v16 =	vld [tilespmem:s9+$0xCC60]  }
0x1d6: {  	v17 =	vld [tilespmem:s9+$0xCC70]  }
0x1d7: {  	v18 =	vld [tilespmem:s9+$0xCCA0]  }
0x1d8: {  	v8 =	vadd.f32 v13, v8;
	v11 =	vadd.f32 v14, v11;
	v13 =	vld [tilespmem:s9+$0xCCB0]  }
0x1d9: {  	v10 =	vadd.f32 v12, v10;
	v9 =	vadd.f32 v15, v9;
	v12 =	vld [tilespmem:s9+$0xCCE0]  }
0x1da: {  	v6 =	vadd.f32 v6, v8;
	v7 =	vadd.f32 v7, v11;
	v8 =	vld [tilespmem:s9+$0xCCF0]  }
0x1db: {  	v10 =	vadd.f32 v16, v10;
	v9 =	vadd.f32 v17, v9;
	v14 =	vld [tilespmem:s9+$0xCD20]  }
0x1dc: {  	v4 =	vadd.f32 v4, v6;
	v5 =	vadd.f32 v5, v7;
	v6 =	vld [tilespmem:s9+$0xCD30];
	s9 =	sshra.s32 s10, $0x2  }
0x1dd: {  	v10 =	vadd.f32 v18, v10;
	v7 =	vld [tilespmem:s9+$0xCD00];
	v9 =	vadd.f32 v13, v9  }
0x1de: {  	v4 =	vadd.f32 v2, v4;
	v5 =	vadd.f32 v3, v5;
	v13 =	vld [tilespmem:s9+$0xCD10]  }
0x1df: {  	v10 =	vadd.f32 v12, v10;
	v2 =	vld [tilespmem:s9+$0xCCC0];
	v9 =	vadd.f32 v8, v9  }
0x1e0: {  	v8 =	vadd.f32 v0, v4;
	v11 =	vadd.f32 v1, v5;
	v3 =	vld [tilespmem:s9+$0xCCD0]  }
0x1e1: {  	v10 =	vadd.f32 v14, v10;
	v4 =	vld [tilespmem:s9+$0xCC80];
	v9 =	vadd.f32 v6, v9  }
0x1e2: {  	v5 =	vld [tilespmem:s9+$0xCC90];
	v0 =	vmov v7  }
.Ltmp10:
0x1e3: {  	v6 =	vld [tilespmem:s9+$0xCC40];
	v1 =	vmov v13;
	(pc) =	sbr.rel @p1 .LBB2_19-.Ltmp10, $4  }
0x1e4: {  	v7 =	vld [tilespmem:s9+$0xCC50]  }
0x1e5: {  	v13 =	vld [tilespmem:s9+$0xCC00]  }
0x1e6: {  	v14 =	vld [tilespmem:s9+$0xCC10]  }
0x1e7: {  	s10 =	sadd.s32 $0x500, s10;
	v12 =	vld [tilespmem:s9+$0xCC20]  }
0x1e8: {  	v15 =	vld [tilespmem:s9+$0xCC30]  }
0x1e9: {  	v16 =	vld [tilespmem:s9+$0xCC60]  }
0x1ea: {  	v17 =	vld [tilespmem:s9+$0xCC70];
	v8 =	vadd.f32 v13, v8  }
0x1eb: {  	v13 =	vld [tilespmem:s9+$0xCCA0];
	v11 =	vadd.f32 v14, v11  }
0x1ec: {  	v14 =	vld [tilespmem:s9+$0xCCB0];
	v10 =	vadd.f32 v12, v10;
	v6 =	vadd.f32 v6, v8  }
0x1ed: {  	v8 =	vadd.f32 v15, v9;
	v9 =	vld [tilespmem:s9+$0xCCE0];
	v7 =	vadd.f32 v7, v11  }
0x1ee: {  	v11 =	vld [tilespmem:s9+$0xCCF0];
	v10 =	vadd.f32 v16, v10;
	v4 =	vadd.f32 v4, v6  }
0x1ef: {  	v6 =	vadd.f32 v17, v8;
	v8 =	vld [tilespmem:s9+$0xCD20];
	v5 =	vadd.f32 v5, v7  }
0x1f0: {  	v7 =	vld [tilespmem:s9+$0xCD30];
	v10 =	vadd.f32 v13, v10;
	v2 =	vadd.f32 v2, v4  }
0x1f1: {  	v4 =	vadd.f32 v14, v6;
	v3 =	vadd.f32 v3, v5  }
0x1f2: {  	v5 =	vadd.f32 v9, v10;
	v0 =	vadd.f32 v0, v2  }
0x1f3: {  	v2 =	vadd.f32 v11, v4;
	v1 =	vadd.f32 v1, v3  }
0x1f4: {  	v3 =	vadd.f32 v8, v5;
	v0 =	vmul.f32 $1.999999960e-02, v0  }
0x1f5: {  	v2 =	vadd.f32 v7, v2;
	v1 =	vmul.f32 $1.999999960e-02, v1  }
0x1f6: {  	[tilespmem:s1+$0x13200] =	vst v0;
	v0 =	vmul.f32 $1.999999960e-02, v3  }
0x1f7: {  	[tilespmem:s1+$0x13210] =	vst v1;
	v1 =	vmul.f32 $1.999999960e-02, v2  }
0x1f8: {  	[tilespmem:s1+$0x13220] =	vst v0  }
0x1f9: {  	s9 =	simm.s32 $0x0;
	[tilespmem:s1+$0x13230] =	vst v1  }
0x1fa: {  	v0 =	vld [tilespmem:s9+$0xD980]  }
0x1fb: {  	v1 =	vld [tilespmem:s9+$0xD990]  }
0x1fc: {  	v2 =	vld [tilespmem:s9+$0xD940]  }
0x1fd: {  	v3 =	vld [tilespmem:s9+$0xD950]  }
0x1fe: {  	v4 =	vld [tilespmem:s9+$0xD900]  }
0x1ff: {  	v5 =	vld [tilespmem:s9+$0xD910]  }
0x200: {  	v6 =	vld [tilespmem:s9+$0xD8C0]  }
0x201: {  	v7 =	vld [tilespmem:s9+$0xD8D0]  }
0x202: {  	v13 =	vld [tilespmem:s9+$0xD880]  }
0x203: {  	v10 =	vimm.f32 $0.0e+00;
	v14 =	vld [tilespmem:s9+$0xD890]  }
0x204: {  	s10 =	simm.s32 $0x500;
	v9 =	vimm.f32 $0.0e+00;
	v11 =	vimm.f32 $0.0e+00;
	v8 =	vimm.f32 $0.0e+00;
	v12 =	vld [tilespmem:s9+$0xD8A0]  }
.LBB2_21:
0x205: {  	p1 =	sne.s32 s10, $0x2D00;
	v15 =	vld [tilespmem:s9+$0xD8B0]  }
0x206: {  	v16 =	vld [tilespmem:s9+$0xD8E0]  }
0x207: {  	v17 =	vld [tilespmem:s9+$0xD8F0]  }
0x208: {  	v18 =	vld [tilespmem:s9+$0xD920]  }
0x209: {  	v8 =	vadd.f32 v13, v8;
	v11 =	vadd.f32 v14, v11;
	v13 =	vld [tilespmem:s9+$0xD930]  }
0x20a: {  	v10 =	vadd.f32 v12, v10;
	v9 =	vadd.f32 v15, v9;
	v12 =	vld [tilespmem:s9+$0xD960]  }
0x20b: {  	v6 =	vadd.f32 v6, v8;
	v7 =	vadd.f32 v7, v11;
	v8 =	vld [tilespmem:s9+$0xD970]  }
0x20c: {  	v10 =	vadd.f32 v16, v10;
	v9 =	vadd.f32 v17, v9;
	v14 =	vld [tilespmem:s9+$0xD9A0]  }
0x20d: {  	v4 =	vadd.f32 v4, v6;
	v5 =	vadd.f32 v5, v7;
	v6 =	vld [tilespmem:s9+$0xD9B0];
	s9 =	sshra.s32 s10, $0x2  }
0x20e: {  	v10 =	vadd.f32 v18, v10;
	v7 =	vld [tilespmem:s9+$0xD980];
	v9 =	vadd.f32 v13, v9  }
0x20f: {  	v4 =	vadd.f32 v2, v4;
	v5 =	vadd.f32 v3, v5;
	v13 =	vld [tilespmem:s9+$0xD990]  }
0x210: {  	v10 =	vadd.f32 v12, v10;
	v2 =	vld [tilespmem:s9+$0xD940];
	v9 =	vadd.f32 v8, v9  }
0x211: {  	v8 =	vadd.f32 v0, v4;
	v11 =	vadd.f32 v1, v5;
	v3 =	vld [tilespmem:s9+$0xD950]  }
0x212: {  	v10 =	vadd.f32 v14, v10;
	v4 =	vld [tilespmem:s9+$0xD900];
	v9 =	vadd.f32 v6, v9  }
0x213: {  	v5 =	vld [tilespmem:s9+$0xD910];
	v0 =	vmov v7  }
.Ltmp11:
0x214: {  	v6 =	vld [tilespmem:s9+$0xD8C0];
	v1 =	vmov v13;
	(pc) =	sbr.rel @p1 .LBB2_21-.Ltmp11, $4  }
0x215: {  	v7 =	vld [tilespmem:s9+$0xD8D0]  }
0x216: {  	v13 =	vld [tilespmem:s9+$0xD880]  }
0x217: {  	v14 =	vld [tilespmem:s9+$0xD890]  }
0x218: {  	s10 =	sadd.s32 $0x500, s10;
	v12 =	vld [tilespmem:s9+$0xD8A0]  }
0x219: {  	v15 =	vld [tilespmem:s9+$0xD8B0]  }
0x21a: {  	v16 =	vld [tilespmem:s9+$0xD8E0]  }
0x21b: {  	v17 =	vld [tilespmem:s9+$0xD8F0];
	v8 =	vadd.f32 v13, v8  }
0x21c: {  	v13 =	vld [tilespmem:s9+$0xD920];
	v11 =	vadd.f32 v14, v11  }
0x21d: {  	v14 =	vld [tilespmem:s9+$0xD930];
	v10 =	vadd.f32 v12, v10;
	v6 =	vadd.f32 v6, v8  }
0x21e: {  	v8 =	vadd.f32 v15, v9;
	v9 =	vld [tilespmem:s9+$0xD960];
	v7 =	vadd.f32 v7, v11  }
0x21f: {  	v11 =	vld [tilespmem:s9+$0xD970];
	v10 =	vadd.f32 v16, v10;
	v4 =	vadd.f32 v4, v6  }
0x220: {  	v6 =	vadd.f32 v17, v8;
	v8 =	vld [tilespmem:s9+$0xD9A0];
	v5 =	vadd.f32 v5, v7  }
0x221: {  	v7 =	vld [tilespmem:s9+$0xD9B0];
	v10 =	vadd.f32 v13, v10;
	v2 =	vadd.f32 v2, v4  }
0x222: {  	v4 =	vadd.f32 v14, v6;
	v3 =	vadd.f32 v3, v5  }
0x223: {  	v5 =	vadd.f32 v9, v10;
	v0 =	vadd.f32 v0, v2  }
0x224: {  	v2 =	vadd.f32 v11, v4;
	v1 =	vadd.f32 v1, v3  }
0x225: {  	v3 =	vadd.f32 v8, v5;
	v0 =	vmul.f32 $1.999999960e-02, v0  }
0x226: {  	v2 =	vadd.f32 v7, v2;
	v1 =	vmul.f32 $1.999999960e-02, v1  }
0x227: {  	[tilespmem:s1+$0x13240] =	vst v0;
	v0 =	vmul.f32 $1.999999960e-02, v3  }
0x228: {  	[tilespmem:s1+$0x13250] =	vst v1;
	v1 =	vmul.f32 $1.999999960e-02, v2  }
0x229: {  	[tilespmem:s1+$0x13260] =	vst v0  }
0x22a: {  	s9 =	simm.s32 $0x0;
	[tilespmem:s1+$0x13270] =	vst v1  }
0x22b: {  	v0 =	vld [tilespmem:s9+$0xE600]  }
0x22c: {  	v1 =	vld [tilespmem:s9+$0xE610]  }
0x22d: {  	v2 =	vld [tilespmem:s9+$0xE5C0]  }
0x22e: {  	v3 =	vld [tilespmem:s9+$0xE5D0]  }
0x22f: {  	v4 =	vld [tilespmem:s9+$0xE580]  }
0x230: {  	v5 =	vld [tilespmem:s9+$0xE590]  }
0x231: {  	v6 =	vld [tilespmem:s9+$0xE540]  }
0x232: {  	v7 =	vld [tilespmem:s9+$0xE550]  }
0x233: {  	v13 =	vld [tilespmem:s9+$0xE500]  }
0x234: {  	v10 =	vimm.f32 $0.0e+00;
	v14 =	vld [tilespmem:s9+$0xE510]  }
0x235: {  	s10 =	simm.s32 $0x500;
	v9 =	vimm.f32 $0.0e+00;
	v11 =	vimm.f32 $0.0e+00;
	v8 =	vimm.f32 $0.0e+00;
	v12 =	vld [tilespmem:s9+$0xE520]  }
.LBB2_23:
0x236: {  	p1 =	sne.s32 s10, $0x2D00;
	v15 =	vld [tilespmem:s9+$0xE530]  }
0x237: {  	v16 =	vld [tilespmem:s9+$0xE560]  }
0x238: {  	v17 =	vld [tilespmem:s9+$0xE570]  }
0x239: {  	v18 =	vld [tilespmem:s9+$0xE5A0]  }
0x23a: {  	v8 =	vadd.f32 v13, v8;
	v11 =	vadd.f32 v14, v11;
	v13 =	vld [tilespmem:s9+$0xE5B0]  }
0x23b: {  	v10 =	vadd.f32 v12, v10;
	v9 =	vadd.f32 v15, v9;
	v12 =	vld [tilespmem:s9+$0xE5E0]  }
0x23c: {  	v6 =	vadd.f32 v6, v8;
	v7 =	vadd.f32 v7, v11;
	v8 =	vld [tilespmem:s9+$0xE5F0]  }
0x23d: {  	v10 =	vadd.f32 v16, v10;
	v9 =	vadd.f32 v17, v9;
	v14 =	vld [tilespmem:s9+$0xE620]  }
0x23e: {  	v4 =	vadd.f32 v4, v6;
	v5 =	vadd.f32 v5, v7;
	v6 =	vld [tilespmem:s9+$0xE630];
	s9 =	sshra.s32 s10, $0x2  }
0x23f: {  	v10 =	vadd.f32 v18, v10;
	v7 =	vld [tilespmem:s9+$0xE600];
	v9 =	vadd.f32 v13, v9  }
0x240: {  	v4 =	vadd.f32 v2, v4;
	v5 =	vadd.f32 v3, v5;
	v13 =	vld [tilespmem:s9+$0xE610]  }
0x241: {  	v10 =	vadd.f32 v12, v10;
	v2 =	vld [tilespmem:s9+$0xE5C0];
	v9 =	vadd.f32 v8, v9  }
0x242: {  	v8 =	vadd.f32 v0, v4;
	v11 =	vadd.f32 v1, v5;
	v3 =	vld [tilespmem:s9+$0xE5D0]  }
0x243: {  	v10 =	vadd.f32 v14, v10;
	v4 =	vld [tilespmem:s9+$0xE580];
	v9 =	vadd.f32 v6, v9  }
0x244: {  	v5 =	vld [tilespmem:s9+$0xE590];
	v0 =	vmov v7  }
.Ltmp12:
0x245: {  	v6 =	vld [tilespmem:s9+$0xE540];
	v1 =	vmov v13;
	(pc) =	sbr.rel @p1 .LBB2_23-.Ltmp12, $4  }
0x246: {  	v7 =	vld [tilespmem:s9+$0xE550]  }
0x247: {  	v13 =	vld [tilespmem:s9+$0xE500]  }
0x248: {  	v14 =	vld [tilespmem:s9+$0xE510]  }
0x249: {  	s10 =	sadd.s32 $0x500, s10;
	v12 =	vld [tilespmem:s9+$0xE520]  }
0x24a: {  	v15 =	vld [tilespmem:s9+$0xE530]  }
0x24b: {  	v16 =	vld [tilespmem:s9+$0xE560]  }
0x24c: {  	v17 =	vld [tilespmem:s9+$0xE570];
	v8 =	vadd.f32 v13, v8  }
0x24d: {  	v13 =	vld [tilespmem:s9+$0xE5A0];
	v11 =	vadd.f32 v14, v11  }
0x24e: {  	v14 =	vld [tilespmem:s9+$0xE5B0];
	v10 =	vadd.f32 v12, v10;
	v6 =	vadd.f32 v6, v8  }
0x24f: {  	v8 =	vadd.f32 v15, v9;
	v9 =	vld [tilespmem:s9+$0xE5E0];
	v7 =	vadd.f32 v7, v11  }
0x250: {  	v11 =	vld [tilespmem:s9+$0xE5F0];
	v10 =	vadd.f32 v16, v10;
	v4 =	vadd.f32 v4, v6  }
0x251: {  	v6 =	vadd.f32 v17, v8;
	v8 =	vld [tilespmem:s9+$0xE620];
	v5 =	vadd.f32 v5, v7  }
0x252: {  	v7 =	vld [tilespmem:s9+$0xE630];
	v10 =	vadd.f32 v13, v10;
	v2 =	vadd.f32 v2, v4  }
0x253: {  	v4 =	vadd.f32 v14, v6;
	v3 =	vadd.f32 v3, v5  }
0x254: {  	v5 =	vadd.f32 v9, v10;
	v0 =	vadd.f32 v0, v2  }
0x255: {  	v2 =	vadd.f32 v11, v4;
	v1 =	vadd.f32 v1, v3  }
0x256: {  	v3 =	vadd.f32 v8, v5;
	v0 =	vmul.f32 $1.999999960e-02, v0  }
0x257: {  	v2 =	vadd.f32 v7, v2;
	v1 =	vmul.f32 $1.999999960e-02, v1  }
0x258: {  	[tilespmem:s1+$0x13280] =	vst v0;
	v0 =	vmul.f32 $1.999999960e-02, v3  }
0x259: {  	[tilespmem:s1+$0x13290] =	vst v1;
	v1 =	vmul.f32 $1.999999960e-02, v2  }
0x25a: {  	[tilespmem:s1+$0x132A0] =	vst v0  }
0x25b: {  	s9 =	simm.s32 $0x0;
	[tilespmem:s1+$0x132B0] =	vst v1  }
0x25c: {  	v0 =	vld [tilespmem:s9+$0xF280]  }
0x25d: {  	v1 =	vld [tilespmem:s9+$0xF290]  }
0x25e: {  	v2 =	vld [tilespmem:s9+$0xF240]  }
0x25f: {  	v3 =	vld [tilespmem:s9+$0xF250]  }
0x260: {  	v4 =	vld [tilespmem:s9+$0xF200]  }
0x261: {  	v5 =	vld [tilespmem:s9+$0xF210]  }
0x262: {  	v6 =	vld [tilespmem:s9+$0xF1C0]  }
0x263: {  	v7 =	vld [tilespmem:s9+$0xF1D0]  }
0x264: {  	v13 =	vld [tilespmem:s9+$0xF180]  }
0x265: {  	v10 =	vimm.f32 $0.0e+00;
	v14 =	vld [tilespmem:s9+$0xF190]  }
0x266: {  	s10 =	simm.s32 $0x500;
	v9 =	vimm.f32 $0.0e+00;
	v11 =	vimm.f32 $0.0e+00;
	v8 =	vimm.f32 $0.0e+00;
	v12 =	vld [tilespmem:s9+$0xF1A0]  }
.LBB2_25:
0x267: {  	p1 =	sne.s32 s10, $0x2D00;
	v15 =	vld [tilespmem:s9+$0xF1B0]  }
0x268: {  	v16 =	vld [tilespmem:s9+$0xF1E0]  }
0x269: {  	v17 =	vld [tilespmem:s9+$0xF1F0]  }
0x26a: {  	v18 =	vld [tilespmem:s9+$0xF220]  }
0x26b: {  	v8 =	vadd.f32 v13, v8;
	v11 =	vadd.f32 v14, v11;
	v13 =	vld [tilespmem:s9+$0xF230]  }
0x26c: {  	v10 =	vadd.f32 v12, v10;
	v9 =	vadd.f32 v15, v9;
	v12 =	vld [tilespmem:s9+$0xF260]  }
0x26d: {  	v6 =	vadd.f32 v6, v8;
	v7 =	vadd.f32 v7, v11;
	v8 =	vld [tilespmem:s9+$0xF270]  }
0x26e: {  	v10 =	vadd.f32 v16, v10;
	v9 =	vadd.f32 v17, v9;
	v14 =	vld [tilespmem:s9+$0xF2A0]  }
0x26f: {  	v4 =	vadd.f32 v4, v6;
	v5 =	vadd.f32 v5, v7;
	v6 =	vld [tilespmem:s9+$0xF2B0];
	s9 =	sshra.s32 s10, $0x2  }
0x270: {  	v10 =	vadd.f32 v18, v10;
	v7 =	vld [tilespmem:s9+$0xF280];
	v9 =	vadd.f32 v13, v9  }
0x271: {  	v4 =	vadd.f32 v2, v4;
	v5 =	vadd.f32 v3, v5;
	v13 =	vld [tilespmem:s9+$0xF290]  }
0x272: {  	v10 =	vadd.f32 v12, v10;
	v2 =	vld [tilespmem:s9+$0xF240];
	v9 =	vadd.f32 v8, v9  }
0x273: {  	v8 =	vadd.f32 v0, v4;
	v11 =	vadd.f32 v1, v5;
	v3 =	vld [tilespmem:s9+$0xF250]  }
0x274: {  	v10 =	vadd.f32 v14, v10;
	v4 =	vld [tilespmem:s9+$0xF200];
	v9 =	vadd.f32 v6, v9  }
0x275: {  	v5 =	vld [tilespmem:s9+$0xF210];
	v0 =	vmov v7  }
.Ltmp13:
0x276: {  	v6 =	vld [tilespmem:s9+$0xF1C0];
	v1 =	vmov v13;
	(pc) =	sbr.rel @p1 .LBB2_25-.Ltmp13, $4  }
0x277: {  	v7 =	vld [tilespmem:s9+$0xF1D0]  }
0x278: {  	v13 =	vld [tilespmem:s9+$0xF180]  }
0x279: {  	v14 =	vld [tilespmem:s9+$0xF190]  }
0x27a: {  	s10 =	sadd.s32 $0x500, s10;
	v12 =	vld [tilespmem:s9+$0xF1A0]  }
0x27b: {  	v15 =	vld [tilespmem:s9+$0xF1B0]  }
0x27c: {  	v16 =	vld [tilespmem:s9+$0xF1E0]  }
0x27d: {  	v17 =	vld [tilespmem:s9+$0xF1F0];
	v8 =	vadd.f32 v13, v8  }
0x27e: {  	v13 =	vld [tilespmem:s9+$0xF220];
	v11 =	vadd.f32 v14, v11  }
0x27f: {  	v14 =	vld [tilespmem:s9+$0xF230];
	v10 =	vadd.f32 v12, v10;
	v6 =	vadd.f32 v6, v8  }
0x280: {  	v8 =	vadd.f32 v15, v9;
	v9 =	vld [tilespmem:s9+$0xF260];
	v7 =	vadd.f32 v7, v11  }
0x281: {  	v11 =	vld [tilespmem:s9+$0xF270];
	v10 =	vadd.f32 v16, v10;
	v4 =	vadd.f32 v4, v6  }
0x282: {  	v6 =	vadd.f32 v17, v8;
	v8 =	vld [tilespmem:s9+$0xF2A0];
	v5 =	vadd.f32 v5, v7  }
0x283: {  	v7 =	vld [tilespmem:s9+$0xF2B0];
	v10 =	vadd.f32 v13, v10;
	v2 =	vadd.f32 v2, v4  }
0x284: {  	v4 =	vadd.f32 v14, v6;
	v3 =	vadd.f32 v3, v5  }
0x285: {  	v5 =	vadd.f32 v9, v10;
	v0 =	vadd.f32 v0, v2  }
0x286: {  	v2 =	vadd.f32 v11, v4;
	v1 =	vadd.f32 v1, v3  }
0x287: {  	v3 =	vadd.f32 v8, v5;
	v0 =	vmul.f32 $1.999999960e-02, v0  }
0x288: {  	v2 =	vadd.f32 v7, v2;
	v1 =	vmul.f32 $1.999999960e-02, v1  }
0x289: {  	[tilespmem:s1+$0x132C0] =	vst v0;
	v0 =	vmul.f32 $1.999999960e-02, v3  }
0x28a: {  	[tilespmem:s1+$0x132D0] =	vst v1;
	v1 =	vmul.f32 $1.999999960e-02, v2  }
0x28b: {  	[tilespmem:s1+$0x132E0] =	vst v0  }
0x28c: {  	s10 =	simm.s32 @!p0 $0x64;
	s11 =	simm.s32 @!p0 $0xCC00;
	s9 =	sadd.s32 @!p0 $0x4E0, s0;
	[tilespmem:s1+$0x132F0] =	vst v1  }
0x28d: {  	[tilespmem:s11], [sflag:$0x3] =	stream.indirect.gather @!p0 [hbm4b:s3+s10], $0x40, s9, s10, $0xb8;
	[tilespmem:$0x1B000] =	vst v63  }
0x28e: {  	s0 =	sadd.s32 @!p0 $0x548, s0;
	s9 =	simm.s32 @!p0 $0xE500  }
0x28f: {  	[tilespmem:s9], [sflag:$0x3] =	stream.indirect.gather @!p0 [hbm4b:s3+s10], $0x40, s0, s10, $0xb8;
	[tilespmem:$0x1B000] =	vst v63  }
0x290: {  	_ =	swait.ge [sflag:s28], $0x1900  }
0x291: {  	[sflag:s28] =	ssyncset.done $0x0  }
0x292: {  	[sflag:s28] =	ssyncadd.s32 $0xFFFFE700  }
0x293: {  	_ =	swait.ge [sflag:s28], $0x1900  }
0x294: {  	[sflag:s28] =	ssyncset.done $0x0  }
0x295: {  	s0 =	simm.s32 $0x0;
	[sflag:s28] =	ssyncadd.s32 $0xFFFFE700  }
0x296: {  	v0 =	vld [tilespmem:s0+$0xFF00]  }
0x297: {  	v1 =	vld [tilespmem:s0+$0xFF10]  }
0x298: {  	v2 =	vld [tilespmem:s0+$0xFEC0]  }
0x299: {  	v3 =	vld [tilespmem:s0+$0xFED0]  }
0x29a: {  	v4 =	vld [tilespmem:s0+$0xFE80]  }
0x29b: {  	v5 =	vld [tilespmem:s0+$0xFE90]  }
0x29c: {  	v6 =	vld [tilespmem:s0+$0xFE40]  }
0x29d: {  	v7 =	vld [tilespmem:s0+$0xFE50]  }
0x29e: {  	v13 =	vld [tilespmem:s0+$0xFE00]  }
0x29f: {  	v10 =	vimm.f32 $0.0e+00;
	v14 =	vld [tilespmem:s0+$0xFE10]  }
0x2a0: {  	v9 =	vimm.f32 $0.0e+00;
	v11 =	vimm.f32 $0.0e+00;
	v8 =	vimm.f32 $0.0e+00;
	s9 =	simm.s32 $0x500;
	v12 =	vld [tilespmem:s0+$0xFE20]  }
.LBB2_27:
0x2a1: {  	p1 =	sne.s32 s9, $0x2D00;
	v15 =	vld [tilespmem:s0+$0xFE30]  }
0x2a2: {  	v16 =	vld [tilespmem:s0+$0xFE60]  }
0x2a3: {  	v17 =	vld [tilespmem:s0+$0xFE70]  }
0x2a4: {  	v18 =	vld [tilespmem:s0+$0xFEA0]  }
0x2a5: {  	v8 =	vadd.f32 v13, v8;
	v11 =	vadd.f32 v14, v11;
	v13 =	vld [tilespmem:s0+$0xFEB0]  }
0x2a6: {  	v10 =	vadd.f32 v12, v10;
	v9 =	vadd.f32 v15, v9;
	v12 =	vld [tilespmem:s0+$0xFEE0]  }
0x2a7: {  	v6 =	vadd.f32 v6, v8;
	v7 =	vadd.f32 v7, v11;
	v8 =	vld [tilespmem:s0+$0xFEF0]  }
0x2a8: {  	v10 =	vadd.f32 v16, v10;
	v9 =	vadd.f32 v17, v9;
	v14 =	vld [tilespmem:s0+$0xFF20]  }
0x2a9: {  	v4 =	vadd.f32 v4, v6;
	v5 =	vadd.f32 v5, v7;
	v6 =	vld [tilespmem:s0+$0xFF30];
	s0 =	sshra.s32 s9, $0x2  }
0x2aa: {  	v10 =	vadd.f32 v18, v10;
	v7 =	vld [tilespmem:s0+$0xFF00];
	v9 =	vadd.f32 v13, v9  }
0x2ab: {  	v4 =	vadd.f32 v2, v4;
	v5 =	vadd.f32 v3, v5;
	v13 =	vld [tilespmem:s0+$0xFF10]  }
0x2ac: {  	v10 =	vadd.f32 v12, v10;
	v2 =	vld [tilespmem:s0+$0xFEC0];
	v9 =	vadd.f32 v8, v9  }
0x2ad: {  	v8 =	vadd.f32 v0, v4;
	v11 =	vadd.f32 v1, v5;
	v3 =	vld [tilespmem:s0+$0xFED0]  }
0x2ae: {  	v10 =	vadd.f32 v14, v10;
	v4 =	vld [tilespmem:s0+$0xFE80];
	v9 =	vadd.f32 v6, v9  }
0x2af: {  	v5 =	vld [tilespmem:s0+$0xFE90];
	v0 =	vmov v7  }
.Ltmp14:
0x2b0: {  	v6 =	vld [tilespmem:s0+$0xFE40];
	v1 =	vmov v13;
	(pc) =	sbr.rel @p1 .LBB2_27-.Ltmp14, $4  }
0x2b1: {  	v7 =	vld [tilespmem:s0+$0xFE50]  }
0x2b2: {  	v13 =	vld [tilespmem:s0+$0xFE00]  }
0x2b3: {  	v14 =	vld [tilespmem:s0+$0xFE10]  }
0x2b4: {  	s9 =	sadd.s32 $0x500, s9;
	v12 =	vld [tilespmem:s0+$0xFE20]  }
0x2b5: {  	v15 =	vld [tilespmem:s0+$0xFE30]  }
0x2b6: {  	v16 =	vld [tilespmem:s0+$0xFE60]  }
0x2b7: {  	v17 =	vld [tilespmem:s0+$0xFE70];
	v8 =	vadd.f32 v13, v8  }
0x2b8: {  	v13 =	vld [tilespmem:s0+$0xFEA0];
	v11 =	vadd.f32 v14, v11  }
0x2b9: {  	v14 =	vld [tilespmem:s0+$0xFEB0];
	v10 =	vadd.f32 v12, v10;
	v6 =	vadd.f32 v6, v8  }
0x2ba: {  	v8 =	vadd.f32 v15, v9;
	v9 =	vld [tilespmem:s0+$0xFEE0];
	v7 =	vadd.f32 v7, v11  }
0x2bb: {  	v11 =	vld [tilespmem:s0+$0xFEF0];
	v10 =	vadd.f32 v16, v10;
	v4 =	vadd.f32 v4, v6  }
0x2bc: {  	v6 =	vadd.f32 v17, v8;
	v8 =	vld [tilespmem:s0+$0xFF20];
	v5 =	vadd.f32 v5, v7  }
0x2bd: {  	v7 =	vld [tilespmem:s0+$0xFF30];
	v10 =	vadd.f32 v13, v10;
	v2 =	vadd.f32 v2, v4  }
0x2be: {  	v4 =	vadd.f32 v14, v6;
	v3 =	vadd.f32 v3, v5  }
0x2bf: {  	v5 =	vadd.f32 v9, v10;
	v0 =	vadd.f32 v0, v2  }
0x2c0: {  	v2 =	vadd.f32 v11, v4;
	v1 =	vadd.f32 v1, v3  }
0x2c1: {  	v3 =	vadd.f32 v8, v5;
	v0 =	vmul.f32 $1.999999960e-02, v0  }
0x2c2: {  	v2 =	vadd.f32 v7, v2;
	v1 =	vmul.f32 $1.999999960e-02, v1  }
0x2c3: {  	[tilespmem:s1+$0x13300] =	vst v0;
	v0 =	vmul.f32 $1.999999960e-02, v3  }
0x2c4: {  	[tilespmem:s1+$0x13310] =	vst v1;
	v1 =	vmul.f32 $1.999999960e-02, v2  }
0x2c5: {  	[tilespmem:s1+$0x13320] =	vst v0  }
0x2c6: {  	s0 =	simm.s32 $0x0;
	[tilespmem:s1+$0x13330] =	vst v1  }
0x2c7: {  	v0 =	vld [tilespmem:s0+$0x10B80]  }
0x2c8: {  	v1 =	vld [tilespmem:s0+$0x10B90]  }
0x2c9: {  	v2 =	vld [tilespmem:s0+$0x10B40]  }
0x2ca: {  	v3 =	vld [tilespmem:s0+$0x10B50]  }
0x2cb: {  	v4 =	vld [tilespmem:s0+$0x10B00]  }
0x2cc: {  	v5 =	vld [tilespmem:s0+$0x10B10]  }
0x2cd: {  	v6 =	vld [tilespmem:s0+$0x10AC0]  }
0x2ce: {  	v7 =	vld [tilespmem:s0+$0x10AD0]  }
0x2cf: {  	v13 =	vld [tilespmem:s0+$0x10A80]  }
0x2d0: {  	v10 =	vimm.f32 $0.0e+00;
	v14 =	vld [tilespmem:s0+$0x10A90]  }
0x2d1: {  	s9 =	simm.s32 $0x500;
	v9 =	vimm.f32 $0.0e+00;
	v11 =	vimm.f32 $0.0e+00;
	v8 =	vimm.f32 $0.0e+00;
	v12 =	vld [tilespmem:s0+$0x10AA0]  }
.LBB2_29:
0x2d2: {  	p1 =	sne.s32 s9, $0x2D00;
	v15 =	vld [tilespmem:s0+$0x10AB0]  }
0x2d3: {  	v16 =	vld [tilespmem:s0+$0x10AE0]  }
0x2d4: {  	v17 =	vld [tilespmem:s0+$0x10AF0]  }
0x2d5: {  	v18 =	vld [tilespmem:s0+$0x10B20]  }
0x2d6: {  	v8 =	vadd.f32 v13, v8;
	v11 =	vadd.f32 v14, v11;
	v13 =	vld [tilespmem:s0+$0x10B30]  }
0x2d7: {  	v10 =	vadd.f32 v12, v10;
	v9 =	vadd.f32 v15, v9;
	v12 =	vld [tilespmem:s0+$0x10B60]  }
0x2d8: {  	v6 =	vadd.f32 v6, v8;
	v7 =	vadd.f32 v7, v11;
	v8 =	vld [tilespmem:s0+$0x10B70]  }
0x2d9: {  	v10 =	vadd.f32 v16, v10;
	v9 =	vadd.f32 v17, v9;
	v14 =	vld [tilespmem:s0+$0x10BA0]  }
0x2da: {  	v4 =	vadd.f32 v4, v6;
	v5 =	vadd.f32 v5, v7;
	v6 =	vld [tilespmem:s0+$0x10BB0];
	s0 =	sshra.s32 s9, $0x2  }
0x2db: {  	v10 =	vadd.f32 v18, v10;
	v7 =	vld [tilespmem:s0+$0x10B80];
	v9 =	vadd.f32 v13, v9  }
0x2dc: {  	v4 =	vadd.f32 v2, v4;
	v5 =	vadd.f32 v3, v5;
	v13 =	vld [tilespmem:s0+$0x10B90]  }
0x2dd: {  	v10 =	vadd.f32 v12, v10;
	v2 =	vld [tilespmem:s0+$0x10B40];
	v9 =	vadd.f32 v8, v9  }
0x2de: {  	v8 =	vadd.f32 v0, v4;
	v11 =	vadd.f32 v1, v5;
	v3 =	vld [tilespmem:s0+$0x10B50]  }
0x2df: {  	v10 =	vadd.f32 v14, v10;
	v4 =	vld [tilespmem:s0+$0x10B00];
	v9 =	vadd.f32 v6, v9  }
0x2e0: {  	v5 =	vld [tilespmem:s0+$0x10B10];
	v0 =	vmov v7  }
.Ltmp15:
0x2e1: {  	v6 =	vld [tilespmem:s0+$0x10AC0];
	v1 =	vmov v13;
	(pc) =	sbr.rel @p1 .LBB2_29-.Ltmp15, $4  }
0x2e2: {  	v7 =	vld [tilespmem:s0+$0x10AD0]  }
0x2e3: {  	v13 =	vld [tilespmem:s0+$0x10A80]  }
0x2e4: {  	v14 =	vld [tilespmem:s0+$0x10A90]  }
0x2e5: {  	s9 =	sadd.s32 $0x500, s9;
	v12 =	vld [tilespmem:s0+$0x10AA0]  }
0x2e6: {  	v15 =	vld [tilespmem:s0+$0x10AB0]  }
0x2e7: {  	v16 =	vld [tilespmem:s0+$0x10AE0]  }
0x2e8: {  	v17 =	vld [tilespmem:s0+$0x10AF0];
	v8 =	vadd.f32 v13, v8  }
0x2e9: {  	v13 =	vld [tilespmem:s0+$0x10B20];
	v11 =	vadd.f32 v14, v11  }
0x2ea: {  	v14 =	vld [tilespmem:s0+$0x10B30];
	v10 =	vadd.f32 v12, v10;
	v6 =	vadd.f32 v6, v8  }
0x2eb: {  	v8 =	vadd.f32 v15, v9;
	v9 =	vld [tilespmem:s0+$0x10B60];
	v7 =	vadd.f32 v7, v11  }
0x2ec: {  	v11 =	vld [tilespmem:s0+$0x10B70];
	v10 =	vadd.f32 v16, v10;
	v4 =	vadd.f32 v4, v6  }
0x2ed: {  	v6 =	vadd.f32 v17, v8;
	v8 =	vld [tilespmem:s0+$0x10BA0];
	v5 =	vadd.f32 v5, v7  }
0x2ee: {  	v7 =	vld [tilespmem:s0+$0x10BB0];
	v10 =	vadd.f32 v13, v10;
	v2 =	vadd.f32 v2, v4  }
0x2ef: {  	v4 =	vadd.f32 v14, v6;
	v3 =	vadd.f32 v3, v5  }
0x2f0: {  	v5 =	vadd.f32 v9, v10;
	v0 =	vadd.f32 v0, v2  }
0x2f1: {  	v2 =	vadd.f32 v11, v4;
	v1 =	vadd.f32 v1, v3  }
0x2f2: {  	v3 =	vadd.f32 v8, v5;
	v0 =	vmul.f32 $1.999999960e-02, v0  }
0x2f3: {  	v2 =	vadd.f32 v7, v2;
	v1 =	vmul.f32 $1.999999960e-02, v1  }
0x2f4: {  	[tilespmem:s1+$0x13340] =	vst v0;
	v0 =	vmul.f32 $1.999999960e-02, v3  }
0x2f5: {  	[tilespmem:s1+$0x13350] =	vst v1;
	v1 =	vmul.f32 $1.999999960e-02, v2  }
0x2f6: {  	[tilespmem:s1+$0x13360] =	vst v0  }
0x2f7: {  	s0 =	simm.s32 $0x0;
	[tilespmem:s1+$0x13370] =	vst v1  }
0x2f8: {  	v0 =	vld [tilespmem:s0+$0x11800]  }
0x2f9: {  	v1 =	vld [tilespmem:s0+$0x11810]  }
0x2fa: {  	v2 =	vld [tilespmem:s0+$0x117C0]  }
0x2fb: {  	v3 =	vld [tilespmem:s0+$0x117D0]  }
0x2fc: {  	v4 =	vld [tilespmem:s0+$0x11780]  }
0x2fd: {  	v5 =	vld [tilespmem:s0+$0x11790]  }
0x2fe: {  	v6 =	vld [tilespmem:s0+$0x11740]  }
0x2ff: {  	v7 =	vld [tilespmem:s0+$0x11750]  }
0x300: {  	v13 =	vld [tilespmem:s0+$0x11700]  }
0x301: {  	v10 =	vimm.f32 $0.0e+00;
	v14 =	vld [tilespmem:s0+$0x11710]  }
0x302: {  	s9 =	simm.s32 $0x500;
	v9 =	vimm.f32 $0.0e+00;
	v11 =	vimm.f32 $0.0e+00;
	v8 =	vimm.f32 $0.0e+00;
	v12 =	vld [tilespmem:s0+$0x11720]  }
.LBB2_31:
0x303: {  	p1 =	sne.s32 s9, $0x2D00;
	v15 =	vld [tilespmem:s0+$0x11730]  }
0x304: {  	v16 =	vld [tilespmem:s0+$0x11760]  }
0x305: {  	v17 =	vld [tilespmem:s0+$0x11770]  }
0x306: {  	v18 =	vld [tilespmem:s0+$0x117A0]  }
0x307: {  	v8 =	vadd.f32 v13, v8;
	v11 =	vadd.f32 v14, v11;
	v13 =	vld [tilespmem:s0+$0x117B0]  }
0x308: {  	v10 =	vadd.f32 v12, v10;
	v9 =	vadd.f32 v15, v9;
	v12 =	vld [tilespmem:s0+$0x117E0]  }
0x309: {  	v6 =	vadd.f32 v6, v8;
	v7 =	vadd.f32 v7, v11;
	v8 =	vld [tilespmem:s0+$0x117F0]  }
0x30a: {  	v10 =	vadd.f32 v16, v10;
	v9 =	vadd.f32 v17, v9;
	v14 =	vld [tilespmem:s0+$0x11820]  }
0x30b: {  	v4 =	vadd.f32 v4, v6;
	v5 =	vadd.f32 v5, v7;
	v6 =	vld [tilespmem:s0+$0x11830];
	s0 =	sshra.s32 s9, $0x2  }
0x30c: {  	v10 =	vadd.f32 v18, v10;
	v7 =	vld [tilespmem:s0+$0x11800];
	v9 =	vadd.f32 v13, v9  }
0x30d: {  	v4 =	vadd.f32 v2, v4;
	v5 =	vadd.f32 v3, v5;
	v13 =	vld [tilespmem:s0+$0x11810]  }
0x30e: {  	v10 =	vadd.f32 v12, v10;
	v2 =	vld [tilespmem:s0+$0x117C0];
	v9 =	vadd.f32 v8, v9  }
0x30f: {  	v8 =	vadd.f32 v0, v4;
	v11 =	vadd.f32 v1, v5;
	v3 =	vld [tilespmem:s0+$0x117D0]  }
0x310: {  	v10 =	vadd.f32 v14, v10;
	v4 =	vld [tilespmem:s0+$0x11780];
	v9 =	vadd.f32 v6, v9  }
0x311: {  	v5 =	vld [tilespmem:s0+$0x11790];
	v0 =	vmov v7  }
.Ltmp16:
0x312: {  	v6 =	vld [tilespmem:s0+$0x11740];
	v1 =	vmov v13;
	(pc) =	sbr.rel @p1 .LBB2_31-.Ltmp16, $4  }
0x313: {  	v7 =	vld [tilespmem:s0+$0x11750]  }
0x314: {  	v13 =	vld [tilespmem:s0+$0x11700]  }
0x315: {  	v14 =	vld [tilespmem:s0+$0x11710]  }
0x316: {  	s9 =	sadd.s32 $0x500, s9;
	v12 =	vld [tilespmem:s0+$0x11720]  }
0x317: {  	v15 =	vld [tilespmem:s0+$0x11730]  }
0x318: {  	v16 =	vld [tilespmem:s0+$0x11760]  }
0x319: {  	v17 =	vld [tilespmem:s0+$0x11770];
	v8 =	vadd.f32 v13, v8  }
0x31a: {  	v13 =	vld [tilespmem:s0+$0x117A0];
	v11 =	vadd.f32 v14, v11  }
0x31b: {  	v14 =	vld [tilespmem:s0+$0x117B0];
	v10 =	vadd.f32 v12, v10;
	v6 =	vadd.f32 v6, v8  }
0x31c: {  	v8 =	vadd.f32 v15, v9;
	v9 =	vld [tilespmem:s0+$0x117E0];
	v7 =	vadd.f32 v7, v11  }
0x31d: {  	v11 =	vld [tilespmem:s0+$0x117F0];
	v10 =	vadd.f32 v16, v10;
	v4 =	vadd.f32 v4, v6  }
0x31e: {  	v6 =	vadd.f32 v17, v8;
	v8 =	vld [tilespmem:s0+$0x11820];
	v5 =	vadd.f32 v5, v7  }
0x31f: {  	v7 =	vld [tilespmem:s0+$0x11830];
	v10 =	vadd.f32 v13, v10;
	v2 =	vadd.f32 v2, v4  }
0x320: {  	v4 =	vadd.f32 v14, v6;
	v3 =	vadd.f32 v3, v5  }
0x321: {  	v5 =	vadd.f32 v9, v10;
	v0 =	vadd.f32 v0, v2  }
0x322: {  	v2 =	vadd.f32 v11, v4;
	v1 =	vadd.f32 v1, v3  }
0x323: {  	v3 =	vadd.f32 v8, v5;
	v0 =	vmul.f32 $1.999999960e-02, v0  }
0x324: {  	v2 =	vadd.f32 v7, v2;
	v1 =	vmul.f32 $1.999999960e-02, v1  }
0x325: {  	[tilespmem:s1+$0x13380] =	vst v0;
	v0 =	vmul.f32 $1.999999960e-02, v3  }
0x326: {  	[tilespmem:s1+$0x13390] =	vst v1;
	v1 =	vmul.f32 $1.999999960e-02, v2  }
0x327: {  	[tilespmem:s1+$0x133A0] =	vst v0  }
0x328: {  	s0 =	simm.s32 $0x0;
	[tilespmem:s1+$0x133B0] =	vst v1  }
0x329: {  	v0 =	vld [tilespmem:s0+$0x12480]  }
0x32a: {  	v1 =	vld [tilespmem:s0+$0x12490]  }
0x32b: {  	v2 =	vld [tilespmem:s0+$0x12440]  }
0x32c: {  	v3 =	vld [tilespmem:s0+$0x12450]  }
0x32d: {  	v4 =	vld [tilespmem:s0+$0x12400]  }
0x32e: {  	v5 =	vld [tilespmem:s0+$0x12410]  }
0x32f: {  	v6 =	vld [tilespmem:s0+$0x123C0]  }
0x330: {  	v7 =	vld [tilespmem:s0+$0x123D0]  }
0x331: {  	v13 =	vld [tilespmem:s0+$0x12380]  }
0x332: {  	v10 =	vimm.f32 $0.0e+00;
	v14 =	vld [tilespmem:s0+$0x12390]  }
0x333: {  	s9 =	simm.s32 $0x500;
	v9 =	vimm.f32 $0.0e+00;
	v11 =	vimm.f32 $0.0e+00;
	v8 =	vimm.f32 $0.0e+00;
	v12 =	vld [tilespmem:s0+$0x123A0]  }
.LBB2_33:
0x334: {  	p1 =	sne.s32 s9, $0x2D00;
	v15 =	vld [tilespmem:s0+$0x123B0]  }
0x335: {  	v16 =	vld [tilespmem:s0+$0x123E0]  }
0x336: {  	v17 =	vld [tilespmem:s0+$0x123F0]  }
0x337: {  	v18 =	vld [tilespmem:s0+$0x12420]  }
0x338: {  	v8 =	vadd.f32 v13, v8;
	v11 =	vadd.f32 v14, v11;
	v13 =	vld [tilespmem:s0+$0x12430]  }
0x339: {  	v10 =	vadd.f32 v12, v10;
	v9 =	vadd.f32 v15, v9;
	v12 =	vld [tilespmem:s0+$0x12460]  }
0x33a: {  	v6 =	vadd.f32 v6, v8;
	v7 =	vadd.f32 v7, v11;
	v8 =	vld [tilespmem:s0+$0x12470]  }
0x33b: {  	v10 =	vadd.f32 v16, v10;
	v9 =	vadd.f32 v17, v9;
	v14 =	vld [tilespmem:s0+$0x124A0]  }
0x33c: {  	v4 =	vadd.f32 v4, v6;
	v5 =	vadd.f32 v5, v7;
	v6 =	vld [tilespmem:s0+$0x124B0];
	s0 =	sshra.s32 s9, $0x2  }
0x33d: {  	v10 =	vadd.f32 v18, v10;
	v7 =	vld [tilespmem:s0+$0x12480];
	v9 =	vadd.f32 v13, v9  }
0x33e: {  	v4 =	vadd.f32 v2, v4;
	v5 =	vadd.f32 v3, v5;
	v13 =	vld [tilespmem:s0+$0x12490]  }
0x33f: {  	v10 =	vadd.f32 v12, v10;
	v2 =	vld [tilespmem:s0+$0x12440];
	v9 =	vadd.f32 v8, v9  }
0x340: {  	v8 =	vadd.f32 v0, v4;
	v11 =	vadd.f32 v1, v5;
	v3 =	vld [tilespmem:s0+$0x12450]  }
0x341: {  	v10 =	vadd.f32 v14, v10;
	v4 =	vld [tilespmem:s0+$0x12400];
	v9 =	vadd.f32 v6, v9  }
0x342: {  	v5 =	vld [tilespmem:s0+$0x12410];
	v0 =	vmov v7  }
.Ltmp17:
0x343: {  	v6 =	vld [tilespmem:s0+$0x123C0];
	v1 =	vmov v13;
	(pc) =	sbr.rel @p1 .LBB2_33-.Ltmp17, $4  }
0x344: {  	v7 =	vld [tilespmem:s0+$0x123D0]  }
0x345: {  	v13 =	vld [tilespmem:s0+$0x12380]  }
0x346: {  	v14 =	vld [tilespmem:s0+$0x12390]  }
0x347: {  	s9 =	sadd.s32 $0x500, s9;
	v12 =	vld [tilespmem:s0+$0x123A0]  }
0x348: {  	v15 =	vld [tilespmem:s0+$0x123B0]  }
0x349: {  	v16 =	vld [tilespmem:s0+$0x123E0]  }
0x34a: {  	v17 =	vld [tilespmem:s0+$0x123F0];
	v8 =	vadd.f32 v13, v8  }
0x34b: {  	v50 =	vld [tilespmem:s0+$0x12420];
	v11 =	vadd.f32 v14, v11  }
0x34c: {  	v51 =	vld [tilespmem:s0+$0x12430];
	v10 =	vadd.f32 v12, v10;
	v6 =	vadd.f32 v6, v8  }
0x34d: {  	v53 =	vld [tilespmem:s0+$0x12460];
	v52 =	vadd.f32 v15, v9;
	v7 =	vadd.f32 v7, v11  }
0x34e: {  	v54 =	vld [tilespmem:s0+$0x12470];
	v10 =	vadd.f32 v16, v10;
	v4 =	vadd.f32 v4, v6  }
0x34f: {  	v56 =	vld [tilespmem:s0+$0x124A0];
	v55 =	vadd.f32 v17, v52;
	v5 =	vadd.f32 v5, v7  }
0x350: {  	v57 =	vld [tilespmem:s0+$0x124B0];
	v10 =	vadd.f32 v50, v10;
	v2 =	vadd.f32 v2, v4  }
0x351: {  	v58 =	vadd.f32 v51, v55;
	v3 =	vadd.f32 v3, v5  }
0x352: {  	v59 =	vadd.f32 v53, v10;
	v0 =	vadd.f32 v0, v2  }
0x353: {  	v60 =	vadd.f32 v54, v58;
	v1 =	vadd.f32 v1, v3  }
0x354: {  	v61 =	vadd.f32 v56, v59;
	v0 =	vmul.f32 $1.999999960e-02, v0  }
.Ltmp18:
0x355: {  	v2 =	vadd.f32 v57, v60;
	v1 =	vmul.f32 $1.999999960e-02, v1;
	(pc) =	sbr.rel @p0 .LBB2_36-.Ltmp18, $4  }
0x356: {  	[tilespmem:s1+$0x133C0] =	vst v0;
	v62 =	vmul.f32 $1.999999960e-02, v61  }
0x357: {  	[tilespmem:s1+$0x133D0] =	vst v1;
	v63 =	vmul.f32 $1.999999960e-02, v2  }
0x358: {  	[tilespmem:s1+$0x133E0] =	vst v62  }
0x359: {  	[tilespmem:s1+$0x133F0] =	vst v63  }
0x35a: {  	s0 =	smul.u32 $0xD00, s31;
	_ =	sdelay $0x1  }
.Ltmp19:
0x35b: {  	s0 =	sshra.s32 s0, $0x2;
	(pc) =	sbr.rel .LBB2_2-.Ltmp19, $4  }
0x35c: {  	s1 =	sadd.s32 $0x5B0, s0  }
0x35d: {  	[tilespmem:s21], [sflag:$0x4] =	stream.indirect.gather [hbm4b:s3+s8], $0x40, s1, s8, $0xb8;
	[tilespmem:$0x1B000] =	vst v63  }
0x35e: {  	s31 =	sadd.s32 $0x1, s31;
	s0 =	sadd.s32 $0x618, s0  }
0x35f: {  	[tilespmem:s23], [sflag:$0x4] =	stream.indirect.gather [hbm4b:s3+s8], $0x40, s0, s8, $0xb8;
	[tilespmem:$0x1B000] =	vst v63  }
.LBB2_37:
0x360: {  	_ =	sfence.sel $0x180000  }
0x361: {  	[bflag:$0x0] =	sbarrier.arrive $0xFFFF  }
0x362: {  	_ =	strace $0x90000047  }
0x363: {  	s0 =	stileid.u32;
	[bflag:$0x2] =	sbarrier.arrive $0xFFFF  }
0x364: {  	p0 =	sne.s32 s0, $0x0;
	s0 =	rddreg [dreg:$0x2]  }
0x365: {  	s0 =	sadd.s32 @!p0 $0x100000, s0  }
0x366: {  	[sflag:s0] =	ssyncadd.tile.s32 @!p0 $0x1;
	_ =	shalt  }
.Lfunc_end2:
_tile_overlayer_lowered:
.L_overlay_start_2:
0x367: {  	(tag) =	ssettag $0x2  }
0x368: {  	s0 =	rddreg [dreg:$0x0];
	s2 =	stileid.u32  }
0x369: {  	s1 =	rddreg [dreg:$0x1];
	p0 =	sne.s32 s2, $0x0  }
0x36a: {  	s3 =	rddreg [dreg:$0x2];
	[bflag:$0x3] =	sbarrier.arrive $0xFFFF;
	s2 =	simm.s32 @!p0 $0x1C05  }
0x36b: {  	[timem:s3], [sflag:s2] =	dma.local @!p0 [hbm:s0], s1  }
0x36c: {  	s0 =	simm.s32 @!p0 $0x5  }
0x36d: {  	_ =	swait.ge @!p0 [sflag:s0], s1  }
0x36e: {  	s1 =	ssub.s32 @!p0 $0x0, s1;
	[sflag:s0] =	ssyncset.done @!p0 $0x0  }
0x36f: {  	[sflag:s0] =	ssyncadd.s32 @!p0 s1  }
0x370: {  	[bflag:$0x3] =	sbarrier.arrive $0xFFFF  }
0x371: {  	_ =	shalt  }

</sc_bundles>
